<compile_context>
chip_gen: v7x
topology: tpu7x:2x2x1
jax: 0.10.2.dev20260603
libtpu: 0.0.44.dev20260713+nightly
codegen_flags: <defaults>
</compile_context>

<pallas_src>
import functools

import jax
import jax.numpy as jnp
from jax import lax
from jax.experimental import pallas as pl
from jax.experimental.pallas import tpu as pltpu
from jax.experimental.pallas import tpu_sc as plsc

N_NODES = 100000
N_EDGES = 3200000
HID = 16

NC = 2
NS = 16
NW = NC * NS
LANE = 128

E_ROWS = N_EDGES // LANE
ROWS_PER_W = 784
E_ROWS_PAD = NW * ROWS_PER_W
SB_DEG = 56
SB_AGG = 16

NPAD = 100352
ROWS_PER_TILE = NPAD // NS
ZCH = 196

_f32 = jnp.float32


def _sc_mesh():
  return plsc.VectorSubcoreMesh(
      core_axis_name="c", subcore_axis_name="s", num_cores=NC,
      num_subcores=NS)


def _degrees(g2p):

  N_ST = ROWS_PER_W // SB_DEG

  @functools.partial(
      pl.kernel,
      out_type=[
          jax.ShapeDtypeStruct((NC * NPAD,), _f32),
          jax.ShapeDtypeStruct((NC * NPAD,), _f32),
      ],
      mesh=_sc_mesh(),
      compiler_params=pltpu.CompilerParams(use_tc_tiling_on_sc=False),
      scratch_types=[
          pltpu.VMEM_SHARED((NPAD,), _f32),
          pltpu.VMEM_SHARED((NPAD,), _f32),
          pltpu.VMEM((ROWS_PER_TILE,), _f32),
          pltpu.VMEM((LANE,), _f32),
          [pltpu.VMEM((SB_DEG, LANE), jnp.int32) for _ in range(4)],
          [pltpu.SemaphoreType.DMA for _ in range(4)],
          pltpu.SemaphoreType.DMA,
          pltpu.SemaphoreType.DMA,
      ],
  )
  def deg_kernel(g_hbm, dsrc_hbm, ddst_hbm, dsrc_s, ddst_s, zbuf, ones,
                 idxs, isems, sems, semd):
    c = lax.axis_index("c")
    s = lax.axis_index("s")
    w = c * NS + s

    def _fill(i, _):
      zbuf[pl.ds(i * 16, 16)] = jnp.zeros((16,), _f32)
      return ()
    lax.fori_loop(0, ROWS_PER_TILE // 16, _fill, ())
    def _fill1(i, _):
      ones[pl.ds(i * 16, 16)] = jnp.ones((16,), _f32)
      return ()
    lax.fori_loop(0, LANE // 16, _fill1, ())

    off = s * ROWS_PER_TILE
    pltpu.sync_copy(zbuf, dsrc_s.at[pl.ds(off, ROWS_PER_TILE)])
    pltpu.sync_copy(zbuf, ddst_s.at[pl.ds(off, ROWS_PER_TILE)])
    plsc.subcore_barrier()

    row0 = w * ROWS_PER_W

    def _fire_idx(t, which):
      base = row0 + t * SB_DEG
      pltpu.async_copy(g_hbm.at[0, pl.ds(base, SB_DEG), :],
                       idxs[2 * which], isems[2 * which])
      pltpu.async_copy(g_hbm.at[1, pl.ds(base, SB_DEG), :],
                       idxs[2 * which + 1], isems[2 * which + 1])

    def _wait_idx(t, which):
      base = row0 + t * SB_DEG
      for a in range(2):
        pltpu.make_async_copy(g_hbm.at[a, pl.ds(base, SB_DEG), :],
                              idxs[2 * which + a],
                              isems[2 * which + a]).wait()

    def _stage(t, which):
      sidx = idxs[2 * which]
      didx = idxs[2 * which + 1]
      _wait_idx(t, which)
      @pl.when(t + 1 < N_ST)
      def _():
        _fire_idx(t + 1, 1 - which)

      def _grp(q, _):
        j = q * 8
        ds_ = [pltpu.async_copy(ones, dsrc_s.at[sidx.at[j + k]], sems,
                                add=True) for k in range(8)]
        dd_ = [pltpu.async_copy(ones, ddst_s.at[didx.at[j + k]], semd,
                                add=True) for k in range(8)]
        for d in ds_ + dd_:
          d.wait()
        return ()
      lax.fori_loop(0, SB_DEG // 8, _grp, ())

    _fire_idx(0, 0)
    def _pair(pp, _):
      _stage(2 * pp, 0)
      _stage(2 * pp + 1, 1)
      return ()
    lax.fori_loop(0, N_ST // 2, _pair, ())
    plsc.subcore_barrier()

    pltpu.sync_copy(dsrc_s.at[pl.ds(off, ROWS_PER_TILE)], zbuf)
    pltpu.sync_copy(zbuf, dsrc_hbm.at[pl.ds(c * NPAD + off, ROWS_PER_TILE)])
    pltpu.sync_copy(ddst_s.at[pl.ds(off, ROWS_PER_TILE)], zbuf)
    pltpu.sync_copy(zbuf, ddst_hbm.at[pl.ds(c * NPAD + off, ROWS_PER_TILE)])

  return deg_kernel(g2p)


def _eye16():
  r = jax.lax.broadcasted_iota(jnp.int32, (HID, HID), 0)
  c = jax.lax.broadcasted_iota(jnp.int32, (HID, HID), 1)
  return jnp.where(r == c, 1.0, 0.0).astype(_f32)


def _prep(dsrc_p, ddst_p, xT, extT, w1, b1T, w2, b2T):
  RB = 3584
  PR = RB * HID // LANE
  grid = (NPAD // RB,)

  def _disc(blk, w1_ref, b1_ref, w2_ref, b2_ref):
    h = lax.dot_general(w1_ref[...], blk, (((0,), (0,)), ((), ())),
                        preferred_element_type=_f32) + b1_ref[...]
    h = jnp.maximum(h, 0.0)
    raw = lax.dot_general(w2_ref[...], h, (((0,), (0,)), ((), ())),
                          preferred_element_type=_f32) + b2_ref[...]
    m = jnp.max(raw, axis=0, keepdims=True)
    ssum = jnp.sum(jnp.exp(raw - m), axis=0, keepdims=True)
    lg = jnp.log(ssum)
    lg = lg + (ssum * jnp.exp(-lg) - 1.0)
    return raw - (m + lg)

  def body(ds_ref, dd_ref, x_ref, e_ref, w1_ref, b1_ref, w2_ref, b2_ref,
           tab_ref, nd_ref, lx_ref, le_ref):
    def _rsqrt(d):
      y = lax.rsqrt(d)
      return y * (1.5 - 0.5 * d * y * y)

    dsum = ds_ref[0:1, :] + ds_ref[1:2, :]
    ddum = dd_ref[0:1, :] + dd_ref[1:2, :]
    ns_ = _rsqrt(jnp.maximum(dsum, 1.0))
    nd_ = _rsqrt(jnp.maximum(ddum, 1.0))
    tabT = jnp.maximum(x_ref[...], 0.0) * ns_
    tab_ref[...] = lax.dot_general(tabT, _eye16(), (((0,), (0,)), ((), ())),
                                   preferred_element_type=_f32)
    nd_ref[...] = nd_
    lx_ref[...] = _disc(x_ref[...], w1_ref, b1_ref, w2_ref, b2_ref)
    le_ref[...] = _disc(e_ref[...], w1_ref, b1_ref, w2_ref, b2_ref)

  return pl.pallas_call(
      body,
      grid=grid,
      in_specs=[
          pl.BlockSpec((NC, RB), lambda i: (0, i)),
          pl.BlockSpec((NC, RB), lambda i: (0, i)),
          pl.BlockSpec((HID, RB), lambda i: (0, i)),
          pl.BlockSpec((HID, RB), lambda i: (0, i)),
          pl.BlockSpec((HID, 8), lambda i: (0, 0)),
          pl.BlockSpec((8, 1), lambda i: (0, 0)),
          pl.BlockSpec((8, 2), lambda i: (0, 0)),
          pl.BlockSpec((2, 1), lambda i: (0, 0)),
      ],
      out_specs=[
          pl.BlockSpec((RB, HID), lambda i: (i, 0)),
          pl.BlockSpec((1, RB), lambda i: (0, i)),
          pl.BlockSpec((2, RB), lambda i: (0, i)),
          pl.BlockSpec((2, RB), lambda i: (0, i)),
      ],
      out_shape=[
          jax.ShapeDtypeStruct((NPAD, HID), _f32),
          jax.ShapeDtypeStruct((1, NPAD), _f32),
          jax.ShapeDtypeStruct((2, NPAD), _f32),
          jax.ShapeDtypeStruct((2, NPAD), _f32),
      ],
  )(dsrc_p, ddst_p, xT, extT, w1, b1T, w2, b2T)


def _aggregate(g2p, table):
  N_ST = ROWS_PER_W // SB_AGG

  @functools.partial(
      pl.kernel,
      out_type=jax.ShapeDtypeStruct((NC, NPAD, HID), _f32),
      mesh=_sc_mesh(),
      compiler_params=pltpu.CompilerParams(use_tc_tiling_on_sc=False),
      scratch_types=[
          pltpu.VMEM_SHARED((NPAD, HID), _f32),
          pltpu.VMEM((ZCH, HID), _f32),
          [pltpu.VMEM((SB_AGG, LANE), jnp.int32) for _ in range(4)],
          [pltpu.VMEM((LANE, HID), _f32) for _ in range(8)],
          [pltpu.SemaphoreType.DMA for _ in range(4)],
          [pltpu.SemaphoreType.DMA for _ in range(8)],
          [pltpu.SemaphoreType.DMA for _ in range(8)],
      ],
  )
  def agg_kernel(g_hbm, tab_hbm, out_hbm, agg_s, zbuf, idxs, rows,
                 isems, gsems, ssems):
    c = lax.axis_index("c")
    s = lax.axis_index("s")
    w = c * NS + s

    def _fill(i, _):
      zbuf[i] = jnp.zeros((HID,), _f32)
      return ()
    lax.fori_loop(0, ZCH, _fill, ())

    off = s * ROWS_PER_TILE
    def _z(k, _):
      pltpu.sync_copy(zbuf, agg_s.at[pl.ds(off + k * ZCH, ZCH), :])
      return ()
    lax.fori_loop(0, ROWS_PER_TILE // ZCH, _z, ())
    plsc.subcore_barrier()

    row0 = w * ROWS_PER_W

    def _fire_idx(t, which):
      base = row0 + t * SB_AGG
      pltpu.async_copy(g_hbm.at[0, pl.ds(base, SB_AGG), :],
                       idxs[2 * which], isems[2 * which])
      pltpu.async_copy(g_hbm.at[1, pl.ds(base, SB_AGG), :],
                       idxs[2 * which + 1], isems[2 * which + 1])

    def _wait_idx(t, which):
      base = row0 + t * SB_AGG
      for a in range(2):
        pltpu.make_async_copy(g_hbm.at[a, pl.ds(base, SB_AGG), :],
                              idxs[2 * which + a],
                              isems[2 * which + a]).wait()

    def _stage(t, which, first):
      sidx = idxs[2 * which]
      didx = idxs[2 * which + 1]
      _wait_idx(t, which)
      @pl.when(t + 1 < N_ST)
      def _():
        _fire_idx(t + 1, 1 - which)
      for h in range(2):
        j = h * 8
        def _drain(bs):
          for k in range(4):
            pltpu.make_async_copy(rows[bs + k], agg_s.at[didx.at[j]],
                                  ssems[bs + k]).wait()
        if h == 0:
          @pl.when(jnp.logical_not(first))
          def _():
            _drain(0)
            _drain(4)
        else:
          _drain(0)
          _drain(4)
        ds_ = [pltpu.async_copy(tab_hbm.at[sidx.at[j + k]], rows[k],
                                gsems[k]) for k in range(8)]
        for k in range(8):
          ds_[k].wait()
          pltpu.async_copy(rows[k], agg_s.at[didx.at[j + k]],
                           ssems[k], add=True)

    _fire_idx(0, 0)

    def _pair(pp, _):
      _stage(2 * pp, 0, pp == 0)
      _stage(2 * pp + 1, 1, False)
      return ()
    lax.fori_loop(0, N_ST // 2, _pair, ())
    _stage(N_ST - 1, 0, False)

    for k in range(8):
      pltpu.make_async_copy(rows[k], agg_s.at[idxs[1].at[0]],
                            ssems[k]).wait()
    plsc.subcore_barrier()

    def _wo(k, _):
      r0 = off + k * ZCH
      pltpu.sync_copy(agg_s.at[pl.ds(r0, ZCH), :], zbuf)
      pltpu.sync_copy(zbuf, out_hbm.at[c, pl.ds(r0, ZCH), :])
      return ()
    lax.fori_loop(0, ROWS_PER_TILE // ZCH, _wo, ())

  return agg_kernel(g2p, table)


def _finish_conv(agg_p, norm_dstT, conv2_w, conv2_bT):
  RB = 3584
  grid = (NPAD // RB,)

  def body(a_ref, nd_ref, w_ref, b_ref, o_ref):
    ssum = a_ref[0] + a_ref[1]
    sT = lax.dot_general(_eye16(), ssum, (((1,), (1,)), ((), ())),
                         preferred_element_type=_f32)
    scaled = sT * nd_ref[...]
    o_ref[...] = lax.dot_general(
        w_ref[...], scaled, (((0,), (0,)), ((), ())),
        preferred_element_type=_f32) + b_ref[...]

  return pl.pallas_call(
      body,
      grid=grid,
      in_specs=[
          pl.BlockSpec((NC, RB, HID), lambda i: (0, i, 0)),
          pl.BlockSpec((1, RB), lambda i: (0, i)),
          pl.BlockSpec((HID, HID), lambda i: (0, 0)),
          pl.BlockSpec((HID, 1), lambda i: (0, 0)),
      ],
      out_specs=pl.BlockSpec((HID, RB), lambda i: (0, i)),
      out_shape=jax.ShapeDtypeStruct((HID, NPAD), _f32),
  )(agg_p, norm_dstT, conv2_w, conv2_bT)


def kernel(g, x, external_input, conv2_w, conv2_b, disc_w1, disc_b1,
           disc_w2, disc_b2):
  g2 = g.reshape(2, E_ROWS, LANE)
  n_pad_rows = E_ROWS_PAD - E_ROWS
  pad_idx = (N_NODES + jnp.arange(n_pad_rows * LANE, dtype=jnp.int32)
             % (NPAD - N_NODES)).reshape(1, n_pad_rows, LANE)
  pad_blk = jnp.concatenate([pad_idx, pad_idx], axis=0)
  g2p = jnp.concatenate([g2, pad_blk], axis=1)

  xT = jnp.pad(x.T, ((0, 0), (0, NPAD - N_NODES)))
  extT = jnp.pad(external_input.T, ((0, 0), (0, NPAD - N_NODES)))

  dsrc_p, ddst_p = _degrees(g2p)

  table, norm_dstT, lxT, leT = _prep(
      dsrc_p.reshape(NC, NPAD), ddst_p.reshape(NC, NPAD), xT, extT,
      disc_w1, disc_b1.reshape(8, 1), disc_w2, disc_b2.reshape(2, 1))

  agg_p = _aggregate(g2p, table)

  convT = _finish_conv(agg_p, norm_dstT, conv2_w, conv2_b.reshape(HID, 1))

  logitsT = jnp.concatenate([lxT[:, :N_NODES], leT[:, :N_NODES]], axis=1)

  return (convT[:, :N_NODES].T, logitsT.T)

# --- scband reference (transcript-rebuilt; emitter-appended) ---
"""Pipeline reference for scband-net-11519102287942 (READ-ONLY COPY).

The authoritative reference and input builder live on the scoring server;
editing this copy changes nothing except your own understanding.
"""

import jax, jax.numpy as jnp
import numpy as np

N_NODES = 100000
N_EDGES = 3200000
HID = 16


def graph_conv(edge_index, x, W, b):
    # DGL GraphConv with norm='both': D_out^{-1/2} A D_in^{-1/2} X W + b
    src = edge_index[0]
    dst = edge_index[1]
    n = x.shape[0]
    ones = jnp.ones((edge_index.shape[1],), dtype=x.dtype)
    out_deg = jnp.clip(jax.ops.segment_sum(ones, src, num_segments=n), 1.0)
    in_deg = jnp.clip(jax.ops.segment_sum(ones, dst, num_segments=n), 1.0)
    norm_src = jax.lax.rsqrt(out_deg)
    norm_dst = jax.lax.rsqrt(in_deg)
    h = x * norm_src[:, None]
    m = jnp.take(h, src, axis=0)
    agg = jax.ops.segment_sum(m, dst, num_segments=n)
    agg = agg * norm_dst[:, None]
    return agg @ W + b


def setup_inputs(seed: int = 0):
    key = jax.random.key(seed)
    ks = jax.random.split(key, 10)
    g = jax.random.randint(ks[0], (2, N_EDGES), 0, N_NODES, dtype=jnp.int32)
    x = jax.random.normal(ks[1], (N_NODES, HID), dtype=jnp.float32)
    external_input = jax.random.normal(ks[2], (N_NODES, HID), dtype=jnp.float32)
    conv2_w = jax.random.normal(ks[3], (HID, HID), dtype=jnp.float32) * 0.1
    conv2_b = jnp.zeros((HID,), dtype=jnp.float32)
    disc_w1 = jax.random.normal(ks[4], (HID, 8), dtype=jnp.float32) * 0.1
    disc_b1 = jnp.zeros((8,), dtype=jnp.float32)
    disc_w2 = jax.random.normal(ks[5], (8, 2), dtype=jnp.float32) * 0.1
    disc_b2 = jnp.zeros((2,), dtype=jnp.float32)
    return {"g": g, "x": x, "external_input": external_input,
            "conv2_w": conv2_w, "conv2_b": conv2_b,
            "disc_w1": disc_w1, "disc_b1": disc_b1,
            "disc_w2": disc_w2, "disc_b2": disc_b2}


def reference(g, x, external_input, conv2_w, conv2_b, disc_w1, disc_b1, disc_w2, disc_b2):
    # external_input-path of Net.forward (get_conv1_emb=False, external_input is not None)
    h = jax.nn.relu(x)
    # F.dropout treated as identity for a deterministic reference (eval mode)
    x_after_conv2 = graph_conv(g, h, conv2_w, conv2_b)
    h2 = jax.nn.relu(x)  # computed then discarded, as in the original code
    h3 = jnp.concatenate((x, external_input), axis=0)
    h3 = jax.nn.relu(h3 @ disc_w1 + disc_b1)
    raw = h3 @ disc_w2 + disc_b2
    logits = jax.nn.log_softmax(raw, axis=1)
    return (x_after_conv2, logits)

if __name__ == "__main__":
    import jax
    _d = setup_inputs()
    print(jax.jit(kernel)(*tuple(_d.values())))

</pallas_src>

<mosaic_0001>
#map = affine_map<(d0, d1) -> (0, 0, 0)>
#map1 = affine_map<(d0, d1) -> (0, 0)>
module attributes {stable_mosaic.version = 14 : i64} {
  func.func @agg_kernel(%arg0: i32, %arg1: i32, %arg2: memref<2x25088x128xi32, #tpu.memory_space<hbm>>, %arg3: memref<100352x16xf32, #tpu.memory_space<hbm>>, %arg4: memref<2x100352x16xf32, #tpu.memory_space<hbm>>, %arg5: memref<100352x16xf32, #tpu.memory_space<vmem_shared>>, %arg6: memref<196x16xf32, #tpu.memory_space<vmem>>, %arg7: memref<16x128xi32, #tpu.memory_space<vmem>>, %arg8: memref<16x128xi32, #tpu.memory_space<vmem>>, %arg9: memref<16x128xi32, #tpu.memory_space<vmem>>, %arg10: memref<16x128xi32, #tpu.memory_space<vmem>>, %arg11: memref<128x16xf32, #tpu.memory_space<vmem>>, %arg12: memref<128x16xf32, #tpu.memory_space<vmem>>, %arg13: memref<128x16xf32, #tpu.memory_space<vmem>>, %arg14: memref<128x16xf32, #tpu.memory_space<vmem>>, %arg15: memref<128x16xf32, #tpu.memory_space<vmem>>, %arg16: memref<128x16xf32, #tpu.memory_space<vmem>>, %arg17: memref<128x16xf32, #tpu.memory_space<vmem>>, %arg18: memref<128x16xf32, #tpu.memory_space<vmem>>, %arg19: memref<!tpu.dma_semaphore, #tpu.memory_space<semaphore_mem>>, %arg20: memref<!tpu.dma_semaphore, #tpu.memory_space<semaphore_mem>>, %arg21: memref<!tpu.dma_semaphore, #tpu.memory_space<semaphore_mem>>, %arg22: memref<!tpu.dma_semaphore, #tpu.memory_space<semaphore_mem>>, %arg23: memref<!tpu.dma_semaphore, #tpu.memory_space<semaphore_mem>>, %arg24: memref<!tpu.dma_semaphore, #tpu.memory_space<semaphore_mem>>, %arg25: memref<!tpu.dma_semaphore, #tpu.memory_space<semaphore_mem>>, %arg26: memref<!tpu.dma_semaphore, #tpu.memory_space<semaphore_mem>>, %arg27: memref<!tpu.dma_semaphore, #tpu.memory_space<semaphore_mem>>, %arg28: memref<!tpu.dma_semaphore, #tpu.memory_space<semaphore_mem>>, %arg29: memref<!tpu.dma_semaphore, #tpu.memory_space<semaphore_mem>>, %arg30: memref<!tpu.dma_semaphore, #tpu.memory_space<semaphore_mem>>, %arg31: memref<!tpu.dma_semaphore, #tpu.memory_space<semaphore_mem>>, %arg32: memref<!tpu.dma_semaphore, #tpu.memory_space<semaphore_mem>>, %arg33: memref<!tpu.dma_semaphore, #tpu.memory_space<semaphore_mem>>, %arg34: memref<!tpu.dma_semaphore, #tpu.memory_space<semaphore_mem>>, %arg35: memref<!tpu.dma_semaphore, #tpu.memory_space<semaphore_mem>>, %arg36: memref<!tpu.dma_semaphore, #tpu.memory_space<semaphore_mem>>, %arg37: memref<!tpu.dma_semaphore, #tpu.memory_space<semaphore_mem>>, %arg38: memref<!tpu.dma_semaphore, #tpu.memory_space<semaphore_mem>>) attributes {dimension_semantics = [#tpu.dimension_semantics<core_parallel>, #tpu.dimension_semantics<subcore_parallel>], iteration_bounds = array<i64: 2, 16>, scalar_prefetch = 0 : i64, scratch_operands = 34 : i64, tpu.core_type = #tpu.core_type<sc_vector_subcore>, window_params = [{transform_indices = #map}, {transform_indices = #map1}, {transform_indices = #map}]} {
    %mul3A = arith.constant 16 : i32
    %mul3A_0 = arith.muli %arg0, %mul3A : i32
    %add3A = arith.addi %mul3A_0, %arg1 : i32
    %scan3A = arith.constant 0 : i32
    %scan3A_1 = arith.constant 196 : i32
    %scan3A_2 = arith.addi %scan3A, %scan3A_1 : i32
    %scan3A_3 = arith.constant 1 : i32
    scf.for %scan3A_506 = %scan3A to %scan3A_2 step %scan3A_3  : i32 {
      %broadcast_in_dim3A = arith.constant 0.000000e+00 : f32
      %broadcast_in_dim3A_507 = vector.broadcast %broadcast_in_dim3A : f32 to vector<16xf32>
      %swap3A = arith.index_cast %scan3A_506 : i32 to index
      %swap3A_508 = arith.constant 0 : index
      %swap3A_509 = tpu.vector_load %arg6[%swap3A, %swap3A_508] {strides = array<i32>} : memref<196x16xf32, #tpu.memory_space<vmem>>, vector<1x16xf32>,
      %swap3A_510 = vector.shape_cast %swap3A_509 : vector<1x16xf32> to vector<16xf32>
      %swap3A_511 = vector.shape_cast %broadcast_in_dim3A_507 : vector<16xf32> to vector<1x16xf32>
      tpu.vector_store %arg6[%swap3A, %swap3A_508], %swap3A_511 {strides = array<i32>} : memref<196x16xf32, #tpu.memory_space<vmem>>, vector<1x16xf32>,
    }
    %scan3A_4 = arith.constant 196 : i32
    %mul3A_5 = arith.constant 6272 : i32
    %mul3A_6 = arith.muli %arg1, %mul3A_5 : i32
    %scan3A_7 = arith.constant 0 : i32
    %scan3A_8 = arith.constant 32 : i32
    %scan3A_9 = arith.addi %scan3A_7, %scan3A_8 : i32
    %scan3A_10 = arith.constant 1 : i32
    scf.for %scan3A_506 = %scan3A_7 to %scan3A_9 step %scan3A_10  : i32 {
      %mul3A_507 = arith.constant 196 : i32
      %mul3A_508 = arith.muli %scan3A_506, %mul3A_507 : i32
      %add3A_509 = arith.addi %mul3A_6, %mul3A_508 : i32
      "tpu.region"() ({
        %run_scoped3A = tpu.sem_alloc : memref<!tpu.dma_semaphore, #tpu.memory_space<semaphore_mem>>
        %dma_start3A_510 = arith.constant 0 : i32
        %dma_start3A_511 = tpu.memref_slice %arg5[%add3A_509, %dma_start3A_510] : memref<100352x16xf32, #tpu.memory_space<vmem_shared>> -> memref<196x16xf32, #tpu.memory_space<vmem_shared>>
        %dma_start3A_512 = arith.constant 0 : i32
        %dma_start3A_513 = tpu.memref_slice %arg5[%add3A_509, %dma_start3A_512] : memref<100352x16xf32, #tpu.memory_space<vmem_shared>> -> memref<196x16xf32, #tpu.memory_space<vmem_shared>>
        tpu.enqueue_dma source(%arg6 : memref<196x16xf32, #tpu.memory_space<vmem>>) target(%dma_start3A_513 : memref<196x16xf32, #tpu.memory_space<vmem_shared>>) target_semaphore(%run_scoped3A : memref<!tpu.dma_semaphore, #tpu.memory_space<semaphore_mem>>)
        %dma_wait3A_514 = arith.constant 0 : i32
        %dma_wait3A_515 = tpu.memref_slice %arg5[%add3A_509, %dma_wait3A_514] : memref<100352x16xf32, #tpu.memory_space<vmem_shared>> -> memref<196x16xf32, #tpu.memory_space<vmem_shared>>
        %dma_wait3A_516 = arith.constant 0 : i32
        %dma_wait3A_517 = tpu.memref_slice %arg5[%add3A_509, %dma_wait3A_516] : memref<100352x16xf32, #tpu.memory_space<vmem_shared>> -> memref<196x16xf32, #tpu.memory_space<vmem_shared>>
        tpu.wait_dma2 semaphore(%run_scoped3A : memref<!tpu.dma_semaphore, #tpu.memory_space<semaphore_mem>>) src(%arg6 : memref<196x16xf32, #tpu.memory_space<vmem>>) dst(%dma_wait3A_517 : memref<196x16xf32, #tpu.memory_space<vmem_shared>>)
        tpu.yield
      }) : () -> ()
    }
    %scan3A_11 = arith.constant 32 : i32
    %barrier3A = arith.constant 0 : index
    tpu.barrier barrier_id(%barrier3A)
    %mul3A_12 = arith.constant 784 : i32
    %mul3A_13 = arith.muli %add3A, %mul3A_12 : i32
    %add3A_14 = arith.constant 0 : i32
    %add3A_15 = arith.addi %mul3A_13, %add3A_14 : i32
    %dma_start3A = arith.constant 0 : i32
    %dma_start3A_16 = arith.constant 0 : i32
    %dma_start3A_17 = tpu.memref_slice %arg2[%dma_start3A, %add3A_15, %dma_start3A_16] : memref<2x25088x128xi32, #tpu.memory_space<hbm>> -> memref<1x16x128xi32, #tpu.memory_space<hbm>>
    %dma_start3A_18 = tpu.memref_squeeze %dma_start3A_17 : memref<1x16x128xi32, #tpu.memory_space<hbm>> -> memref<16x128xi32, #tpu.memory_space<hbm>>
    %dma_start3A_19 = arith.constant 0 : i32
    %dma_start3A_20 = tpu.memref_slice %arg2[%dma_start3A, %add3A_15, %dma_start3A_19] : memref<2x25088x128xi32, #tpu.memory_space<hbm>> -> memref<1x16x128xi32, #tpu.memory_space<hbm>>
    %dma_start3A_21 = tpu.memref_squeeze %dma_start3A_20 : memref<1x16x128xi32, #tpu.memory_space<hbm>> -> memref<16x128xi32, #tpu.memory_space<hbm>>
    tpu.enqueue_dma source(%dma_start3A_21 : memref<16x128xi32, #tpu.memory_space<hbm>>) target(%arg7 : memref<16x128xi32, #tpu.memory_space<vmem>>) target_semaphore(%arg19 : memref<!tpu.dma_semaphore, #tpu.memory_space<semaphore_mem>>)
    %dma_start3A_22 = arith.constant 1 : i32
    %dma_start3A_23 = arith.constant 0 : i32
    %dma_start3A_24 = tpu.memref_slice %arg2[%dma_start3A_22, %add3A_15, %dma_start3A_23] : memref<2x25088x128xi32, #tpu.memory_space<hbm>> -> memref<1x16x128xi32, #tpu.memory_space<hbm>>
    %dma_start3A_25 = tpu.memref_squeeze %dma_start3A_24 : memref<1x16x128xi32, #tpu.memory_space<hbm>> -> memref<16x128xi32, #tpu.memory_space<hbm>>
    %dma_start3A_26 = arith.constant 0 : i32
    %dma_start3A_27 = tpu.memref_slice %arg2[%dma_start3A_22, %add3A_15, %dma_start3A_26] : memref<2x25088x128xi32, #tpu.memory_space<hbm>> -> memref<1x16x128xi32, #tpu.memory_space<hbm>>
    %dma_start3A_28 = tpu.memref_squeeze %dma_start3A_27 : memref<1x16x128xi32, #tpu.memory_space<hbm>> -> memref<16x128xi32, #tpu.memory_space<hbm>>
    tpu.enqueue_dma source(%dma_start3A_28 : memref<16x128xi32, #tpu.memory_space<hbm>>) target(%arg8 : memref<16x128xi32, #tpu.memory_space<vmem>>) target_semaphore(%arg20 : memref<!tpu.dma_semaphore, #tpu.memory_space<semaphore_mem>>)
    %scan3A_29 = arith.constant 0 : i32
    %scan3A_30 = arith.constant 24 : i32
    %scan3A_31 = arith.addi %scan3A_29, %scan3A_30 : i32
    %scan3A_32 = arith.constant 1 : i32
    scf.for %scan3A_506 = %scan3A_29 to %scan3A_31 step %scan3A_32  : i32 {
      %mul3A_507 = arith.constant 2 : i32
      %mul3A_508 = arith.muli %mul3A_507, %scan3A_506 : i32
      %eq3A = arith.constant 0 : i32
      %eq3A_509 = arith.cmpi eq, %scan3A_506, %eq3A : i32
      %mul3A_510 = arith.constant 16 : i32
      %mul3A_511 = arith.muli %mul3A_508, %mul3A_510 : i32
      %add3A_512 = arith.addi %mul3A_13, %mul3A_511 : i32
      %dma_wait3A_513 = arith.constant 0 : i32
      %dma_wait3A_514 = arith.constant 0 : i32
      %dma_wait3A_515 = tpu.memref_slice %arg2[%dma_wait3A_513, %add3A_512, %dma_wait3A_514] : memref<2x25088x128xi32, #tpu.memory_space<hbm>> -> memref<1x16x128xi32, #tpu.memory_space<hbm>>
      %dma_wait3A_516 = tpu.memref_squeeze %dma_wait3A_515 : memref<1x16x128xi32, #tpu.memory_space<hbm>> -> memref<16x128xi32, #tpu.memory_space<hbm>>
      %dma_wait3A_517 = arith.constant 0 : i32
      %dma_wait3A_518 = tpu.memref_slice %arg2[%dma_wait3A_513, %add3A_512, %dma_wait3A_517] : memref<2x25088x128xi32, #tpu.memory_space<hbm>> -> memref<1x16x128xi32, #tpu.memory_space<hbm>>
      %dma_wait3A_519 = tpu.memref_squeeze %dma_wait3A_518 : memref<1x16x128xi32, #tpu.memory_space<hbm>> -> memref<16x128xi32, #tpu.memory_space<hbm>>
      tpu.wait_dma2 semaphore(%arg19 : memref<!tpu.dma_semaphore, #tpu.memory_space<semaphore_mem>>) src(%dma_wait3A_519 : memref<16x128xi32, #tpu.memory_space<hbm>>) dst(%arg7 : memref<16x128xi32, #tpu.memory_space<vmem>>)
      %dma_wait3A_520 = arith.constant 1 : i32
      %dma_wait3A_521 = arith.constant 0 : i32
      %dma_wait3A_522 = tpu.memref_slice %arg2[%dma_wait3A_520, %add3A_512, %dma_wait3A_521] : memref<2x25088x128xi32, #tpu.memory_space<hbm>> -> memref<1x16x128xi32, #tpu.memory_space<hbm>>
      %dma_wait3A_523 = tpu.memref_squeeze %dma_wait3A_522 : memref<1x16x128xi32, #tpu.memory_space<hbm>> -> memref<16x128xi32, #tpu.memory_space<hbm>>
      %dma_wait3A_524 = arith.constant 0 : i32
      %dma_wait3A_525 = tpu.memref_slice %arg2[%dma_wait3A_520, %add3A_512, %dma_wait3A_524] : memref<2x25088x128xi32, #tpu.memory_space<hbm>> -> memref<1x16x128xi32, #tpu.memory_space<hbm>>
      %dma_wait3A_526 = tpu.memref_squeeze %dma_wait3A_525 : memref<1x16x128xi32, #tpu.memory_space<hbm>> -> memref<16x128xi32, #tpu.memory_space<hbm>>
      tpu.wait_dma2 semaphore(%arg20 : memref<!tpu.dma_semaphore, #tpu.memory_space<semaphore_mem>>) src(%dma_wait3A_526 : memref<16x128xi32, #tpu.memory_space<hbm>>) dst(%arg8 : memref<16x128xi32, #tpu.memory_space<vmem>>)
      %add3A_527 = arith.constant 1 : i32
      %add3A_528 = arith.addi %mul3A_508, %add3A_527 : i32
      %lt3A = arith.constant 49 : i32
      %lt3A_529 = arith.cmpi slt, %add3A_528, %lt3A : i32
      %convert_element_type3A_530 = arith.extui %lt3A_529 : i1 to i32
      %cond3A_531 = arith.constant 0 : i32
      %cond3A_532 = arith.cmpi ne, %convert_element_type3A_530, %cond3A_531 : i32
      scf.if %cond3A_532 {
        %add3A_1356 = arith.constant 1 : i32
        %add3A_1357 = arith.addi %mul3A_508, %add3A_1356 : i32
        %mul3A_1358 = arith.constant 16 : i32
        %mul3A_1359 = arith.muli %add3A_1357, %mul3A_1358 : i32
        %add3A_1360 = arith.addi %mul3A_13, %mul3A_1359 : i32
        %dma_start3A_1361 = arith.constant 0 : i32
        %dma_start3A_1362 = arith.constant 0 : i32
        %dma_start3A_1363 = tpu.memref_slice %arg2[%dma_start3A_1361, %add3A_1360, %dma_start3A_1362] : memref<2x25088x128xi32, #tpu.memory_space<hbm>> -> memref<1x16x128xi32, #tpu.memory_space<hbm>>
        %dma_start3A_1364 = tpu.memref_squeeze %dma_start3A_1363 : memref<1x16x128xi32, #tpu.memory_space<hbm>> -> memref<16x128xi32, #tpu.memory_space<hbm>>
        %dma_start3A_1365 = arith.constant 0 : i32
        %dma_start3A_1366 = tpu.memref_slice %arg2[%dma_start3A_1361, %add3A_1360, %dma_start3A_1365] : memref<2x25088x128xi32, #tpu.memory_space<hbm>> -> memref<1x16x128xi32, #tpu.memory_space<hbm>>
        %dma_start3A_1367 = tpu.memref_squeeze %dma_start3A_1366 : memref<1x16x128xi32, #tpu.memory_space<hbm>> -> memref<16x128xi32, #tpu.memory_space<hbm>>
        tpu.enqueue_dma source(%dma_start3A_1367 : memref<16x128xi32, #tpu.memory_space<hbm>>) target(%arg9 : memref<16x128xi32, #tpu.memory_space<vmem>>) target_semaphore(%arg21 : memref<!tpu.dma_semaphore, #tpu.memory_space<semaphore_mem>>)
        %dma_start3A_1368 = arith.constant 1 : i32
        %dma_start3A_1369 = arith.constant 0 : i32
        %dma_start3A_1370 = tpu.memref_slice %arg2[%dma_start3A_1368, %add3A_1360, %dma_start3A_1369] : memref<2x25088x128xi32, #tpu.memory_space<hbm>> -> memref<1x16x128xi32, #tpu.memory_space<hbm>>
        %dma_start3A_1371 = tpu.memref_squeeze %dma_start3A_1370 : memref<1x16x128xi32, #tpu.memory_space<hbm>> -> memref<16x128xi32, #tpu.memory_space<hbm>>
        %dma_start3A_1372 = arith.constant 0 : i32
        %dma_start3A_1373 = tpu.memref_slice %arg2[%dma_start3A_1368, %add3A_1360, %dma_start3A_1372] : memref<2x25088x128xi32, #tpu.memory_space<hbm>> -> memref<1x16x128xi32, #tpu.memory_space<hbm>>
        %dma_start3A_1374 = tpu.memref_squeeze %dma_start3A_1373 : memref<1x16x128xi32, #tpu.memory_space<hbm>> -> memref<16x128xi32, #tpu.memory_space<hbm>>
        tpu.enqueue_dma source(%dma_start3A_1374 : memref<16x128xi32, #tpu.memory_space<hbm>>) target(%arg10 : memref<16x128xi32, #tpu.memory_space<vmem>>) target_semaphore(%arg22 : memref<!tpu.dma_semaphore, #tpu.memory_space<semaphore_mem>>)
      } else {
      }
      %not3A_533 = arith.constant true
      %not3A_534 = arith.xori %eq3A_509, %not3A_533 : i1
      %convert_element_type3A_535 = arith.extui %not3A_534 : i1 to i32
      %cond3A_536 = arith.constant 0 : i32
      %cond3A_537 = arith.cmpi ne, %convert_element_type3A_535, %cond3A_536 : i32
      scf.if %cond3A_537 {
        %dma_wait3A_1356 = arith.constant 0 : i32
        %dma_wait3A_1357 = arith.constant 0 : i32
        %dma_wait3A_1358 = tpu.memref_slice %arg8[%dma_wait3A_1356, %dma_wait3A_1357] : memref<16x128xi32, #tpu.memory_space<vmem>> -> memref<1x128xi32, #tpu.memory_space<vmem>>
        %dma_wait3A_1359 = tpu.memref_squeeze %dma_wait3A_1358 : memref<1x128xi32, #tpu.memory_space<vmem>> -> memref<128xi32, #tpu.memory_space<vmem>>
        %dma_wait3A_1360 = arith.constant 0 : i32
        %dma_wait3A_1361 = arith.constant 0 : i32
        %dma_wait3A_1362 = tpu.memref_slice %arg5[%dma_wait3A_1360, %dma_wait3A_1361] : memref<100352x16xf32, #tpu.memory_space<vmem_shared>> -> memref<100352x16xf32, #tpu.memory_space<vmem_shared>>
        tpu.wait_indirect_dma semaphore(%arg31 : memref<!tpu.dma_semaphore, #tpu.memory_space<semaphore_mem>>) src(%arg11 : memref<128x16xf32, #tpu.memory_space<vmem>>) dst(%dma_wait3A_1362 : memref<100352x16xf32, #tpu.memory_space<vmem_shared>>)
        %dma_wait3A_1363 = arith.constant 0 : i32
        %dma_wait3A_1364 = arith.constant 0 : i32
        %dma_wait3A_1365 = tpu.memref_slice %arg8[%dma_wait3A_1363, %dma_wait3A_1364] : memref<16x128xi32, #tpu.memory_space<vmem>> -> memref<1x128xi32, #tpu.memory_space<vmem>>
        %dma_wait3A_1366 = tpu.memref_squeeze %dma_wait3A_1365 : memref<1x128xi32, #tpu.memory_space<vmem>> -> memref<128xi32, #tpu.memory_space<vmem>>
        %dma_wait3A_1367 = arith.constant 0 : i32
        %dma_wait3A_1368 = arith.constant 0 : i32
        %dma_wait3A_1369 = tpu.memref_slice %arg5[%dma_wait3A_1367, %dma_wait3A_1368] : memref<100352x16xf32, #tpu.memory_space<vmem_shared>> -> memref<100352x16xf32, #tpu.memory_space<vmem_shared>>
        tpu.wait_indirect_dma semaphore(%arg32 : memref<!tpu.dma_semaphore, #tpu.memory_space<semaphore_mem>>) src(%arg12 : memref<128x16xf32, #tpu.memory_space<vmem>>) dst(%dma_wait3A_1369 : memref<100352x16xf32, #tpu.memory_space<vmem_shared>>)
        %dma_wait3A_1370 = arith.constant 0 : i32
        %dma_wait3A_1371 = arith.constant 0 : i32
        %dma_wait3A_1372 = tpu.memref_slice %arg8[%dma_wait3A_1370, %dma_wait3A_1371] : memref<16x128xi32, #tpu.memory_space<vmem>> -> memref<1x128xi32, #tpu.memory_space<vmem>>
        %dma_wait3A_1373 = tpu.memref_squeeze %dma_wait3A_1372 : memref<1x128xi32, #tpu.memory_space<vmem>> -> memref<128xi32, #tpu.memory_space<vmem>>
        %dma_wait3A_1374 = arith.constant 0 : i32
        %dma_wait3A_1375 = arith.constant 0 : i32
        %dma_wait3A_1376 = tpu.memref_slice %arg5[%dma_wait3A_1374, %dma_wait3A_1375] : memref<100352x16xf32, #tpu.memory_space<vmem_shared>> -> memref<100352x16xf32, #tpu.memory_space<vmem_shared>>
        tpu.wait_indirect_dma semaphore(%arg33 : memref<!tpu.dma_semaphore, #tpu.memory_space<semaphore_mem>>) src(%arg13 : memref<128x16xf32, #tpu.memory_space<vmem>>) dst(%dma_wait3A_1376 : memref<100352x16xf32, #tpu.memory_space<vmem_shared>>)
        %dma_wait3A_1377 = arith.constant 0 : i32
        %dma_wait3A_1378 = arith.constant 0 : i32
        %dma_wait3A_1379 = tpu.memref_slice %arg8[%dma_wait3A_1377, %dma_wait3A_1378] : memref<16x128xi32, #tpu.memory_space<vmem>> -> memref<1x128xi32, #tpu.memory_space<vmem>>
        %dma_wait3A_1380 = tpu.memref_squeeze %dma_wait3A_1379 : memref<1x128xi32, #tpu.memory_space<vmem>> -> memref<128xi32, #tpu.memory_space<vmem>>
        %dma_wait3A_1381 = arith.constant 0 : i32
        %dma_wait3A_1382 = arith.constant 0 : i32
        %dma_wait3A_1383 = tpu.memref_slice %arg5[%dma_wait3A_1381, %dma_wait3A_1382] : memref<100352x16xf32, #tpu.memory_space<vmem_shared>> -> memref<100352x16xf32, #tpu.memory_space<vmem_shared>>
        tpu.wait_indirect_dma semaphore(%arg34 : memref<!tpu.dma_semaphore, #tpu.memory_space<semaphore_mem>>) src(%arg14 : memref<128x16xf32, #tpu.memory_space<vmem>>) dst(%dma_wait3A_1383 : memref<100352x16xf32, #tpu.memory_space<vmem_shared>>)
        %dma_wait3A_1384 = arith.constant 0 : i32
        %dma_wait3A_1385 = arith.constant 0 : i32
        %dma_wait3A_1386 = tpu.memref_slice %arg8[%dma_wait3A_1384, %dma_wait3A_1385] : memref<16x128xi32, #tpu.memory_space<vmem>> -> memref<1x128xi32, #tpu.memory_space<vmem>>
        %dma_wait3A_1387 = tpu.memref_squeeze %dma_wait3A_1386 : memref<1x128xi32, #tpu.memory_space<vmem>> -> memref<128xi32, #tpu.memory_space<vmem>>
        %dma_wait3A_1388 = arith.constant 0 : i32
        %dma_wait3A_1389 = arith.constant 0 : i32
        %dma_wait3A_1390 = tpu.memref_slice %arg5[%dma_wait3A_1388, %dma_wait3A_1389] : memref<100352x16xf32, #tpu.memory_space<vmem_shared>> -> memref<100352x16xf32, #tpu.memory_space<vmem_shared>>
        tpu.wait_indirect_dma semaphore(%arg35 : memref<!tpu.dma_semaphore, #tpu.memory_space<semaphore_mem>>) src(%arg15 : memref<128x16xf32, #tpu.memory_space<vmem>>) dst(%dma_wait3A_1390 : memref<100352x16xf32, #tpu.memory_space<vmem_shared>>)
        %dma_wait3A_1391 = arith.constant 0 : i32
        %dma_wait3A_1392 = arith.constant 0 : i32
        %dma_wait3A_1393 = tpu.memref_slice %arg8[%dma_wait3A_1391, %dma_wait3A_1392] : memref<16x128xi32, #tpu.memory_space<vmem>> -> memref<1x128xi32, #tpu.memory_space<vmem>>
        %dma_wait3A_1394 = tpu.memref_squeeze %dma_wait3A_1393 : memref<1x128xi32, #tpu.memory_space<vmem>> -> memref<128xi32, #tpu.memory_space<vmem>>
        %dma_wait3A_1395 = arith.constant 0 : i32
        %dma_wait3A_1396 = arith.constant 0 : i32
        %dma_wait3A_1397 = tpu.memref_slice %arg5[%dma_wait3A_1395, %dma_wait3A_1396] : memref<100352x16xf32, #tpu.memory_space<vmem_shared>> -> memref<100352x16xf32, #tpu.memory_space<vmem_shared>>
        tpu.wait_indirect_dma semaphore(%arg36 : memref<!tpu.dma_semaphore, #tpu.memory_space<semaphore_mem>>) src(%arg16 : memref<128x16xf32, #tpu.memory_space<vmem>>) dst(%dma_wait3A_1397 : memref<100352x16xf32, #tpu.memory_space<vmem_shared>>)
        %dma_wait3A_1398 = arith.constant 0 : i32
        %dma_wait3A_1399 = arith.constant 0 : i32
        %dma_wait3A_1400 = tpu.memref_slice %arg8[%dma_wait3A_1398, %dma_wait3A_1399] : memref<16x128xi32, #tpu.memory_space<vmem>> -> memref<1x128xi32, #tpu.memory_space<vmem>>
        %dma_wait3A_1401 = tpu.memref_squeeze %dma_wait3A_1400 : memref<1x128xi32, #tpu.memory_space<vmem>> -> memref<128xi32, #tpu.memory_space<vmem>>
        %dma_wait3A_1402 = arith.constant 0 : i32
        %dma_wait3A_1403 = arith.constant 0 : i32
        %dma_wait3A_1404 = tpu.memref_slice %arg5[%dma_wait3A_1402, %dma_wait3A_1403] : memref<100352x16xf32, #tpu.memory_space<vmem_shared>> -> memref<100352x16xf32, #tpu.memory_space<vmem_shared>>
        tpu.wait_indirect_dma semaphore(%arg37 : memref<!tpu.dma_semaphore, #tpu.memory_space<semaphore_mem>>) src(%arg17 : memref<128x16xf32, #tpu.memory_space<vmem>>) dst(%dma_wait3A_1404 : memref<100352x16xf32, #tpu.memory_space<vmem_shared>>)
        %dma_wait3A_1405 = arith.constant 0 : i32
        %dma_wait3A_1406 = arith.constant 0 : i32
        %dma_wait3A_1407 = tpu.memref_slice %arg8[%dma_wait3A_1405, %dma_wait3A_1406] : memref<16x128xi32, #tpu.memory_space<vmem>> -> memref<1x128xi32, #tpu.memory_space<vmem>>
        %dma_wait3A_1408 = tpu.memref_squeeze %dma_wait3A_1407 : memref<1x128xi32, #tpu.memory_space<vmem>> -> memref<128xi32, #tpu.memory_space<vmem>>
        %dma_wait3A_1409 = arith.constant 0 : i32
        %dma_wait3A_1410 = arith.constant 0 : i32
        %dma_wait3A_1411 = tpu.memref_slice %arg5[%dma_wait3A_1409, %dma_wait3A_1410] : memref<100352x16xf32, #tpu.memory_space<vmem_shared>> -> memref<100352x16xf32, #tpu.memory_space<vmem_shared>>
        tpu.wait_indirect_dma semaphore(%arg38 : memref<!tpu.dma_semaphore, #tpu.memory_space<semaphore_mem>>) src(%arg18 : memref<128x16xf32, #tpu.memory_space<vmem>>) dst(%dma_wait3A_1411 : memref<100352x16xf32, #tpu.memory_space<vmem_shared>>)
      } else {
      }
      %dma_start3A_538 = arith.constant 0 : i32
      %dma_start3A_539 = arith.constant 0 : i32
      %dma_start3A_540 = tpu.memref_slice %arg7[%dma_start3A_538, %dma_start3A_539] : memref<16x128xi32, #tpu.memory_space<vmem>> -> memref<1x128xi32, #tpu.memory_space<vmem>>
      %dma_start3A_541 = tpu.memref_squeeze %dma_start3A_540 : memref<1x128xi32, #tpu.memory_space<vmem>> -> memref<128xi32, #tpu.memory_space<vmem>>
      %dma_start3A_542 = arith.constant 0 : i32
      %dma_start3A_543 = arith.constant 0 : i32
      %dma_start3A_544 = tpu.memref_slice %arg3[%dma_start3A_542, %dma_start3A_543] : memref<100352x16xf32, #tpu.memory_space<hbm>> -> memref<100352x16xf32, #tpu.memory_space<hbm>>
      tpu.enqueue_indirect_dma source(%dma_start3A_544 : memref<100352x16xf32, #tpu.memory_space<hbm>>) target(%arg11 : memref<128x16xf32, #tpu.memory_space<vmem>>) offsets(%dma_start3A_541 : memref<128xi32, #tpu.memory_space<vmem>>) semaphore(%arg23 : memref<!tpu.dma_semaphore, #tpu.memory_space<semaphore_mem>>)
      %dma_start3A_545 = arith.constant 1 : i32
      %dma_start3A_546 = arith.constant 0 : i32
      %dma_start3A_547 = tpu.memref_slice %arg7[%dma_start3A_545, %dma_start3A_546] : memref<16x128xi32, #tpu.memory_space<vmem>> -> memref<1x128xi32, #tpu.memory_space<vmem>>
      %dma_start3A_548 = tpu.memref_squeeze %dma_start3A_547 : memref<1x128xi32, #tpu.memory_space<vmem>> -> memref<128xi32, #tpu.memory_space<vmem>>
      %dma_start3A_549 = arith.constant 0 : i32
      %dma_start3A_550 = arith.constant 0 : i32
      %dma_start3A_551 = tpu.memref_slice %arg3[%dma_start3A_549, %dma_start3A_550] : memref<100352x16xf32, #tpu.memory_space<hbm>> -> memref<100352x16xf32, #tpu.memory_space<hbm>>
      tpu.enqueue_indirect_dma source(%dma_start3A_551 : memref<100352x16xf32, #tpu.memory_space<hbm>>) target(%arg12 : memref<128x16xf32, #tpu.memory_space<vmem>>) offsets(%dma_start3A_548 : memref<128xi32, #tpu.memory_space<vmem>>) semaphore(%arg24 : memref<!tpu.dma_semaphore, #tpu.memory_space<semaphore_mem>>)
      %dma_start3A_552 = arith.constant 2 : i32
      %dma_start3A_553 = arith.constant 0 : i32
      %dma_start3A_554 = tpu.memref_slice %arg7[%dma_start3A_552, %dma_start3A_553] : memref<16x128xi32, #tpu.memory_space<vmem>> -> memref<1x128xi32, #tpu.memory_space<vmem>>
      %dma_start3A_555 = tpu.memref_squeeze %dma_start3A_554 : memref<1x128xi32, #tpu.memory_space<vmem>> -> memref<128xi32, #tpu.memory_space<vmem>>
      %dma_start3A_556 = arith.constant 0 : i32
      %dma_start3A_557 = arith.constant 0 : i32
      %dma_start3A_558 = tpu.memref_slice %arg3[%dma_start3A_556, %dma_start3A_557] : memref<100352x16xf32, #tpu.memory_space<hbm>> -> memref<100352x16xf32, #tpu.memory_space<hbm>>
      tpu.enqueue_indirect_dma source(%dma_start3A_558 : memref<100352x16xf32, #tpu.memory_space<hbm>>) target(%arg13 : memref<128x16xf32, #tpu.memory_space<vmem>>) offsets(%dma_start3A_555 : memref<128xi32, #tpu.memory_space<vmem>>) semaphore(%arg25 : memref<!tpu.dma_semaphore, #tpu.memory_space<semaphore_mem>>)
      %dma_start3A_559 = arith.constant 3 : i32
      %dma_start3A_560 = arith.constant 0 : i32
      %dma_start3A_561 = tpu.memref_slice %arg7[%dma_start3A_559, %dma_start3A_560] : memref<16x128xi32, #tpu.memory_space<vmem>> -> memref<1x128xi32, #tpu.memory_space<vmem>>
      %dma_start3A_562 = tpu.memref_squeeze %dma_start3A_561 : memref<1x128xi32, #tpu.memory_space<vmem>> -> memref<128xi32, #tpu.memory_space<vmem>>
      %dma_start3A_563 = arith.constant 0 : i32
      %dma_start3A_564 = arith.constant 0 : i32
      %dma_start3A_565 = tpu.memref_slice %arg3[%dma_start3A_563, %dma_start3A_564] : memref<100352x16xf32, #tpu.memory_space<hbm>> -> memref<100352x16xf32, #tpu.memory_space<hbm>>
      tpu.enqueue_indirect_dma source(%dma_start3A_565 : memref<100352x16xf32, #tpu.memory_space<hbm>>) target(%arg14 : memref<128x16xf32, #tpu.memory_space<vmem>>) offsets(%dma_start3A_562 : memref<128xi32, #tpu.memory_space<vmem>>) semaphore(%arg26 : memref<!tpu.dma_semaphore, #tpu.memory_space<semaphore_mem>>)
      %dma_start3A_566 = arith.constant 4 : i32
      %dma_start3A_567 = arith.constant 0 : i32
      %dma_start3A_568 = tpu.memref_slice %arg7[%dma_start3A_566, %dma_start3A_567] : memref<16x128xi32, #tpu.memory_space<vmem>> -> memref<1x128xi32, #tpu.memory_space<vmem>>
      %dma_start3A_569 = tpu.memref_squeeze %dma_start3A_568 : memref<1x128xi32, #tpu.memory_space<vmem>> -> memref<128xi32, #tpu.memory_space<vmem>>
      %dma_start3A_570 = arith.constant 0 : i32
      %dma_start3A_571 = arith.constant 0 : i32
      %dma_start3A_572 = tpu.memref_slice %arg3[%dma_start3A_570, %dma_start3A_571] : memref<100352x16xf32, #tpu.memory_space<hbm>> -> memref<100352x16xf32, #tpu.memory_space<hbm>>
      tpu.enqueue_indirect_dma source(%dma_start3A_572 : memref<100352x16xf32, #tpu.memory_space<hbm>>) target(%arg15 : memref<128x16xf32, #tpu.memory_space<vmem>>) offsets(%dma_start3A_569 : memref<128xi32, #tpu.memory_space<vmem>>) semaphore(%arg27 : memref<!tpu.dma_semaphore, #tpu.memory_space<semaphore_mem>>)
      %dma_start3A_573 = arith.constant 5 : i32
      %dma_start3A_574 = arith.constant 0 : i32
      %dma_start3A_575 = tpu.memref_slice %arg7[%dma_start3A_573, %dma_start3A_574] : memref<16x128xi32, #tpu.memory_space<vmem>> -> memref<1x128xi32, #tpu.memory_space<vmem>>
      %dma_start3A_576 = tpu.memref_squeeze %dma_start3A_575 : memref<1x128xi32, #tpu.memory_space<vmem>> -> memref<128xi32, #tpu.memory_space<vmem>>
      %dma_start3A_577 = arith.constant 0 : i32
      %dma_start3A_578 = arith.constant 0 : i32
      %dma_start3A_579 = tpu.memref_slice %arg3[%dma_start3A_577, %dma_start3A_578] : memref<100352x16xf32, #tpu.memory_space<hbm>> -> memref<100352x16xf32, #tpu.memory_space<hbm>>
      tpu.enqueue_indirect_dma source(%dma_start3A_579 : memref<100352x16xf32, #tpu.memory_space<hbm>>) target(%arg16 : memref<128x16xf32, #tpu.memory_space<vmem>>) offsets(%dma_start3A_576 : memref<128xi32, #tpu.memory_space<vmem>>) semaphore(%arg28 : memref<!tpu.dma_semaphore, #tpu.memory_space<semaphore_mem>>)
      %dma_start3A_580 = arith.constant 6 : i32
      %dma_start3A_581 = arith.constant 0 : i32
      %dma_start3A_582 = tpu.memref_slice %arg7[%dma_start3A_580, %dma_start3A_581] : memref<16x128xi32, #tpu.memory_space<vmem>> -> memref<1x128xi32, #tpu.memory_space<vmem>>
      %dma_start3A_583 = tpu.memref_squeeze %dma_start3A_582 : memref<1x128xi32, #tpu.memory_space<vmem>> -> memref<128xi32, #tpu.memory_space<vmem>>
      %dma_start3A_584 = arith.constant 0 : i32
      %dma_start3A_585 = arith.constant 0 : i32
      %dma_start3A_586 = tpu.memref_slice %arg3[%dma_start3A_584, %dma_start3A_585] : memref<100352x16xf32, #tpu.memory_space<hbm>> -> memref<100352x16xf32, #tpu.memory_space<hbm>>
      tpu.enqueue_indirect_dma source(%dma_start3A_586 : memref<100352x16xf32, #tpu.memory_space<hbm>>) target(%arg17 : memref<128x16xf32, #tpu.memory_space<vmem>>) offsets(%dma_start3A_583 : memref<128xi32, #tpu.memory_space<vmem>>) semaphore(%arg29 : memref<!tpu.dma_semaphore, #tpu.memory_space<semaphore_mem>>)
      %dma_start3A_587 = arith.constant 7 : i32
      %dma_start3A_588 = arith.constant 0 : i32
      %dma_start3A_589 = tpu.memref_slice %arg7[%dma_start3A_587, %dma_start3A_588] : memref<16x128xi32, #tpu.memory_space<vmem>> -> memref<1x128xi32, #tpu.memory_space<vmem>>
      %dma_start3A_590 = tpu.memref_squeeze %dma_start3A_589 : memref<1x128xi32, #tpu.memory_space<vmem>> -> memref<128xi32, #tpu.memory_space<vmem>>
      %dma_start3A_591 = arith.constant 0 : i32
      %dma_start3A_592 = arith.constant 0 : i32
      %dma_start3A_593 = tpu.memref_slice %arg3[%dma_start3A_591, %dma_start3A_592] : memref<100352x16xf32, #tpu.memory_space<hbm>> -> memref<100352x16xf32, #tpu.memory_space<hbm>>
      tpu.enqueue_indirect_dma source(%dma_start3A_593 : memref<100352x16xf32, #tpu.memory_space<hbm>>) target(%arg18 : memref<128x16xf32, #tpu.memory_space<vmem>>) offsets(%dma_start3A_590 : memref<128xi32, #tpu.memory_space<vmem>>) semaphore(%arg30 : memref<!tpu.dma_semaphore, #tpu.memory_space<semaphore_mem>>)
      %dma_wait3A_594 = arith.constant 0 : i32
      %dma_wait3A_595 = arith.constant 0 : i32
      %dma_wait3A_596 = tpu.memref_slice %arg7[%dma_wait3A_594, %dma_wait3A_595] : memref<16x128xi32, #tpu.memory_space<vmem>> -> memref<1x128xi32, #tpu.memory_space<vmem>>
      %dma_wait3A_597 = tpu.memref_squeeze %dma_wait3A_596 : memref<1x128xi32, #tpu.memory_space<vmem>> -> memref<128xi32, #tpu.memory_space<vmem>>
      %dma_wait3A_598 = arith.constant 0 : i32
      %dma_wait3A_599 = arith.constant 0 : i32
      %dma_wait3A_600 = tpu.memref_slice %arg3[%dma_wait3A_598, %dma_wait3A_599] : memref<100352x16xf32, #tpu.memory_space<hbm>> -> memref<100352x16xf32, #tpu.memory_space<hbm>>
      tpu.wait_indirect_dma semaphore(%arg23 : memref<!tpu.dma_semaphore, #tpu.memory_space<semaphore_mem>>) src(%dma_wait3A_600 : memref<100352x16xf32, #tpu.memory_space<hbm>>) dst(%arg11 : memref<128x16xf32, #tpu.memory_space<vmem>>)
      %dma_start3A_601 = arith.constant 0 : i32
      %dma_start3A_602 = arith.constant 0 : i32
      %dma_start3A_603 = tpu.memref_slice %arg8[%dma_start3A_601, %dma_start3A_602] : memref<16x128xi32, #tpu.memory_space<vmem>> -> memref<1x128xi32, #tpu.memory_space<vmem>>
      %dma_start3A_604 = tpu.memref_squeeze %dma_start3A_603 : memref<1x128xi32, #tpu.memory_space<vmem>> -> memref<128xi32, #tpu.memory_space<vmem>>
      %dma_start3A_605 = arith.constant 0 : i32
      %dma_start3A_606 = arith.constant 0 : i32
      %dma_start3A_607 = tpu.memref_slice %arg5[%dma_start3A_605, %dma_start3A_606] : memref<100352x16xf32, #tpu.memory_space<vmem_shared>> -> memref<100352x16xf32, #tpu.memory_space<vmem_shared>>
      tpu.enqueue_indirect_dma source(%arg11 : memref<128x16xf32, #tpu.memory_space<vmem>>) target(%dma_start3A_607 : memref<100352x16xf32, #tpu.memory_space<vmem_shared>>) offsets(%dma_start3A_604 : memref<128xi32, #tpu.memory_space<vmem>>) semaphore(%arg31 : memref<!tpu.dma_semaphore, #tpu.memory_space<semaphore_mem>>) {add = true}
      %dma_wait3A_608 = arith.constant 1 : i32
      %dma_wait3A_609 = arith.constant 0 : i32
      %dma_wait3A_610 = tpu.memref_slice %arg7[%dma_wait3A_608, %dma_wait3A_609] : memref<16x128xi32, #tpu.memory_space<vmem>> -> memref<1x128xi32, #tpu.memory_space<vmem>>
      %dma_wait3A_611 = tpu.memref_squeeze %dma_wait3A_610 : memref<1x128xi32, #tpu.memory_space<vmem>> -> memref<128xi32, #tpu.memory_space<vmem>>
      %dma_wait3A_612 = arith.constant 0 : i32
      %dma_wait3A_613 = arith.constant 0 : i32
      %dma_wait3A_614 = tpu.memref_slice %arg3[%dma_wait3A_612, %dma_wait3A_613] : memref<100352x16xf32, #tpu.memory_space<hbm>> -> memref<100352x16xf32, #tpu.memory_space<hbm>>
      tpu.wait_indirect_dma semaphore(%arg24 : memref<!tpu.dma_semaphore, #tpu.memory_space<semaphore_mem>>) src(%dma_wait3A_614 : memref<100352x16xf32, #tpu.memory_space<hbm>>) dst(%arg12 : memref<128x16xf32, #tpu.memory_space<vmem>>)
      %dma_start3A_615 = arith.constant 1 : i32
      %dma_start3A_616 = arith.constant 0 : i32
      %dma_start3A_617 = tpu.memref_slice %arg8[%dma_start3A_615, %dma_start3A_616] : memref<16x128xi32, #tpu.memory_space<vmem>> -> memref<1x128xi32, #tpu.memory_space<vmem>>
      %dma_start3A_618 = tpu.memref_squeeze %dma_start3A_617 : memref<1x128xi32, #tpu.memory_space<vmem>> -> memref<128xi32, #tpu.memory_space<vmem>>
      %dma_start3A_619 = arith.constant 0 : i32
      %dma_start3A_620 = arith.constant 0 : i32
      %dma_start3A_621 = tpu.memref_slice %arg5[%dma_start3A_619, %dma_start3A_620] : memref<100352x16xf32, #tpu.memory_space<vmem_shared>> -> memref<100352x16xf32, #tpu.memory_space<vmem_shared>>
      tpu.enqueue_indirect_dma source(%arg12 : memref<128x16xf32, #tpu.memory_space<vmem>>) target(%dma_start3A_621 : memref<100352x16xf32, #tpu.memory_space<vmem_shared>>) offsets(%dma_start3A_618 : memref<128xi32, #tpu.memory_space<vmem>>) semaphore(%arg32 : memref<!tpu.dma_semaphore, #tpu.memory_space<semaphore_mem>>) {add = true}
      %dma_wait3A_622 = arith.constant 2 : i32
      %dma_wait3A_623 = arith.constant 0 : i32
      %dma_wait3A_624 = tpu.memref_slice %arg7[%dma_wait3A_622, %dma_wait3A_623] : memref<16x128xi32, #tpu.memory_space<vmem>> -> memref<1x128xi32, #tpu.memory_space<vmem>>
      %dma_wait3A_625 = tpu.memref_squeeze %dma_wait3A_624 : memref<1x128xi32, #tpu.memory_space<vmem>> -> memref<128xi32, #tpu.memory_space<vmem>>
      %dma_wait3A_626 = arith.constant 0 : i32
      %dma_wait3A_627 = arith.constant 0 : i32
      %dma_wait3A_628 = tpu.memref_slice %arg3[%dma_wait3A_626, %dma_wait3A_627] : memref<100352x16xf32, #tpu.memory_space<hbm>> -> memref<100352x16xf32, #tpu.memory_space<hbm>>
      tpu.wait_indirect_dma semaphore(%arg25 : memref<!tpu.dma_semaphore, #tpu.memory_space<semaphore_mem>>) src(%dma_wait3A_628 : memref<100352x16xf32, #tpu.memory_space<hbm>>) dst(%arg13 : memref<128x16xf32, #tpu.memory_space<vmem>>)
      %dma_start3A_629 = arith.constant 2 : i32
      %dma_start3A_630 = arith.constant 0 : i32
      %dma_start3A_631 = tpu.memref_slice %arg8[%dma_start3A_629, %dma_start3A_630] : memref<16x128xi32, #tpu.memory_space<vmem>> -> memref<1x128xi32, #tpu.memory_space<vmem>>
      %dma_start3A_632 = tpu.memref_squeeze %dma_start3A_631 : memref<1x128xi32, #tpu.memory_space<vmem>> -> memref<128xi32, #tpu.memory_space<vmem>>
      %dma_start3A_633 = arith.constant 0 : i32
      %dma_start3A_634 = arith.constant 0 : i32
      %dma_start3A_635 = tpu.memref_slice %arg5[%dma_start3A_633, %dma_start3A_634] : memref<100352x16xf32, #tpu.memory_space<vmem_shared>> -> memref<100352x16xf32, #tpu.memory_space<vmem_shared>>
      tpu.enqueue_indirect_dma source(%arg13 : memref<128x16xf32, #tpu.memory_space<vmem>>) target(%dma_start3A_635 : memref<100352x16xf32, #tpu.memory_space<vmem_shared>>) offsets(%dma_start3A_632 : memref<128xi32, #tpu.memory_space<vmem>>) semaphore(%arg33 : memref<!tpu.dma_semaphore, #tpu.memory_space<semaphore_mem>>) {add = true}
      %dma_wait3A_636 = arith.constant 3 : i32
      %dma_wait3A_637 = arith.constant 0 : i32
      %dma_wait3A_638 = tpu.memref_slice %arg7[%dma_wait3A_636, %dma_wait3A_637] : memref<16x128xi32, #tpu.memory_space<vmem>> -> memref<1x128xi32, #tpu.memory_space<vmem>>
      %dma_wait3A_639 = tpu.memref_squeeze %dma_wait3A_638 : memref<1x128xi32, #tpu.memory_space<vmem>> -> memref<128xi32, #tpu.memory_space<vmem>>
      %dma_wait3A_640 = arith.constant 0 : i32
      %dma_wait3A_641 = arith.constant 0 : i32
      %dma_wait3A_642 = tpu.memref_slice %arg3[%dma_wait3A_640, %dma_wait3A_641] : memref<100352x16xf32, #tpu.memory_space<hbm>> -> memref<100352x16xf32, #tpu.memory_space<hbm>>
      tpu.wait_indirect_dma semaphore(%arg26 : memref<!tpu.dma_semaphore, #tpu.memory_space<semaphore_mem>>) src(%dma_wait3A_642 : memref<100352x16xf32, #tpu.memory_space<hbm>>) dst(%arg14 : memref<128x16xf32, #tpu.memory_space<vmem>>)
      %dma_start3A_643 = arith.constant 3 : i32
      %dma_start3A_644 = arith.constant 0 : i32
      %dma_start3A_645 = tpu.memref_slice %arg8[%dma_start3A_643, %dma_start3A_644] : memref<16x128xi32, #tpu.memory_space<vmem>> -> memref<1x128xi32, #tpu.memory_space<vmem>>
      %dma_start3A_646 = tpu.memref_squeeze %dma_start3A_645 : memref<1x128xi32, #tpu.memory_space<vmem>> -> memref<128xi32, #tpu.memory_space<vmem>>
      %dma_start3A_647 = arith.constant 0 : i32
      %dma_start3A_648 = arith.constant 0 : i32
      %dma_start3A_649 = tpu.memref_slice %arg5[%dma_start3A_647, %dma_start3A_648] : memref<100352x16xf32, #tpu.memory_space<vmem_shared>> -> memref<100352x16xf32, #tpu.memory_space<vmem_shared>>
      tpu.enqueue_indirect_dma source(%arg14 : memref<128x16xf32, #tpu.memory_space<vmem>>) target(%dma_start3A_649 : memref<100352x16xf32, #tpu.memory_space<vmem_shared>>) offsets(%dma_start3A_646 : memref<128xi32, #tpu.memory_space<vmem>>) semaphore(%arg34 : memref<!tpu.dma_semaphore, #tpu.memory_space<semaphore_mem>>) {add = true}
      %dma_wait3A_650 = arith.constant 4 : i32
      %dma_wait3A_651 = arith.constant 0 : i32
      %dma_wait3A_652 = tpu.memref_slice %arg7[%dma_wait3A_650, %dma_wait3A_651] : memref<16x128xi32, #tpu.memory_space<vmem>> -> memref<1x128xi32, #tpu.memory_space<vmem>>
      %dma_wait3A_653 = tpu.memref_squeeze %dma_wait3A_652 : memref<1x128xi32, #tpu.memory_space<vmem>> -> memref<128xi32, #tpu.memory_space<vmem>>
      %dma_wait3A_654 = arith.constant 0 : i32
      %dma_wait3A_655 = arith.constant 0 : i32
      %dma_wait3A_656 = tpu.memref_slice %arg3[%dma_wait3A_654, %dma_wait3A_655] : memref<100352x16xf32, #tpu.memory_space<hbm>> -> memref<100352x16xf32, #tpu.memory_space<hbm>>
      tpu.wait_indirect_dma semaphore(%arg27 : memref<!tpu.dma_semaphore, #tpu.memory_space<semaphore_mem>>) src(%dma_wait3A_656 : memref<100352x16xf32, #tpu.memory_space<hbm>>) dst(%arg15 : memref<128x16xf32, #tpu.memory_space<vmem>>)
      %dma_start3A_657 = arith.constant 4 : i32
      %dma_start3A_658 = arith.constant 0 : i32
      %dma_start3A_659 = tpu.memref_slice %arg8[%dma_start3A_657, %dma_start3A_658] : memref<16x128xi32, #tpu.memory_space<vmem>> -> memref<1x128xi32, #tpu.memory_space<vmem>>
      %dma_start3A_660 = tpu.memref_squeeze %dma_start3A_659 : memref<1x128xi32, #tpu.memory_space<vmem>> -> memref<128xi32, #tpu.memory_space<vmem>>
      %dma_start3A_661 = arith.constant 0 : i32
      %dma_start3A_662 = arith.constant 0 : i32
      %dma_start3A_663 = tpu.memref_slice %arg5[%dma_start3A_661, %dma_start3A_662] : memref<100352x16xf32, #tpu.memory_space<vmem_shared>> -> memref<100352x16xf32, #tpu.memory_space<vmem_shared>>
      tpu.enqueue_indirect_dma source(%arg15 : memref<128x16xf32, #tpu.memory_space<vmem>>) target(%dma_start3A_663 : memref<100352x16xf32, #tpu.memory_space<vmem_shared>>) offsets(%dma_start3A_660 : memref<128xi32, #tpu.memory_space<vmem>>) semaphore(%arg35 : memref<!tpu.dma_semaphore, #tpu.memory_space<semaphore_mem>>) {add = true}
      %dma_wait3A_664 = arith.constant 5 : i32
      %dma_wait3A_665 = arith.constant 0 : i32
      %dma_wait3A_666 = tpu.memref_slice %arg7[%dma_wait3A_664, %dma_wait3A_665] : memref<16x128xi32, #tpu.memory_space<vmem>> -> memref<1x128xi32, #tpu.memory_space<vmem>>
      %dma_wait3A_667 = tpu.memref_squeeze %dma_wait3A_666 : memref<1x128xi32, #tpu.memory_space<vmem>> -> memref<128xi32, #tpu.memory_space<vmem>>
      %dma_wait3A_668 = arith.constant 0 : i32
      %dma_wait3A_669 = arith.constant 0 : i32
      %dma_wait3A_670 = tpu.memref_slice %arg3[%dma_wait3A_668, %dma_wait3A_669] : memref<100352x16xf32, #tpu.memory_space<hbm>> -> memref<100352x16xf32, #tpu.memory_space<hbm>>
      tpu.wait_indirect_dma semaphore(%arg28 : memref<!tpu.dma_semaphore, #tpu.memory_space<semaphore_mem>>) src(%dma_wait3A_670 : memref<100352x16xf32, #tpu.memory_space<hbm>>) dst(%arg16 : memref<128x16xf32, #tpu.memory_space<vmem>>)
      %dma_start3A_671 = arith.constant 5 : i32
      %dma_start3A_672 = arith.constant 0 : i32
      %dma_start3A_673 = tpu.memref_slice %arg8[%dma_start3A_671, %dma_start3A_672] : memref<16x128xi32, #tpu.memory_space<vmem>> -> memref<1x128xi32, #tpu.memory_space<vmem>>
      %dma_start3A_674 = tpu.memref_squeeze %dma_start3A_673 : memref<1x128xi32, #tpu.memory_space<vmem>> -> memref<128xi32, #tpu.memory_space<vmem>>
      %dma_start3A_675 = arith.constant 0 : i32
      %dma_start3A_676 = arith.constant 0 : i32
      %dma_start3A_677 = tpu.memref_slice %arg5[%dma_start3A_675, %dma_start3A_676] : memref<100352x16xf32, #tpu.memory_space<vmem_shared>> -> memref<100352x16xf32, #tpu.memory_space<vmem_shared>>
      tpu.enqueue_indirect_dma source(%arg16 : memref<128x16xf32, #tpu.memory_space<vmem>>) target(%dma_start3A_677 : memref<100352x16xf32, #tpu.memory_space<vmem_shared>>) offsets(%dma_start3A_674 : memref<128xi32, #tpu.memory_space<vmem>>) semaphore(%arg36 : memref<!tpu.dma_semaphore, #tpu.memory_space<semaphore_mem>>) {add = true}
      %dma_wait3A_678 = arith.constant 6 : i32
      %dma_wait3A_679 = arith.constant 0 : i32
      %dma_wait3A_680 = tpu.memref_slice %arg7[%dma_wait3A_678, %dma_wait3A_679] : memref<16x128xi32, #tpu.memory_space<vmem>> -> memref<1x128xi32, #tpu.memory_space<vmem>>
      %dma_wait3A_681 = tpu.memref_squeeze %dma_wait3A_680 : memref<1x128xi32, #tpu.memory_space<vmem>> -> memref<128xi32, #tpu.memory_space<vmem>>
      %dma_wait3A_682 = arith.constant 0 : i32
      %dma_wait3A_683 = arith.constant 0 : i32
      %dma_wait3A_684 = tpu.memref_slice %arg3[%dma_wait3A_682, %dma_wait3A_683] : memref<100352x16xf32, #tpu.memory_space<hbm>> -> memref<100352x16xf32, #tpu.memory_space<hbm>>
      tpu.wait_indirect_dma semaphore(%arg29 : memref<!tpu.dma_semaphore, #tpu.memory_space<semaphore_mem>>) src(%dma_wait3A_684 : memref<100352x16xf32, #tpu.memory_space<hbm>>) dst(%arg17 : memref<128x16xf32, #tpu.memory_space<vmem>>)
      %dma_start3A_685 = arith.constant 6 : i32
      %dma_start3A_686 = arith.constant 0 : i32
      %dma_start3A_687 = tpu.memref_slice %arg8[%dma_start3A_685, %dma_start3A_686] : memref<16x128xi32, #tpu.memory_space<vmem>> -> memref<1x128xi32, #tpu.memory_space<vmem>>
      %dma_start3A_688 = tpu.memref_squeeze %dma_start3A_687 : memref<1x128xi32, #tpu.memory_space<vmem>> -> memref<128xi32, #tpu.memory_space<vmem>>
      %dma_start3A_689 = arith.constant 0 : i32
      %dma_start3A_690 = arith.constant 0 : i32
      %dma_start3A_691 = tpu.memref_slice %arg5[%dma_start3A_689, %dma_start3A_690] : memref<100352x16xf32, #tpu.memory_space<vmem_shared>> -> memref<100352x16xf32, #tpu.memory_space<vmem_shared>>
      tpu.enqueue_indirect_dma source(%arg17 : memref<128x16xf32, #tpu.memory_space<vmem>>) target(%dma_start3A_691 : memref<100352x16xf32, #tpu.memory_space<vmem_shared>>) offsets(%dma_start3A_688 : memref<128xi32, #tpu.memory_space<vmem>>) semaphore(%arg37 : memref<!tpu.dma_semaphore, #tpu.memory_space<semaphore_mem>>) {add = true}
      %dma_wait3A_692 = arith.constant 7 : i32
      %dma_wait3A_693 = arith.constant 0 : i32
      %dma_wait3A_694 = tpu.memref_slice %arg7[%dma_wait3A_692, %dma_wait3A_693] : memref<16x128xi32, #tpu.memory_space<vmem>> -> memref<1x128xi32, #tpu.memory_space<vmem>>
      %dma_wait3A_695 = tpu.memref_squeeze %dma_wait3A_694 : memref<1x128xi32, #tpu.memory_space<vmem>> -> memref<128xi32, #tpu.memory_space<vmem>>
      %dma_wait3A_696 = arith.constant 0 : i32
      %dma_wait3A_697 = arith.constant 0 : i32
      %dma_wait3A_698 = tpu.memref_slice %arg3[%dma_wait3A_696, %dma_wait3A_697] : memref<100352x16xf32, #tpu.memory_space<hbm>> -> memref<100352x16xf32, #tpu.memory_space<hbm>>
      tpu.wait_indirect_dma semaphore(%arg30 : memref<!tpu.dma_semaphore, #tpu.memory_space<semaphore_mem>>) src(%dma_wait3A_698 : memref<100352x16xf32, #tpu.memory_space<hbm>>) dst(%arg18 : memref<128x16xf32, #tpu.memory_space<vmem>>)
      %dma_start3A_699 = arith.constant 7 : i32
      %dma_start3A_700 = arith.constant 0 : i32
      %dma_start3A_701 = tpu.memref_slice %arg8[%dma_start3A_699, %dma_start3A_700] : memref<16x128xi32, #tpu.memory_space<vmem>> -> memref<1x128xi32, #tpu.memory_space<vmem>>
      %dma_start3A_702 = tpu.memref_squeeze %dma_start3A_701 : memref<1x128xi32, #tpu.memory_space<vmem>> -> memref<128xi32, #tpu.memory_space<vmem>>
      %dma_start3A_703 = arith.constant 0 : i32
      %dma_start3A_704 = arith.constant 0 : i32
      %dma_start3A_705 = tpu.memref_slice %arg5[%dma_start3A_703, %dma_start3A_704] : memref<100352x16xf32, #tpu.memory_space<vmem_shared>> -> memref<100352x16xf32, #tpu.memory_space<vmem_shared>>
      tpu.enqueue_indirect_dma source(%arg18 : memref<128x16xf32, #tpu.memory_space<vmem>>) target(%dma_start3A_705 : memref<100352x16xf32, #tpu.memory_space<vmem_shared>>) offsets(%dma_start3A_702 : memref<128xi32, #tpu.memory_space<vmem>>) semaphore(%arg38 : memref<!tpu.dma_semaphore, #tpu.memory_space<semaphore_mem>>) {add = true}
      %dma_wait3A_706 = arith.constant 8 : i32
      %dma_wait3A_707 = arith.constant 0 : i32
      %dma_wait3A_708 = tpu.memref_slice %arg8[%dma_wait3A_706, %dma_wait3A_707] : memref<16x128xi32, #tpu.memory_space<vmem>> -> memref<1x128xi32, #tpu.memory_space<vmem>>
      %dma_wait3A_709 = tpu.memref_squeeze %dma_wait3A_708 : memref<1x128xi32, #tpu.memory_space<vmem>> -> memref<128xi32, #tpu.memory_space<vmem>>
      %dma_wait3A_710 = arith.constant 0 : i32
      %dma_wait3A_711 = arith.constant 0 : i32
      %dma_wait3A_712 = tpu.memref_slice %arg5[%dma_wait3A_710, %dma_wait3A_711] : memref<100352x16xf32, #tpu.memory_space<vmem_shared>> -> memref<100352x16xf32, #tpu.memory_space<vmem_shared>>
      tpu.wait_indirect_dma semaphore(%arg31 : memref<!tpu.dma_semaphore, #tpu.memory_space<semaphore_mem>>) src(%arg11 : memref<128x16xf32, #tpu.memory_space<vmem>>) dst(%dma_wait3A_712 : memref<100352x16xf32, #tpu.memory_space<vmem_shared>>)
      %dma_wait3A_713 = arith.constant 8 : i32
      %dma_wait3A_714 = arith.constant 0 : i32
      %dma_wait3A_715 = tpu.memref_slice %arg8[%dma_wait3A_713, %dma_wait3A_714] : memref<16x128xi32, #tpu.memory_space<vmem>> -> memref<1x128xi32, #tpu.memory_space<vmem>>
      %dma_wait3A_716 = tpu.memref_squeeze %dma_wait3A_715 : memref<1x128xi32, #tpu.memory_space<vmem>> -> memref<128xi32, #tpu.memory_space<vmem>>
      %dma_wait3A_717 = arith.constant 0 : i32
      %dma_wait3A_718 = arith.constant 0 : i32
      %dma_wait3A_719 = tpu.memref_slice %arg5[%dma_wait3A_717, %dma_wait3A_718] : memref<100352x16xf32, #tpu.memory_space<vmem_shared>> -> memref<100352x16xf32, #tpu.memory_space<vmem_shared>>
      tpu.wait_indirect_dma semaphore(%arg32 : memref<!tpu.dma_semaphore, #tpu.memory_space<semaphore_mem>>) src(%arg12 : memref<128x16xf32, #tpu.memory_space<vmem>>) dst(%dma_wait3A_719 : memref<100352x16xf32, #tpu.memory_space<vmem_shared>>)
      %dma_wait3A_720 = arith.constant 8 : i32
      %dma_wait3A_721 = arith.constant 0 : i32
      %dma_wait3A_722 = tpu.memref_slice %arg8[%dma_wait3A_720, %dma_wait3A_721] : memref<16x128xi32, #tpu.memory_space<vmem>> -> memref<1x128xi32, #tpu.memory_space<vmem>>
      %dma_wait3A_723 = tpu.memref_squeeze %dma_wait3A_722 : memref<1x128xi32, #tpu.memory_space<vmem>> -> memref<128xi32, #tpu.memory_space<vmem>>
      %dma_wait3A_724 = arith.constant 0 : i32
      %dma_wait3A_725 = arith.constant 0 : i32
      %dma_wait3A_726 = tpu.memref_slice %arg5[%dma_wait3A_724, %dma_wait3A_725] : memref<100352x16xf32, #tpu.memory_space<vmem_shared>> -> memref<100352x16xf32, #tpu.memory_space<vmem_shared>>
      tpu.wait_indirect_dma semaphore(%arg33 : memref<!tpu.dma_semaphore, #tpu.memory_space<semaphore_mem>>) src(%arg13 : memref<128x16xf32, #tpu.memory_space<vmem>>) dst(%dma_wait3A_726 : memref<100352x16xf32, #tpu.memory_space<vmem_shared>>)
      %dma_wait3A_727 = arith.constant 8 : i32
      %dma_wait3A_728 = arith.constant 0 : i32
      %dma_wait3A_729 = tpu.memref_slice %arg8[%dma_wait3A_727, %dma_wait3A_728] : memref<16x128xi32, #tpu.memory_space<vmem>> -> memref<1x128xi32, #tpu.memory_space<vmem>>
      %dma_wait3A_730 = tpu.memref_squeeze %dma_wait3A_729 : memref<1x128xi32, #tpu.memory_space<vmem>> -> memref<128xi32, #tpu.memory_space<vmem>>
      %dma_wait3A_731 = arith.constant 0 : i32
      %dma_wait3A_732 = arith.constant 0 : i32
      %dma_wait3A_733 = tpu.memref_slice %arg5[%dma_wait3A_731, %dma_wait3A_732] : memref<100352x16xf32, #tpu.memory_space<vmem_shared>> -> memref<100352x16xf32, #tpu.memory_space<vmem_shared>>
      tpu.wait_indirect_dma semaphore(%arg34 : memref<!tpu.dma_semaphore, #tpu.memory_space<semaphore_mem>>) src(%arg14 : memref<128x16xf32, #tpu.memory_space<vmem>>) dst(%dma_wait3A_733 : memref<100352x16xf32, #tpu.memory_space<vmem_shared>>)
      %dma_wait3A_734 = arith.constant 8 : i32
      %dma_wait3A_735 = arith.constant 0 : i32
      %dma_wait3A_736 = tpu.memref_slice %arg8[%dma_wait3A_734, %dma_wait3A_735] : memref<16x128xi32, #tpu.memory_space<vmem>> -> memref<1x128xi32, #tpu.memory_space<vmem>>
      %dma_wait3A_737 = tpu.memref_squeeze %dma_wait3A_736 : memref<1x128xi32, #tpu.memory_space<vmem>> -> memref<128xi32, #tpu.memory_space<vmem>>
      %dma_wait3A_738 = arith.constant 0 : i32
      %dma_wait3A_739 = arith.constant 0 : i32
      %dma_wait3A_740 = tpu.memref_slice %arg5[%dma_wait3A_738, %dma_wait3A_739] : memref<100352x16xf32, #tpu.memory_space<vmem_shared>> -> memref<100352x16xf32, #tpu.memory_space<vmem_shared>>
      tpu.wait_indirect_dma semaphore(%arg35 : memref<!tpu.dma_semaphore, #tpu.memory_space<semaphore_mem>>) src(%arg15 : memref<128x16xf32, #tpu.memory_space<vmem>>) dst(%dma_wait3A_740 : memref<100352x16xf32, #tpu.memory_space<vmem_shared>>)
      %dma_wait3A_741 = arith.constant 8 : i32
      %dma_wait3A_742 = arith.constant 0 : i32
      %dma_wait3A_743 = tpu.memref_slice %arg8[%dma_wait3A_741, %dma_wait3A_742] : memref<16x128xi32, #tpu.memory_space<vmem>> -> memref<1x128xi32, #tpu.memory_space<vmem>>
      %dma_wait3A_744 = tpu.memref_squeeze %dma_wait3A_743 : memref<1x128xi32, #tpu.memory_space<vmem>> -> memref<128xi32, #tpu.memory_space<vmem>>
      %dma_wait3A_745 = arith.constant 0 : i32
      %dma_wait3A_746 = arith.constant 0 : i32
      %dma_wait3A_747 = tpu.memref_slice %arg5[%dma_wait3A_745, %dma_wait3A_746] : memref<100352x16xf32, #tpu.memory_space<vmem_shared>> -> memref<100352x16xf32, #tpu.memory_space<vmem_shared>>
      tpu.wait_indirect_dma semaphore(%arg36 : memref<!tpu.dma_semaphore, #tpu.memory_space<semaphore_mem>>) src(%arg16 : memref<128x16xf32, #tpu.memory_space<vmem>>) dst(%dma_wait3A_747 : memref<100352x16xf32, #tpu.memory_space<vmem_shared>>)
      %dma_wait3A_748 = arith.constant 8 : i32
      %dma_wait3A_749 = arith.constant 0 : i32
      %dma_wait3A_750 = tpu.memref_slice %arg8[%dma_wait3A_748, %dma_wait3A_749] : memref<16x128xi32, #tpu.memory_space<vmem>> -> memref<1x128xi32, #tpu.memory_space<vmem>>
      %dma_wait3A_751 = tpu.memref_squeeze %dma_wait3A_750 : memref<1x128xi32, #tpu.memory_space<vmem>> -> memref<128xi32, #tpu.memory_space<vmem>>
      %dma_wait3A_752 = arith.constant 0 : i32
      %dma_wait3A_753 = arith.constant 0 : i32
      %dma_wait3A_754 = tpu.memref_slice %arg5[%dma_wait3A_752, %dma_wait3A_753] : memref<100352x16xf32, #tpu.memory_space<vmem_shared>> -> memref<100352x16xf32, #tpu.memory_space<vmem_shared>>
      tpu.wait_indirect_dma semaphore(%arg37 : memref<!tpu.dma_semaphore, #tpu.memory_space<semaphore_mem>>) src(%arg17 : memref<128x16xf32, #tpu.memory_space<vmem>>) dst(%dma_wait3A_754 : memref<100352x16xf32, #tpu.memory_space<vmem_shared>>)
      %dma_wait3A_755 = arith.constant 8 : i32
      %dma_wait3A_756 = arith.constant 0 : i32
      %dma_wait3A_757 = tpu.memref_slice %arg8[%dma_wait3A_755, %dma_wait3A_756] : memref<16x128xi32, #tpu.memory_space<vmem>> -> memref<1x128xi32, #tpu.memory_space<vmem>>
      %dma_wait3A_758 = tpu.memref_squeeze %dma_wait3A_757 : memref<1x128xi32, #tpu.memory_space<vmem>> -> memref<128xi32, #tpu.memory_space<vmem>>
      %dma_wait3A_759 = arith.constant 0 : i32
      %dma_wait3A_760 = arith.constant 0 : i32
      %dma_wait3A_761 = tpu.memref_slice %arg5[%dma_wait3A_759, %dma_wait3A_760] : memref<100352x16xf32, #tpu.memory_space<vmem_shared>> -> memref<100352x16xf32, #tpu.memory_space<vmem_shared>>
      tpu.wait_indirect_dma semaphore(%arg38 : memref<!tpu.dma_semaphore, #tpu.memory_space<semaphore_mem>>) src(%arg18 : memref<128x16xf32, #tpu.memory_space<vmem>>) dst(%dma_wait3A_761 : memref<100352x16xf32, #tpu.memory_space<vmem_shared>>)
      %dma_start3A_762 = arith.constant 8 : i32
      %dma_start3A_763 = arith.constant 0 : i32
      %dma_start3A_764 = tpu.memref_slice %arg7[%dma_start3A_762, %dma_start3A_763] : memref<16x128xi32, #tpu.memory_space<vmem>> -> memref<1x128xi32, #tpu.memory_space<vmem>>
      %dma_start3A_765 = tpu.memref_squeeze %dma_start3A_764 : memref<1x128xi32, #tpu.memory_space<vmem>> -> memref<128xi32, #tpu.memory_space<vmem>>
      %dma_start3A_766 = arith.constant 0 : i32
      %dma_start3A_767 = arith.constant 0 : i32
      %dma_start3A_768 = tpu.memref_slice %arg3[%dma_start3A_766, %dma_start3A_767] : memref<100352x16xf32, #tpu.memory_space<hbm>> -> memref<100352x16xf32, #tpu.memory_space<hbm>>
      tpu.enqueue_indirect_dma source(%dma_start3A_768 : memref<100352x16xf32, #tpu.memory_space<hbm>>) target(%arg11 : memref<128x16xf32, #tpu.memory_space<vmem>>) offsets(%dma_start3A_765 : memref<128xi32, #tpu.memory_space<vmem>>) semaphore(%arg23 : memref<!tpu.dma_semaphore, #tpu.memory_space<semaphore_mem>>)
      %dma_start3A_769 = arith.constant 9 : i32
      %dma_start3A_770 = arith.constant 0 : i32
      %dma_start3A_771 = tpu.memref_slice %arg7[%dma_start3A_769, %dma_start3A_770] : memref<16x128xi32, #tpu.memory_space<vmem>> -> memref<1x128xi32, #tpu.memory_space<vmem>>
      %dma_start3A_772 = tpu.memref_squeeze %dma_start3A_771 : memref<1x128xi32, #tpu.memory_space<vmem>> -> memref<128xi32, #tpu.memory_space<vmem>>
      %dma_start3A_773 = arith.constant 0 : i32
      %dma_start3A_774 = arith.constant 0 : i32
      %dma_start3A_775 = tpu.memref_slice %arg3[%dma_start3A_773, %dma_start3A_774] : memref<100352x16xf32, #tpu.memory_space<hbm>> -> memref<100352x16xf32, #tpu.memory_space<hbm>>
      tpu.enqueue_indirect_dma source(%dma_start3A_775 : memref<100352x16xf32, #tpu.memory_space<hbm>>) target(%arg12 : memref<128x16xf32, #tpu.memory_space<vmem>>) offsets(%dma_start3A_772 : memref<128xi32, #tpu.memory_space<vmem>>) semaphore(%arg24 : memref<!tpu.dma_semaphore, #tpu.memory_space<semaphore_mem>>)
      %dma_start3A_776 = arith.constant 10 : i32
      %dma_start3A_777 = arith.constant 0 : i32
      %dma_start3A_778 = tpu.memref_slice %arg7[%dma_start3A_776, %dma_start3A_777] : memref<16x128xi32, #tpu.memory_space<vmem>> -> memref<1x128xi32, #tpu.memory_space<vmem>>
      %dma_start3A_779 = tpu.memref_squeeze %dma_start3A_778 : memref<1x128xi32, #tpu.memory_space<vmem>> -> memref<128xi32, #tpu.memory_space<vmem>>
      %dma_start3A_780 = arith.constant 0 : i32
      %dma_start3A_781 = arith.constant 0 : i32
      %dma_start3A_782 = tpu.memref_slice %arg3[%dma_start3A_780, %dma_start3A_781] : memref<100352x16xf32, #tpu.memory_space<hbm>> -> memref<100352x16xf32, #tpu.memory_space<hbm>>
      tpu.enqueue_indirect_dma source(%dma_start3A_782 : memref<100352x16xf32, #tpu.memory_space<hbm>>) target(%arg13 : memref<128x16xf32, #tpu.memory_space<vmem>>) offsets(%dma_start3A_779 : memref<128xi32, #tpu.memory_space<vmem>>) semaphore(%arg25 : memref<!tpu.dma_semaphore, #tpu.memory_space<semaphore_mem>>)
      %dma_start3A_783 = arith.constant 11 : i32
      %dma_start3A_784 = arith.constant 0 : i32
      %dma_start3A_785 = tpu.memref_slice %arg7[%dma_start3A_783, %dma_start3A_784] : memref<16x128xi32, #tpu.memory_space<vmem>> -> memref<1x128xi32, #tpu.memory_space<vmem>>
      %dma_start3A_786 = tpu.memref_squeeze %dma_start3A_785 : memref<1x128xi32, #tpu.memory_space<vmem>> -> memref<128xi32, #tpu.memory_space<vmem>>
      %dma_start3A_787 = arith.constant 0 : i32
      %dma_start3A_788 = arith.constant 0 : i32
      %dma_start3A_789 = tpu.memref_slice %arg3[%dma_start3A_787, %dma_start3A_788] : memref<100352x16xf32, #tpu.memory_space<hbm>> -> memref<100352x16xf32, #tpu.memory_space<hbm>>
      tpu.enqueue_indirect_dma source(%dma_start3A_789 : memref<100352x16xf32, #tpu.memory_space<hbm>>) target(%arg14 : memref<128x16xf32, #tpu.memory_space<vmem>>) offsets(%dma_start3A_786 : memref<128xi32, #tpu.memory_space<vmem>>) semaphore(%arg26 : memref<!tpu.dma_semaphore, #tpu.memory_space<semaphore_mem>>)
      %dma_start3A_790 = arith.constant 12 : i32
      %dma_start3A_791 = arith.constant 0 : i32
      %dma_start3A_792 = tpu.memref_slice %arg7[%dma_start3A_790, %dma_start3A_791] : memref<16x128xi32, #tpu.memory_space<vmem>> -> memref<1x128xi32, #tpu.memory_space<vmem>>
      %dma_start3A_793 = tpu.memref_squeeze %dma_start3A_792 : memref<1x128xi32, #tpu.memory_space<vmem>> -> memref<128xi32, #tpu.memory_space<vmem>>
      %dma_start3A_794 = arith.constant 0 : i32
      %dma_start3A_795 = arith.constant 0 : i32
      %dma_start3A_796 = tpu.memref_slice %arg3[%dma_start3A_794, %dma_start3A_795] : memref<100352x16xf32, #tpu.memory_space<hbm>> -> memref<100352x16xf32, #tpu.memory_space<hbm>>
      tpu.enqueue_indirect_dma source(%dma_start3A_796 : memref<100352x16xf32, #tpu.memory_space<hbm>>) target(%arg15 : memref<128x16xf32, #tpu.memory_space<vmem>>) offsets(%dma_start3A_793 : memref<128xi32, #tpu.memory_space<vmem>>) semaphore(%arg27 : memref<!tpu.dma_semaphore, #tpu.memory_space<semaphore_mem>>)
      %dma_start3A_797 = arith.constant 13 : i32
      %dma_start3A_798 = arith.constant 0 : i32
      %dma_start3A_799 = tpu.memref_slice %arg7[%dma_start3A_797, %dma_start3A_798] : memref<16x128xi32, #tpu.memory_space<vmem>> -> memref<1x128xi32, #tpu.memory_space<vmem>>
      %dma_start3A_800 = tpu.memref_squeeze %dma_start3A_799 : memref<1x128xi32, #tpu.memory_space<vmem>> -> memref<128xi32, #tpu.memory_space<vmem>>
      %dma_start3A_801 = arith.constant 0 : i32
      %dma_start3A_802 = arith.constant 0 : i32
      %dma_start3A_803 = tpu.memref_slice %arg3[%dma_start3A_801, %dma_start3A_802] : memref<100352x16xf32, #tpu.memory_space<hbm>> -> memref<100352x16xf32, #tpu.memory_space<hbm>>
      tpu.enqueue_indirect_dma source(%dma_start3A_803 : memref<100352x16xf32, #tpu.memory_space<hbm>>) target(%arg16 : memref<128x16xf32, #tpu.memory_space<vmem>>) offsets(%dma_start3A_800 : memref<128xi32, #tpu.memory_space<vmem>>) semaphore(%arg28 : memref<!tpu.dma_semaphore, #tpu.memory_space<semaphore_mem>>)
      %dma_start3A_804 = arith.constant 14 : i32
      %dma_start3A_805 = arith.constant 0 : i32
      %dma_start3A_806 = tpu.memref_slice %arg7[%dma_start3A_804, %dma_start3A_805] : memref<16x128xi32, #tpu.memory_space<vmem>> -> memref<1x128xi32, #tpu.memory_space<vmem>>
      %dma_start3A_807 = tpu.memref_squeeze %dma_start3A_806 : memref<1x128xi32, #tpu.memory_space<vmem>> -> memref<128xi32, #tpu.memory_space<vmem>>
      %dma_start3A_808 = arith.constant 0 : i32
      %dma_start3A_809 = arith.constant 0 : i32
      %dma_start3A_810 = tpu.memref_slice %arg3[%dma_start3A_808, %dma_start3A_809] : memref<100352x16xf32, #tpu.memory_space<hbm>> -> memref<100352x16xf32, #tpu.memory_space<hbm>>
      tpu.enqueue_indirect_dma source(%dma_start3A_810 : memref<100352x16xf32, #tpu.memory_space<hbm>>) target(%arg17 : memref<128x16xf32, #tpu.memory_space<vmem>>) offsets(%dma_start3A_807 : memref<128xi32, #tpu.memory_space<vmem>>) semaphore(%arg29 : memref<!tpu.dma_semaphore, #tpu.memory_space<semaphore_mem>>)
      %dma_start3A_811 = arith.constant 15 : i32
      %dma_start3A_812 = arith.constant 0 : i32
      %dma_start3A_813 = tpu.memref_slice %arg7[%dma_start3A_811, %dma_start3A_812] : memref<16x128xi32, #tpu.memory_space<vmem>> -> memref<1x128xi32, #tpu.memory_space<vmem>>
      %dma_start3A_814 = tpu.memref_squeeze %dma_start3A_813 : memref<1x128xi32, #tpu.memory_space<vmem>> -> memref<128xi32, #tpu.memory_space<vmem>>
      %dma_start3A_815 = arith.constant 0 : i32
      %dma_start3A_816 = arith.constant 0 : i32
      %dma_start3A_817 = tpu.memref_slice %arg3[%dma_start3A_815, %dma_start3A_816] : memref<100352x16xf32, #tpu.memory_space<hbm>> -> memref<100352x16xf32, #tpu.memory_space<hbm>>
      tpu.enqueue_indirect_dma source(%dma_start3A_817 : memref<100352x16xf32, #tpu.memory_space<hbm>>) target(%arg18 : memref<128x16xf32, #tpu.memory_space<vmem>>) offsets(%dma_start3A_814 : memref<128xi32, #tpu.memory_space<vmem>>) semaphore(%arg30 : memref<!tpu.dma_semaphore, #tpu.memory_space<semaphore_mem>>)
      %dma_wait3A_818 = arith.constant 8 : i32
      %dma_wait3A_819 = arith.constant 0 : i32
      %dma_wait3A_820 = tpu.memref_slice %arg7[%dma_wait3A_818, %dma_wait3A_819] : memref<16x128xi32, #tpu.memory_space<vmem>> -> memref<1x128xi32, #tpu.memory_space<vmem>>
      %dma_wait3A_821 = tpu.memref_squeeze %dma_wait3A_820 : memref<1x128xi32, #tpu.memory_space<vmem>> -> memref<128xi32, #tpu.memory_space<vmem>>
      %dma_wait3A_822 = arith.constant 0 : i32
      %dma_wait3A_823 = arith.constant 0 : i32
      %dma_wait3A_824 = tpu.memref_slice %arg3[%dma_wait3A_822, %dma_wait3A_823] : memref<100352x16xf32, #tpu.memory_space<hbm>> -> memref<100352x16xf32, #tpu.memory_space<hbm>>
      tpu.wait_indirect_dma semaphore(%arg23 : memref<!tpu.dma_semaphore, #tpu.memory_space<semaphore_mem>>) src(%dma_wait3A_824 : memref<100352x16xf32, #tpu.memory_space<hbm>>) dst(%arg11 : memref<128x16xf32, #tpu.memory_space<vmem>>)
      %dma_start3A_825 = arith.constant 8 : i32
      %dma_start3A_826 = arith.constant 0 : i32
      %dma_start3A_827 = tpu.memref_slice %arg8[%dma_start3A_825, %dma_start3A_826] : memref<16x128xi32, #tpu.memory_space<vmem>> -> memref<1x128xi32, #tpu.memory_space<vmem>>
      %dma_start3A_828 = tpu.memref_squeeze %dma_start3A_827 : memref<1x128xi32, #tpu.memory_space<vmem>> -> memref<128xi32, #tpu.memory_space<vmem>>
      %dma_start3A_829 = arith.constant 0 : i32
      %dma_start3A_830 = arith.constant 0 : i32
      %dma_start3A_831 = tpu.memref_slice %arg5[%dma_start3A_829, %dma_start3A_830] : memref<100352x16xf32, #tpu.memory_space<vmem_shared>> -> memref<100352x16xf32, #tpu.memory_space<vmem_shared>>
      tpu.enqueue_indirect_dma source(%arg11 : memref<128x16xf32, #tpu.memory_space<vmem>>) target(%dma_start3A_831 : memref<100352x16xf32, #tpu.memory_space<vmem_shared>>) offsets(%dma_start3A_828 : memref<128xi32, #tpu.memory_space<vmem>>) semaphore(%arg31 : memref<!tpu.dma_semaphore, #tpu.memory_space<semaphore_mem>>) {add = true}
      %dma_wait3A_832 = arith.constant 9 : i32
      %dma_wait3A_833 = arith.constant 0 : i32
      %dma_wait3A_834 = tpu.memref_slice %arg7[%dma_wait3A_832, %dma_wait3A_833] : memref<16x128xi32, #tpu.memory_space<vmem>> -> memref<1x128xi32, #tpu.memory_space<vmem>>
      %dma_wait3A_835 = tpu.memref_squeeze %dma_wait3A_834 : memref<1x128xi32, #tpu.memory_space<vmem>> -> memref<128xi32, #tpu.memory_space<vmem>>
      %dma_wait3A_836 = arith.constant 0 : i32
      %dma_wait3A_837 = arith.constant 0 : i32
      %dma_wait3A_838 = tpu.memref_slice %arg3[%dma_wait3A_836, %dma_wait3A_837] : memref<100352x16xf32, #tpu.memory_space<hbm>> -> memref<100352x16xf32, #tpu.memory_space<hbm>>
      tpu.wait_indirect_dma semaphore(%arg24 : memref<!tpu.dma_semaphore, #tpu.memory_space<semaphore_mem>>) src(%dma_wait3A_838 : memref<100352x16xf32, #tpu.memory_space<hbm>>) dst(%arg12 : memref<128x16xf32, #tpu.memory_space<vmem>>)
      %dma_start3A_839 = arith.constant 9 : i32
      %dma_start3A_840 = arith.constant 0 : i32
      %dma_start3A_841 = tpu.memref_slice %arg8[%dma_start3A_839, %dma_start3A_840] : memref<16x128xi32, #tpu.memory_space<vmem>> -> memref<1x128xi32, #tpu.memory_space<vmem>>
      %dma_start3A_842 = tpu.memref_squeeze %dma_start3A_841 : memref<1x128xi32, #tpu.memory_space<vmem>> -> memref<128xi32, #tpu.memory_space<vmem>>
      %dma_start3A_843 = arith.constant 0 : i32
      %dma_start3A_844 = arith.constant 0 : i32
      %dma_start3A_845 = tpu.memref_slice %arg5[%dma_start3A_843, %dma_start3A_844] : memref<100352x16xf32, #tpu.memory_space<vmem_shared>> -> memref<100352x16xf32, #tpu.memory_space<vmem_shared>>
      tpu.enqueue_indirect_dma source(%arg12 : memref<128x16xf32, #tpu.memory_space<vmem>>) target(%dma_start3A_845 : memref<100352x16xf32, #tpu.memory_space<vmem_shared>>) offsets(%dma_start3A_842 : memref<128xi32, #tpu.memory_space<vmem>>) semaphore(%arg32 : memref<!tpu.dma_semaphore, #tpu.memory_space<semaphore_mem>>) {add = true}
      %dma_wait3A_846 = arith.constant 10 : i32
      %dma_wait3A_847 = arith.constant 0 : i32
      %dma_wait3A_848 = tpu.memref_slice %arg7[%dma_wait3A_846, %dma_wait3A_847] : memref<16x128xi32, #tpu.memory_space<vmem>> -> memref<1x128xi32, #tpu.memory_space<vmem>>
      %dma_wait3A_849 = tpu.memref_squeeze %dma_wait3A_848 : memref<1x128xi32, #tpu.memory_space<vmem>> -> memref<128xi32, #tpu.memory_space<vmem>>
      %dma_wait3A_850 = arith.constant 0 : i32
      %dma_wait3A_851 = arith.constant 0 : i32
      %dma_wait3A_852 = tpu.memref_slice %arg3[%dma_wait3A_850, %dma_wait3A_851] : memref<100352x16xf32, #tpu.memory_space<hbm>> -> memref<100352x16xf32, #tpu.memory_space<hbm>>
      tpu.wait_indirect_dma semaphore(%arg25 : memref<!tpu.dma_semaphore, #tpu.memory_space<semaphore_mem>>) src(%dma_wait3A_852 : memref<100352x16xf32, #tpu.memory_space<hbm>>) dst(%arg13 : memref<128x16xf32, #tpu.memory_space<vmem>>)
      %dma_start3A_853 = arith.constant 10 : i32
      %dma_start3A_854 = arith.constant 0 : i32
      %dma_start3A_855 = tpu.memref_slice %arg8[%dma_start3A_853, %dma_start3A_854] : memref<16x128xi32, #tpu.memory_space<vmem>> -> memref<1x128xi32, #tpu.memory_space<vmem>>
      %dma_start3A_856 = tpu.memref_squeeze %dma_start3A_855 : memref<1x128xi32, #tpu.memory_space<vmem>> -> memref<128xi32, #tpu.memory_space<vmem>>
      %dma_start3A_857 = arith.constant 0 : i32
      %dma_start3A_858 = arith.constant 0 : i32
      %dma_start3A_859 = tpu.memref_slice %arg5[%dma_start3A_857, %dma_start3A_858] : memref<100352x16xf32, #tpu.memory_space<vmem_shared>> -> memref<100352x16xf32, #tpu.memory_space<vmem_shared>>
      tpu.enqueue_indirect_dma source(%arg13 : memref<128x16xf32, #tpu.memory_space<vmem>>) target(%dma_start3A_859 : memref<100352x16xf32, #tpu.memory_space<vmem_shared>>) offsets(%dma_start3A_856 : memref<128xi32, #tpu.memory_space<vmem>>) semaphore(%arg33 : memref<!tpu.dma_semaphore, #tpu.memory_space<semaphore_mem>>) {add = true}
      %dma_wait3A_860 = arith.constant 11 : i32
      %dma_wait3A_861 = arith.constant 0 : i32
      %dma_wait3A_862 = tpu.memref_slice %arg7[%dma_wait3A_860, %dma_wait3A_861] : memref<16x128xi32, #tpu.memory_space<vmem>> -> memref<1x128xi32, #tpu.memory_space<vmem>>
      %dma_wait3A_863 = tpu.memref_squeeze %dma_wait3A_862 : memref<1x128xi32, #tpu.memory_space<vmem>> -> memref<128xi32, #tpu.memory_space<vmem>>
      %dma_wait3A_864 = arith.constant 0 : i32
      %dma_wait3A_865 = arith.constant 0 : i32
      %dma_wait3A_866 = tpu.memref_slice %arg3[%dma_wait3A_864, %dma_wait3A_865] : memref<100352x16xf32, #tpu.memory_space<hbm>> -> memref<100352x16xf32, #tpu.memory_space<hbm>>
      tpu.wait_indirect_dma semaphore(%arg26 : memref<!tpu.dma_semaphore, #tpu.memory_space<semaphore_mem>>) src(%dma_wait3A_866 : memref<100352x16xf32, #tpu.memory_space<hbm>>) dst(%arg14 : memref<128x16xf32, #tpu.memory_space<vmem>>)
      %dma_start3A_867 = arith.constant 11 : i32
      %dma_start3A_868 = arith.constant 0 : i32
      %dma_start3A_869 = tpu.memref_slice %arg8[%dma_start3A_867, %dma_start3A_868] : memref<16x128xi32, #tpu.memory_space<vmem>> -> memref<1x128xi32, #tpu.memory_space<vmem>>
      %dma_start3A_870 = tpu.memref_squeeze %dma_start3A_869 : memref<1x128xi32, #tpu.memory_space<vmem>> -> memref<128xi32, #tpu.memory_space<vmem>>
      %dma_start3A_871 = arith.constant 0 : i32
      %dma_start3A_872 = arith.constant 0 : i32
      %dma_start3A_873 = tpu.memref_slice %arg5[%dma_start3A_871, %dma_start3A_872] : memref<100352x16xf32, #tpu.memory_space<vmem_shared>> -> memref<100352x16xf32, #tpu.memory_space<vmem_shared>>
      tpu.enqueue_indirect_dma source(%arg14 : memref<128x16xf32, #tpu.memory_space<vmem>>) target(%dma_start3A_873 : memref<100352x16xf32, #tpu.memory_space<vmem_shared>>) offsets(%dma_start3A_870 : memref<128xi32, #tpu.memory_space<vmem>>) semaphore(%arg34 : memref<!tpu.dma_semaphore, #tpu.memory_space<semaphore_mem>>) {add = true}
      %dma_wait3A_874 = arith.constant 12 : i32
      %dma_wait3A_875 = arith.constant 0 : i32
      %dma_wait3A_876 = tpu.memref_slice %arg7[%dma_wait3A_874, %dma_wait3A_875] : memref<16x128xi32, #tpu.memory_space<vmem>> -> memref<1x128xi32, #tpu.memory_space<vmem>>
      %dma_wait3A_877 = tpu.memref_squeeze %dma_wait3A_876 : memref<1x128xi32, #tpu.memory_space<vmem>> -> memref<128xi32, #tpu.memory_space<vmem>>
      %dma_wait3A_878 = arith.constant 0 : i32
      %dma_wait3A_879 = arith.constant 0 : i32
      %dma_wait3A_880 = tpu.memref_slice %arg3[%dma_wait3A_878, %dma_wait3A_879] : memref<100352x16xf32, #tpu.memory_space<hbm>> -> memref<100352x16xf32, #tpu.memory_space<hbm>>
      tpu.wait_indirect_dma semaphore(%arg27 : memref<!tpu.dma_semaphore, #tpu.memory_space<semaphore_mem>>) src(%dma_wait3A_880 : memref<100352x16xf32, #tpu.memory_space<hbm>>) dst(%arg15 : memref<128x16xf32, #tpu.memory_space<vmem>>)
      %dma_start3A_881 = arith.constant 12 : i32
      %dma_start3A_882 = arith.constant 0 : i32
      %dma_start3A_883 = tpu.memref_slice %arg8[%dma_start3A_881, %dma_start3A_882] : memref<16x128xi32, #tpu.memory_space<vmem>> -> memref<1x128xi32, #tpu.memory_space<vmem>>
      %dma_start3A_884 = tpu.memref_squeeze %dma_start3A_883 : memref<1x128xi32, #tpu.memory_space<vmem>> -> memref<128xi32, #tpu.memory_space<vmem>>
      %dma_start3A_885 = arith.constant 0 : i32
      %dma_start3A_886 = arith.constant 0 : i32
      %dma_start3A_887 = tpu.memref_slice %arg5[%dma_start3A_885, %dma_start3A_886] : memref<100352x16xf32, #tpu.memory_space<vmem_shared>> -> memref<100352x16xf32, #tpu.memory_space<vmem_shared>>
      tpu.enqueue_indirect_dma source(%arg15 : memref<128x16xf32, #tpu.memory_space<vmem>>) target(%dma_start3A_887 : memref<100352x16xf32, #tpu.memory_space<vmem_shared>>) offsets(%dma_start3A_884 : memref<128xi32, #tpu.memory_space<vmem>>) semaphore(%arg35 : memref<!tpu.dma_semaphore, #tpu.memory_space<semaphore_mem>>) {add = true}
      %dma_wait3A_888 = arith.constant 13 : i32
      %dma_wait3A_889 = arith.constant 0 : i32
      %dma_wait3A_890 = tpu.memref_slice %arg7[%dma_wait3A_888, %dma_wait3A_889] : memref<16x128xi32, #tpu.memory_space<vmem>> -> memref<1x128xi32, #tpu.memory_space<vmem>>
      %dma_wait3A_891 = tpu.memref_squeeze %dma_wait3A_890 : memref<1x128xi32, #tpu.memory_space<vmem>> -> memref<128xi32, #tpu.memory_space<vmem>>
      %dma_wait3A_892 = arith.constant 0 : i32
      %dma_wait3A_893 = arith.constant 0 : i32
      %dma_wait3A_894 = tpu.memref_slice %arg3[%dma_wait3A_892, %dma_wait3A_893] : memref<100352x16xf32, #tpu.memory_space<hbm>> -> memref<100352x16xf32, #tpu.memory_space<hbm>>
      tpu.wait_indirect_dma semaphore(%arg28 : memref<!tpu.dma_semaphore, #tpu.memory_space<semaphore_mem>>) src(%dma_wait3A_894 : memref<100352x16xf32, #tpu.memory_space<hbm>>) dst(%arg16 : memref<128x16xf32, #tpu.memory_space<vmem>>)
      %dma_start3A_895 = arith.constant 13 : i32
      %dma_start3A_896 = arith.constant 0 : i32
      %dma_start3A_897 = tpu.memref_slice %arg8[%dma_start3A_895, %dma_start3A_896] : memref<16x128xi32, #tpu.memory_space<vmem>> -> memref<1x128xi32, #tpu.memory_space<vmem>>
      %dma_start3A_898 = tpu.memref_squeeze %dma_start3A_897 : memref<1x128xi32, #tpu.memory_space<vmem>> -> memref<128xi32, #tpu.memory_space<vmem>>
      %dma_start3A_899 = arith.constant 0 : i32
      %dma_start3A_900 = arith.constant 0 : i32
      %dma_start3A_901 = tpu.memref_slice %arg5[%dma_start3A_899, %dma_start3A_900] : memref<100352x16xf32, #tpu.memory_space<vmem_shared>> -> memref<100352x16xf32, #tpu.memory_space<vmem_shared>>
      tpu.enqueue_indirect_dma source(%arg16 : memref<128x16xf32, #tpu.memory_space<vmem>>) target(%dma_start3A_901 : memref<100352x16xf32, #tpu.memory_space<vmem_shared>>) offsets(%dma_start3A_898 : memref<128xi32, #tpu.memory_space<vmem>>) semaphore(%arg36 : memref<!tpu.dma_semaphore, #tpu.memory_space<semaphore_mem>>) {add = true}
      %dma_wait3A_902 = arith.constant 14 : i32
      %dma_wait3A_903 = arith.constant 0 : i32
      %dma_wait3A_904 = tpu.memref_slice %arg7[%dma_wait3A_902, %dma_wait3A_903] : memref<16x128xi32, #tpu.memory_space<vmem>> -> memref<1x128xi32, #tpu.memory_space<vmem>>
      %dma_wait3A_905 = tpu.memref_squeeze %dma_wait3A_904 : memref<1x128xi32, #tpu.memory_space<vmem>> -> memref<128xi32, #tpu.memory_space<vmem>>
      %dma_wait3A_906 = arith.constant 0 : i32
      %dma_wait3A_907 = arith.constant 0 : i32
      %dma_wait3A_908 = tpu.memref_slice %arg3[%dma_wait3A_906, %dma_wait3A_907] : memref<100352x16xf32, #tpu.memory_space<hbm>> -> memref<100352x16xf32, #tpu.memory_space<hbm>>
      tpu.wait_indirect_dma semaphore(%arg29 : memref<!tpu.dma_semaphore, #tpu.memory_space<semaphore_mem>>) src(%dma_wait3A_908 : memref<100352x16xf32, #tpu.memory_space<hbm>>) dst(%arg17 : memref<128x16xf32, #tpu.memory_space<vmem>>)
      %dma_start3A_909 = arith.constant 14 : i32
      %dma_start3A_910 = arith.constant 0 : i32
      %dma_start3A_911 = tpu.memref_slice %arg8[%dma_start3A_909, %dma_start3A_910] : memref<16x128xi32, #tpu.memory_space<vmem>> -> memref<1x128xi32, #tpu.memory_space<vmem>>
      %dma_start3A_912 = tpu.memref_squeeze %dma_start3A_911 : memref<1x128xi32, #tpu.memory_space<vmem>> -> memref<128xi32, #tpu.memory_space<vmem>>
      %dma_start3A_913 = arith.constant 0 : i32
      %dma_start3A_914 = arith.constant 0 : i32
      %dma_start3A_915 = tpu.memref_slice %arg5[%dma_start3A_913, %dma_start3A_914] : memref<100352x16xf32, #tpu.memory_space<vmem_shared>> -> memref<100352x16xf32, #tpu.memory_space<vmem_shared>>
      tpu.enqueue_indirect_dma source(%arg17 : memref<128x16xf32, #tpu.memory_space<vmem>>) target(%dma_start3A_915 : memref<100352x16xf32, #tpu.memory_space<vmem_shared>>) offsets(%dma_start3A_912 : memref<128xi32, #tpu.memory_space<vmem>>) semaphore(%arg37 : memref<!tpu.dma_semaphore, #tpu.memory_space<semaphore_mem>>) {add = true}
      %dma_wait3A_916 = arith.constant 15 : i32
      %dma_wait3A_917 = arith.constant 0 : i32
      %dma_wait3A_918 = tpu.memref_slice %arg7[%dma_wait3A_916, %dma_wait3A_917] : memref<16x128xi32, #tpu.memory_space<vmem>> -> memref<1x128xi32, #tpu.memory_space<vmem>>
      %dma_wait3A_919 = tpu.memref_squeeze %dma_wait3A_918 : memref<1x128xi32, #tpu.memory_space<vmem>> -> memref<128xi32, #tpu.memory_space<vmem>>
      %dma_wait3A_920 = arith.constant 0 : i32
      %dma_wait3A_921 = arith.constant 0 : i32
      %dma_wait3A_922 = tpu.memref_slice %arg3[%dma_wait3A_920, %dma_wait3A_921] : memref<100352x16xf32, #tpu.memory_space<hbm>> -> memref<100352x16xf32, #tpu.memory_space<hbm>>
      tpu.wait_indirect_dma semaphore(%arg30 : memref<!tpu.dma_semaphore, #tpu.memory_space<semaphore_mem>>) src(%dma_wait3A_922 : memref<100352x16xf32, #tpu.memory_space<hbm>>) dst(%arg18 : memref<128x16xf32, #tpu.memory_space<vmem>>)
      %dma_start3A_923 = arith.constant 15 : i32
      %dma_start3A_924 = arith.constant 0 : i32
      %dma_start3A_925 = tpu.memref_slice %arg8[%dma_start3A_923, %dma_start3A_924] : memref<16x128xi32, #tpu.memory_space<vmem>> -> memref<1x128xi32, #tpu.memory_space<vmem>>
      %dma_start3A_926 = tpu.memref_squeeze %dma_start3A_925 : memref<1x128xi32, #tpu.memory_space<vmem>> -> memref<128xi32, #tpu.memory_space<vmem>>
      %dma_start3A_927 = arith.constant 0 : i32
      %dma_start3A_928 = arith.constant 0 : i32
      %dma_start3A_929 = tpu.memref_slice %arg5[%dma_start3A_927, %dma_start3A_928] : memref<100352x16xf32, #tpu.memory_space<vmem_shared>> -> memref<100352x16xf32, #tpu.memory_space<vmem_shared>>
      tpu.enqueue_indirect_dma source(%arg18 : memref<128x16xf32, #tpu.memory_space<vmem>>) target(%dma_start3A_929 : memref<100352x16xf32, #tpu.memory_space<vmem_shared>>) offsets(%dma_start3A_926 : memref<128xi32, #tpu.memory_space<vmem>>) semaphore(%arg38 : memref<!tpu.dma_semaphore, #tpu.memory_space<semaphore_mem>>) {add = true}
      %mul3A_930 = arith.constant 2 : i32
      %mul3A_931 = arith.muli %mul3A_930, %scan3A_506 : i32
      %add3A_932 = arith.constant 1 : i32
      %add3A_933 = arith.addi %mul3A_931, %add3A_932 : i32
      %mul3A_934 = arith.constant 16 : i32
      %mul3A_935 = arith.muli %add3A_933, %mul3A_934 : i32
      %add3A_936 = arith.addi %mul3A_13, %mul3A_935 : i32
      %dma_wait3A_937 = arith.constant 0 : i32
      %dma_wait3A_938 = arith.constant 0 : i32
      %dma_wait3A_939 = tpu.memref_slice %arg2[%dma_wait3A_937, %add3A_936, %dma_wait3A_938] : memref<2x25088x128xi32, #tpu.memory_space<hbm>> -> memref<1x16x128xi32, #tpu.memory_space<hbm>>
      %dma_wait3A_940 = tpu.memref_squeeze %dma_wait3A_939 : memref<1x16x128xi32, #tpu.memory_space<hbm>> -> memref<16x128xi32, #tpu.memory_space<hbm>>
      %dma_wait3A_941 = arith.constant 0 : i32
      %dma_wait3A_942 = tpu.memref_slice %arg2[%dma_wait3A_937, %add3A_936, %dma_wait3A_941] : memref<2x25088x128xi32, #tpu.memory_space<hbm>> -> memref<1x16x128xi32, #tpu.memory_space<hbm>>
      %dma_wait3A_943 = tpu.memref_squeeze %dma_wait3A_942 : memref<1x16x128xi32, #tpu.memory_space<hbm>> -> memref<16x128xi32, #tpu.memory_space<hbm>>
      tpu.wait_dma2 semaphore(%arg21 : memref<!tpu.dma_semaphore, #tpu.memory_space<semaphore_mem>>) src(%dma_wait3A_943 : memref<16x128xi32, #tpu.memory_space<hbm>>) dst(%arg9 : memref<16x128xi32, #tpu.memory_space<vmem>>)
      %dma_wait3A_944 = arith.constant 1 : i32
      %dma_wait3A_945 = arith.constant 0 : i32
      %dma_wait3A_946 = tpu.memref_slice %arg2[%dma_wait3A_944, %add3A_936, %dma_wait3A_945] : memref<2x25088x128xi32, #tpu.memory_space<hbm>> -> memref<1x16x128xi32, #tpu.memory_space<hbm>>
      %dma_wait3A_947 = tpu.memref_squeeze %dma_wait3A_946 : memref<1x16x128xi32, #tpu.memory_space<hbm>> -> memref<16x128xi32, #tpu.memory_space<hbm>>
      %dma_wait3A_948 = arith.constant 0 : i32
      %dma_wait3A_949 = tpu.memref_slice %arg2[%dma_wait3A_944, %add3A_936, %dma_wait3A_948] : memref<2x25088x128xi32, #tpu.memory_space<hbm>> -> memref<1x16x128xi32, #tpu.memory_space<hbm>>
      %dma_wait3A_950 = tpu.memref_squeeze %dma_wait3A_949 : memref<1x16x128xi32, #tpu.memory_space<hbm>> -> memref<16x128xi32, #tpu.memory_space<hbm>>
      tpu.wait_dma2 semaphore(%arg22 : memref<!tpu.dma_semaphore, #tpu.memory_space<semaphore_mem>>) src(%dma_wait3A_950 : memref<16x128xi32, #tpu.memory_space<hbm>>) dst(%arg10 : memref<16x128xi32, #tpu.memory_space<vmem>>)
      %add3A_951 = arith.constant 1 : i32
      %add3A_952 = arith.addi %add3A_933, %add3A_951 : i32
      %lt3A_953 = arith.constant 49 : i32
      %lt3A_954 = arith.cmpi slt, %add3A_952, %lt3A_953 : i32
      %convert_element_type3A_955 = arith.extui %lt3A_954 : i1 to i32
      %cond3A_956 = arith.constant 0 : i32
      %cond3A_957 = arith.cmpi ne, %convert_element_type3A_955, %cond3A_956 : i32
      scf.if %cond3A_957 {
        %add3A_1356 = arith.constant 1 : i32
        %add3A_1357 = arith.addi %add3A_933, %add3A_1356 : i32
        %mul3A_1358 = arith.constant 16 : i32
        %mul3A_1359 = arith.muli %add3A_1357, %mul3A_1358 : i32
        %add3A_1360 = arith.addi %mul3A_13, %mul3A_1359 : i32
        %dma_start3A_1361 = arith.constant 0 : i32
        %dma_start3A_1362 = arith.constant 0 : i32
        %dma_start3A_1363 = tpu.memref_slice %arg2[%dma_start3A_1361, %add3A_1360, %dma_start3A_1362] : memref<2x25088x128xi32, #tpu.memory_space<hbm>> -> memref<1x16x128xi32, #tpu.memory_space<hbm>>
        %dma_start3A_1364 = tpu.memref_squeeze %dma_start3A_1363 : memref<1x16x128xi32, #tpu.memory_space<hbm>> -> memref<16x128xi32, #tpu.memory_space<hbm>>
        %dma_start3A_1365 = arith.constant 0 : i32
        %dma_start3A_1366 = tpu.memref_slice %arg2[%dma_start3A_1361, %add3A_1360, %dma_start3A_1365] : memref<2x25088x128xi32, #tpu.memory_space<hbm>> -> memref<1x16x128xi32, #tpu.memory_space<hbm>>
        %dma_start3A_1367 = tpu.memref_squeeze %dma_start3A_1366 : memref<1x16x128xi32, #tpu.memory_space<hbm>> -> memref<16x128xi32, #tpu.memory_space<hbm>>
        tpu.enqueue_dma source(%dma_start3A_1367 : memref<16x128xi32, #tpu.memory_space<hbm>>) target(%arg7 : memref<16x128xi32, #tpu.memory_space<vmem>>) target_semaphore(%arg19 : memref<!tpu.dma_semaphore, #tpu.memory_space<semaphore_mem>>)
        %dma_start3A_1368 = arith.constant 1 : i32
        %dma_start3A_1369 = arith.constant 0 : i32
        %dma_start3A_1370 = tpu.memref_slice %arg2[%dma_start3A_1368, %add3A_1360, %dma_start3A_1369] : memref<2x25088x128xi32, #tpu.memory_space<hbm>> -> memref<1x16x128xi32, #tpu.memory_space<hbm>>
        %dma_start3A_1371 = tpu.memref_squeeze %dma_start3A_1370 : memref<1x16x128xi32, #tpu.memory_space<hbm>> -> memref<16x128xi32, #tpu.memory_space<hbm>>
        %dma_start3A_1372 = arith.constant 0 : i32
        %dma_start3A_1373 = tpu.memref_slice %arg2[%dma_start3A_1368, %add3A_1360, %dma_start3A_1372] : memref<2x25088x128xi32, #tpu.memory_space<hbm>> -> memref<1x16x128xi32, #tpu.memory_space<hbm>>
        %dma_start3A_1374 = tpu.memref_squeeze %dma_start3A_1373 : memref<1x16x128xi32, #tpu.memory_space<hbm>> -> memref<16x128xi32, #tpu.memory_space<hbm>>
        tpu.enqueue_dma source(%dma_start3A_1374 : memref<16x128xi32, #tpu.memory_space<hbm>>) target(%arg8 : memref<16x128xi32, #tpu.memory_space<vmem>>) target_semaphore(%arg20 : memref<!tpu.dma_semaphore, #tpu.memory_space<semaphore_mem>>)
      } else {
      }
      %not3A_958 = arith.constant false
      %not3A_959 = arith.constant true
      %not3A_960 = arith.xori %not3A_958, %not3A_959 : i1
      %convert_element_type3A_961 = arith.extui %not3A_960 : i1 to i32
      %cond3A_962 = arith.constant 0 : i32
      %cond3A_963 = arith.cmpi ne, %convert_element_type3A_961, %cond3A_962 : i32
      scf.if %cond3A_963 {
        %dma_wait3A_1356 = arith.constant 0 : i32
        %dma_wait3A_1357 = arith.constant 0 : i32
        %dma_wait3A_1358 = tpu.memref_slice %arg10[%dma_wait3A_1356, %dma_wait3A_1357] : memref<16x128xi32, #tpu.memory_space<vmem>> -> memref<1x128xi32, #tpu.memory_space<vmem>>
        %dma_wait3A_1359 = tpu.memref_squeeze %dma_wait3A_1358 : memref<1x128xi32, #tpu.memory_space<vmem>> -> memref<128xi32, #tpu.memory_space<vmem>>
        %dma_wait3A_1360 = arith.constant 0 : i32
        %dma_wait3A_1361 = arith.constant 0 : i32
        %dma_wait3A_1362 = tpu.memref_slice %arg5[%dma_wait3A_1360, %dma_wait3A_1361] : memref<100352x16xf32, #tpu.memory_space<vmem_shared>> -> memref<100352x16xf32, #tpu.memory_space<vmem_shared>>
        tpu.wait_indirect_dma semaphore(%arg31 : memref<!tpu.dma_semaphore, #tpu.memory_space<semaphore_mem>>) src(%arg11 : memref<128x16xf32, #tpu.memory_space<vmem>>) dst(%dma_wait3A_1362 : memref<100352x16xf32, #tpu.memory_space<vmem_shared>>)
        %dma_wait3A_1363 = arith.constant 0 : i32
        %dma_wait3A_1364 = arith.constant 0 : i32
        %dma_wait3A_1365 = tpu.memref_slice %arg10[%dma_wait3A_1363, %dma_wait3A_1364] : memref<16x128xi32, #tpu.memory_space<vmem>> -> memref<1x128xi32, #tpu.memory_space<vmem>>
        %dma_wait3A_1366 = tpu.memref_squeeze %dma_wait3A_1365 : memref<1x128xi32, #tpu.memory_space<vmem>> -> memref<128xi32, #tpu.memory_space<vmem>>
        %dma_wait3A_1367 = arith.constant 0 : i32
        %dma_wait3A_1368 = arith.constant 0 : i32
        %dma_wait3A_1369 = tpu.memref_slice %arg5[%dma_wait3A_1367, %dma_wait3A_1368] : memref<100352x16xf32, #tpu.memory_space<vmem_shared>> -> memref<100352x16xf32, #tpu.memory_space<vmem_shared>>
        tpu.wait_indirect_dma semaphore(%arg32 : memref<!tpu.dma_semaphore, #tpu.memory_space<semaphore_mem>>) src(%arg12 : memref<128x16xf32, #tpu.memory_space<vmem>>) dst(%dma_wait3A_1369 : memref<100352x16xf32, #tpu.memory_space<vmem_shared>>)
        %dma_wait3A_1370 = arith.constant 0 : i32
        %dma_wait3A_1371 = arith.constant 0 : i32
        %dma_wait3A_1372 = tpu.memref_slice %arg10[%dma_wait3A_1370, %dma_wait3A_1371] : memref<16x128xi32, #tpu.memory_space<vmem>> -> memref<1x128xi32, #tpu.memory_space<vmem>>
        %dma_wait3A_1373 = tpu.memref_squeeze %dma_wait3A_1372 : memref<1x128xi32, #tpu.memory_space<vmem>> -> memref<128xi32, #tpu.memory_space<vmem>>
        %dma_wait3A_1374 = arith.constant 0 : i32
        %dma_wait3A_1375 = arith.constant 0 : i32
        %dma_wait3A_1376 = tpu.memref_slice %arg5[%dma_wait3A_1374, %dma_wait3A_1375] : memref<100352x16xf32, #tpu.memory_space<vmem_shared>> -> memref<100352x16xf32, #tpu.memory_space<vmem_shared>>
        tpu.wait_indirect_dma semaphore(%arg33 : memref<!tpu.dma_semaphore, #tpu.memory_space<semaphore_mem>>) src(%arg13 : memref<128x16xf32, #tpu.memory_space<vmem>>) dst(%dma_wait3A_1376 : memref<100352x16xf32, #tpu.memory_space<vmem_shared>>)
        %dma_wait3A_1377 = arith.constant 0 : i32
        %dma_wait3A_1378 = arith.constant 0 : i32
        %dma_wait3A_1379 = tpu.memref_slice %arg10[%dma_wait3A_1377, %dma_wait3A_1378] : memref<16x128xi32, #tpu.memory_space<vmem>> -> memref<1x128xi32, #tpu.memory_space<vmem>>
        %dma_wait3A_1380 = tpu.memref_squeeze %dma_wait3A_1379 : memref<1x128xi32, #tpu.memory_space<vmem>> -> memref<128xi32, #tpu.memory_space<vmem>>
        %dma_wait3A_1381 = arith.constant 0 : i32
        %dma_wait3A_1382 = arith.constant 0 : i32
        %dma_wait3A_1383 = tpu.memref_slice %arg5[%dma_wait3A_1381, %dma_wait3A_1382] : memref<100352x16xf32, #tpu.memory_space<vmem_shared>> -> memref<100352x16xf32, #tpu.memory_space<vmem_shared>>
        tpu.wait_indirect_dma semaphore(%arg34 : memref<!tpu.dma_semaphore, #tpu.memory_space<semaphore_mem>>) src(%arg14 : memref<128x16xf32, #tpu.memory_space<vmem>>) dst(%dma_wait3A_1383 : memref<100352x16xf32, #tpu.memory_space<vmem_shared>>)
        %dma_wait3A_1384 = arith.constant 0 : i32
        %dma_wait3A_1385 = arith.constant 0 : i32
        %dma_wait3A_1386 = tpu.memref_slice %arg10[%dma_wait3A_1384, %dma_wait3A_1385] : memref<16x128xi32, #tpu.memory_space<vmem>> -> memref<1x128xi32, #tpu.memory_space<vmem>>
        %dma_wait3A_1387 = tpu.memref_squeeze %dma_wait3A_1386 : memref<1x128xi32, #tpu.memory_space<vmem>> -> memref<128xi32, #tpu.memory_space<vmem>>
        %dma_wait3A_1388 = arith.constant 0 : i32
        %dma_wait3A_1389 = arith.constant 0 : i32
        %dma_wait3A_1390 = tpu.memref_slice %arg5[%dma_wait3A_1388, %dma_wait3A_1389] : memref<100352x16xf32, #tpu.memory_space<vmem_shared>> -> memref<100352x16xf32, #tpu.memory_space<vmem_shared>>
        tpu.wait_indirect_dma semaphore(%arg35 : memref<!tpu.dma_semaphore, #tpu.memory_space<semaphore_mem>>) src(%arg15 : memref<128x16xf32, #tpu.memory_space<vmem>>) dst(%dma_wait3A_1390 : memref<100352x16xf32, #tpu.memory_space<vmem_shared>>)
        %dma_wait3A_1391 = arith.constant 0 : i32
        %dma_wait3A_1392 = arith.constant 0 : i32
        %dma_wait3A_1393 = tpu.memref_slice %arg10[%dma_wait3A_1391, %dma_wait3A_1392] : memref<16x128xi32, #tpu.memory_space<vmem>> -> memref<1x128xi32, #tpu.memory_space<vmem>>
        %dma_wait3A_1394 = tpu.memref_squeeze %dma_wait3A_1393 : memref<1x128xi32, #tpu.memory_space<vmem>> -> memref<128xi32, #tpu.memory_space<vmem>>
        %dma_wait3A_1395 = arith.constant 0 : i32
        %dma_wait3A_1396 = arith.constant 0 : i32
        %dma_wait3A_1397 = tpu.memref_slice %arg5[%dma_wait3A_1395, %dma_wait3A_1396] : memref<100352x16xf32, #tpu.memory_space<vmem_shared>> -> memref<100352x16xf32, #tpu.memory_space<vmem_shared>>
        tpu.wait_indirect_dma semaphore(%arg36 : memref<!tpu.dma_semaphore, #tpu.memory_space<semaphore_mem>>) src(%arg16 : memref<128x16xf32, #tpu.memory_space<vmem>>) dst(%dma_wait3A_1397 : memref<100352x16xf32, #tpu.memory_space<vmem_shared>>)
        %dma_wait3A_1398 = arith.constant 0 : i32
        %dma_wait3A_1399 = arith.constant 0 : i32
        %dma_wait3A_1400 = tpu.memref_slice %arg10[%dma_wait3A_1398, %dma_wait3A_1399] : memref<16x128xi32, #tpu.memory_space<vmem>> -> memref<1x128xi32, #tpu.memory_space<vmem>>
        %dma_wait3A_1401 = tpu.memref_squeeze %dma_wait3A_1400 : memref<1x128xi32, #tpu.memory_space<vmem>> -> memref<128xi32, #tpu.memory_space<vmem>>
        %dma_wait3A_1402 = arith.constant 0 : i32
        %dma_wait3A_1403 = arith.constant 0 : i32
        %dma_wait3A_1404 = tpu.memref_slice %arg5[%dma_wait3A_1402, %dma_wait3A_1403] : memref<100352x16xf32, #tpu.memory_space<vmem_shared>> -> memref<100352x16xf32, #tpu.memory_space<vmem_shared>>
        tpu.wait_indirect_dma semaphore(%arg37 : memref<!tpu.dma_semaphore, #tpu.memory_space<semaphore_mem>>) src(%arg17 : memref<128x16xf32, #tpu.memory_space<vmem>>) dst(%dma_wait3A_1404 : memref<100352x16xf32, #tpu.memory_space<vmem_shared>>)
        %dma_wait3A_1405 = arith.constant 0 : i32
        %dma_wait3A_1406 = arith.constant 0 : i32
        %dma_wait3A_1407 = tpu.memref_slice %arg10[%dma_wait3A_1405, %dma_wait3A_1406] : memref<16x128xi32, #tpu.memory_space<vmem>> -> memref<1x128xi32, #tpu.memory_space<vmem>>
        %dma_wait3A_1408 = tpu.memref_squeeze %dma_wait3A_1407 : memref<1x128xi32, #tpu.memory_space<vmem>> -> memref<128xi32, #tpu.memory_space<vmem>>
        %dma_wait3A_1409 = arith.constant 0 : i32
        %dma_wait3A_1410 = arith.constant 0 : i32
        %dma_wait3A_1411 = tpu.memref_slice %arg5[%dma_wait3A_1409, %dma_wait3A_1410] : memref<100352x16xf32, #tpu.memory_space<vmem_shared>> -> memref<100352x16xf32, #tpu.memory_space<vmem_shared>>
        tpu.wait_indirect_dma semaphore(%arg38 : memref<!tpu.dma_semaphore, #tpu.memory_space<semaphore_mem>>) src(%arg18 : memref<128x16xf32, #tpu.memory_space<vmem>>) dst(%dma_wait3A_1411 : memref<100352x16xf32, #tpu.memory_space<vmem_shared>>)
      } else {
      }
      %dma_start3A_964 = arith.constant 0 : i32
      %dma_start3A_965 = arith.constant 0 : i32
      %dma_start3A_966 = tpu.memref_slice %arg9[%dma_start3A_964, %dma_start3A_965] : memref<16x128xi32, #tpu.memory_space<vmem>> -> memref<1x128xi32, #tpu.memory_space<vmem>>
      %dma_start3A_967 = tpu.memref_squeeze %dma_start3A_966 : memref<1x128xi32, #tpu.memory_space<vmem>> -> memref<128xi32, #tpu.memory_space<vmem>>
      %dma_start3A_968 = arith.constant 0 : i32
      %dma_start3A_969 = arith.constant 0 : i32
      %dma_start3A_970 = tpu.memref_slice %arg3[%dma_start3A_968, %dma_start3A_969] : memref<100352x16xf32, #tpu.memory_space<hbm>> -> memref<100352x16xf32, #tpu.memory_space<hbm>>
      tpu.enqueue_indirect_dma source(%dma_start3A_970 : memref<100352x16xf32, #tpu.memory_space<hbm>>) target(%arg11 : memref<128x16xf32, #tpu.memory_space<vmem>>) offsets(%dma_start3A_967 : memref<128xi32, #tpu.memory_space<vmem>>) semaphore(%arg23 : memref<!tpu.dma_semaphore, #tpu.memory_space<semaphore_mem>>)
      %dma_start3A_971 = arith.constant 1 : i32
      %dma_start3A_972 = arith.constant 0 : i32
      %dma_start3A_973 = tpu.memref_slice %arg9[%dma_start3A_971, %dma_start3A_972] : memref<16x128xi32, #tpu.memory_space<vmem>> -> memref<1x128xi32, #tpu.memory_space<vmem>>
      %dma_start3A_974 = tpu.memref_squeeze %dma_start3A_973 : memref<1x128xi32, #tpu.memory_space<vmem>> -> memref<128xi32, #tpu.memory_space<vmem>>
      %dma_start3A_975 = arith.constant 0 : i32
      %dma_start3A_976 = arith.constant 0 : i32
      %dma_start3A_977 = tpu.memref_slice %arg3[%dma_start3A_975, %dma_start3A_976] : memref<100352x16xf32, #tpu.memory_space<hbm>> -> memref<100352x16xf32, #tpu.memory_space<hbm>>
      tpu.enqueue_indirect_dma source(%dma_start3A_977 : memref<100352x16xf32, #tpu.memory_space<hbm>>) target(%arg12 : memref<128x16xf32, #tpu.memory_space<vmem>>) offsets(%dma_start3A_974 : memref<128xi32, #tpu.memory_space<vmem>>) semaphore(%arg24 : memref<!tpu.dma_semaphore, #tpu.memory_space<semaphore_mem>>)
      %dma_start3A_978 = arith.constant 2 : i32
      %dma_start3A_979 = arith.constant 0 : i32
      %dma_start3A_980 = tpu.memref_slice %arg9[%dma_start3A_978, %dma_start3A_979] : memref<16x128xi32, #tpu.memory_space<vmem>> -> memref<1x128xi32, #tpu.memory_space<vmem>>
      %dma_start3A_981 = tpu.memref_squeeze %dma_start3A_980 : memref<1x128xi32, #tpu.memory_space<vmem>> -> memref<128xi32, #tpu.memory_space<vmem>>
      %dma_start3A_982 = arith.constant 0 : i32
      %dma_start3A_983 = arith.constant 0 : i32
      %dma_start3A_984 = tpu.memref_slice %arg3[%dma_start3A_982, %dma_start3A_983] : memref<100352x16xf32, #tpu.memory_space<hbm>> -> memref<100352x16xf32, #tpu.memory_space<hbm>>
      tpu.enqueue_indirect_dma source(%dma_start3A_984 : memref<100352x16xf32, #tpu.memory_space<hbm>>) target(%arg13 : memref<128x16xf32, #tpu.memory_space<vmem>>) offsets(%dma_start3A_981 : memref<128xi32, #tpu.memory_space<vmem>>) semaphore(%arg25 : memref<!tpu.dma_semaphore, #tpu.memory_space<semaphore_mem>>)
      %dma_start3A_985 = arith.constant 3 : i32
      %dma_start3A_986 = arith.constant 0 : i32
      %dma_start3A_987 = tpu.memref_slice %arg9[%dma_start3A_985, %dma_start3A_986] : memref<16x128xi32, #tpu.memory_space<vmem>> -> memref<1x128xi32, #tpu.memory_space<vmem>>
      %dma_start3A_988 = tpu.memref_squeeze %dma_start3A_987 : memref<1x128xi32, #tpu.memory_space<vmem>> -> memref<128xi32, #tpu.memory_space<vmem>>
      %dma_start3A_989 = arith.constant 0 : i32
      %dma_start3A_990 = arith.constant 0 : i32
      %dma_start3A_991 = tpu.memref_slice %arg3[%dma_start3A_989, %dma_start3A_990] : memref<100352x16xf32, #tpu.memory_space<hbm>> -> memref<100352x16xf32, #tpu.memory_space<hbm>>
      tpu.enqueue_indirect_dma source(%dma_start3A_991 : memref<100352x16xf32, #tpu.memory_space<hbm>>) target(%arg14 : memref<128x16xf32, #tpu.memory_space<vmem>>) offsets(%dma_start3A_988 : memref<128xi32, #tpu.memory_space<vmem>>) semaphore(%arg26 : memref<!tpu.dma_semaphore, #tpu.memory_space<semaphore_mem>>)
      %dma_start3A_992 = arith.constant 4 : i32
      %dma_start3A_993 = arith.constant 0 : i32
      %dma_start3A_994 = tpu.memref_slice %arg9[%dma_start3A_992, %dma_start3A_993] : memref<16x128xi32, #tpu.memory_space<vmem>> -> memref<1x128xi32, #tpu.memory_space<vmem>>
      %dma_start3A_995 = tpu.memref_squeeze %dma_start3A_994 : memref<1x128xi32, #tpu.memory_space<vmem>> -> memref<128xi32, #tpu.memory_space<vmem>>
      %dma_start3A_996 = arith.constant 0 : i32
      %dma_start3A_997 = arith.constant 0 : i32
      %dma_start3A_998 = tpu.memref_slice %arg3[%dma_start3A_996, %dma_start3A_997] : memref<100352x16xf32, #tpu.memory_space<hbm>> -> memref<100352x16xf32, #tpu.memory_space<hbm>>
      tpu.enqueue_indirect_dma source(%dma_start3A_998 : memref<100352x16xf32, #tpu.memory_space<hbm>>) target(%arg15 : memref<128x16xf32, #tpu.memory_space<vmem>>) offsets(%dma_start3A_995 : memref<128xi32, #tpu.memory_space<vmem>>) semaphore(%arg27 : memref<!tpu.dma_semaphore, #tpu.memory_space<semaphore_mem>>)
      %dma_start3A_999 = arith.constant 5 : i32
      %dma_start3A_1000 = arith.constant 0 : i32
      %dma_start3A_1001 = tpu.memref_slice %arg9[%dma_start3A_999, %dma_start3A_1000] : memref<16x128xi32, #tpu.memory_space<vmem>> -> memref<1x128xi32, #tpu.memory_space<vmem>>
      %dma_start3A_1002 = tpu.memref_squeeze %dma_start3A_1001 : memref<1x128xi32, #tpu.memory_space<vmem>> -> memref<128xi32, #tpu.memory_space<vmem>>
      %dma_start3A_1003 = arith.constant 0 : i32
      %dma_start3A_1004 = arith.constant 0 : i32
      %dma_start3A_1005 = tpu.memref_slice %arg3[%dma_start3A_1003, %dma_start3A_1004] : memref<100352x16xf32, #tpu.memory_space<hbm>> -> memref<100352x16xf32, #tpu.memory_space<hbm>>
      tpu.enqueue_indirect_dma source(%dma_start3A_1005 : memref<100352x16xf32, #tpu.memory_space<hbm>>) target(%arg16 : memref<128x16xf32, #tpu.memory_space<vmem>>) offsets(%dma_start3A_1002 : memref<128xi32, #tpu.memory_space<vmem>>) semaphore(%arg28 : memref<!tpu.dma_semaphore, #tpu.memory_space<semaphore_mem>>)
      %dma_start3A_1006 = arith.constant 6 : i32
      %dma_start3A_1007 = arith.constant 0 : i32
      %dma_start3A_1008 = tpu.memref_slice %arg9[%dma_start3A_1006, %dma_start3A_1007] : memref<16x128xi32, #tpu.memory_space<vmem>> -> memref<1x128xi32, #tpu.memory_space<vmem>>
      %dma_start3A_1009 = tpu.memref_squeeze %dma_start3A_1008 : memref<1x128xi32, #tpu.memory_space<vmem>> -> memref<128xi32, #tpu.memory_space<vmem>>
      %dma_start3A_1010 = arith.constant 0 : i32
      %dma_start3A_1011 = arith.constant 0 : i32
      %dma_start3A_1012 = tpu.memref_slice %arg3[%dma_start3A_1010, %dma_start3A_1011] : memref<100352x16xf32, #tpu.memory_space<hbm>> -> memref<100352x16xf32, #tpu.memory_space<hbm>>
      tpu.enqueue_indirect_dma source(%dma_start3A_1012 : memref<100352x16xf32, #tpu.memory_space<hbm>>) target(%arg17 : memref<128x16xf32, #tpu.memory_space<vmem>>) offsets(%dma_start3A_1009 : memref<128xi32, #tpu.memory_space<vmem>>) semaphore(%arg29 : memref<!tpu.dma_semaphore, #tpu.memory_space<semaphore_mem>>)
      %dma_start3A_1013 = arith.constant 7 : i32
      %dma_start3A_1014 = arith.constant 0 : i32
      %dma_start3A_1015 = tpu.memref_slice %arg9[%dma_start3A_1013, %dma_start3A_1014] : memref<16x128xi32, #tpu.memory_space<vmem>> -> memref<1x128xi32, #tpu.memory_space<vmem>>
      %dma_start3A_1016 = tpu.memref_squeeze %dma_start3A_1015 : memref<1x128xi32, #tpu.memory_space<vmem>> -> memref<128xi32, #tpu.memory_space<vmem>>
      %dma_start3A_1017 = arith.constant 0 : i32
      %dma_start3A_1018 = arith.constant 0 : i32
      %dma_start3A_1019 = tpu.memref_slice %arg3[%dma_start3A_1017, %dma_start3A_1018] : memref<100352x16xf32, #tpu.memory_space<hbm>> -> memref<100352x16xf32, #tpu.memory_space<hbm>>
      tpu.enqueue_indirect_dma source(%dma_start3A_1019 : memref<100352x16xf32, #tpu.memory_space<hbm>>) target(%arg18 : memref<128x16xf32, #tpu.memory_space<vmem>>) offsets(%dma_start3A_1016 : memref<128xi32, #tpu.memory_space<vmem>>) semaphore(%arg30 : memref<!tpu.dma_semaphore, #tpu.memory_space<semaphore_mem>>)
      %dma_wait3A_1020 = arith.constant 0 : i32
      %dma_wait3A_1021 = arith.constant 0 : i32
      %dma_wait3A_1022 = tpu.memref_slice %arg9[%dma_wait3A_1020, %dma_wait3A_1021] : memref<16x128xi32, #tpu.memory_space<vmem>> -> memref<1x128xi32, #tpu.memory_space<vmem>>
      %dma_wait3A_1023 = tpu.memref_squeeze %dma_wait3A_1022 : memref<1x128xi32, #tpu.memory_space<vmem>> -> memref<128xi32, #tpu.memory_space<vmem>>
      %dma_wait3A_1024 = arith.constant 0 : i32
      %dma_wait3A_1025 = arith.constant 0 : i32
      %dma_wait3A_1026 = tpu.memref_slice %arg3[%dma_wait3A_1024, %dma_wait3A_1025] : memref<100352x16xf32, #tpu.memory_space<hbm>> -> memref<100352x16xf32, #tpu.memory_space<hbm>>
      tpu.wait_indirect_dma semaphore(%arg23 : memref<!tpu.dma_semaphore, #tpu.memory_space<semaphore_mem>>) src(%dma_wait3A_1026 : memref<100352x16xf32, #tpu.memory_space<hbm>>) dst(%arg11 : memref<128x16xf32, #tpu.memory_space<vmem>>)
      %dma_start3A_1027 = arith.constant 0 : i32
      %dma_start3A_1028 = arith.constant 0 : i32
      %dma_start3A_1029 = tpu.memref_slice %arg10[%dma_start3A_1027, %dma_start3A_1028] : memref<16x128xi32, #tpu.memory_space<vmem>> -> memref<1x128xi32, #tpu.memory_space<vmem>>
      %dma_start3A_1030 = tpu.memref_squeeze %dma_start3A_1029 : memref<1x128xi32, #tpu.memory_space<vmem>> -> memref<128xi32, #tpu.memory_space<vmem>>
      %dma_start3A_1031 = arith.constant 0 : i32
      %dma_start3A_1032 = arith.constant 0 : i32
      %dma_start3A_1033 = tpu.memref_slice %arg5[%dma_start3A_1031, %dma_start3A_1032] : memref<100352x16xf32, #tpu.memory_space<vmem_shared>> -> memref<100352x16xf32, #tpu.memory_space<vmem_shared>>
      tpu.enqueue_indirect_dma source(%arg11 : memref<128x16xf32, #tpu.memory_space<vmem>>) target(%dma_start3A_1033 : memref<100352x16xf32, #tpu.memory_space<vmem_shared>>) offsets(%dma_start3A_1030 : memref<128xi32, #tpu.memory_space<vmem>>) semaphore(%arg31 : memref<!tpu.dma_semaphore, #tpu.memory_space<semaphore_mem>>) {add = true}
      %dma_wait3A_1034 = arith.constant 1 : i32
      %dma_wait3A_1035 = arith.constant 0 : i32
      %dma_wait3A_1036 = tpu.memref_slice %arg9[%dma_wait3A_1034, %dma_wait3A_1035] : memref<16x128xi32, #tpu.memory_space<vmem>> -> memref<1x128xi32, #tpu.memory_space<vmem>>
      %dma_wait3A_1037 = tpu.memref_squeeze %dma_wait3A_1036 : memref<1x128xi32, #tpu.memory_space<vmem>> -> memref<128xi32, #tpu.memory_space<vmem>>
      %dma_wait3A_1038 = arith.constant 0 : i32
      %dma_wait3A_1039 = arith.constant 0 : i32
      %dma_wait3A_1040 = tpu.memref_slice %arg3[%dma_wait3A_1038, %dma_wait3A_1039] : memref<100352x16xf32, #tpu.memory_space<hbm>> -> memref<100352x16xf32, #tpu.memory_space<hbm>>
      tpu.wait_indirect_dma semaphore(%arg24 : memref<!tpu.dma_semaphore, #tpu.memory_space<semaphore_mem>>) src(%dma_wait3A_1040 : memref<100352x16xf32, #tpu.memory_space<hbm>>) dst(%arg12 : memref<128x16xf32, #tpu.memory_space<vmem>>)
      %dma_start3A_1041 = arith.constant 1 : i32
      %dma_start3A_1042 = arith.constant 0 : i32
      %dma_start3A_1043 = tpu.memref_slice %arg10[%dma_start3A_1041, %dma_start3A_1042] : memref<16x128xi32, #tpu.memory_space<vmem>> -> memref<1x128xi32, #tpu.memory_space<vmem>>
      %dma_start3A_1044 = tpu.memref_squeeze %dma_start3A_1043 : memref<1x128xi32, #tpu.memory_space<vmem>> -> memref<128xi32, #tpu.memory_space<vmem>>
      %dma_start3A_1045 = arith.constant 0 : i32
      %dma_start3A_1046 = arith.constant 0 : i32
      %dma_start3A_1047 = tpu.memref_slice %arg5[%dma_start3A_1045, %dma_start3A_1046] : memref<100352x16xf32, #tpu.memory_space<vmem_shared>> -> memref<100352x16xf32, #tpu.memory_space<vmem_shared>>
      tpu.enqueue_indirect_dma source(%arg12 : memref<128x16xf32, #tpu.memory_space<vmem>>) target(%dma_start3A_1047 : memref<100352x16xf32, #tpu.memory_space<vmem_shared>>) offsets(%dma_start3A_1044 : memref<128xi32, #tpu.memory_space<vmem>>) semaphore(%arg32 : memref<!tpu.dma_semaphore, #tpu.memory_space<semaphore_mem>>) {add = true}
      %dma_wait3A_1048 = arith.constant 2 : i32
      %dma_wait3A_1049 = arith.constant 0 : i32
      %dma_wait3A_1050 = tpu.memref_slice %arg9[%dma_wait3A_1048, %dma_wait3A_1049] : memref<16x128xi32, #tpu.memory_space<vmem>> -> memref<1x128xi32, #tpu.memory_space<vmem>>
      %dma_wait3A_1051 = tpu.memref_squeeze %dma_wait3A_1050 : memref<1x128xi32, #tpu.memory_space<vmem>> -> memref<128xi32, #tpu.memory_space<vmem>>
      %dma_wait3A_1052 = arith.constant 0 : i32
      %dma_wait3A_1053 = arith.constant 0 : i32
      %dma_wait3A_1054 = tpu.memref_slice %arg3[%dma_wait3A_1052, %dma_wait3A_1053] : memref<100352x16xf32, #tpu.memory_space<hbm>> -> memref<100352x16xf32, #tpu.memory_space<hbm>>
      tpu.wait_indirect_dma semaphore(%arg25 : memref<!tpu.dma_semaphore, #tpu.memory_space<semaphore_mem>>) src(%dma_wait3A_1054 : memref<100352x16xf32, #tpu.memory_space<hbm>>) dst(%arg13 : memref<128x16xf32, #tpu.memory_space<vmem>>)
      %dma_start3A_1055 = arith.constant 2 : i32
      %dma_start3A_1056 = arith.constant 0 : i32
      %dma_start3A_1057 = tpu.memref_slice %arg10[%dma_start3A_1055, %dma_start3A_1056] : memref<16x128xi32, #tpu.memory_space<vmem>> -> memref<1x128xi32, #tpu.memory_space<vmem>>
      %dma_start3A_1058 = tpu.memref_squeeze %dma_start3A_1057 : memref<1x128xi32, #tpu.memory_space<vmem>> -> memref<128xi32, #tpu.memory_space<vmem>>
      %dma_start3A_1059 = arith.constant 0 : i32
      %dma_start3A_1060 = arith.constant 0 : i32
      %dma_start3A_1061 = tpu.memref_slice %arg5[%dma_start3A_1059, %dma_start3A_1060] : memref<100352x16xf32, #tpu.memory_space<vmem_shared>> -> memref<100352x16xf32, #tpu.memory_space<vmem_shared>>
      tpu.enqueue_indirect_dma source(%arg13 : memref<128x16xf32, #tpu.memory_space<vmem>>) target(%dma_start3A_1061 : memref<100352x16xf32, #tpu.memory_space<vmem_shared>>) offsets(%dma_start3A_1058 : memref<128xi32, #tpu.memory_space<vmem>>) semaphore(%arg33 : memref<!tpu.dma_semaphore, #tpu.memory_space<semaphore_mem>>) {add = true}
      %dma_wait3A_1062 = arith.constant 3 : i32
      %dma_wait3A_1063 = arith.constant 0 : i32
      %dma_wait3A_1064 = tpu.memref_slice %arg9[%dma_wait3A_1062, %dma_wait3A_1063] : memref<16x128xi32, #tpu.memory_space<vmem>> -> memref<1x128xi32, #tpu.memory_space<vmem>>
      %dma_wait3A_1065 = tpu.memref_squeeze %dma_wait3A_1064 : memref<1x128xi32, #tpu.memory_space<vmem>> -> memref<128xi32, #tpu.memory_space<vmem>>
      %dma_wait3A_1066 = arith.constant 0 : i32
      %dma_wait3A_1067 = arith.constant 0 : i32
      %dma_wait3A_1068 = tpu.memref_slice %arg3[%dma_wait3A_1066, %dma_wait3A_1067] : memref<100352x16xf32, #tpu.memory_space<hbm>> -> memref<100352x16xf32, #tpu.memory_space<hbm>>
      tpu.wait_indirect_dma semaphore(%arg26 : memref<!tpu.dma_semaphore, #tpu.memory_space<semaphore_mem>>) src(%dma_wait3A_1068 : memref<100352x16xf32, #tpu.memory_space<hbm>>) dst(%arg14 : memref<128x16xf32, #tpu.memory_space<vmem>>)
      %dma_start3A_1069 = arith.constant 3 : i32
      %dma_start3A_1070 = arith.constant 0 : i32
      %dma_start3A_1071 = tpu.memref_slice %arg10[%dma_start3A_1069, %dma_start3A_1070] : memref<16x128xi32, #tpu.memory_space<vmem>> -> memref<1x128xi32, #tpu.memory_space<vmem>>
      %dma_start3A_1072 = tpu.memref_squeeze %dma_start3A_1071 : memref<1x128xi32, #tpu.memory_space<vmem>> -> memref<128xi32, #tpu.memory_space<vmem>>
      %dma_start3A_1073 = arith.constant 0 : i32
      %dma_start3A_1074 = arith.constant 0 : i32
      %dma_start3A_1075 = tpu.memref_slice %arg5[%dma_start3A_1073, %dma_start3A_1074] : memref<100352x16xf32, #tpu.memory_space<vmem_shared>> -> memref<100352x16xf32, #tpu.memory_space<vmem_shared>>
      tpu.enqueue_indirect_dma source(%arg14 : memref<128x16xf32, #tpu.memory_space<vmem>>) target(%dma_start3A_1075 : memref<100352x16xf32, #tpu.memory_space<vmem_shared>>) offsets(%dma_start3A_1072 : memref<128xi32, #tpu.memory_space<vmem>>) semaphore(%arg34 : memref<!tpu.dma_semaphore, #tpu.memory_space<semaphore_mem>>) {add = true}
      %dma_wait3A_1076 = arith.constant 4 : i32
      %dma_wait3A_1077 = arith.constant 0 : i32
      %dma_wait3A_1078 = tpu.memref_slice %arg9[%dma_wait3A_1076, %dma_wait3A_1077] : memref<16x128xi32, #tpu.memory_space<vmem>> -> memref<1x128xi32, #tpu.memory_space<vmem>>
      %dma_wait3A_1079 = tpu.memref_squeeze %dma_wait3A_1078 : memref<1x128xi32, #tpu.memory_space<vmem>> -> memref<128xi32, #tpu.memory_space<vmem>>
      %dma_wait3A_1080 = arith.constant 0 : i32
      %dma_wait3A_1081 = arith.constant 0 : i32
      %dma_wait3A_1082 = tpu.memref_slice %arg3[%dma_wait3A_1080, %dma_wait3A_1081] : memref<100352x16xf32, #tpu.memory_space<hbm>> -> memref<100352x16xf32, #tpu.memory_space<hbm>>
      tpu.wait_indirect_dma semaphore(%arg27 : memref<!tpu.dma_semaphore, #tpu.memory_space<semaphore_mem>>) src(%dma_wait3A_1082 : memref<100352x16xf32, #tpu.memory_space<hbm>>) dst(%arg15 : memref<128x16xf32, #tpu.memory_space<vmem>>)
      %dma_start3A_1083 = arith.constant 4 : i32
      %dma_start3A_1084 = arith.constant 0 : i32
      %dma_start3A_1085 = tpu.memref_slice %arg10[%dma_start3A_1083, %dma_start3A_1084] : memref<16x128xi32, #tpu.memory_space<vmem>> -> memref<1x128xi32, #tpu.memory_space<vmem>>
      %dma_start3A_1086 = tpu.memref_squeeze %dma_start3A_1085 : memref<1x128xi32, #tpu.memory_space<vmem>> -> memref<128xi32, #tpu.memory_space<vmem>>
      %dma_start3A_1087 = arith.constant 0 : i32
      %dma_start3A_1088 = arith.constant 0 : i32
      %dma_start3A_1089 = tpu.memref_slice %arg5[%dma_start3A_1087, %dma_start3A_1088] : memref<100352x16xf32, #tpu.memory_space<vmem_shared>> -> memref<100352x16xf32, #tpu.memory_space<vmem_shared>>
      tpu.enqueue_indirect_dma source(%arg15 : memref<128x16xf32, #tpu.memory_space<vmem>>) target(%dma_start3A_1089 : memref<100352x16xf32, #tpu.memory_space<vmem_shared>>) offsets(%dma_start3A_1086 : memref<128xi32, #tpu.memory_space<vmem>>) semaphore(%arg35 : memref<!tpu.dma_semaphore, #tpu.memory_space<semaphore_mem>>) {add = true}
      %dma_wait3A_1090 = arith.constant 5 : i32
      %dma_wait3A_1091 = arith.constant 0 : i32
      %dma_wait3A_1092 = tpu.memref_slice %arg9[%dma_wait3A_1090, %dma_wait3A_1091] : memref<16x128xi32, #tpu.memory_space<vmem>> -> memref<1x128xi32, #tpu.memory_space<vmem>>
      %dma_wait3A_1093 = tpu.memref_squeeze %dma_wait3A_1092 : memref<1x128xi32, #tpu.memory_space<vmem>> -> memref<128xi32, #tpu.memory_space<vmem>>
      %dma_wait3A_1094 = arith.constant 0 : i32
      %dma_wait3A_1095 = arith.constant 0 : i32
      %dma_wait3A_1096 = tpu.memref_slice %arg3[%dma_wait3A_1094, %dma_wait3A_1095] : memref<100352x16xf32, #tpu.memory_space<hbm>> -> memref<100352x16xf32, #tpu.memory_space<hbm>>
      tpu.wait_indirect_dma semaphore(%arg28 : memref<!tpu.dma_semaphore, #tpu.memory_space<semaphore_mem>>) src(%dma_wait3A_1096 : memref<100352x16xf32, #tpu.memory_space<hbm>>) dst(%arg16 : memref<128x16xf32, #tpu.memory_space<vmem>>)
      %dma_start3A_1097 = arith.constant 5 : i32
      %dma_start3A_1098 = arith.constant 0 : i32
      %dma_start3A_1099 = tpu.memref_slice %arg10[%dma_start3A_1097, %dma_start3A_1098] : memref<16x128xi32, #tpu.memory_space<vmem>> -> memref<1x128xi32, #tpu.memory_space<vmem>>
      %dma_start3A_1100 = tpu.memref_squeeze %dma_start3A_1099 : memref<1x128xi32, #tpu.memory_space<vmem>> -> memref<128xi32, #tpu.memory_space<vmem>>
      %dma_start3A_1101 = arith.constant 0 : i32
      %dma_start3A_1102 = arith.constant 0 : i32
      %dma_start3A_1103 = tpu.memref_slice %arg5[%dma_start3A_1101, %dma_start3A_1102] : memref<100352x16xf32, #tpu.memory_space<vmem_shared>> -> memref<100352x16xf32, #tpu.memory_space<vmem_shared>>
      tpu.enqueue_indirect_dma source(%arg16 : memref<128x16xf32, #tpu.memory_space<vmem>>) target(%dma_start3A_1103 : memref<100352x16xf32, #tpu.memory_space<vmem_shared>>) offsets(%dma_start3A_1100 : memref<128xi32, #tpu.memory_space<vmem>>) semaphore(%arg36 : memref<!tpu.dma_semaphore, #tpu.memory_space<semaphore_mem>>) {add = true}
      %dma_wait3A_1104 = arith.constant 6 : i32
      %dma_wait3A_1105 = arith.constant 0 : i32
      %dma_wait3A_1106 = tpu.memref_slice %arg9[%dma_wait3A_1104, %dma_wait3A_1105] : memref<16x128xi32, #tpu.memory_space<vmem>> -> memref<1x128xi32, #tpu.memory_space<vmem>>
      %dma_wait3A_1107 = tpu.memref_squeeze %dma_wait3A_1106 : memref<1x128xi32, #tpu.memory_space<vmem>> -> memref<128xi32, #tpu.memory_space<vmem>>
      %dma_wait3A_1108 = arith.constant 0 : i32
      %dma_wait3A_1109 = arith.constant 0 : i32
      %dma_wait3A_1110 = tpu.memref_slice %arg3[%dma_wait3A_1108, %dma_wait3A_1109] : memref<100352x16xf32, #tpu.memory_space<hbm>> -> memref<100352x16xf32, #tpu.memory_space<hbm>>
      tpu.wait_indirect_dma semaphore(%arg29 : memref<!tpu.dma_semaphore, #tpu.memory_space<semaphore_mem>>) src(%dma_wait3A_1110 : memref<100352x16xf32, #tpu.memory_space<hbm>>) dst(%arg17 : memref<128x16xf32, #tpu.memory_space<vmem>>)
      %dma_start3A_1111 = arith.constant 6 : i32
      %dma_start3A_1112 = arith.constant 0 : i32
      %dma_start3A_1113 = tpu.memref_slice %arg10[%dma_start3A_1111, %dma_start3A_1112] : memref<16x128xi32, #tpu.memory_space<vmem>> -> memref<1x128xi32, #tpu.memory_space<vmem>>
      %dma_start3A_1114 = tpu.memref_squeeze %dma_start3A_1113 : memref<1x128xi32, #tpu.memory_space<vmem>> -> memref<128xi32, #tpu.memory_space<vmem>>
      %dma_start3A_1115 = arith.constant 0 : i32
      %dma_start3A_1116 = arith.constant 0 : i32
      %dma_start3A_1117 = tpu.memref_slice %arg5[%dma_start3A_1115, %dma_start3A_1116] : memref<100352x16xf32, #tpu.memory_space<vmem_shared>> -> memref<100352x16xf32, #tpu.memory_space<vmem_shared>>
      tpu.enqueue_indirect_dma source(%arg17 : memref<128x16xf32, #tpu.memory_space<vmem>>) target(%dma_start3A_1117 : memref<100352x16xf32, #tpu.memory_space<vmem_shared>>) offsets(%dma_start3A_1114 : memref<128xi32, #tpu.memory_space<vmem>>) semaphore(%arg37 : memref<!tpu.dma_semaphore, #tpu.memory_space<semaphore_mem>>) {add = true}
      %dma_wait3A_1118 = arith.constant 7 : i32
      %dma_wait3A_1119 = arith.constant 0 : i32
      %dma_wait3A_1120 = tpu.memref_slice %arg9[%dma_wait3A_1118, %dma_wait3A_1119] : memref<16x128xi32, #tpu.memory_space<vmem>> -> memref<1x128xi32, #tpu.memory_space<vmem>>
      %dma_wait3A_1121 = tpu.memref_squeeze %dma_wait3A_1120 : memref<1x128xi32, #tpu.memory_space<vmem>> -> memref<128xi32, #tpu.memory_space<vmem>>
      %dma_wait3A_1122 = arith.constant 0 : i32
      %dma_wait3A_1123 = arith.constant 0 : i32
      %dma_wait3A_1124 = tpu.memref_slice %arg3[%dma_wait3A_1122, %dma_wait3A_1123] : memref<100352x16xf32, #tpu.memory_space<hbm>> -> memref<100352x16xf32, #tpu.memory_space<hbm>>
      tpu.wait_indirect_dma semaphore(%arg30 : memref<!tpu.dma_semaphore, #tpu.memory_space<semaphore_mem>>) src(%dma_wait3A_1124 : memref<100352x16xf32, #tpu.memory_space<hbm>>) dst(%arg18 : memref<128x16xf32, #tpu.memory_space<vmem>>)
      %dma_start3A_1125 = arith.constant 7 : i32
      %dma_start3A_1126 = arith.constant 0 : i32
      %dma_start3A_1127 = tpu.memref_slice %arg10[%dma_start3A_1125, %dma_start3A_1126] : memref<16x128xi32, #tpu.memory_space<vmem>> -> memref<1x128xi32, #tpu.memory_space<vmem>>
      %dma_start3A_1128 = tpu.memref_squeeze %dma_start3A_1127 : memref<1x128xi32, #tpu.memory_space<vmem>> -> memref<128xi32, #tpu.memory_space<vmem>>
      %dma_start3A_1129 = arith.constant 0 : i32
      %dma_start3A_1130 = arith.constant 0 : i32
      %dma_start3A_1131 = tpu.memref_slice %arg5[%dma_start3A_1129, %dma_start3A_1130] : memref<100352x16xf32, #tpu.memory_space<vmem_shared>> -> memref<100352x16xf32, #tpu.memory_space<vmem_shared>>
      tpu.enqueue_indirect_dma source(%arg18 : memref<128x16xf32, #tpu.memory_space<vmem>>) target(%dma_start3A_1131 : memref<100352x16xf32, #tpu.memory_space<vmem_shared>>) offsets(%dma_start3A_1128 : memref<128xi32, #tpu.memory_space<vmem>>) semaphore(%arg38 : memref<!tpu.dma_semaphore, #tpu.memory_space<semaphore_mem>>) {add = true}
      %dma_wait3A_1132 = arith.constant 8 : i32
      %dma_wait3A_1133 = arith.constant 0 : i32
      %dma_wait3A_1134 = tpu.memref_slice %arg10[%dma_wait3A_1132, %dma_wait3A_1133] : memref<16x128xi32, #tpu.memory_space<vmem>> -> memref<1x128xi32, #tpu.memory_space<vmem>>
      %dma_wait3A_1135 = tpu.memref_squeeze %dma_wait3A_1134 : memref<1x128xi32, #tpu.memory_space<vmem>> -> memref<128xi32, #tpu.memory_space<vmem>>
      %dma_wait3A_1136 = arith.constant 0 : i32
      %dma_wait3A_1137 = arith.constant 0 : i32
      %dma_wait3A_1138 = tpu.memref_slice %arg5[%dma_wait3A_1136, %dma_wait3A_1137] : memref<100352x16xf32, #tpu.memory_space<vmem_shared>> -> memref<100352x16xf32, #tpu.memory_space<vmem_shared>>
      tpu.wait_indirect_dma semaphore(%arg31 : memref<!tpu.dma_semaphore, #tpu.memory_space<semaphore_mem>>) src(%arg11 : memref<128x16xf32, #tpu.memory_space<vmem>>) dst(%dma_wait3A_1138 : memref<100352x16xf32, #tpu.memory_space<vmem_shared>>)
      %dma_wait3A_1139 = arith.constant 8 : i32
      %dma_wait3A_1140 = arith.constant 0 : i32
      %dma_wait3A_1141 = tpu.memref_slice %arg10[%dma_wait3A_1139, %dma_wait3A_1140] : memref<16x128xi32, #tpu.memory_space<vmem>> -> memref<1x128xi32, #tpu.memory_space<vmem>>
      %dma_wait3A_1142 = tpu.memref_squeeze %dma_wait3A_1141 : memref<1x128xi32, #tpu.memory_space<vmem>> -> memref<128xi32, #tpu.memory_space<vmem>>
      %dma_wait3A_1143 = arith.constant 0 : i32
      %dma_wait3A_1144 = arith.constant 0 : i32
      %dma_wait3A_1145 = tpu.memref_slice %arg5[%dma_wait3A_1143, %dma_wait3A_1144] : memref<100352x16xf32, #tpu.memory_space<vmem_shared>> -> memref<100352x16xf32, #tpu.memory_space<vmem_shared>>
      tpu.wait_indirect_dma semaphore(%arg32 : memref<!tpu.dma_semaphore, #tpu.memory_space<semaphore_mem>>) src(%arg12 : memref<128x16xf32, #tpu.memory_space<vmem>>) dst(%dma_wait3A_1145 : memref<100352x16xf32, #tpu.memory_space<vmem_shared>>)
      %dma_wait3A_1146 = arith.constant 8 : i32
      %dma_wait3A_1147 = arith.constant 0 : i32
      %dma_wait3A_1148 = tpu.memref_slice %arg10[%dma_wait3A_1146, %dma_wait3A_1147] : memref<16x128xi32, #tpu.memory_space<vmem>> -> memref<1x128xi32, #tpu.memory_space<vmem>>
      %dma_wait3A_1149 = tpu.memref_squeeze %dma_wait3A_1148 : memref<1x128xi32, #tpu.memory_space<vmem>> -> memref<128xi32, #tpu.memory_space<vmem>>
      %dma_wait3A_1150 = arith.constant 0 : i32
      %dma_wait3A_1151 = arith.constant 0 : i32
      %dma_wait3A_1152 = tpu.memref_slice %arg5[%dma_wait3A_1150, %dma_wait3A_1151] : memref<100352x16xf32, #tpu.memory_space<vmem_shared>> -> memref<100352x16xf32, #tpu.memory_space<vmem_shared>>
      tpu.wait_indirect_dma semaphore(%arg33 : memref<!tpu.dma_semaphore, #tpu.memory_space<semaphore_mem>>) src(%arg13 : memref<128x16xf32, #tpu.memory_space<vmem>>) dst(%dma_wait3A_1152 : memref<100352x16xf32, #tpu.memory_space<vmem_shared>>)
      %dma_wait3A_1153 = arith.constant 8 : i32
      %dma_wait3A_1154 = arith.constant 0 : i32
      %dma_wait3A_1155 = tpu.memref_slice %arg10[%dma_wait3A_1153, %dma_wait3A_1154] : memref<16x128xi32, #tpu.memory_space<vmem>> -> memref<1x128xi32, #tpu.memory_space<vmem>>
      %dma_wait3A_1156 = tpu.memref_squeeze %dma_wait3A_1155 : memref<1x128xi32, #tpu.memory_space<vmem>> -> memref<128xi32, #tpu.memory_space<vmem>>
      %dma_wait3A_1157 = arith.constant 0 : i32
      %dma_wait3A_1158 = arith.constant 0 : i32
      %dma_wait3A_1159 = tpu.memref_slice %arg5[%dma_wait3A_1157, %dma_wait3A_1158] : memref<100352x16xf32, #tpu.memory_space<vmem_shared>> -> memref<100352x16xf32, #tpu.memory_space<vmem_shared>>
      tpu.wait_indirect_dma semaphore(%arg34 : memref<!tpu.dma_semaphore, #tpu.memory_space<semaphore_mem>>) src(%arg14 : memref<128x16xf32, #tpu.memory_space<vmem>>) dst(%dma_wait3A_1159 : memref<100352x16xf32, #tpu.memory_space<vmem_shared>>)
      %dma_wait3A_1160 = arith.constant 8 : i32
      %dma_wait3A_1161 = arith.constant 0 : i32
      %dma_wait3A_1162 = tpu.memref_slice %arg10[%dma_wait3A_1160, %dma_wait3A_1161] : memref<16x128xi32, #tpu.memory_space<vmem>> -> memref<1x128xi32, #tpu.memory_space<vmem>>
      %dma_wait3A_1163 = tpu.memref_squeeze %dma_wait3A_1162 : memref<1x128xi32, #tpu.memory_space<vmem>> -> memref<128xi32, #tpu.memory_space<vmem>>
      %dma_wait3A_1164 = arith.constant 0 : i32
      %dma_wait3A_1165 = arith.constant 0 : i32
      %dma_wait3A_1166 = tpu.memref_slice %arg5[%dma_wait3A_1164, %dma_wait3A_1165] : memref<100352x16xf32, #tpu.memory_space<vmem_shared>> -> memref<100352x16xf32, #tpu.memory_space<vmem_shared>>
      tpu.wait_indirect_dma semaphore(%arg35 : memref<!tpu.dma_semaphore, #tpu.memory_space<semaphore_mem>>) src(%arg15 : memref<128x16xf32, #tpu.memory_space<vmem>>) dst(%dma_wait3A_1166 : memref<100352x16xf32, #tpu.memory_space<vmem_shared>>)
      %dma_wait3A_1167 = arith.constant 8 : i32
      %dma_wait3A_1168 = arith.constant 0 : i32
      %dma_wait3A_1169 = tpu.memref_slice %arg10[%dma_wait3A_1167, %dma_wait3A_1168] : memref<16x128xi32, #tpu.memory_space<vmem>> -> memref<1x128xi32, #tpu.memory_space<vmem>>
      %dma_wait3A_1170 = tpu.memref_squeeze %dma_wait3A_1169 : memref<1x128xi32, #tpu.memory_space<vmem>> -> memref<128xi32, #tpu.memory_space<vmem>>
      %dma_wait3A_1171 = arith.constant 0 : i32
      %dma_wait3A_1172 = arith.constant 0 : i32
      %dma_wait3A_1173 = tpu.memref_slice %arg5[%dma_wait3A_1171, %dma_wait3A_1172] : memref<100352x16xf32, #tpu.memory_space<vmem_shared>> -> memref<100352x16xf32, #tpu.memory_space<vmem_shared>>
      tpu.wait_indirect_dma semaphore(%arg36 : memref<!tpu.dma_semaphore, #tpu.memory_space<semaphore_mem>>) src(%arg16 : memref<128x16xf32, #tpu.memory_space<vmem>>) dst(%dma_wait3A_1173 : memref<100352x16xf32, #tpu.memory_space<vmem_shared>>)
      %dma_wait3A_1174 = arith.constant 8 : i32
      %dma_wait3A_1175 = arith.constant 0 : i32
      %dma_wait3A_1176 = tpu.memref_slice %arg10[%dma_wait3A_1174, %dma_wait3A_1175] : memref<16x128xi32, #tpu.memory_space<vmem>> -> memref<1x128xi32, #tpu.memory_space<vmem>>
      %dma_wait3A_1177 = tpu.memref_squeeze %dma_wait3A_1176 : memref<1x128xi32, #tpu.memory_space<vmem>> -> memref<128xi32, #tpu.memory_space<vmem>>
      %dma_wait3A_1178 = arith.constant 0 : i32
      %dma_wait3A_1179 = arith.constant 0 : i32
      %dma_wait3A_1180 = tpu.memref_slice %arg5[%dma_wait3A_1178, %dma_wait3A_1179] : memref<100352x16xf32, #tpu.memory_space<vmem_shared>> -> memref<100352x16xf32, #tpu.memory_space<vmem_shared>>
      tpu.wait_indirect_dma semaphore(%arg37 : memref<!tpu.dma_semaphore, #tpu.memory_space<semaphore_mem>>) src(%arg17 : memref<128x16xf32, #tpu.memory_space<vmem>>) dst(%dma_wait3A_1180 : memref<100352x16xf32, #tpu.memory_space<vmem_shared>>)
      %dma_wait3A_1181 = arith.constant 8 : i32
      %dma_wait3A_1182 = arith.constant 0 : i32
      %dma_wait3A_1183 = tpu.memref_slice %arg10[%dma_wait3A_1181, %dma_wait3A_1182] : memref<16x128xi32, #tpu.memory_space<vmem>> -> memref<1x128xi32, #tpu.memory_space<vmem>>
      %dma_wait3A_1184 = tpu.memref_squeeze %dma_wait3A_1183 : memref<1x128xi32, #tpu.memory_space<vmem>> -> memref<128xi32, #tpu.memory_space<vmem>>
      %dma_wait3A_1185 = arith.constant 0 : i32
      %dma_wait3A_1186 = arith.constant 0 : i32
      %dma_wait3A_1187 = tpu.memref_slice %arg5[%dma_wait3A_1185, %dma_wait3A_1186] : memref<100352x16xf32, #tpu.memory_space<vmem_shared>> -> memref<100352x16xf32, #tpu.memory_space<vmem_shared>>
      tpu.wait_indirect_dma semaphore(%arg38 : memref<!tpu.dma_semaphore, #tpu.memory_space<semaphore_mem>>) src(%arg18 : memref<128x16xf32, #tpu.memory_space<vmem>>) dst(%dma_wait3A_1187 : memref<100352x16xf32, #tpu.memory_space<vmem_shared>>)
      %dma_start3A_1188 = arith.constant 8 : i32
      %dma_start3A_1189 = arith.constant 0 : i32
      %dma_start3A_1190 = tpu.memref_slice %arg9[%dma_start3A_1188, %dma_start3A_1189] : memref<16x128xi32, #tpu.memory_space<vmem>> -> memref<1x128xi32, #tpu.memory_space<vmem>>
      %dma_start3A_1191 = tpu.memref_squeeze %dma_start3A_1190 : memref<1x128xi32, #tpu.memory_space<vmem>> -> memref<128xi32, #tpu.memory_space<vmem>>
      %dma_start3A_1192 = arith.constant 0 : i32
      %dma_start3A_1193 = arith.constant 0 : i32
      %dma_start3A_1194 = tpu.memref_slice %arg3[%dma_start3A_1192, %dma_start3A_1193] : memref<100352x16xf32, #tpu.memory_space<hbm>> -> memref<100352x16xf32, #tpu.memory_space<hbm>>
      tpu.enqueue_indirect_dma source(%dma_start3A_1194 : memref<100352x16xf32, #tpu.memory_space<hbm>>) target(%arg11 : memref<128x16xf32, #tpu.memory_space<vmem>>) offsets(%dma_start3A_1191 : memref<128xi32, #tpu.memory_space<vmem>>) semaphore(%arg23 : memref<!tpu.dma_semaphore, #tpu.memory_space<semaphore_mem>>)
      %dma_start3A_1195 = arith.constant 9 : i32
      %dma_start3A_1196 = arith.constant 0 : i32
      %dma_start3A_1197 = tpu.memref_slice %arg9[%dma_start3A_1195, %dma_start3A_1196] : memref<16x128xi32, #tpu.memory_space<vmem>> -> memref<1x128xi32, #tpu.memory_space<vmem>>
      %dma_start3A_1198 = tpu.memref_squeeze %dma_start3A_1197 : memref<1x128xi32, #tpu.memory_space<vmem>> -> memref<128xi32, #tpu.memory_space<vmem>>
      %dma_start3A_1199 = arith.constant 0 : i32
      %dma_start3A_1200 = arith.constant 0 : i32
      %dma_start3A_1201 = tpu.memref_slice %arg3[%dma_start3A_1199, %dma_start3A_1200] : memref<100352x16xf32, #tpu.memory_space<hbm>> -> memref<100352x16xf32, #tpu.memory_space<hbm>>
      tpu.enqueue_indirect_dma source(%dma_start3A_1201 : memref<100352x16xf32, #tpu.memory_space<hbm>>) target(%arg12 : memref<128x16xf32, #tpu.memory_space<vmem>>) offsets(%dma_start3A_1198 : memref<128xi32, #tpu.memory_space<vmem>>) semaphore(%arg24 : memref<!tpu.dma_semaphore, #tpu.memory_space<semaphore_mem>>)
      %dma_start3A_1202 = arith.constant 10 : i32
      %dma_start3A_1203 = arith.constant 0 : i32
      %dma_start3A_1204 = tpu.memref_slice %arg9[%dma_start3A_1202, %dma_start3A_1203] : memref<16x128xi32, #tpu.memory_space<vmem>> -> memref<1x128xi32, #tpu.memory_space<vmem>>
      %dma_start3A_1205 = tpu.memref_squeeze %dma_start3A_1204 : memref<1x128xi32, #tpu.memory_space<vmem>> -> memref<128xi32, #tpu.memory_space<vmem>>
      %dma_start3A_1206 = arith.constant 0 : i32
      %dma_start3A_1207 = arith.constant 0 : i32
      %dma_start3A_1208 = tpu.memref_slice %arg3[%dma_start3A_1206, %dma_start3A_1207] : memref<100352x16xf32, #tpu.memory_space<hbm>> -> memref<100352x16xf32, #tpu.memory_space<hbm>>
      tpu.enqueue_indirect_dma source(%dma_start3A_1208 : memref<100352x16xf32, #tpu.memory_space<hbm>>) target(%arg13 : memref<128x16xf32, #tpu.memory_space<vmem>>) offsets(%dma_start3A_1205 : memref<128xi32, #tpu.memory_space<vmem>>) semaphore(%arg25 : memref<!tpu.dma_semaphore, #tpu.memory_space<semaphore_mem>>)
      %dma_start3A_1209 = arith.constant 11 : i32
      %dma_start3A_1210 = arith.constant 0 : i32
      %dma_start3A_1211 = tpu.memref_slice %arg9[%dma_start3A_1209, %dma_start3A_1210] : memref<16x128xi32, #tpu.memory_space<vmem>> -> memref<1x128xi32, #tpu.memory_space<vmem>>
      %dma_start3A_1212 = tpu.memref_squeeze %dma_start3A_1211 : memref<1x128xi32, #tpu.memory_space<vmem>> -> memref<128xi32, #tpu.memory_space<vmem>>
      %dma_start3A_1213 = arith.constant 0 : i32
      %dma_start3A_1214 = arith.constant 0 : i32
      %dma_start3A_1215 = tpu.memref_slice %arg3[%dma_start3A_1213, %dma_start3A_1214] : memref<100352x16xf32, #tpu.memory_space<hbm>> -> memref<100352x16xf32, #tpu.memory_space<hbm>>
      tpu.enqueue_indirect_dma source(%dma_start3A_1215 : memref<100352x16xf32, #tpu.memory_space<hbm>>) target(%arg14 : memref<128x16xf32, #tpu.memory_space<vmem>>) offsets(%dma_start3A_1212 : memref<128xi32, #tpu.memory_space<vmem>>) semaphore(%arg26 : memref<!tpu.dma_semaphore, #tpu.memory_space<semaphore_mem>>)
      %dma_start3A_1216 = arith.constant 12 : i32
      %dma_start3A_1217 = arith.constant 0 : i32
      %dma_start3A_1218 = tpu.memref_slice %arg9[%dma_start3A_1216, %dma_start3A_1217] : memref<16x128xi32, #tpu.memory_space<vmem>> -> memref<1x128xi32, #tpu.memory_space<vmem>>
      %dma_start3A_1219 = tpu.memref_squeeze %dma_start3A_1218 : memref<1x128xi32, #tpu.memory_space<vmem>> -> memref<128xi32, #tpu.memory_space<vmem>>
      %dma_start3A_1220 = arith.constant 0 : i32
      %dma_start3A_1221 = arith.constant 0 : i32
      %dma_start3A_1222 = tpu.memref_slice %arg3[%dma_start3A_1220, %dma_start3A_1221] : memref<100352x16xf32, #tpu.memory_space<hbm>> -> memref<100352x16xf32, #tpu.memory_space<hbm>>
      tpu.enqueue_indirect_dma source(%dma_start3A_1222 : memref<100352x16xf32, #tpu.memory_space<hbm>>) target(%arg15 : memref<128x16xf32, #tpu.memory_space<vmem>>) offsets(%dma_start3A_1219 : memref<128xi32, #tpu.memory_space<vmem>>) semaphore(%arg27 : memref<!tpu.dma_semaphore, #tpu.memory_space<semaphore_mem>>)
      %dma_start3A_1223 = arith.constant 13 : i32
      %dma_start3A_1224 = arith.constant 0 : i32
      %dma_start3A_1225 = tpu.memref_slice %arg9[%dma_start3A_1223, %dma_start3A_1224] : memref<16x128xi32, #tpu.memory_space<vmem>> -> memref<1x128xi32, #tpu.memory_space<vmem>>
      %dma_start3A_1226 = tpu.memref_squeeze %dma_start3A_1225 : memref<1x128xi32, #tpu.memory_space<vmem>> -> memref<128xi32, #tpu.memory_space<vmem>>
      %dma_start3A_1227 = arith.constant 0 : i32
      %dma_start3A_1228 = arith.constant 0 : i32
      %dma_start3A_1229 = tpu.memref_slice %arg3[%dma_start3A_1227, %dma_start3A_1228] : memref<100352x16xf32, #tpu.memory_space<hbm>> -> memref<100352x16xf32, #tpu.memory_space<hbm>>
      tpu.enqueue_indirect_dma source(%dma_start3A_1229 : memref<100352x16xf32, #tpu.memory_space<hbm>>) target(%arg16 : memref<128x16xf32, #tpu.memory_space<vmem>>) offsets(%dma_start3A_1226 : memref<128xi32, #tpu.memory_space<vmem>>) semaphore(%arg28 : memref<!tpu.dma_semaphore, #tpu.memory_space<semaphore_mem>>)
      %dma_start3A_1230 = arith.constant 14 : i32
      %dma_start3A_1231 = arith.constant 0 : i32
      %dma_start3A_1232 = tpu.memref_slice %arg9[%dma_start3A_1230, %dma_start3A_1231] : memref<16x128xi32, #tpu.memory_space<vmem>> -> memref<1x128xi32, #tpu.memory_space<vmem>>
      %dma_start3A_1233 = tpu.memref_squeeze %dma_start3A_1232 : memref<1x128xi32, #tpu.memory_space<vmem>> -> memref<128xi32, #tpu.memory_space<vmem>>
      %dma_start3A_1234 = arith.constant 0 : i32
      %dma_start3A_1235 = arith.constant 0 : i32
      %dma_start3A_1236 = tpu.memref_slice %arg3[%dma_start3A_1234, %dma_start3A_1235] : memref<100352x16xf32, #tpu.memory_space<hbm>> -> memref<100352x16xf32, #tpu.memory_space<hbm>>
      tpu.enqueue_indirect_dma source(%dma_start3A_1236 : memref<100352x16xf32, #tpu.memory_space<hbm>>) target(%arg17 : memref<128x16xf32, #tpu.memory_space<vmem>>) offsets(%dma_start3A_1233 : memref<128xi32, #tpu.memory_space<vmem>>) semaphore(%arg29 : memref<!tpu.dma_semaphore, #tpu.memory_space<semaphore_mem>>)
      %dma_start3A_1237 = arith.constant 15 : i32
      %dma_start3A_1238 = arith.constant 0 : i32
      %dma_start3A_1239 = tpu.memref_slice %arg9[%dma_start3A_1237, %dma_start3A_1238] : memref<16x128xi32, #tpu.memory_space<vmem>> -> memref<1x128xi32, #tpu.memory_space<vmem>>
      %dma_start3A_1240 = tpu.memref_squeeze %dma_start3A_1239 : memref<1x128xi32, #tpu.memory_space<vmem>> -> memref<128xi32, #tpu.memory_space<vmem>>
      %dma_start3A_1241 = arith.constant 0 : i32
      %dma_start3A_1242 = arith.constant 0 : i32
      %dma_start3A_1243 = tpu.memref_slice %arg3[%dma_start3A_1241, %dma_start3A_1242] : memref<100352x16xf32, #tpu.memory_space<hbm>> -> memref<100352x16xf32, #tpu.memory_space<hbm>>
      tpu.enqueue_indirect_dma source(%dma_start3A_1243 : memref<100352x16xf32, #tpu.memory_space<hbm>>) target(%arg18 : memref<128x16xf32, #tpu.memory_space<vmem>>) offsets(%dma_start3A_1240 : memref<128xi32, #tpu.memory_space<vmem>>) semaphore(%arg30 : memref<!tpu.dma_semaphore, #tpu.memory_space<semaphore_mem>>)
      %dma_wait3A_1244 = arith.constant 8 : i32
      %dma_wait3A_1245 = arith.constant 0 : i32
      %dma_wait3A_1246 = tpu.memref_slice %arg9[%dma_wait3A_1244, %dma_wait3A_1245] : memref<16x128xi32, #tpu.memory_space<vmem>> -> memref<1x128xi32, #tpu.memory_space<vmem>>
      %dma_wait3A_1247 = tpu.memref_squeeze %dma_wait3A_1246 : memref<1x128xi32, #tpu.memory_space<vmem>> -> memref<128xi32, #tpu.memory_space<vmem>>
      %dma_wait3A_1248 = arith.constant 0 : i32
      %dma_wait3A_1249 = arith.constant 0 : i32
      %dma_wait3A_1250 = tpu.memref_slice %arg3[%dma_wait3A_1248, %dma_wait3A_1249] : memref<100352x16xf32, #tpu.memory_space<hbm>> -> memref<100352x16xf32, #tpu.memory_space<hbm>>
      tpu.wait_indirect_dma semaphore(%arg23 : memref<!tpu.dma_semaphore, #tpu.memory_space<semaphore_mem>>) src(%dma_wait3A_1250 : memref<100352x16xf32, #tpu.memory_space<hbm>>) dst(%arg11 : memref<128x16xf32, #tpu.memory_space<vmem>>)
      %dma_start3A_1251 = arith.constant 8 : i32
      %dma_start3A_1252 = arith.constant 0 : i32
      %dma_start3A_1253 = tpu.memref_slice %arg10[%dma_start3A_1251, %dma_start3A_1252] : memref<16x128xi32, #tpu.memory_space<vmem>> -> memref<1x128xi32, #tpu.memory_space<vmem>>
      %dma_start3A_1254 = tpu.memref_squeeze %dma_start3A_1253 : memref<1x128xi32, #tpu.memory_space<vmem>> -> memref<128xi32, #tpu.memory_space<vmem>>
      %dma_start3A_1255 = arith.constant 0 : i32
      %dma_start3A_1256 = arith.constant 0 : i32
      %dma_start3A_1257 = tpu.memref_slice %arg5[%dma_start3A_1255, %dma_start3A_1256] : memref<100352x16xf32, #tpu.memory_space<vmem_shared>> -> memref<100352x16xf32, #tpu.memory_space<vmem_shared>>
      tpu.enqueue_indirect_dma source(%arg11 : memref<128x16xf32, #tpu.memory_space<vmem>>) target(%dma_start3A_1257 : memref<100352x16xf32, #tpu.memory_space<vmem_shared>>) offsets(%dma_start3A_1254 : memref<128xi32, #tpu.memory_space<vmem>>) semaphore(%arg31 : memref<!tpu.dma_semaphore, #tpu.memory_space<semaphore_mem>>) {add = true}
      %dma_wait3A_1258 = arith.constant 9 : i32
      %dma_wait3A_1259 = arith.constant 0 : i32
      %dma_wait3A_1260 = tpu.memref_slice %arg9[%dma_wait3A_1258, %dma_wait3A_1259] : memref<16x128xi32, #tpu.memory_space<vmem>> -> memref<1x128xi32, #tpu.memory_space<vmem>>
      %dma_wait3A_1261 = tpu.memref_squeeze %dma_wait3A_1260 : memref<1x128xi32, #tpu.memory_space<vmem>> -> memref<128xi32, #tpu.memory_space<vmem>>
      %dma_wait3A_1262 = arith.constant 0 : i32
      %dma_wait3A_1263 = arith.constant 0 : i32
      %dma_wait3A_1264 = tpu.memref_slice %arg3[%dma_wait3A_1262, %dma_wait3A_1263] : memref<100352x16xf32, #tpu.memory_space<hbm>> -> memref<100352x16xf32, #tpu.memory_space<hbm>>
      tpu.wait_indirect_dma semaphore(%arg24 : memref<!tpu.dma_semaphore, #tpu.memory_space<semaphore_mem>>) src(%dma_wait3A_1264 : memref<100352x16xf32, #tpu.memory_space<hbm>>) dst(%arg12 : memref<128x16xf32, #tpu.memory_space<vmem>>)
      %dma_start3A_1265 = arith.constant 9 : i32
      %dma_start3A_1266 = arith.constant 0 : i32
      %dma_start3A_1267 = tpu.memref_slice %arg10[%dma_start3A_1265, %dma_start3A_1266] : memref<16x128xi32, #tpu.memory_space<vmem>> -> memref<1x128xi32, #tpu.memory_space<vmem>>
      %dma_start3A_1268 = tpu.memref_squeeze %dma_start3A_1267 : memref<1x128xi32, #tpu.memory_space<vmem>> -> memref<128xi32, #tpu.memory_space<vmem>>
      %dma_start3A_1269 = arith.constant 0 : i32
      %dma_start3A_1270 = arith.constant 0 : i32
      %dma_start3A_1271 = tpu.memref_slice %arg5[%dma_start3A_1269, %dma_start3A_1270] : memref<100352x16xf32, #tpu.memory_space<vmem_shared>> -> memref<100352x16xf32, #tpu.memory_space<vmem_shared>>
      tpu.enqueue_indirect_dma source(%arg12 : memref<128x16xf32, #tpu.memory_space<vmem>>) target(%dma_start3A_1271 : memref<100352x16xf32, #tpu.memory_space<vmem_shared>>) offsets(%dma_start3A_1268 : memref<128xi32, #tpu.memory_space<vmem>>) semaphore(%arg32 : memref<!tpu.dma_semaphore, #tpu.memory_space<semaphore_mem>>) {add = true}
      %dma_wait3A_1272 = arith.constant 10 : i32
      %dma_wait3A_1273 = arith.constant 0 : i32
      %dma_wait3A_1274 = tpu.memref_slice %arg9[%dma_wait3A_1272, %dma_wait3A_1273] : memref<16x128xi32, #tpu.memory_space<vmem>> -> memref<1x128xi32, #tpu.memory_space<vmem>>
      %dma_wait3A_1275 = tpu.memref_squeeze %dma_wait3A_1274 : memref<1x128xi32, #tpu.memory_space<vmem>> -> memref<128xi32, #tpu.memory_space<vmem>>
      %dma_wait3A_1276 = arith.constant 0 : i32
      %dma_wait3A_1277 = arith.constant 0 : i32
      %dma_wait3A_1278 = tpu.memref_slice %arg3[%dma_wait3A_1276, %dma_wait3A_1277] : memref<100352x16xf32, #tpu.memory_space<hbm>> -> memref<100352x16xf32, #tpu.memory_space<hbm>>
      tpu.wait_indirect_dma semaphore(%arg25 : memref<!tpu.dma_semaphore, #tpu.memory_space<semaphore_mem>>) src(%dma_wait3A_1278 : memref<100352x16xf32, #tpu.memory_space<hbm>>) dst(%arg13 : memref<128x16xf32, #tpu.memory_space<vmem>>)
      %dma_start3A_1279 = arith.constant 10 : i32
      %dma_start3A_1280 = arith.constant 0 : i32
      %dma_start3A_1281 = tpu.memref_slice %arg10[%dma_start3A_1279, %dma_start3A_1280] : memref<16x128xi32, #tpu.memory_space<vmem>> -> memref<1x128xi32, #tpu.memory_space<vmem>>
      %dma_start3A_1282 = tpu.memref_squeeze %dma_start3A_1281 : memref<1x128xi32, #tpu.memory_space<vmem>> -> memref<128xi32, #tpu.memory_space<vmem>>
      %dma_start3A_1283 = arith.constant 0 : i32
      %dma_start3A_1284 = arith.constant 0 : i32
      %dma_start3A_1285 = tpu.memref_slice %arg5[%dma_start3A_1283, %dma_start3A_1284] : memref<100352x16xf32, #tpu.memory_space<vmem_shared>> -> memref<100352x16xf32, #tpu.memory_space<vmem_shared>>
      tpu.enqueue_indirect_dma source(%arg13 : memref<128x16xf32, #tpu.memory_space<vmem>>) target(%dma_start3A_1285 : memref<100352x16xf32, #tpu.memory_space<vmem_shared>>) offsets(%dma_start3A_1282 : memref<128xi32, #tpu.memory_space<vmem>>) semaphore(%arg33 : memref<!tpu.dma_semaphore, #tpu.memory_space<semaphore_mem>>) {add = true}
      %dma_wait3A_1286 = arith.constant 11 : i32
      %dma_wait3A_1287 = arith.constant 0 : i32
      %dma_wait3A_1288 = tpu.memref_slice %arg9[%dma_wait3A_1286, %dma_wait3A_1287] : memref<16x128xi32, #tpu.memory_space<vmem>> -> memref<1x128xi32, #tpu.memory_space<vmem>>
      %dma_wait3A_1289 = tpu.memref_squeeze %dma_wait3A_1288 : memref<1x128xi32, #tpu.memory_space<vmem>> -> memref<128xi32, #tpu.memory_space<vmem>>
      %dma_wait3A_1290 = arith.constant 0 : i32
      %dma_wait3A_1291 = arith.constant 0 : i32
      %dma_wait3A_1292 = tpu.memref_slice %arg3[%dma_wait3A_1290, %dma_wait3A_1291] : memref<100352x16xf32, #tpu.memory_space<hbm>> -> memref<100352x16xf32, #tpu.memory_space<hbm>>
      tpu.wait_indirect_dma semaphore(%arg26 : memref<!tpu.dma_semaphore, #tpu.memory_space<semaphore_mem>>) src(%dma_wait3A_1292 : memref<100352x16xf32, #tpu.memory_space<hbm>>) dst(%arg14 : memref<128x16xf32, #tpu.memory_space<vmem>>)
      %dma_start3A_1293 = arith.constant 11 : i32
      %dma_start3A_1294 = arith.constant 0 : i32
      %dma_start3A_1295 = tpu.memref_slice %arg10[%dma_start3A_1293, %dma_start3A_1294] : memref<16x128xi32, #tpu.memory_space<vmem>> -> memref<1x128xi32, #tpu.memory_space<vmem>>
      %dma_start3A_1296 = tpu.memref_squeeze %dma_start3A_1295 : memref<1x128xi32, #tpu.memory_space<vmem>> -> memref<128xi32, #tpu.memory_space<vmem>>
      %dma_start3A_1297 = arith.constant 0 : i32
      %dma_start3A_1298 = arith.constant 0 : i32
      %dma_start3A_1299 = tpu.memref_slice %arg5[%dma_start3A_1297, %dma_start3A_1298] : memref<100352x16xf32, #tpu.memory_space<vmem_shared>> -> memref<100352x16xf32, #tpu.memory_space<vmem_shared>>
      tpu.enqueue_indirect_dma source(%arg14 : memref<128x16xf32, #tpu.memory_space<vmem>>) target(%dma_start3A_1299 : memref<100352x16xf32, #tpu.memory_space<vmem_shared>>) offsets(%dma_start3A_1296 : memref<128xi32, #tpu.memory_space<vmem>>) semaphore(%arg34 : memref<!tpu.dma_semaphore, #tpu.memory_space<semaphore_mem>>) {add = true}
      %dma_wait3A_1300 = arith.constant 12 : i32
      %dma_wait3A_1301 = arith.constant 0 : i32
      %dma_wait3A_1302 = tpu.memref_slice %arg9[%dma_wait3A_1300, %dma_wait3A_1301] : memref<16x128xi32, #tpu.memory_space<vmem>> -> memref<1x128xi32, #tpu.memory_space<vmem>>
      %dma_wait3A_1303 = tpu.memref_squeeze %dma_wait3A_1302 : memref<1x128xi32, #tpu.memory_space<vmem>> -> memref<128xi32, #tpu.memory_space<vmem>>
      %dma_wait3A_1304 = arith.constant 0 : i32
      %dma_wait3A_1305 = arith.constant 0 : i32
      %dma_wait3A_1306 = tpu.memref_slice %arg3[%dma_wait3A_1304, %dma_wait3A_1305] : memref<100352x16xf32, #tpu.memory_space<hbm>> -> memref<100352x16xf32, #tpu.memory_space<hbm>>
      tpu.wait_indirect_dma semaphore(%arg27 : memref<!tpu.dma_semaphore, #tpu.memory_space<semaphore_mem>>) src(%dma_wait3A_1306 : memref<100352x16xf32, #tpu.memory_space<hbm>>) dst(%arg15 : memref<128x16xf32, #tpu.memory_space<vmem>>)
      %dma_start3A_1307 = arith.constant 12 : i32
      %dma_start3A_1308 = arith.constant 0 : i32
      %dma_start3A_1309 = tpu.memref_slice %arg10[%dma_start3A_1307, %dma_start3A_1308] : memref<16x128xi32, #tpu.memory_space<vmem>> -> memref<1x128xi32, #tpu.memory_space<vmem>>
      %dma_start3A_1310 = tpu.memref_squeeze %dma_start3A_1309 : memref<1x128xi32, #tpu.memory_space<vmem>> -> memref<128xi32, #tpu.memory_space<vmem>>
      %dma_start3A_1311 = arith.constant 0 : i32
      %dma_start3A_1312 = arith.constant 0 : i32
      %dma_start3A_1313 = tpu.memref_slice %arg5[%dma_start3A_1311, %dma_start3A_1312] : memref<100352x16xf32, #tpu.memory_space<vmem_shared>> -> memref<100352x16xf32, #tpu.memory_space<vmem_shared>>
      tpu.enqueue_indirect_dma source(%arg15 : memref<128x16xf32, #tpu.memory_space<vmem>>) target(%dma_start3A_1313 : memref<100352x16xf32, #tpu.memory_space<vmem_shared>>) offsets(%dma_start3A_1310 : memref<128xi32, #tpu.memory_space<vmem>>) semaphore(%arg35 : memref<!tpu.dma_semaphore, #tpu.memory_space<semaphore_mem>>) {add = true}
      %dma_wait3A_1314 = arith.constant 13 : i32
      %dma_wait3A_1315 = arith.constant 0 : i32
      %dma_wait3A_1316 = tpu.memref_slice %arg9[%dma_wait3A_1314, %dma_wait3A_1315] : memref<16x128xi32, #tpu.memory_space<vmem>> -> memref<1x128xi32, #tpu.memory_space<vmem>>
      %dma_wait3A_1317 = tpu.memref_squeeze %dma_wait3A_1316 : memref<1x128xi32, #tpu.memory_space<vmem>> -> memref<128xi32, #tpu.memory_space<vmem>>
      %dma_wait3A_1318 = arith.constant 0 : i32
      %dma_wait3A_1319 = arith.constant 0 : i32
      %dma_wait3A_1320 = tpu.memref_slice %arg3[%dma_wait3A_1318, %dma_wait3A_1319] : memref<100352x16xf32, #tpu.memory_space<hbm>> -> memref<100352x16xf32, #tpu.memory_space<hbm>>
      tpu.wait_indirect_dma semaphore(%arg28 : memref<!tpu.dma_semaphore, #tpu.memory_space<semaphore_mem>>) src(%dma_wait3A_1320 : memref<100352x16xf32, #tpu.memory_space<hbm>>) dst(%arg16 : memref<128x16xf32, #tpu.memory_space<vmem>>)
      %dma_start3A_1321 = arith.constant 13 : i32
      %dma_start3A_1322 = arith.constant 0 : i32
      %dma_start3A_1323 = tpu.memref_slice %arg10[%dma_start3A_1321, %dma_start3A_1322] : memref<16x128xi32, #tpu.memory_space<vmem>> -> memref<1x128xi32, #tpu.memory_space<vmem>>
      %dma_start3A_1324 = tpu.memref_squeeze %dma_start3A_1323 : memref<1x128xi32, #tpu.memory_space<vmem>> -> memref<128xi32, #tpu.memory_space<vmem>>
      %dma_start3A_1325 = arith.constant 0 : i32
      %dma_start3A_1326 = arith.constant 0 : i32
      %dma_start3A_1327 = tpu.memref_slice %arg5[%dma_start3A_1325, %dma_start3A_1326] : memref<100352x16xf32, #tpu.memory_space<vmem_shared>> -> memref<100352x16xf32, #tpu.memory_space<vmem_shared>>
      tpu.enqueue_indirect_dma source(%arg16 : memref<128x16xf32, #tpu.memory_space<vmem>>) target(%dma_start3A_1327 : memref<100352x16xf32, #tpu.memory_space<vmem_shared>>) offsets(%dma_start3A_1324 : memref<128xi32, #tpu.memory_space<vmem>>) semaphore(%arg36 : memref<!tpu.dma_semaphore, #tpu.memory_space<semaphore_mem>>) {add = true}
      %dma_wait3A_1328 = arith.constant 14 : i32
      %dma_wait3A_1329 = arith.constant 0 : i32
      %dma_wait3A_1330 = tpu.memref_slice %arg9[%dma_wait3A_1328, %dma_wait3A_1329] : memref<16x128xi32, #tpu.memory_space<vmem>> -> memref<1x128xi32, #tpu.memory_space<vmem>>
      %dma_wait3A_1331 = tpu.memref_squeeze %dma_wait3A_1330 : memref<1x128xi32, #tpu.memory_space<vmem>> -> memref<128xi32, #tpu.memory_space<vmem>>
      %dma_wait3A_1332 = arith.constant 0 : i32
      %dma_wait3A_1333 = arith.constant 0 : i32
      %dma_wait3A_1334 = tpu.memref_slice %arg3[%dma_wait3A_1332, %dma_wait3A_1333] : memref<100352x16xf32, #tpu.memory_space<hbm>> -> memref<100352x16xf32, #tpu.memory_space<hbm>>
      tpu.wait_indirect_dma semaphore(%arg29 : memref<!tpu.dma_semaphore, #tpu.memory_space<semaphore_mem>>) src(%dma_wait3A_1334 : memref<100352x16xf32, #tpu.memory_space<hbm>>) dst(%arg17 : memref<128x16xf32, #tpu.memory_space<vmem>>)
      %dma_start3A_1335 = arith.constant 14 : i32
      %dma_start3A_1336 = arith.constant 0 : i32
      %dma_start3A_1337 = tpu.memref_slice %arg10[%dma_start3A_1335, %dma_start3A_1336] : memref<16x128xi32, #tpu.memory_space<vmem>> -> memref<1x128xi32, #tpu.memory_space<vmem>>
      %dma_start3A_1338 = tpu.memref_squeeze %dma_start3A_1337 : memref<1x128xi32, #tpu.memory_space<vmem>> -> memref<128xi32, #tpu.memory_space<vmem>>
      %dma_start3A_1339 = arith.constant 0 : i32
      %dma_start3A_1340 = arith.constant 0 : i32
      %dma_start3A_1341 = tpu.memref_slice %arg5[%dma_start3A_1339, %dma_start3A_1340] : memref<100352x16xf32, #tpu.memory_space<vmem_shared>> -> memref<100352x16xf32, #tpu.memory_space<vmem_shared>>
      tpu.enqueue_indirect_dma source(%arg17 : memref<128x16xf32, #tpu.memory_space<vmem>>) target(%dma_start3A_1341 : memref<100352x16xf32, #tpu.memory_space<vmem_shared>>) offsets(%dma_start3A_1338 : memref<128xi32, #tpu.memory_space<vmem>>) semaphore(%arg37 : memref<!tpu.dma_semaphore, #tpu.memory_space<semaphore_mem>>) {add = true}
      %dma_wait3A_1342 = arith.constant 15 : i32
      %dma_wait3A_1343 = arith.constant 0 : i32
      %dma_wait3A_1344 = tpu.memref_slice %arg9[%dma_wait3A_1342, %dma_wait3A_1343] : memref<16x128xi32, #tpu.memory_space<vmem>> -> memref<1x128xi32, #tpu.memory_space<vmem>>
      %dma_wait3A_1345 = tpu.memref_squeeze %dma_wait3A_1344 : memref<1x128xi32, #tpu.memory_space<vmem>> -> memref<128xi32, #tpu.memory_space<vmem>>
      %dma_wait3A_1346 = arith.constant 0 : i32
      %dma_wait3A_1347 = arith.constant 0 : i32
      %dma_wait3A_1348 = tpu.memref_slice %arg3[%dma_wait3A_1346, %dma_wait3A_1347] : memref<100352x16xf32, #tpu.memory_space<hbm>> -> memref<100352x16xf32, #tpu.memory_space<hbm>>
      tpu.wait_indirect_dma semaphore(%arg30 : memref<!tpu.dma_semaphore, #tpu.memory_space<semaphore_mem>>) src(%dma_wait3A_1348 : memref<100352x16xf32, #tpu.memory_space<hbm>>) dst(%arg18 : memref<128x16xf32, #tpu.memory_space<vmem>>)
      %dma_start3A_1349 = arith.constant 15 : i32
      %dma_start3A_1350 = arith.constant 0 : i32
      %dma_start3A_1351 = tpu.memref_slice %arg10[%dma_start3A_1349, %dma_start3A_1350] : memref<16x128xi32, #tpu.memory_space<vmem>> -> memref<1x128xi32, #tpu.memory_space<vmem>>
      %dma_start3A_1352 = tpu.memref_squeeze %dma_start3A_1351 : memref<1x128xi32, #tpu.memory_space<vmem>> -> memref<128xi32, #tpu.memory_space<vmem>>
      %dma_start3A_1353 = arith.constant 0 : i32
      %dma_start3A_1354 = arith.constant 0 : i32
      %dma_start3A_1355 = tpu.memref_slice %arg5[%dma_start3A_1353, %dma_start3A_1354] : memref<100352x16xf32, #tpu.memory_space<vmem_shared>> -> memref<100352x16xf32, #tpu.memory_space<vmem_shared>>
      tpu.enqueue_indirect_dma source(%arg18 : memref<128x16xf32, #tpu.memory_space<vmem>>) target(%dma_start3A_1355 : memref<100352x16xf32, #tpu.memory_space<vmem_shared>>) offsets(%dma_start3A_1352 : memref<128xi32, #tpu.memory_space<vmem>>) semaphore(%arg38 : memref<!tpu.dma_semaphore, #tpu.memory_space<semaphore_mem>>) {add = true}
    }
    %scan3A_33 = arith.constant 24 : i32
    %add3A_34 = arith.constant 768 : i32
    %add3A_35 = arith.addi %mul3A_13, %add3A_34 : i32
    %dma_wait3A = arith.constant 0 : i32
    %dma_wait3A_36 = arith.constant 0 : i32
    %dma_wait3A_37 = tpu.memref_slice %arg2[%dma_wait3A, %add3A_35, %dma_wait3A_36] : memref<2x25088x128xi32, #tpu.memory_space<hbm>> -> memref<1x16x128xi32, #tpu.memory_space<hbm>>
    %dma_wait3A_38 = tpu.memref_squeeze %dma_wait3A_37 : memref<1x16x128xi32, #tpu.memory_space<hbm>> -> memref<16x128xi32, #tpu.memory_space<hbm>>
    %dma_wait3A_39 = arith.constant 0 : i32
    %dma_wait3A_40 = tpu.memref_slice %arg2[%dma_wait3A, %add3A_35, %dma_wait3A_39] : memref<2x25088x128xi32, #tpu.memory_space<hbm>> -> memref<1x16x128xi32, #tpu.memory_space<hbm>>
    %dma_wait3A_41 = tpu.memref_squeeze %dma_wait3A_40 : memref<1x16x128xi32, #tpu.memory_space<hbm>> -> memref<16x128xi32, #tpu.memory_space<hbm>>
    tpu.wait_dma2 semaphore(%arg19 : memref<!tpu.dma_semaphore, #tpu.memory_space<semaphore_mem>>) src(%dma_wait3A_41 : memref<16x128xi32, #tpu.memory_space<hbm>>) dst(%arg7 : memref<16x128xi32, #tpu.memory_space<vmem>>)
    %dma_wait3A_42 = arith.constant 1 : i32
    %dma_wait3A_43 = arith.constant 0 : i32
    %dma_wait3A_44 = tpu.memref_slice %arg2[%dma_wait3A_42, %add3A_35, %dma_wait3A_43] : memref<2x25088x128xi32, #tpu.memory_space<hbm>> -> memref<1x16x128xi32, #tpu.memory_space<hbm>>
    %dma_wait3A_45 = tpu.memref_squeeze %dma_wait3A_44 : memref<1x16x128xi32, #tpu.memory_space<hbm>> -> memref<16x128xi32, #tpu.memory_space<hbm>>
    %dma_wait3A_46 = arith.constant 0 : i32
    %dma_wait3A_47 = tpu.memref_slice %arg2[%dma_wait3A_42, %add3A_35, %dma_wait3A_46] : memref<2x25088x128xi32, #tpu.memory_space<hbm>> -> memref<1x16x128xi32, #tpu.memory_space<hbm>>
    %dma_wait3A_48 = tpu.memref_squeeze %dma_wait3A_47 : memref<1x16x128xi32, #tpu.memory_space<hbm>> -> memref<16x128xi32, #tpu.memory_space<hbm>>
    tpu.wait_dma2 semaphore(%arg20 : memref<!tpu.dma_semaphore, #tpu.memory_space<semaphore_mem>>) src(%dma_wait3A_48 : memref<16x128xi32, #tpu.memory_space<hbm>>) dst(%arg8 : memref<16x128xi32, #tpu.memory_space<vmem>>)
    %not3A = arith.constant false
    %not3A_49 = arith.constant true
    %not3A_50 = arith.xori %not3A, %not3A_49 : i1
    %convert_element_type3A = arith.extui %not3A_50 : i1 to i32
    %cond3A = arith.constant 0 : i32
    %cond3A_51 = arith.cmpi ne, %convert_element_type3A, %cond3A : i32
    scf.if %cond3A_51 {
      %dma_wait3A_506 = arith.constant 0 : i32
      %dma_wait3A_507 = arith.constant 0 : i32
      %dma_wait3A_508 = tpu.memref_slice %arg8[%dma_wait3A_506, %dma_wait3A_507] : memref<16x128xi32, #tpu.memory_space<vmem>> -> memref<1x128xi32, #tpu.memory_space<vmem>>
      %dma_wait3A_509 = tpu.memref_squeeze %dma_wait3A_508 : memref<1x128xi32, #tpu.memory_space<vmem>> -> memref<128xi32, #tpu.memory_space<vmem>>
      %dma_wait3A_510 = arith.constant 0 : i32
      %dma_wait3A_511 = arith.constant 0 : i32
      %dma_wait3A_512 = tpu.memref_slice %arg5[%dma_wait3A_510, %dma_wait3A_511] : memref<100352x16xf32, #tpu.memory_space<vmem_shared>> -> memref<100352x16xf32, #tpu.memory_space<vmem_shared>>
      tpu.wait_indirect_dma semaphore(%arg31 : memref<!tpu.dma_semaphore, #tpu.memory_space<semaphore_mem>>) src(%arg11 : memref<128x16xf32, #tpu.memory_space<vmem>>) dst(%dma_wait3A_512 : memref<100352x16xf32, #tpu.memory_space<vmem_shared>>)
      %dma_wait3A_513 = arith.constant 0 : i32
      %dma_wait3A_514 = arith.constant 0 : i32
      %dma_wait3A_515 = tpu.memref_slice %arg8[%dma_wait3A_513, %dma_wait3A_514] : memref<16x128xi32, #tpu.memory_space<vmem>> -> memref<1x128xi32, #tpu.memory_space<vmem>>
      %dma_wait3A_516 = tpu.memref_squeeze %dma_wait3A_515 : memref<1x128xi32, #tpu.memory_space<vmem>> -> memref<128xi32, #tpu.memory_space<vmem>>
      %dma_wait3A_517 = arith.constant 0 : i32
      %dma_wait3A_518 = arith.constant 0 : i32
      %dma_wait3A_519 = tpu.memref_slice %arg5[%dma_wait3A_517, %dma_wait3A_518] : memref<100352x16xf32, #tpu.memory_space<vmem_shared>> -> memref<100352x16xf32, #tpu.memory_space<vmem_shared>>
      tpu.wait_indirect_dma semaphore(%arg32 : memref<!tpu.dma_semaphore, #tpu.memory_space<semaphore_mem>>) src(%arg12 : memref<128x16xf32, #tpu.memory_space<vmem>>) dst(%dma_wait3A_519 : memref<100352x16xf32, #tpu.memory_space<vmem_shared>>)
      %dma_wait3A_520 = arith.constant 0 : i32
      %dma_wait3A_521 = arith.constant 0 : i32
      %dma_wait3A_522 = tpu.memref_slice %arg8[%dma_wait3A_520, %dma_wait3A_521] : memref<16x128xi32, #tpu.memory_space<vmem>> -> memref<1x128xi32, #tpu.memory_space<vmem>>
      %dma_wait3A_523 = tpu.memref_squeeze %dma_wait3A_522 : memref<1x128xi32, #tpu.memory_space<vmem>> -> memref<128xi32, #tpu.memory_space<vmem>>
      %dma_wait3A_524 = arith.constant 0 : i32
      %dma_wait3A_525 = arith.constant 0 : i32
      %dma_wait3A_526 = tpu.memref_slice %arg5[%dma_wait3A_524, %dma_wait3A_525] : memref<100352x16xf32, #tpu.memory_space<vmem_shared>> -> memref<100352x16xf32, #tpu.memory_space<vmem_shared>>
      tpu.wait_indirect_dma semaphore(%arg33 : memref<!tpu.dma_semaphore, #tpu.memory_space<semaphore_mem>>) src(%arg13 : memref<128x16xf32, #tpu.memory_space<vmem>>) dst(%dma_wait3A_526 : memref<100352x16xf32, #tpu.memory_space<vmem_shared>>)
      %dma_wait3A_527 = arith.constant 0 : i32
      %dma_wait3A_528 = arith.constant 0 : i32
      %dma_wait3A_529 = tpu.memref_slice %arg8[%dma_wait3A_527, %dma_wait3A_528] : memref<16x128xi32, #tpu.memory_space<vmem>> -> memref<1x128xi32, #tpu.memory_space<vmem>>
      %dma_wait3A_530 = tpu.memref_squeeze %dma_wait3A_529 : memref<1x128xi32, #tpu.memory_space<vmem>> -> memref<128xi32, #tpu.memory_space<vmem>>
      %dma_wait3A_531 = arith.constant 0 : i32
      %dma_wait3A_532 = arith.constant 0 : i32
      %dma_wait3A_533 = tpu.memref_slice %arg5[%dma_wait3A_531, %dma_wait3A_532] : memref<100352x16xf32, #tpu.memory_space<vmem_shared>> -> memref<100352x16xf32, #tpu.memory_space<vmem_shared>>
      tpu.wait_indirect_dma semaphore(%arg34 : memref<!tpu.dma_semaphore, #tpu.memory_space<semaphore_mem>>) src(%arg14 : memref<128x16xf32, #tpu.memory_space<vmem>>) dst(%dma_wait3A_533 : memref<100352x16xf32, #tpu.memory_space<vmem_shared>>)
      %dma_wait3A_534 = arith.constant 0 : i32
      %dma_wait3A_535 = arith.constant 0 : i32
      %dma_wait3A_536 = tpu.memref_slice %arg8[%dma_wait3A_534, %dma_wait3A_535] : memref<16x128xi32, #tpu.memory_space<vmem>> -> memref<1x128xi32, #tpu.memory_space<vmem>>
      %dma_wait3A_537 = tpu.memref_squeeze %dma_wait3A_536 : memref<1x128xi32, #tpu.memory_space<vmem>> -> memref<128xi32, #tpu.memory_space<vmem>>
      %dma_wait3A_538 = arith.constant 0 : i32
      %dma_wait3A_539 = arith.constant 0 : i32
      %dma_wait3A_540 = tpu.memref_slice %arg5[%dma_wait3A_538, %dma_wait3A_539] : memref<100352x16xf32, #tpu.memory_space<vmem_shared>> -> memref<100352x16xf32, #tpu.memory_space<vmem_shared>>
      tpu.wait_indirect_dma semaphore(%arg35 : memref<!tpu.dma_semaphore, #tpu.memory_space<semaphore_mem>>) src(%arg15 : memref<128x16xf32, #tpu.memory_space<vmem>>) dst(%dma_wait3A_540 : memref<100352x16xf32, #tpu.memory_space<vmem_shared>>)
      %dma_wait3A_541 = arith.constant 0 : i32
      %dma_wait3A_542 = arith.constant 0 : i32
      %dma_wait3A_543 = tpu.memref_slice %arg8[%dma_wait3A_541, %dma_wait3A_542] : memref<16x128xi32, #tpu.memory_space<vmem>> -> memref<1x128xi32, #tpu.memory_space<vmem>>
      %dma_wait3A_544 = tpu.memref_squeeze %dma_wait3A_543 : memref<1x128xi32, #tpu.memory_space<vmem>> -> memref<128xi32, #tpu.memory_space<vmem>>
      %dma_wait3A_545 = arith.constant 0 : i32
      %dma_wait3A_546 = arith.constant 0 : i32
      %dma_wait3A_547 = tpu.memref_slice %arg5[%dma_wait3A_545, %dma_wait3A_546] : memref<100352x16xf32, #tpu.memory_space<vmem_shared>> -> memref<100352x16xf32, #tpu.memory_space<vmem_shared>>
      tpu.wait_indirect_dma semaphore(%arg36 : memref<!tpu.dma_semaphore, #tpu.memory_space<semaphore_mem>>) src(%arg16 : memref<128x16xf32, #tpu.memory_space<vmem>>) dst(%dma_wait3A_547 : memref<100352x16xf32, #tpu.memory_space<vmem_shared>>)
      %dma_wait3A_548 = arith.constant 0 : i32
      %dma_wait3A_549 = arith.constant 0 : i32
      %dma_wait3A_550 = tpu.memref_slice %arg8[%dma_wait3A_548, %dma_wait3A_549] : memref<16x128xi32, #tpu.memory_space<vmem>> -> memref<1x128xi32, #tpu.memory_space<vmem>>
      %dma_wait3A_551 = tpu.memref_squeeze %dma_wait3A_550 : memref<1x128xi32, #tpu.memory_space<vmem>> -> memref<128xi32, #tpu.memory_space<vmem>>
      %dma_wait3A_552 = arith.constant 0 : i32
      %dma_wait3A_553 = arith.constant 0 : i32
      %dma_wait3A_554 = tpu.memref_slice %arg5[%dma_wait3A_552, %dma_wait3A_553] : memref<100352x16xf32, #tpu.memory_space<vmem_shared>> -> memref<100352x16xf32, #tpu.memory_space<vmem_shared>>
      tpu.wait_indirect_dma semaphore(%arg37 : memref<!tpu.dma_semaphore, #tpu.memory_space<semaphore_mem>>) src(%arg17 : memref<128x16xf32, #tpu.memory_space<vmem>>) dst(%dma_wait3A_554 : memref<100352x16xf32, #tpu.memory_space<vmem_shared>>)
      %dma_wait3A_555 = arith.constant 0 : i32
      %dma_wait3A_556 = arith.constant 0 : i32
      %dma_wait3A_557 = tpu.memref_slice %arg8[%dma_wait3A_555, %dma_wait3A_556] : memref<16x128xi32, #tpu.memory_space<vmem>> -> memref<1x128xi32, #tpu.memory_space<vmem>>
      %dma_wait3A_558 = tpu.memref_squeeze %dma_wait3A_557 : memref<1x128xi32, #tpu.memory_space<vmem>> -> memref<128xi32, #tpu.memory_space<vmem>>
      %dma_wait3A_559 = arith.constant 0 : i32
      %dma_wait3A_560 = arith.constant 0 : i32
      %dma_wait3A_561 = tpu.memref_slice %arg5[%dma_wait3A_559, %dma_wait3A_560] : memref<100352x16xf32, #tpu.memory_space<vmem_shared>> -> memref<100352x16xf32, #tpu.memory_space<vmem_shared>>
      tpu.wait_indirect_dma semaphore(%arg38 : memref<!tpu.dma_semaphore, #tpu.memory_space<semaphore_mem>>) src(%arg18 : memref<128x16xf32, #tpu.memory_space<vmem>>) dst(%dma_wait3A_561 : memref<100352x16xf32, #tpu.memory_space<vmem_shared>>)
    } else {
    }
    %dma_start3A_52 = arith.constant 0 : i32
    %dma_start3A_53 = arith.constant 0 : i32
    %dma_start3A_54 = tpu.memref_slice %arg7[%dma_start3A_52, %dma_start3A_53] : memref<16x128xi32, #tpu.memory_space<vmem>> -> memref<1x128xi32, #tpu.memory_space<vmem>>
    %dma_start3A_55 = tpu.memref_squeeze %dma_start3A_54 : memref<1x128xi32, #tpu.memory_space<vmem>> -> memref<128xi32, #tpu.memory_space<vmem>>
    %dma_start3A_56 = arith.constant 0 : i32
    %dma_start3A_57 = arith.constant 0 : i32
    %dma_start3A_58 = tpu.memref_slice %arg3[%dma_start3A_56, %dma_start3A_57] : memref<100352x16xf32, #tpu.memory_space<hbm>> -> memref<100352x16xf32, #tpu.memory_space<hbm>>
    tpu.enqueue_indirect_dma source(%dma_start3A_58 : memref<100352x16xf32, #tpu.memory_space<hbm>>) target(%arg11 : memref<128x16xf32, #tpu.memory_space<vmem>>) offsets(%dma_start3A_55 : memref<128xi32, #tpu.memory_space<vmem>>) semaphore(%arg23 : memref<!tpu.dma_semaphore, #tpu.memory_space<semaphore_mem>>)
    %dma_start3A_59 = arith.constant 1 : i32
    %dma_start3A_60 = arith.constant 0 : i32
    %dma_start3A_61 = tpu.memref_slice %arg7[%dma_start3A_59, %dma_start3A_60] : memref<16x128xi32, #tpu.memory_space<vmem>> -> memref<1x128xi32, #tpu.memory_space<vmem>>
    %dma_start3A_62 = tpu.memref_squeeze %dma_start3A_61 : memref<1x128xi32, #tpu.memory_space<vmem>> -> memref<128xi32, #tpu.memory_space<vmem>>
    %dma_start3A_63 = arith.constant 0 : i32
    %dma_start3A_64 = arith.constant 0 : i32
    %dma_start3A_65 = tpu.memref_slice %arg3[%dma_start3A_63, %dma_start3A_64] : memref<100352x16xf32, #tpu.memory_space<hbm>> -> memref<100352x16xf32, #tpu.memory_space<hbm>>
    tpu.enqueue_indirect_dma source(%dma_start3A_65 : memref<100352x16xf32, #tpu.memory_space<hbm>>) target(%arg12 : memref<128x16xf32, #tpu.memory_space<vmem>>) offsets(%dma_start3A_62 : memref<128xi32, #tpu.memory_space<vmem>>) semaphore(%arg24 : memref<!tpu.dma_semaphore, #tpu.memory_space<semaphore_mem>>)
    %dma_start3A_66 = arith.constant 2 : i32
    %dma_start3A_67 = arith.constant 0 : i32
    %dma_start3A_68 = tpu.memref_slice %arg7[%dma_start3A_66, %dma_start3A_67] : memref<16x128xi32, #tpu.memory_space<vmem>> -> memref<1x128xi32, #tpu.memory_space<vmem>>
    %dma_start3A_69 = tpu.memref_squeeze %dma_start3A_68 : memref<1x128xi32, #tpu.memory_space<vmem>> -> memref<128xi32, #tpu.memory_space<vmem>>
    %dma_start3A_70 = arith.constant 0 : i32
    %dma_start3A_71 = arith.constant 0 : i32
    %dma_start3A_72 = tpu.memref_slice %arg3[%dma_start3A_70, %dma_start3A_71] : memref<100352x16xf32, #tpu.memory_space<hbm>> -> memref<100352x16xf32, #tpu.memory_space<hbm>>
    tpu.enqueue_indirect_dma source(%dma_start3A_72 : memref<100352x16xf32, #tpu.memory_space<hbm>>) target(%arg13 : memref<128x16xf32, #tpu.memory_space<vmem>>) offsets(%dma_start3A_69 : memref<128xi32, #tpu.memory_space<vmem>>) semaphore(%arg25 : memref<!tpu.dma_semaphore, #tpu.memory_space<semaphore_mem>>)
    %dma_start3A_73 = arith.constant 3 : i32
    %dma_start3A_74 = arith.constant 0 : i32
    %dma_start3A_75 = tpu.memref_slice %arg7[%dma_start3A_73, %dma_start3A_74] : memref<16x128xi32, #tpu.memory_space<vmem>> -> memref<1x128xi32, #tpu.memory_space<vmem>>
    %dma_start3A_76 = tpu.memref_squeeze %dma_start3A_75 : memref<1x128xi32, #tpu.memory_space<vmem>> -> memref<128xi32, #tpu.memory_space<vmem>>
    %dma_start3A_77 = arith.constant 0 : i32
    %dma_start3A_78 = arith.constant 0 : i32
    %dma_start3A_79 = tpu.memref_slice %arg3[%dma_start3A_77, %dma_start3A_78] : memref<100352x16xf32, #tpu.memory_space<hbm>> -> memref<100352x16xf32, #tpu.memory_space<hbm>>
    tpu.enqueue_indirect_dma source(%dma_start3A_79 : memref<100352x16xf32, #tpu.memory_space<hbm>>) target(%arg14 : memref<128x16xf32, #tpu.memory_space<vmem>>) offsets(%dma_start3A_76 : memref<128xi32, #tpu.memory_space<vmem>>) semaphore(%arg26 : memref<!tpu.dma_semaphore, #tpu.memory_space<semaphore_mem>>)
    %dma_start3A_80 = arith.constant 4 : i32
    %dma_start3A_81 = arith.constant 0 : i32
    %dma_start3A_82 = tpu.memref_slice %arg7[%dma_start3A_80, %dma_start3A_81] : memref<16x128xi32, #tpu.memory_space<vmem>> -> memref<1x128xi32, #tpu.memory_space<vmem>>
    %dma_start3A_83 = tpu.memref_squeeze %dma_start3A_82 : memref<1x128xi32, #tpu.memory_space<vmem>> -> memref<128xi32, #tpu.memory_space<vmem>>
    %dma_start3A_84 = arith.constant 0 : i32
    %dma_start3A_85 = arith.constant 0 : i32
    %dma_start3A_86 = tpu.memref_slice %arg3[%dma_start3A_84, %dma_start3A_85] : memref<100352x16xf32, #tpu.memory_space<hbm>> -> memref<100352x16xf32, #tpu.memory_space<hbm>>
    tpu.enqueue_indirect_dma source(%dma_start3A_86 : memref<100352x16xf32, #tpu.memory_space<hbm>>) target(%arg15 : memref<128x16xf32, #tpu.memory_space<vmem>>) offsets(%dma_start3A_83 : memref<128xi32, #tpu.memory_space<vmem>>) semaphore(%arg27 : memref<!tpu.dma_semaphore, #tpu.memory_space<semaphore_mem>>)
    %dma_start3A_87 = arith.constant 5 : i32
    %dma_start3A_88 = arith.constant 0 : i32
    %dma_start3A_89 = tpu.memref_slice %arg7[%dma_start3A_87, %dma_start3A_88] : memref<16x128xi32, #tpu.memory_space<vmem>> -> memref<1x128xi32, #tpu.memory_space<vmem>>
    %dma_start3A_90 = tpu.memref_squeeze %dma_start3A_89 : memref<1x128xi32, #tpu.memory_space<vmem>> -> memref<128xi32, #tpu.memory_space<vmem>>
    %dma_start3A_91 = arith.constant 0 : i32
    %dma_start3A_92 = arith.constant 0 : i32
    %dma_start3A_93 = tpu.memref_slice %arg3[%dma_start3A_91, %dma_start3A_92] : memref<100352x16xf32, #tpu.memory_space<hbm>> -> memref<100352x16xf32, #tpu.memory_space<hbm>>
    tpu.enqueue_indirect_dma source(%dma_start3A_93 : memref<100352x16xf32, #tpu.memory_space<hbm>>) target(%arg16 : memref<128x16xf32, #tpu.memory_space<vmem>>) offsets(%dma_start3A_90 : memref<128xi32, #tpu.memory_space<vmem>>) semaphore(%arg28 : memref<!tpu.dma_semaphore, #tpu.memory_space<semaphore_mem>>)
    %dma_start3A_94 = arith.constant 6 : i32
    %dma_start3A_95 = arith.constant 0 : i32
    %dma_start3A_96 = tpu.memref_slice %arg7[%dma_start3A_94, %dma_start3A_95] : memref<16x128xi32, #tpu.memory_space<vmem>> -> memref<1x128xi32, #tpu.memory_space<vmem>>
    %dma_start3A_97 = tpu.memref_squeeze %dma_start3A_96 : memref<1x128xi32, #tpu.memory_space<vmem>> -> memref<128xi32, #tpu.memory_space<vmem>>
    %dma_start3A_98 = arith.constant 0 : i32
    %dma_start3A_99 = arith.constant 0 : i32
    %dma_start3A_100 = tpu.memref_slice %arg3[%dma_start3A_98, %dma_start3A_99] : memref<100352x16xf32, #tpu.memory_space<hbm>> -> memref<100352x16xf32, #tpu.memory_space<hbm>>
    tpu.enqueue_indirect_dma source(%dma_start3A_100 : memref<100352x16xf32, #tpu.memory_space<hbm>>) target(%arg17 : memref<128x16xf32, #tpu.memory_space<vmem>>) offsets(%dma_start3A_97 : memref<128xi32, #tpu.memory_space<vmem>>) semaphore(%arg29 : memref<!tpu.dma_semaphore, #tpu.memory_space<semaphore_mem>>)
    %dma_start3A_101 = arith.constant 7 : i32
    %dma_start3A_102 = arith.constant 0 : i32
    %dma_start3A_103 = tpu.memref_slice %arg7[%dma_start3A_101, %dma_start3A_102] : memref<16x128xi32, #tpu.memory_space<vmem>> -> memref<1x128xi32, #tpu.memory_space<vmem>>
    %dma_start3A_104 = tpu.memref_squeeze %dma_start3A_103 : memref<1x128xi32, #tpu.memory_space<vmem>> -> memref<128xi32, #tpu.memory_space<vmem>>
    %dma_start3A_105 = arith.constant 0 : i32
    %dma_start3A_106 = arith.constant 0 : i32
    %dma_start3A_107 = tpu.memref_slice %arg3[%dma_start3A_105, %dma_start3A_106] : memref<100352x16xf32, #tpu.memory_space<hbm>> -> memref<100352x16xf32, #tpu.memory_space<hbm>>
    tpu.enqueue_indirect_dma source(%dma_start3A_107 : memref<100352x16xf32, #tpu.memory_space<hbm>>) target(%arg18 : memref<128x16xf32, #tpu.memory_space<vmem>>) offsets(%dma_start3A_104 : memref<128xi32, #tpu.memory_space<vmem>>) semaphore(%arg30 : memref<!tpu.dma_semaphore, #tpu.memory_space<semaphore_mem>>)
    %dma_wait3A_108 = arith.constant 0 : i32
    %dma_wait3A_109 = arith.constant 0 : i32
    %dma_wait3A_110 = tpu.memref_slice %arg7[%dma_wait3A_108, %dma_wait3A_109] : memref<16x128xi32, #tpu.memory_space<vmem>> -> memref<1x128xi32, #tpu.memory_space<vmem>>
    %dma_wait3A_111 = tpu.memref_squeeze %dma_wait3A_110 : memref<1x128xi32, #tpu.memory_space<vmem>> -> memref<128xi32, #tpu.memory_space<vmem>>
    %dma_wait3A_112 = arith.constant 0 : i32
    %dma_wait3A_113 = arith.constant 0 : i32
    %dma_wait3A_114 = tpu.memref_slice %arg3[%dma_wait3A_112, %dma_wait3A_113] : memref<100352x16xf32, #tpu.memory_space<hbm>> -> memref<100352x16xf32, #tpu.memory_space<hbm>>
    tpu.wait_indirect_dma semaphore(%arg23 : memref<!tpu.dma_semaphore, #tpu.memory_space<semaphore_mem>>) src(%dma_wait3A_114 : memref<100352x16xf32, #tpu.memory_space<hbm>>) dst(%arg11 : memref<128x16xf32, #tpu.memory_space<vmem>>)
    %dma_start3A_115 = arith.constant 0 : i32
    %dma_start3A_116 = arith.constant 0 : i32
    %dma_start3A_117 = tpu.memref_slice %arg8[%dma_start3A_115, %dma_start3A_116] : memref<16x128xi32, #tpu.memory_space<vmem>> -> memref<1x128xi32, #tpu.memory_space<vmem>>
    %dma_start3A_118 = tpu.memref_squeeze %dma_start3A_117 : memref<1x128xi32, #tpu.memory_space<vmem>> -> memref<128xi32, #tpu.memory_space<vmem>>
    %dma_start3A_119 = arith.constant 0 : i32
    %dma_start3A_120 = arith.constant 0 : i32
    %dma_start3A_121 = tpu.memref_slice %arg5[%dma_start3A_119, %dma_start3A_120] : memref<100352x16xf32, #tpu.memory_space<vmem_shared>> -> memref<100352x16xf32, #tpu.memory_space<vmem_shared>>
    tpu.enqueue_indirect_dma source(%arg11 : memref<128x16xf32, #tpu.memory_space<vmem>>) target(%dma_start3A_121 : memref<100352x16xf32, #tpu.memory_space<vmem_shared>>) offsets(%dma_start3A_118 : memref<128xi32, #tpu.memory_space<vmem>>) semaphore(%arg31 : memref<!tpu.dma_semaphore, #tpu.memory_space<semaphore_mem>>) {add = true}
    %dma_wait3A_122 = arith.constant 1 : i32
    %dma_wait3A_123 = arith.constant 0 : i32
    %dma_wait3A_124 = tpu.memref_slice %arg7[%dma_wait3A_122, %dma_wait3A_123] : memref<16x128xi32, #tpu.memory_space<vmem>> -> memref<1x128xi32, #tpu.memory_space<vmem>>
    %dma_wait3A_125 = tpu.memref_squeeze %dma_wait3A_124 : memref<1x128xi32, #tpu.memory_space<vmem>> -> memref<128xi32, #tpu.memory_space<vmem>>
    %dma_wait3A_126 = arith.constant 0 : i32
    %dma_wait3A_127 = arith.constant 0 : i32
    %dma_wait3A_128 = tpu.memref_slice %arg3[%dma_wait3A_126, %dma_wait3A_127] : memref<100352x16xf32, #tpu.memory_space<hbm>> -> memref<100352x16xf32, #tpu.memory_space<hbm>>
    tpu.wait_indirect_dma semaphore(%arg24 : memref<!tpu.dma_semaphore, #tpu.memory_space<semaphore_mem>>) src(%dma_wait3A_128 : memref<100352x16xf32, #tpu.memory_space<hbm>>) dst(%arg12 : memref<128x16xf32, #tpu.memory_space<vmem>>)
    %dma_start3A_129 = arith.constant 1 : i32
    %dma_start3A_130 = arith.constant 0 : i32
    %dma_start3A_131 = tpu.memref_slice %arg8[%dma_start3A_129, %dma_start3A_130] : memref<16x128xi32, #tpu.memory_space<vmem>> -> memref<1x128xi32, #tpu.memory_space<vmem>>
    %dma_start3A_132 = tpu.memref_squeeze %dma_start3A_131 : memref<1x128xi32, #tpu.memory_space<vmem>> -> memref<128xi32, #tpu.memory_space<vmem>>
    %dma_start3A_133 = arith.constant 0 : i32
    %dma_start3A_134 = arith.constant 0 : i32
    %dma_start3A_135 = tpu.memref_slice %arg5[%dma_start3A_133, %dma_start3A_134] : memref<100352x16xf32, #tpu.memory_space<vmem_shared>> -> memref<100352x16xf32, #tpu.memory_space<vmem_shared>>
    tpu.enqueue_indirect_dma source(%arg12 : memref<128x16xf32, #tpu.memory_space<vmem>>) target(%dma_start3A_135 : memref<100352x16xf32, #tpu.memory_space<vmem_shared>>) offsets(%dma_start3A_132 : memref<128xi32, #tpu.memory_space<vmem>>) semaphore(%arg32 : memref<!tpu.dma_semaphore, #tpu.memory_space<semaphore_mem>>) {add = true}
    %dma_wait3A_136 = arith.constant 2 : i32
    %dma_wait3A_137 = arith.constant 0 : i32
    %dma_wait3A_138 = tpu.memref_slice %arg7[%dma_wait3A_136, %dma_wait3A_137] : memref<16x128xi32, #tpu.memory_space<vmem>> -> memref<1x128xi32, #tpu.memory_space<vmem>>
    %dma_wait3A_139 = tpu.memref_squeeze %dma_wait3A_138 : memref<1x128xi32, #tpu.memory_space<vmem>> -> memref<128xi32, #tpu.memory_space<vmem>>
    %dma_wait3A_140 = arith.constant 0 : i32
    %dma_wait3A_141 = arith.constant 0 : i32
    %dma_wait3A_142 = tpu.memref_slice %arg3[%dma_wait3A_140, %dma_wait3A_141] : memref<100352x16xf32, #tpu.memory_space<hbm>> -> memref<100352x16xf32, #tpu.memory_space<hbm>>
    tpu.wait_indirect_dma semaphore(%arg25 : memref<!tpu.dma_semaphore, #tpu.memory_space<semaphore_mem>>) src(%dma_wait3A_142 : memref<100352x16xf32, #tpu.memory_space<hbm>>) dst(%arg13 : memref<128x16xf32, #tpu.memory_space<vmem>>)
    %dma_start3A_143 = arith.constant 2 : i32
    %dma_start3A_144 = arith.constant 0 : i32
    %dma_start3A_145 = tpu.memref_slice %arg8[%dma_start3A_143, %dma_start3A_144] : memref<16x128xi32, #tpu.memory_space<vmem>> -> memref<1x128xi32, #tpu.memory_space<vmem>>
    %dma_start3A_146 = tpu.memref_squeeze %dma_start3A_145 : memref<1x128xi32, #tpu.memory_space<vmem>> -> memref<128xi32, #tpu.memory_space<vmem>>
    %dma_start3A_147 = arith.constant 0 : i32
    %dma_start3A_148 = arith.constant 0 : i32
    %dma_start3A_149 = tpu.memref_slice %arg5[%dma_start3A_147, %dma_start3A_148] : memref<100352x16xf32, #tpu.memory_space<vmem_shared>> -> memref<100352x16xf32, #tpu.memory_space<vmem_shared>>
    tpu.enqueue_indirect_dma source(%arg13 : memref<128x16xf32, #tpu.memory_space<vmem>>) target(%dma_start3A_149 : memref<100352x16xf32, #tpu.memory_space<vmem_shared>>) offsets(%dma_start3A_146 : memref<128xi32, #tpu.memory_space<vmem>>) semaphore(%arg33 : memref<!tpu.dma_semaphore, #tpu.memory_space<semaphore_mem>>) {add = true}
    %dma_wait3A_150 = arith.constant 3 : i32
    %dma_wait3A_151 = arith.constant 0 : i32
    %dma_wait3A_152 = tpu.memref_slice %arg7[%dma_wait3A_150, %dma_wait3A_151] : memref<16x128xi32, #tpu.memory_space<vmem>> -> memref<1x128xi32, #tpu.memory_space<vmem>>
    %dma_wait3A_153 = tpu.memref_squeeze %dma_wait3A_152 : memref<1x128xi32, #tpu.memory_space<vmem>> -> memref<128xi32, #tpu.memory_space<vmem>>
    %dma_wait3A_154 = arith.constant 0 : i32
    %dma_wait3A_155 = arith.constant 0 : i32
    %dma_wait3A_156 = tpu.memref_slice %arg3[%dma_wait3A_154, %dma_wait3A_155] : memref<100352x16xf32, #tpu.memory_space<hbm>> -> memref<100352x16xf32, #tpu.memory_space<hbm>>
    tpu.wait_indirect_dma semaphore(%arg26 : memref<!tpu.dma_semaphore, #tpu.memory_space<semaphore_mem>>) src(%dma_wait3A_156 : memref<100352x16xf32, #tpu.memory_space<hbm>>) dst(%arg14 : memref<128x16xf32, #tpu.memory_space<vmem>>)
    %dma_start3A_157 = arith.constant 3 : i32
    %dma_start3A_158 = arith.constant 0 : i32
    %dma_start3A_159 = tpu.memref_slice %arg8[%dma_start3A_157, %dma_start3A_158] : memref<16x128xi32, #tpu.memory_space<vmem>> -> memref<1x128xi32, #tpu.memory_space<vmem>>
    %dma_start3A_160 = tpu.memref_squeeze %dma_start3A_159 : memref<1x128xi32, #tpu.memory_space<vmem>> -> memref<128xi32, #tpu.memory_space<vmem>>
    %dma_start3A_161 = arith.constant 0 : i32
    %dma_start3A_162 = arith.constant 0 : i32
    %dma_start3A_163 = tpu.memref_slice %arg5[%dma_start3A_161, %dma_start3A_162] : memref<100352x16xf32, #tpu.memory_space<vmem_shared>> -> memref<100352x16xf32, #tpu.memory_space<vmem_shared>>
    tpu.enqueue_indirect_dma source(%arg14 : memref<128x16xf32, #tpu.memory_space<vmem>>) target(%dma_start3A_163 : memref<100352x16xf32, #tpu.memory_space<vmem_shared>>) offsets(%dma_start3A_160 : memref<128xi32, #tpu.memory_space<vmem>>) semaphore(%arg34 : memref<!tpu.dma_semaphore, #tpu.memory_space<semaphore_mem>>) {add = true}
    %dma_wait3A_164 = arith.constant 4 : i32
    %dma_wait3A_165 = arith.constant 0 : i32
    %dma_wait3A_166 = tpu.memref_slice %arg7[%dma_wait3A_164, %dma_wait3A_165] : memref<16x128xi32, #tpu.memory_space<vmem>> -> memref<1x128xi32, #tpu.memory_space<vmem>>
    %dma_wait3A_167 = tpu.memref_squeeze %dma_wait3A_166 : memref<1x128xi32, #tpu.memory_space<vmem>> -> memref<128xi32, #tpu.memory_space<vmem>>
    %dma_wait3A_168 = arith.constant 0 : i32
    %dma_wait3A_169 = arith.constant 0 : i32
    %dma_wait3A_170 = tpu.memref_slice %arg3[%dma_wait3A_168, %dma_wait3A_169] : memref<100352x16xf32, #tpu.memory_space<hbm>> -> memref<100352x16xf32, #tpu.memory_space<hbm>>
    tpu.wait_indirect_dma semaphore(%arg27 : memref<!tpu.dma_semaphore, #tpu.memory_space<semaphore_mem>>) src(%dma_wait3A_170 : memref<100352x16xf32, #tpu.memory_space<hbm>>) dst(%arg15 : memref<128x16xf32, #tpu.memory_space<vmem>>)
    %dma_start3A_171 = arith.constant 4 : i32
    %dma_start3A_172 = arith.constant 0 : i32
    %dma_start3A_173 = tpu.memref_slice %arg8[%dma_start3A_171, %dma_start3A_172] : memref<16x128xi32, #tpu.memory_space<vmem>> -> memref<1x128xi32, #tpu.memory_space<vmem>>
    %dma_start3A_174 = tpu.memref_squeeze %dma_start3A_173 : memref<1x128xi32, #tpu.memory_space<vmem>> -> memref<128xi32, #tpu.memory_space<vmem>>
    %dma_start3A_175 = arith.constant 0 : i32
    %dma_start3A_176 = arith.constant 0 : i32
    %dma_start3A_177 = tpu.memref_slice %arg5[%dma_start3A_175, %dma_start3A_176] : memref<100352x16xf32, #tpu.memory_space<vmem_shared>> -> memref<100352x16xf32, #tpu.memory_space<vmem_shared>>
    tpu.enqueue_indirect_dma source(%arg15 : memref<128x16xf32, #tpu.memory_space<vmem>>) target(%dma_start3A_177 : memref<100352x16xf32, #tpu.memory_space<vmem_shared>>) offsets(%dma_start3A_174 : memref<128xi32, #tpu.memory_space<vmem>>) semaphore(%arg35 : memref<!tpu.dma_semaphore, #tpu.memory_space<semaphore_mem>>) {add = true}
    %dma_wait3A_178 = arith.constant 5 : i32
    %dma_wait3A_179 = arith.constant 0 : i32
    %dma_wait3A_180 = tpu.memref_slice %arg7[%dma_wait3A_178, %dma_wait3A_179] : memref<16x128xi32, #tpu.memory_space<vmem>> -> memref<1x128xi32, #tpu.memory_space<vmem>>
    %dma_wait3A_181 = tpu.memref_squeeze %dma_wait3A_180 : memref<1x128xi32, #tpu.memory_space<vmem>> -> memref<128xi32, #tpu.memory_space<vmem>>
    %dma_wait3A_182 = arith.constant 0 : i32
    %dma_wait3A_183 = arith.constant 0 : i32
    %dma_wait3A_184 = tpu.memref_slice %arg3[%dma_wait3A_182, %dma_wait3A_183] : memref<100352x16xf32, #tpu.memory_space<hbm>> -> memref<100352x16xf32, #tpu.memory_space<hbm>>
    tpu.wait_indirect_dma semaphore(%arg28 : memref<!tpu.dma_semaphore, #tpu.memory_space<semaphore_mem>>) src(%dma_wait3A_184 : memref<100352x16xf32, #tpu.memory_space<hbm>>) dst(%arg16 : memref<128x16xf32, #tpu.memory_space<vmem>>)
    %dma_start3A_185 = arith.constant 5 : i32
    %dma_start3A_186 = arith.constant 0 : i32
    %dma_start3A_187 = tpu.memref_slice %arg8[%dma_start3A_185, %dma_start3A_186] : memref<16x128xi32, #tpu.memory_space<vmem>> -> memref<1x128xi32, #tpu.memory_space<vmem>>
    %dma_start3A_188 = tpu.memref_squeeze %dma_start3A_187 : memref<1x128xi32, #tpu.memory_space<vmem>> -> memref<128xi32, #tpu.memory_space<vmem>>
    %dma_start3A_189 = arith.constant 0 : i32
    %dma_start3A_190 = arith.constant 0 : i32
    %dma_start3A_191 = tpu.memref_slice %arg5[%dma_start3A_189, %dma_start3A_190] : memref<100352x16xf32, #tpu.memory_space<vmem_shared>> -> memref<100352x16xf32, #tpu.memory_space<vmem_shared>>
    tpu.enqueue_indirect_dma source(%arg16 : memref<128x16xf32, #tpu.memory_space<vmem>>) target(%dma_start3A_191 : memref<100352x16xf32, #tpu.memory_space<vmem_shared>>) offsets(%dma_start3A_188 : memref<128xi32, #tpu.memory_space<vmem>>) semaphore(%arg36 : memref<!tpu.dma_semaphore, #tpu.memory_space<semaphore_mem>>) {add = true}
    %dma_wait3A_192 = arith.constant 6 : i32
    %dma_wait3A_193 = arith.constant 0 : i32
    %dma_wait3A_194 = tpu.memref_slice %arg7[%dma_wait3A_192, %dma_wait3A_193] : memref<16x128xi32, #tpu.memory_space<vmem>> -> memref<1x128xi32, #tpu.memory_space<vmem>>
    %dma_wait3A_195 = tpu.memref_squeeze %dma_wait3A_194 : memref<1x128xi32, #tpu.memory_space<vmem>> -> memref<128xi32, #tpu.memory_space<vmem>>
    %dma_wait3A_196 = arith.constant 0 : i32
    %dma_wait3A_197 = arith.constant 0 : i32
    %dma_wait3A_198 = tpu.memref_slice %arg3[%dma_wait3A_196, %dma_wait3A_197] : memref<100352x16xf32, #tpu.memory_space<hbm>> -> memref<100352x16xf32, #tpu.memory_space<hbm>>
    tpu.wait_indirect_dma semaphore(%arg29 : memref<!tpu.dma_semaphore, #tpu.memory_space<semaphore_mem>>) src(%dma_wait3A_198 : memref<100352x16xf32, #tpu.memory_space<hbm>>) dst(%arg17 : memref<128x16xf32, #tpu.memory_space<vmem>>)
    %dma_start3A_199 = arith.constant 6 : i32
    %dma_start3A_200 = arith.constant 0 : i32
    %dma_start3A_201 = tpu.memref_slice %arg8[%dma_start3A_199, %dma_start3A_200] : memref<16x128xi32, #tpu.memory_space<vmem>> -> memref<1x128xi32, #tpu.memory_space<vmem>>
    %dma_start3A_202 = tpu.memref_squeeze %dma_start3A_201 : memref<1x128xi32, #tpu.memory_space<vmem>> -> memref<128xi32, #tpu.memory_space<vmem>>
    %dma_start3A_203 = arith.constant 0 : i32
    %dma_start3A_204 = arith.constant 0 : i32
    %dma_start3A_205 = tpu.memref_slice %arg5[%dma_start3A_203, %dma_start3A_204] : memref<100352x16xf32, #tpu.memory_space<vmem_shared>> -> memref<100352x16xf32, #tpu.memory_space<vmem_shared>>
    tpu.enqueue_indirect_dma source(%arg17 : memref<128x16xf32, #tpu.memory_space<vmem>>) target(%dma_start3A_205 : memref<100352x16xf32, #tpu.memory_space<vmem_shared>>) offsets(%dma_start3A_202 : memref<128xi32, #tpu.memory_space<vmem>>) semaphore(%arg37 : memref<!tpu.dma_semaphore, #tpu.memory_space<semaphore_mem>>) {add = true}
    %dma_wait3A_206 = arith.constant 7 : i32
    %dma_wait3A_207 = arith.constant 0 : i32
    %dma_wait3A_208 = tpu.memref_slice %arg7[%dma_wait3A_206, %dma_wait3A_207] : memref<16x128xi32, #tpu.memory_space<vmem>> -> memref<1x128xi32, #tpu.memory_space<vmem>>
    %dma_wait3A_209 = tpu.memref_squeeze %dma_wait3A_208 : memref<1x128xi32, #tpu.memory_space<vmem>> -> memref<128xi32, #tpu.memory_space<vmem>>
    %dma_wait3A_210 = arith.constant 0 : i32
    %dma_wait3A_211 = arith.constant 0 : i32
    %dma_wait3A_212 = tpu.memref_slice %arg3[%dma_wait3A_210, %dma_wait3A_211] : memref<100352x16xf32, #tpu.memory_space<hbm>> -> memref<100352x16xf32, #tpu.memory_space<hbm>>
    tpu.wait_indirect_dma semaphore(%arg30 : memref<!tpu.dma_semaphore, #tpu.memory_space<semaphore_mem>>) src(%dma_wait3A_212 : memref<100352x16xf32, #tpu.memory_space<hbm>>) dst(%arg18 : memref<128x16xf32, #tpu.memory_space<vmem>>)
    %dma_start3A_213 = arith.constant 7 : i32
    %dma_start3A_214 = arith.constant 0 : i32
    %dma_start3A_215 = tpu.memref_slice %arg8[%dma_start3A_213, %dma_start3A_214] : memref<16x128xi32, #tpu.memory_space<vmem>> -> memref<1x128xi32, #tpu.memory_space<vmem>>
    %dma_start3A_216 = tpu.memref_squeeze %dma_start3A_215 : memref<1x128xi32, #tpu.memory_space<vmem>> -> memref<128xi32, #tpu.memory_space<vmem>>
    %dma_start3A_217 = arith.constant 0 : i32
    %dma_start3A_218 = arith.constant 0 : i32
    %dma_start3A_219 = tpu.memref_slice %arg5[%dma_start3A_217, %dma_start3A_218] : memref<100352x16xf32, #tpu.memory_space<vmem_shared>> -> memref<100352x16xf32, #tpu.memory_space<vmem_shared>>
    tpu.enqueue_indirect_dma source(%arg18 : memref<128x16xf32, #tpu.memory_space<vmem>>) target(%dma_start3A_219 : memref<100352x16xf32, #tpu.memory_space<vmem_shared>>) offsets(%dma_start3A_216 : memref<128xi32, #tpu.memory_space<vmem>>) semaphore(%arg38 : memref<!tpu.dma_semaphore, #tpu.memory_space<semaphore_mem>>) {add = true}
    %dma_wait3A_220 = arith.constant 8 : i32
    %dma_wait3A_221 = arith.constant 0 : i32
    %dma_wait3A_222 = tpu.memref_slice %arg8[%dma_wait3A_220, %dma_wait3A_221] : memref<16x128xi32, #tpu.memory_space<vmem>> -> memref<1x128xi32, #tpu.memory_space<vmem>>
    %dma_wait3A_223 = tpu.memref_squeeze %dma_wait3A_222 : memref<1x128xi32, #tpu.memory_space<vmem>> -> memref<128xi32, #tpu.memory_space<vmem>>
    %dma_wait3A_224 = arith.constant 0 : i32
    %dma_wait3A_225 = arith.constant 0 : i32
    %dma_wait3A_226 = tpu.memref_slice %arg5[%dma_wait3A_224, %dma_wait3A_225] : memref<100352x16xf32, #tpu.memory_space<vmem_shared>> -> memref<100352x16xf32, #tpu.memory_space<vmem_shared>>
    tpu.wait_indirect_dma semaphore(%arg31 : memref<!tpu.dma_semaphore, #tpu.memory_space<semaphore_mem>>) src(%arg11 : memref<128x16xf32, #tpu.memory_space<vmem>>) dst(%dma_wait3A_226 : memref<100352x16xf32, #tpu.memory_space<vmem_shared>>)
    %dma_wait3A_227 = arith.constant 8 : i32
    %dma_wait3A_228 = arith.constant 0 : i32
    %dma_wait3A_229 = tpu.memref_slice %arg8[%dma_wait3A_227, %dma_wait3A_228] : memref<16x128xi32, #tpu.memory_space<vmem>> -> memref<1x128xi32, #tpu.memory_space<vmem>>
    %dma_wait3A_230 = tpu.memref_squeeze %dma_wait3A_229 : memref<1x128xi32, #tpu.memory_space<vmem>> -> memref<128xi32, #tpu.memory_space<vmem>>
    %dma_wait3A_231 = arith.constant 0 : i32
    %dma_wait3A_232 = arith.constant 0 : i32
    %dma_wait3A_233 = tpu.memref_slice %arg5[%dma_wait3A_231, %dma_wait3A_232] : memref<100352x16xf32, #tpu.memory_space<vmem_shared>> -> memref<100352x16xf32, #tpu.memory_space<vmem_shared>>
    tpu.wait_indirect_dma semaphore(%arg32 : memref<!tpu.dma_semaphore, #tpu.memory_space<semaphore_mem>>) src(%arg12 : memref<128x16xf32, #tpu.memory_space<vmem>>) dst(%dma_wait3A_233 : memref<100352x16xf32, #tpu.memory_space<vmem_shared>>)
    %dma_wait3A_234 = arith.constant 8 : i32
    %dma_wait3A_235 = arith.constant 0 : i32
    %dma_wait3A_236 = tpu.memref_slice %arg8[%dma_wait3A_234, %dma_wait3A_235] : memref<16x128xi32, #tpu.memory_space<vmem>> -> memref<1x128xi32, #tpu.memory_space<vmem>>
    %dma_wait3A_237 = tpu.memref_squeeze %dma_wait3A_236 : memref<1x128xi32, #tpu.memory_space<vmem>> -> memref<128xi32, #tpu.memory_space<vmem>>
    %dma_wait3A_238 = arith.constant 0 : i32
    %dma_wait3A_239 = arith.constant 0 : i32
    %dma_wait3A_240 = tpu.memref_slice %arg5[%dma_wait3A_238, %dma_wait3A_239] : memref<100352x16xf32, #tpu.memory_space<vmem_shared>> -> memref<100352x16xf32, #tpu.memory_space<vmem_shared>>
    tpu.wait_indirect_dma semaphore(%arg33 : memref<!tpu.dma_semaphore, #tpu.memory_space<semaphore_mem>>) src(%arg13 : memref<128x16xf32, #tpu.memory_space<vmem>>) dst(%dma_wait3A_240 : memref<100352x16xf32, #tpu.memory_space<vmem_shared>>)
    %dma_wait3A_241 = arith.constant 8 : i32
    %dma_wait3A_242 = arith.constant 0 : i32
    %dma_wait3A_243 = tpu.memref_slice %arg8[%dma_wait3A_241, %dma_wait3A_242] : memref<16x128xi32, #tpu.memory_space<vmem>> -> memref<1x128xi32, #tpu.memory_space<vmem>>
    %dma_wait3A_244 = tpu.memref_squeeze %dma_wait3A_243 : memref<1x128xi32, #tpu.memory_space<vmem>> -> memref<128xi32, #tpu.memory_space<vmem>>
    %dma_wait3A_245 = arith.constant 0 : i32
    %dma_wait3A_246 = arith.constant 0 : i32
    %dma_wait3A_247 = tpu.memref_slice %arg5[%dma_wait3A_245, %dma_wait3A_246] : memref<100352x16xf32, #tpu.memory_space<vmem_shared>> -> memref<100352x16xf32, #tpu.memory_space<vmem_shared>>
    tpu.wait_indirect_dma semaphore(%arg34 : memref<!tpu.dma_semaphore, #tpu.memory_space<semaphore_mem>>) src(%arg14 : memref<128x16xf32, #tpu.memory_space<vmem>>) dst(%dma_wait3A_247 : memref<100352x16xf32, #tpu.memory_space<vmem_shared>>)
    %dma_wait3A_248 = arith.constant 8 : i32
    %dma_wait3A_249 = arith.constant 0 : i32
    %dma_wait3A_250 = tpu.memref_slice %arg8[%dma_wait3A_248, %dma_wait3A_249] : memref<16x128xi32, #tpu.memory_space<vmem>> -> memref<1x128xi32, #tpu.memory_space<vmem>>
    %dma_wait3A_251 = tpu.memref_squeeze %dma_wait3A_250 : memref<1x128xi32, #tpu.memory_space<vmem>> -> memref<128xi32, #tpu.memory_space<vmem>>
    %dma_wait3A_252 = arith.constant 0 : i32
    %dma_wait3A_253 = arith.constant 0 : i32
    %dma_wait3A_254 = tpu.memref_slice %arg5[%dma_wait3A_252, %dma_wait3A_253] : memref<100352x16xf32, #tpu.memory_space<vmem_shared>> -> memref<100352x16xf32, #tpu.memory_space<vmem_shared>>
    tpu.wait_indirect_dma semaphore(%arg35 : memref<!tpu.dma_semaphore, #tpu.memory_space<semaphore_mem>>) src(%arg15 : memref<128x16xf32, #tpu.memory_space<vmem>>) dst(%dma_wait3A_254 : memref<100352x16xf32, #tpu.memory_space<vmem_shared>>)
    %dma_wait3A_255 = arith.constant 8 : i32
    %dma_wait3A_256 = arith.constant 0 : i32
    %dma_wait3A_257 = tpu.memref_slice %arg8[%dma_wait3A_255, %dma_wait3A_256] : memref<16x128xi32, #tpu.memory_space<vmem>> -> memref<1x128xi32, #tpu.memory_space<vmem>>
    %dma_wait3A_258 = tpu.memref_squeeze %dma_wait3A_257 : memref<1x128xi32, #tpu.memory_space<vmem>> -> memref<128xi32, #tpu.memory_space<vmem>>
    %dma_wait3A_259 = arith.constant 0 : i32
    %dma_wait3A_260 = arith.constant 0 : i32
    %dma_wait3A_261 = tpu.memref_slice %arg5[%dma_wait3A_259, %dma_wait3A_260] : memref<100352x16xf32, #tpu.memory_space<vmem_shared>> -> memref<100352x16xf32, #tpu.memory_space<vmem_shared>>
    tpu.wait_indirect_dma semaphore(%arg36 : memref<!tpu.dma_semaphore, #tpu.memory_space<semaphore_mem>>) src(%arg16 : memref<128x16xf32, #tpu.memory_space<vmem>>) dst(%dma_wait3A_261 : memref<100352x16xf32, #tpu.memory_space<vmem_shared>>)
    %dma_wait3A_262 = arith.constant 8 : i32
    %dma_wait3A_263 = arith.constant 0 : i32
    %dma_wait3A_264 = tpu.memref_slice %arg8[%dma_wait3A_262, %dma_wait3A_263] : memref<16x128xi32, #tpu.memory_space<vmem>> -> memref<1x128xi32, #tpu.memory_space<vmem>>
    %dma_wait3A_265 = tpu.memref_squeeze %dma_wait3A_264 : memref<1x128xi32, #tpu.memory_space<vmem>> -> memref<128xi32, #tpu.memory_space<vmem>>
    %dma_wait3A_266 = arith.constant 0 : i32
    %dma_wait3A_267 = arith.constant 0 : i32
    %dma_wait3A_268 = tpu.memref_slice %arg5[%dma_wait3A_266, %dma_wait3A_267] : memref<100352x16xf32, #tpu.memory_space<vmem_shared>> -> memref<100352x16xf32, #tpu.memory_space<vmem_shared>>
    tpu.wait_indirect_dma semaphore(%arg37 : memref<!tpu.dma_semaphore, #tpu.memory_space<semaphore_mem>>) src(%arg17 : memref<128x16xf32, #tpu.memory_space<vmem>>) dst(%dma_wait3A_268 : memref<100352x16xf32, #tpu.memory_space<vmem_shared>>)
    %dma_wait3A_269 = arith.constant 8 : i32
    %dma_wait3A_270 = arith.constant 0 : i32
    %dma_wait3A_271 = tpu.memref_slice %arg8[%dma_wait3A_269, %dma_wait3A_270] : memref<16x128xi32, #tpu.memory_space<vmem>> -> memref<1x128xi32, #tpu.memory_space<vmem>>
    %dma_wait3A_272 = tpu.memref_squeeze %dma_wait3A_271 : memref<1x128xi32, #tpu.memory_space<vmem>> -> memref<128xi32, #tpu.memory_space<vmem>>
    %dma_wait3A_273 = arith.constant 0 : i32
    %dma_wait3A_274 = arith.constant 0 : i32
    %dma_wait3A_275 = tpu.memref_slice %arg5[%dma_wait3A_273, %dma_wait3A_274] : memref<100352x16xf32, #tpu.memory_space<vmem_shared>> -> memref<100352x16xf32, #tpu.memory_space<vmem_shared>>
    tpu.wait_indirect_dma semaphore(%arg38 : memref<!tpu.dma_semaphore, #tpu.memory_space<semaphore_mem>>) src(%arg18 : memref<128x16xf32, #tpu.memory_space<vmem>>) dst(%dma_wait3A_275 : memref<100352x16xf32, #tpu.memory_space<vmem_shared>>)
    %dma_start3A_276 = arith.constant 8 : i32
    %dma_start3A_277 = arith.constant 0 : i32
    %dma_start3A_278 = tpu.memref_slice %arg7[%dma_start3A_276, %dma_start3A_277] : memref<16x128xi32, #tpu.memory_space<vmem>> -> memref<1x128xi32, #tpu.memory_space<vmem>>
    %dma_start3A_279 = tpu.memref_squeeze %dma_start3A_278 : memref<1x128xi32, #tpu.memory_space<vmem>> -> memref<128xi32, #tpu.memory_space<vmem>>
    %dma_start3A_280 = arith.constant 0 : i32
    %dma_start3A_281 = arith.constant 0 : i32
    %dma_start3A_282 = tpu.memref_slice %arg3[%dma_start3A_280, %dma_start3A_281] : memref<100352x16xf32, #tpu.memory_space<hbm>> -> memref<100352x16xf32, #tpu.memory_space<hbm>>
    tpu.enqueue_indirect_dma source(%dma_start3A_282 : memref<100352x16xf32, #tpu.memory_space<hbm>>) target(%arg11 : memref<128x16xf32, #tpu.memory_space<vmem>>) offsets(%dma_start3A_279 : memref<128xi32, #tpu.memory_space<vmem>>) semaphore(%arg23 : memref<!tpu.dma_semaphore, #tpu.memory_space<semaphore_mem>>)
    %dma_start3A_283 = arith.constant 9 : i32
    %dma_start3A_284 = arith.constant 0 : i32
    %dma_start3A_285 = tpu.memref_slice %arg7[%dma_start3A_283, %dma_start3A_284] : memref<16x128xi32, #tpu.memory_space<vmem>> -> memref<1x128xi32, #tpu.memory_space<vmem>>
    %dma_start3A_286 = tpu.memref_squeeze %dma_start3A_285 : memref<1x128xi32, #tpu.memory_space<vmem>> -> memref<128xi32, #tpu.memory_space<vmem>>
    %dma_start3A_287 = arith.constant 0 : i32
    %dma_start3A_288 = arith.constant 0 : i32
    %dma_start3A_289 = tpu.memref_slice %arg3[%dma_start3A_287, %dma_start3A_288] : memref<100352x16xf32, #tpu.memory_space<hbm>> -> memref<100352x16xf32, #tpu.memory_space<hbm>>
    tpu.enqueue_indirect_dma source(%dma_start3A_289 : memref<100352x16xf32, #tpu.memory_space<hbm>>) target(%arg12 : memref<128x16xf32, #tpu.memory_space<vmem>>) offsets(%dma_start3A_286 : memref<128xi32, #tpu.memory_space<vmem>>) semaphore(%arg24 : memref<!tpu.dma_semaphore, #tpu.memory_space<semaphore_mem>>)
    %dma_start3A_290 = arith.constant 10 : i32
    %dma_start3A_291 = arith.constant 0 : i32
    %dma_start3A_292 = tpu.memref_slice %arg7[%dma_start3A_290, %dma_start3A_291] : memref<16x128xi32, #tpu.memory_space<vmem>> -> memref<1x128xi32, #tpu.memory_space<vmem>>
    %dma_start3A_293 = tpu.memref_squeeze %dma_start3A_292 : memref<1x128xi32, #tpu.memory_space<vmem>> -> memref<128xi32, #tpu.memory_space<vmem>>
    %dma_start3A_294 = arith.constant 0 : i32
    %dma_start3A_295 = arith.constant 0 : i32
    %dma_start3A_296 = tpu.memref_slice %arg3[%dma_start3A_294, %dma_start3A_295] : memref<100352x16xf32, #tpu.memory_space<hbm>> -> memref<100352x16xf32, #tpu.memory_space<hbm>>
    tpu.enqueue_indirect_dma source(%dma_start3A_296 : memref<100352x16xf32, #tpu.memory_space<hbm>>) target(%arg13 : memref<128x16xf32, #tpu.memory_space<vmem>>) offsets(%dma_start3A_293 : memref<128xi32, #tpu.memory_space<vmem>>) semaphore(%arg25 : memref<!tpu.dma_semaphore, #tpu.memory_space<semaphore_mem>>)
    %dma_start3A_297 = arith.constant 11 : i32
    %dma_start3A_298 = arith.constant 0 : i32
    %dma_start3A_299 = tpu.memref_slice %arg7[%dma_start3A_297, %dma_start3A_298] : memref<16x128xi32, #tpu.memory_space<vmem>> -> memref<1x128xi32, #tpu.memory_space<vmem>>
    %dma_start3A_300 = tpu.memref_squeeze %dma_start3A_299 : memref<1x128xi32, #tpu.memory_space<vmem>> -> memref<128xi32, #tpu.memory_space<vmem>>
    %dma_start3A_301 = arith.constant 0 : i32
    %dma_start3A_302 = arith.constant 0 : i32
    %dma_start3A_303 = tpu.memref_slice %arg3[%dma_start3A_301, %dma_start3A_302] : memref<100352x16xf32, #tpu.memory_space<hbm>> -> memref<100352x16xf32, #tpu.memory_space<hbm>>
    tpu.enqueue_indirect_dma source(%dma_start3A_303 : memref<100352x16xf32, #tpu.memory_space<hbm>>) target(%arg14 : memref<128x16xf32, #tpu.memory_space<vmem>>) offsets(%dma_start3A_300 : memref<128xi32, #tpu.memory_space<vmem>>) semaphore(%arg26 : memref<!tpu.dma_semaphore, #tpu.memory_space<semaphore_mem>>)
    %dma_start3A_304 = arith.constant 12 : i32
    %dma_start3A_305 = arith.constant 0 : i32
    %dma_start3A_306 = tpu.memref_slice %arg7[%dma_start3A_304, %dma_start3A_305] : memref<16x128xi32, #tpu.memory_space<vmem>> -> memref<1x128xi32, #tpu.memory_space<vmem>>
    %dma_start3A_307 = tpu.memref_squeeze %dma_start3A_306 : memref<1x128xi32, #tpu.memory_space<vmem>> -> memref<128xi32, #tpu.memory_space<vmem>>
    %dma_start3A_308 = arith.constant 0 : i32
    %dma_start3A_309 = arith.constant 0 : i32
    %dma_start3A_310 = tpu.memref_slice %arg3[%dma_start3A_308, %dma_start3A_309] : memref<100352x16xf32, #tpu.memory_space<hbm>> -> memref<100352x16xf32, #tpu.memory_space<hbm>>
    tpu.enqueue_indirect_dma source(%dma_start3A_310 : memref<100352x16xf32, #tpu.memory_space<hbm>>) target(%arg15 : memref<128x16xf32, #tpu.memory_space<vmem>>) offsets(%dma_start3A_307 : memref<128xi32, #tpu.memory_space<vmem>>) semaphore(%arg27 : memref<!tpu.dma_semaphore, #tpu.memory_space<semaphore_mem>>)
    %dma_start3A_311 = arith.constant 13 : i32
    %dma_start3A_312 = arith.constant 0 : i32
    %dma_start3A_313 = tpu.memref_slice %arg7[%dma_start3A_311, %dma_start3A_312] : memref<16x128xi32, #tpu.memory_space<vmem>> -> memref<1x128xi32, #tpu.memory_space<vmem>>
    %dma_start3A_314 = tpu.memref_squeeze %dma_start3A_313 : memref<1x128xi32, #tpu.memory_space<vmem>> -> memref<128xi32, #tpu.memory_space<vmem>>
    %dma_start3A_315 = arith.constant 0 : i32
    %dma_start3A_316 = arith.constant 0 : i32
    %dma_start3A_317 = tpu.memref_slice %arg3[%dma_start3A_315, %dma_start3A_316] : memref<100352x16xf32, #tpu.memory_space<hbm>> -> memref<100352x16xf32, #tpu.memory_space<hbm>>
    tpu.enqueue_indirect_dma source(%dma_start3A_317 : memref<100352x16xf32, #tpu.memory_space<hbm>>) target(%arg16 : memref<128x16xf32, #tpu.memory_space<vmem>>) offsets(%dma_start3A_314 : memref<128xi32, #tpu.memory_space<vmem>>) semaphore(%arg28 : memref<!tpu.dma_semaphore, #tpu.memory_space<semaphore_mem>>)
    %dma_start3A_318 = arith.constant 14 : i32
    %dma_start3A_319 = arith.constant 0 : i32
    %dma_start3A_320 = tpu.memref_slice %arg7[%dma_start3A_318, %dma_start3A_319] : memref<16x128xi32, #tpu.memory_space<vmem>> -> memref<1x128xi32, #tpu.memory_space<vmem>>
    %dma_start3A_321 = tpu.memref_squeeze %dma_start3A_320 : memref<1x128xi32, #tpu.memory_space<vmem>> -> memref<128xi32, #tpu.memory_space<vmem>>
    %dma_start3A_322 = arith.constant 0 : i32
    %dma_start3A_323 = arith.constant 0 : i32
    %dma_start3A_324 = tpu.memref_slice %arg3[%dma_start3A_322, %dma_start3A_323] : memref<100352x16xf32, #tpu.memory_space<hbm>> -> memref<100352x16xf32, #tpu.memory_space<hbm>>
    tpu.enqueue_indirect_dma source(%dma_start3A_324 : memref<100352x16xf32, #tpu.memory_space<hbm>>) target(%arg17 : memref<128x16xf32, #tpu.memory_space<vmem>>) offsets(%dma_start3A_321 : memref<128xi32, #tpu.memory_space<vmem>>) semaphore(%arg29 : memref<!tpu.dma_semaphore, #tpu.memory_space<semaphore_mem>>)
    %dma_start3A_325 = arith.constant 15 : i32
    %dma_start3A_326 = arith.constant 0 : i32
    %dma_start3A_327 = tpu.memref_slice %arg7[%dma_start3A_325, %dma_start3A_326] : memref<16x128xi32, #tpu.memory_space<vmem>> -> memref<1x128xi32, #tpu.memory_space<vmem>>
    %dma_start3A_328 = tpu.memref_squeeze %dma_start3A_327 : memref<1x128xi32, #tpu.memory_space<vmem>> -> memref<128xi32, #tpu.memory_space<vmem>>
    %dma_start3A_329 = arith.constant 0 : i32
    %dma_start3A_330 = arith.constant 0 : i32
    %dma_start3A_331 = tpu.memref_slice %arg3[%dma_start3A_329, %dma_start3A_330] : memref<100352x16xf32, #tpu.memory_space<hbm>> -> memref<100352x16xf32, #tpu.memory_space<hbm>>
    tpu.enqueue_indirect_dma source(%dma_start3A_331 : memref<100352x16xf32, #tpu.memory_space<hbm>>) target(%arg18 : memref<128x16xf32, #tpu.memory_space<vmem>>) offsets(%dma_start3A_328 : memref<128xi32, #tpu.memory_space<vmem>>) semaphore(%arg30 : memref<!tpu.dma_semaphore, #tpu.memory_space<semaphore_mem>>)
    %dma_wait3A_332 = arith.constant 8 : i32
    %dma_wait3A_333 = arith.constant 0 : i32
    %dma_wait3A_334 = tpu.memref_slice %arg7[%dma_wait3A_332, %dma_wait3A_333] : memref<16x128xi32, #tpu.memory_space<vmem>> -> memref<1x128xi32, #tpu.memory_space<vmem>>
    %dma_wait3A_335 = tpu.memref_squeeze %dma_wait3A_334 : memref<1x128xi32, #tpu.memory_space<vmem>> -> memref<128xi32, #tpu.memory_space<vmem>>
    %dma_wait3A_336 = arith.constant 0 : i32
    %dma_wait3A_337 = arith.constant 0 : i32
    %dma_wait3A_338 = tpu.memref_slice %arg3[%dma_wait3A_336, %dma_wait3A_337] : memref<100352x16xf32, #tpu.memory_space<hbm>> -> memref<100352x16xf32, #tpu.memory_space<hbm>>
    tpu.wait_indirect_dma semaphore(%arg23 : memref<!tpu.dma_semaphore, #tpu.memory_space<semaphore_mem>>) src(%dma_wait3A_338 : memref<100352x16xf32, #tpu.memory_space<hbm>>) dst(%arg11 : memref<128x16xf32, #tpu.memory_space<vmem>>)
    %dma_start3A_339 = arith.constant 8 : i32
    %dma_start3A_340 = arith.constant 0 : i32
    %dma_start3A_341 = tpu.memref_slice %arg8[%dma_start3A_339, %dma_start3A_340] : memref<16x128xi32, #tpu.memory_space<vmem>> -> memref<1x128xi32, #tpu.memory_space<vmem>>
    %dma_start3A_342 = tpu.memref_squeeze %dma_start3A_341 : memref<1x128xi32, #tpu.memory_space<vmem>> -> memref<128xi32, #tpu.memory_space<vmem>>
    %dma_start3A_343 = arith.constant 0 : i32
    %dma_start3A_344 = arith.constant 0 : i32
    %dma_start3A_345 = tpu.memref_slice %arg5[%dma_start3A_343, %dma_start3A_344] : memref<100352x16xf32, #tpu.memory_space<vmem_shared>> -> memref<100352x16xf32, #tpu.memory_space<vmem_shared>>
    tpu.enqueue_indirect_dma source(%arg11 : memref<128x16xf32, #tpu.memory_space<vmem>>) target(%dma_start3A_345 : memref<100352x16xf32, #tpu.memory_space<vmem_shared>>) offsets(%dma_start3A_342 : memref<128xi32, #tpu.memory_space<vmem>>) semaphore(%arg31 : memref<!tpu.dma_semaphore, #tpu.memory_space<semaphore_mem>>) {add = true}
    %dma_wait3A_346 = arith.constant 9 : i32
    %dma_wait3A_347 = arith.constant 0 : i32
    %dma_wait3A_348 = tpu.memref_slice %arg7[%dma_wait3A_346, %dma_wait3A_347] : memref<16x128xi32, #tpu.memory_space<vmem>> -> memref<1x128xi32, #tpu.memory_space<vmem>>
    %dma_wait3A_349 = tpu.memref_squeeze %dma_wait3A_348 : memref<1x128xi32, #tpu.memory_space<vmem>> -> memref<128xi32, #tpu.memory_space<vmem>>
    %dma_wait3A_350 = arith.constant 0 : i32
    %dma_wait3A_351 = arith.constant 0 : i32
    %dma_wait3A_352 = tpu.memref_slice %arg3[%dma_wait3A_350, %dma_wait3A_351] : memref<100352x16xf32, #tpu.memory_space<hbm>> -> memref<100352x16xf32, #tpu.memory_space<hbm>>
    tpu.wait_indirect_dma semaphore(%arg24 : memref<!tpu.dma_semaphore, #tpu.memory_space<semaphore_mem>>) src(%dma_wait3A_352 : memref<100352x16xf32, #tpu.memory_space<hbm>>) dst(%arg12 : memref<128x16xf32, #tpu.memory_space<vmem>>)
    %dma_start3A_353 = arith.constant 9 : i32
    %dma_start3A_354 = arith.constant 0 : i32
    %dma_start3A_355 = tpu.memref_slice %arg8[%dma_start3A_353, %dma_start3A_354] : memref<16x128xi32, #tpu.memory_space<vmem>> -> memref<1x128xi32, #tpu.memory_space<vmem>>
    %dma_start3A_356 = tpu.memref_squeeze %dma_start3A_355 : memref<1x128xi32, #tpu.memory_space<vmem>> -> memref<128xi32, #tpu.memory_space<vmem>>
    %dma_start3A_357 = arith.constant 0 : i32
    %dma_start3A_358 = arith.constant 0 : i32
    %dma_start3A_359 = tpu.memref_slice %arg5[%dma_start3A_357, %dma_start3A_358] : memref<100352x16xf32, #tpu.memory_space<vmem_shared>> -> memref<100352x16xf32, #tpu.memory_space<vmem_shared>>
    tpu.enqueue_indirect_dma source(%arg12 : memref<128x16xf32, #tpu.memory_space<vmem>>) target(%dma_start3A_359 : memref<100352x16xf32, #tpu.memory_space<vmem_shared>>) offsets(%dma_start3A_356 : memref<128xi32, #tpu.memory_space<vmem>>) semaphore(%arg32 : memref<!tpu.dma_semaphore, #tpu.memory_space<semaphore_mem>>) {add = true}
    %dma_wait3A_360 = arith.constant 10 : i32
    %dma_wait3A_361 = arith.constant 0 : i32
    %dma_wait3A_362 = tpu.memref_slice %arg7[%dma_wait3A_360, %dma_wait3A_361] : memref<16x128xi32, #tpu.memory_space<vmem>> -> memref<1x128xi32, #tpu.memory_space<vmem>>
    %dma_wait3A_363 = tpu.memref_squeeze %dma_wait3A_362 : memref<1x128xi32, #tpu.memory_space<vmem>> -> memref<128xi32, #tpu.memory_space<vmem>>
    %dma_wait3A_364 = arith.constant 0 : i32
    %dma_wait3A_365 = arith.constant 0 : i32
    %dma_wait3A_366 = tpu.memref_slice %arg3[%dma_wait3A_364, %dma_wait3A_365] : memref<100352x16xf32, #tpu.memory_space<hbm>> -> memref<100352x16xf32, #tpu.memory_space<hbm>>
    tpu.wait_indirect_dma semaphore(%arg25 : memref<!tpu.dma_semaphore, #tpu.memory_space<semaphore_mem>>) src(%dma_wait3A_366 : memref<100352x16xf32, #tpu.memory_space<hbm>>) dst(%arg13 : memref<128x16xf32, #tpu.memory_space<vmem>>)
    %dma_start3A_367 = arith.constant 10 : i32
    %dma_start3A_368 = arith.constant 0 : i32
    %dma_start3A_369 = tpu.memref_slice %arg8[%dma_start3A_367, %dma_start3A_368] : memref<16x128xi32, #tpu.memory_space<vmem>> -> memref<1x128xi32, #tpu.memory_space<vmem>>
    %dma_start3A_370 = tpu.memref_squeeze %dma_start3A_369 : memref<1x128xi32, #tpu.memory_space<vmem>> -> memref<128xi32, #tpu.memory_space<vmem>>
    %dma_start3A_371 = arith.constant 0 : i32
    %dma_start3A_372 = arith.constant 0 : i32
    %dma_start3A_373 = tpu.memref_slice %arg5[%dma_start3A_371, %dma_start3A_372] : memref<100352x16xf32, #tpu.memory_space<vmem_shared>> -> memref<100352x16xf32, #tpu.memory_space<vmem_shared>>
    tpu.enqueue_indirect_dma source(%arg13 : memref<128x16xf32, #tpu.memory_space<vmem>>) target(%dma_start3A_373 : memref<100352x16xf32, #tpu.memory_space<vmem_shared>>) offsets(%dma_start3A_370 : memref<128xi32, #tpu.memory_space<vmem>>) semaphore(%arg33 : memref<!tpu.dma_semaphore, #tpu.memory_space<semaphore_mem>>) {add = true}
    %dma_wait3A_374 = arith.constant 11 : i32
    %dma_wait3A_375 = arith.constant 0 : i32
    %dma_wait3A_376 = tpu.memref_slice %arg7[%dma_wait3A_374, %dma_wait3A_375] : memref<16x128xi32, #tpu.memory_space<vmem>> -> memref<1x128xi32, #tpu.memory_space<vmem>>
    %dma_wait3A_377 = tpu.memref_squeeze %dma_wait3A_376 : memref<1x128xi32, #tpu.memory_space<vmem>> -> memref<128xi32, #tpu.memory_space<vmem>>
    %dma_wait3A_378 = arith.constant 0 : i32
    %dma_wait3A_379 = arith.constant 0 : i32
    %dma_wait3A_380 = tpu.memref_slice %arg3[%dma_wait3A_378, %dma_wait3A_379] : memref<100352x16xf32, #tpu.memory_space<hbm>> -> memref<100352x16xf32, #tpu.memory_space<hbm>>
    tpu.wait_indirect_dma semaphore(%arg26 : memref<!tpu.dma_semaphore, #tpu.memory_space<semaphore_mem>>) src(%dma_wait3A_380 : memref<100352x16xf32, #tpu.memory_space<hbm>>) dst(%arg14 : memref<128x16xf32, #tpu.memory_space<vmem>>)
    %dma_start3A_381 = arith.constant 11 : i32
    %dma_start3A_382 = arith.constant 0 : i32
    %dma_start3A_383 = tpu.memref_slice %arg8[%dma_start3A_381, %dma_start3A_382] : memref<16x128xi32, #tpu.memory_space<vmem>> -> memref<1x128xi32, #tpu.memory_space<vmem>>
    %dma_start3A_384 = tpu.memref_squeeze %dma_start3A_383 : memref<1x128xi32, #tpu.memory_space<vmem>> -> memref<128xi32, #tpu.memory_space<vmem>>
    %dma_start3A_385 = arith.constant 0 : i32
    %dma_start3A_386 = arith.constant 0 : i32
    %dma_start3A_387 = tpu.memref_slice %arg5[%dma_start3A_385, %dma_start3A_386] : memref<100352x16xf32, #tpu.memory_space<vmem_shared>> -> memref<100352x16xf32, #tpu.memory_space<vmem_shared>>
    tpu.enqueue_indirect_dma source(%arg14 : memref<128x16xf32, #tpu.memory_space<vmem>>) target(%dma_start3A_387 : memref<100352x16xf32, #tpu.memory_space<vmem_shared>>) offsets(%dma_start3A_384 : memref<128xi32, #tpu.memory_space<vmem>>) semaphore(%arg34 : memref<!tpu.dma_semaphore, #tpu.memory_space<semaphore_mem>>) {add = true}
    %dma_wait3A_388 = arith.constant 12 : i32
    %dma_wait3A_389 = arith.constant 0 : i32
    %dma_wait3A_390 = tpu.memref_slice %arg7[%dma_wait3A_388, %dma_wait3A_389] : memref<16x128xi32, #tpu.memory_space<vmem>> -> memref<1x128xi32, #tpu.memory_space<vmem>>
    %dma_wait3A_391 = tpu.memref_squeeze %dma_wait3A_390 : memref<1x128xi32, #tpu.memory_space<vmem>> -> memref<128xi32, #tpu.memory_space<vmem>>
    %dma_wait3A_392 = arith.constant 0 : i32
    %dma_wait3A_393 = arith.constant 0 : i32
    %dma_wait3A_394 = tpu.memref_slice %arg3[%dma_wait3A_392, %dma_wait3A_393] : memref<100352x16xf32, #tpu.memory_space<hbm>> -> memref<100352x16xf32, #tpu.memory_space<hbm>>
    tpu.wait_indirect_dma semaphore(%arg27 : memref<!tpu.dma_semaphore, #tpu.memory_space<semaphore_mem>>) src(%dma_wait3A_394 : memref<100352x16xf32, #tpu.memory_space<hbm>>) dst(%arg15 : memref<128x16xf32, #tpu.memory_space<vmem>>)
    %dma_start3A_395 = arith.constant 12 : i32
    %dma_start3A_396 = arith.constant 0 : i32
    %dma_start3A_397 = tpu.memref_slice %arg8[%dma_start3A_395, %dma_start3A_396] : memref<16x128xi32, #tpu.memory_space<vmem>> -> memref<1x128xi32, #tpu.memory_space<vmem>>
    %dma_start3A_398 = tpu.memref_squeeze %dma_start3A_397 : memref<1x128xi32, #tpu.memory_space<vmem>> -> memref<128xi32, #tpu.memory_space<vmem>>
    %dma_start3A_399 = arith.constant 0 : i32
    %dma_start3A_400 = arith.constant 0 : i32
    %dma_start3A_401 = tpu.memref_slice %arg5[%dma_start3A_399, %dma_start3A_400] : memref<100352x16xf32, #tpu.memory_space<vmem_shared>> -> memref<100352x16xf32, #tpu.memory_space<vmem_shared>>
    tpu.enqueue_indirect_dma source(%arg15 : memref<128x16xf32, #tpu.memory_space<vmem>>) target(%dma_start3A_401 : memref<100352x16xf32, #tpu.memory_space<vmem_shared>>) offsets(%dma_start3A_398 : memref<128xi32, #tpu.memory_space<vmem>>) semaphore(%arg35 : memref<!tpu.dma_semaphore, #tpu.memory_space<semaphore_mem>>) {add = true}
    %dma_wait3A_402 = arith.constant 13 : i32
    %dma_wait3A_403 = arith.constant 0 : i32
    %dma_wait3A_404 = tpu.memref_slice %arg7[%dma_wait3A_402, %dma_wait3A_403] : memref<16x128xi32, #tpu.memory_space<vmem>> -> memref<1x128xi32, #tpu.memory_space<vmem>>
    %dma_wait3A_405 = tpu.memref_squeeze %dma_wait3A_404 : memref<1x128xi32, #tpu.memory_space<vmem>> -> memref<128xi32, #tpu.memory_space<vmem>>
    %dma_wait3A_406 = arith.constant 0 : i32
    %dma_wait3A_407 = arith.constant 0 : i32
    %dma_wait3A_408 = tpu.memref_slice %arg3[%dma_wait3A_406, %dma_wait3A_407] : memref<100352x16xf32, #tpu.memory_space<hbm>> -> memref<100352x16xf32, #tpu.memory_space<hbm>>
    tpu.wait_indirect_dma semaphore(%arg28 : memref<!tpu.dma_semaphore, #tpu.memory_space<semaphore_mem>>) src(%dma_wait3A_408 : memref<100352x16xf32, #tpu.memory_space<hbm>>) dst(%arg16 : memref<128x16xf32, #tpu.memory_space<vmem>>)
    %dma_start3A_409 = arith.constant 13 : i32
    %dma_start3A_410 = arith.constant 0 : i32
    %dma_start3A_411 = tpu.memref_slice %arg8[%dma_start3A_409, %dma_start3A_410] : memref<16x128xi32, #tpu.memory_space<vmem>> -> memref<1x128xi32, #tpu.memory_space<vmem>>
    %dma_start3A_412 = tpu.memref_squeeze %dma_start3A_411 : memref<1x128xi32, #tpu.memory_space<vmem>> -> memref<128xi32, #tpu.memory_space<vmem>>
    %dma_start3A_413 = arith.constant 0 : i32
    %dma_start3A_414 = arith.constant 0 : i32
    %dma_start3A_415 = tpu.memref_slice %arg5[%dma_start3A_413, %dma_start3A_414] : memref<100352x16xf32, #tpu.memory_space<vmem_shared>> -> memref<100352x16xf32, #tpu.memory_space<vmem_shared>>
    tpu.enqueue_indirect_dma source(%arg16 : memref<128x16xf32, #tpu.memory_space<vmem>>) target(%dma_start3A_415 : memref<100352x16xf32, #tpu.memory_space<vmem_shared>>) offsets(%dma_start3A_412 : memref<128xi32, #tpu.memory_space<vmem>>) semaphore(%arg36 : memref<!tpu.dma_semaphore, #tpu.memory_space<semaphore_mem>>) {add = true}
    %dma_wait3A_416 = arith.constant 14 : i32
    %dma_wait3A_417 = arith.constant 0 : i32
    %dma_wait3A_418 = tpu.memref_slice %arg7[%dma_wait3A_416, %dma_wait3A_417] : memref<16x128xi32, #tpu.memory_space<vmem>> -> memref<1x128xi32, #tpu.memory_space<vmem>>
    %dma_wait3A_419 = tpu.memref_squeeze %dma_wait3A_418 : memref<1x128xi32, #tpu.memory_space<vmem>> -> memref<128xi32, #tpu.memory_space<vmem>>
    %dma_wait3A_420 = arith.constant 0 : i32
    %dma_wait3A_421 = arith.constant 0 : i32
    %dma_wait3A_422 = tpu.memref_slice %arg3[%dma_wait3A_420, %dma_wait3A_421] : memref<100352x16xf32, #tpu.memory_space<hbm>> -> memref<100352x16xf32, #tpu.memory_space<hbm>>
    tpu.wait_indirect_dma semaphore(%arg29 : memref<!tpu.dma_semaphore, #tpu.memory_space<semaphore_mem>>) src(%dma_wait3A_422 : memref<100352x16xf32, #tpu.memory_space<hbm>>) dst(%arg17 : memref<128x16xf32, #tpu.memory_space<vmem>>)
    %dma_start3A_423 = arith.constant 14 : i32
    %dma_start3A_424 = arith.constant 0 : i32
    %dma_start3A_425 = tpu.memref_slice %arg8[%dma_start3A_423, %dma_start3A_424] : memref<16x128xi32, #tpu.memory_space<vmem>> -> memref<1x128xi32, #tpu.memory_space<vmem>>
    %dma_start3A_426 = tpu.memref_squeeze %dma_start3A_425 : memref<1x128xi32, #tpu.memory_space<vmem>> -> memref<128xi32, #tpu.memory_space<vmem>>
    %dma_start3A_427 = arith.constant 0 : i32
    %dma_start3A_428 = arith.constant 0 : i32
    %dma_start3A_429 = tpu.memref_slice %arg5[%dma_start3A_427, %dma_start3A_428] : memref<100352x16xf32, #tpu.memory_space<vmem_shared>> -> memref<100352x16xf32, #tpu.memory_space<vmem_shared>>
    tpu.enqueue_indirect_dma source(%arg17 : memref<128x16xf32, #tpu.memory_space<vmem>>) target(%dma_start3A_429 : memref<100352x16xf32, #tpu.memory_space<vmem_shared>>) offsets(%dma_start3A_426 : memref<128xi32, #tpu.memory_space<vmem>>) semaphore(%arg37 : memref<!tpu.dma_semaphore, #tpu.memory_space<semaphore_mem>>) {add = true}
    %dma_wait3A_430 = arith.constant 15 : i32
    %dma_wait3A_431 = arith.constant 0 : i32
    %dma_wait3A_432 = tpu.memref_slice %arg7[%dma_wait3A_430, %dma_wait3A_431] : memref<16x128xi32, #tpu.memory_space<vmem>> -> memref<1x128xi32, #tpu.memory_space<vmem>>
    %dma_wait3A_433 = tpu.memref_squeeze %dma_wait3A_432 : memref<1x128xi32, #tpu.memory_space<vmem>> -> memref<128xi32, #tpu.memory_space<vmem>>
    %dma_wait3A_434 = arith.constant 0 : i32
    %dma_wait3A_435 = arith.constant 0 : i32
    %dma_wait3A_436 = tpu.memref_slice %arg3[%dma_wait3A_434, %dma_wait3A_435] : memref<100352x16xf32, #tpu.memory_space<hbm>> -> memref<100352x16xf32, #tpu.memory_space<hbm>>
    tpu.wait_indirect_dma semaphore(%arg30 : memref<!tpu.dma_semaphore, #tpu.memory_space<semaphore_mem>>) src(%dma_wait3A_436 : memref<100352x16xf32, #tpu.memory_space<hbm>>) dst(%arg18 : memref<128x16xf32, #tpu.memory_space<vmem>>)
    %dma_start3A_437 = arith.constant 15 : i32
    %dma_start3A_438 = arith.constant 0 : i32
    %dma_start3A_439 = tpu.memref_slice %arg8[%dma_start3A_437, %dma_start3A_438] : memref<16x128xi32, #tpu.memory_space<vmem>> -> memref<1x128xi32, #tpu.memory_space<vmem>>
    %dma_start3A_440 = tpu.memref_squeeze %dma_start3A_439 : memref<1x128xi32, #tpu.memory_space<vmem>> -> memref<128xi32, #tpu.memory_space<vmem>>
    %dma_start3A_441 = arith.constant 0 : i32
    %dma_start3A_442 = arith.constant 0 : i32
    %dma_start3A_443 = tpu.memref_slice %arg5[%dma_start3A_441, %dma_start3A_442] : memref<100352x16xf32, #tpu.memory_space<vmem_shared>> -> memref<100352x16xf32, #tpu.memory_space<vmem_shared>>
    tpu.enqueue_indirect_dma source(%arg18 : memref<128x16xf32, #tpu.memory_space<vmem>>) target(%dma_start3A_443 : memref<100352x16xf32, #tpu.memory_space<vmem_shared>>) offsets(%dma_start3A_440 : memref<128xi32, #tpu.memory_space<vmem>>) semaphore(%arg38 : memref<!tpu.dma_semaphore, #tpu.memory_space<semaphore_mem>>) {add = true}
    %dma_wait3A_444 = arith.constant 0 : i32
    %dma_wait3A_445 = arith.constant 0 : i32
    %dma_wait3A_446 = tpu.memref_slice %arg8[%dma_wait3A_444, %dma_wait3A_445] : memref<16x128xi32, #tpu.memory_space<vmem>> -> memref<1x128xi32, #tpu.memory_space<vmem>>
    %dma_wait3A_447 = tpu.memref_squeeze %dma_wait3A_446 : memref<1x128xi32, #tpu.memory_space<vmem>> -> memref<128xi32, #tpu.memory_space<vmem>>
    %dma_wait3A_448 = arith.constant 0 : i32
    %dma_wait3A_449 = arith.constant 0 : i32
    %dma_wait3A_450 = tpu.memref_slice %arg5[%dma_wait3A_448, %dma_wait3A_449] : memref<100352x16xf32, #tpu.memory_space<vmem_shared>> -> memref<100352x16xf32, #tpu.memory_space<vmem_shared>>
    tpu.wait_indirect_dma semaphore(%arg31 : memref<!tpu.dma_semaphore, #tpu.memory_space<semaphore_mem>>) src(%arg11 : memref<128x16xf32, #tpu.memory_space<vmem>>) dst(%dma_wait3A_450 : memref<100352x16xf32, #tpu.memory_space<vmem_shared>>)
    %dma_wait3A_451 = arith.constant 0 : i32
    %dma_wait3A_452 = arith.constant 0 : i32
    %dma_wait3A_453 = tpu.memref_slice %arg8[%dma_wait3A_451, %dma_wait3A_452] : memref<16x128xi32, #tpu.memory_space<vmem>> -> memref<1x128xi32, #tpu.memory_space<vmem>>
    %dma_wait3A_454 = tpu.memref_squeeze %dma_wait3A_453 : memref<1x128xi32, #tpu.memory_space<vmem>> -> memref<128xi32, #tpu.memory_space<vmem>>
    %dma_wait3A_455 = arith.constant 0 : i32
    %dma_wait3A_456 = arith.constant 0 : i32
    %dma_wait3A_457 = tpu.memref_slice %arg5[%dma_wait3A_455, %dma_wait3A_456] : memref<100352x16xf32, #tpu.memory_space<vmem_shared>> -> memref<100352x16xf32, #tpu.memory_space<vmem_shared>>
    tpu.wait_indirect_dma semaphore(%arg32 : memref<!tpu.dma_semaphore, #tpu.memory_space<semaphore_mem>>) src(%arg12 : memref<128x16xf32, #tpu.memory_space<vmem>>) dst(%dma_wait3A_457 : memref<100352x16xf32, #tpu.memory_space<vmem_shared>>)
    %dma_wait3A_458 = arith.constant 0 : i32
    %dma_wait3A_459 = arith.constant 0 : i32
    %dma_wait3A_460 = tpu.memref_slice %arg8[%dma_wait3A_458, %dma_wait3A_459] : memref<16x128xi32, #tpu.memory_space<vmem>> -> memref<1x128xi32, #tpu.memory_space<vmem>>
    %dma_wait3A_461 = tpu.memref_squeeze %dma_wait3A_460 : memref<1x128xi32, #tpu.memory_space<vmem>> -> memref<128xi32, #tpu.memory_space<vmem>>
    %dma_wait3A_462 = arith.constant 0 : i32
    %dma_wait3A_463 = arith.constant 0 : i32
    %dma_wait3A_464 = tpu.memref_slice %arg5[%dma_wait3A_462, %dma_wait3A_463] : memref<100352x16xf32, #tpu.memory_space<vmem_shared>> -> memref<100352x16xf32, #tpu.memory_space<vmem_shared>>
    tpu.wait_indirect_dma semaphore(%arg33 : memref<!tpu.dma_semaphore, #tpu.memory_space<semaphore_mem>>) src(%arg13 : memref<128x16xf32, #tpu.memory_space<vmem>>) dst(%dma_wait3A_464 : memref<100352x16xf32, #tpu.memory_space<vmem_shared>>)
    %dma_wait3A_465 = arith.constant 0 : i32
    %dma_wait3A_466 = arith.constant 0 : i32
    %dma_wait3A_467 = tpu.memref_slice %arg8[%dma_wait3A_465, %dma_wait3A_466] : memref<16x128xi32, #tpu.memory_space<vmem>> -> memref<1x128xi32, #tpu.memory_space<vmem>>
    %dma_wait3A_468 = tpu.memref_squeeze %dma_wait3A_467 : memref<1x128xi32, #tpu.memory_space<vmem>> -> memref<128xi32, #tpu.memory_space<vmem>>
    %dma_wait3A_469 = arith.constant 0 : i32
    %dma_wait3A_470 = arith.constant 0 : i32
    %dma_wait3A_471 = tpu.memref_slice %arg5[%dma_wait3A_469, %dma_wait3A_470] : memref<100352x16xf32, #tpu.memory_space<vmem_shared>> -> memref<100352x16xf32, #tpu.memory_space<vmem_shared>>
    tpu.wait_indirect_dma semaphore(%arg34 : memref<!tpu.dma_semaphore, #tpu.memory_space<semaphore_mem>>) src(%arg14 : memref<128x16xf32, #tpu.memory_space<vmem>>) dst(%dma_wait3A_471 : memref<100352x16xf32, #tpu.memory_space<vmem_shared>>)
    %dma_wait3A_472 = arith.constant 0 : i32
    %dma_wait3A_473 = arith.constant 0 : i32
    %dma_wait3A_474 = tpu.memref_slice %arg8[%dma_wait3A_472, %dma_wait3A_473] : memref<16x128xi32, #tpu.memory_space<vmem>> -> memref<1x128xi32, #tpu.memory_space<vmem>>
    %dma_wait3A_475 = tpu.memref_squeeze %dma_wait3A_474 : memref<1x128xi32, #tpu.memory_space<vmem>> -> memref<128xi32, #tpu.memory_space<vmem>>
    %dma_wait3A_476 = arith.constant 0 : i32
    %dma_wait3A_477 = arith.constant 0 : i32
    %dma_wait3A_478 = tpu.memref_slice %arg5[%dma_wait3A_476, %dma_wait3A_477] : memref<100352x16xf32, #tpu.memory_space<vmem_shared>> -> memref<100352x16xf32, #tpu.memory_space<vmem_shared>>
    tpu.wait_indirect_dma semaphore(%arg35 : memref<!tpu.dma_semaphore, #tpu.memory_space<semaphore_mem>>) src(%arg15 : memref<128x16xf32, #tpu.memory_space<vmem>>) dst(%dma_wait3A_478 : memref<100352x16xf32, #tpu.memory_space<vmem_shared>>)
    %dma_wait3A_479 = arith.constant 0 : i32
    %dma_wait3A_480 = arith.constant 0 : i32
    %dma_wait3A_481 = tpu.memref_slice %arg8[%dma_wait3A_479, %dma_wait3A_480] : memref<16x128xi32, #tpu.memory_space<vmem>> -> memref<1x128xi32, #tpu.memory_space<vmem>>
    %dma_wait3A_482 = tpu.memref_squeeze %dma_wait3A_481 : memref<1x128xi32, #tpu.memory_space<vmem>> -> memref<128xi32, #tpu.memory_space<vmem>>
    %dma_wait3A_483 = arith.constant 0 : i32
    %dma_wait3A_484 = arith.constant 0 : i32
    %dma_wait3A_485 = tpu.memref_slice %arg5[%dma_wait3A_483, %dma_wait3A_484] : memref<100352x16xf32, #tpu.memory_space<vmem_shared>> -> memref<100352x16xf32, #tpu.memory_space<vmem_shared>>
    tpu.wait_indirect_dma semaphore(%arg36 : memref<!tpu.dma_semaphore, #tpu.memory_space<semaphore_mem>>) src(%arg16 : memref<128x16xf32, #tpu.memory_space<vmem>>) dst(%dma_wait3A_485 : memref<100352x16xf32, #tpu.memory_space<vmem_shared>>)
    %dma_wait3A_486 = arith.constant 0 : i32
    %dma_wait3A_487 = arith.constant 0 : i32
    %dma_wait3A_488 = tpu.memref_slice %arg8[%dma_wait3A_486, %dma_wait3A_487] : memref<16x128xi32, #tpu.memory_space<vmem>> -> memref<1x128xi32, #tpu.memory_space<vmem>>
    %dma_wait3A_489 = tpu.memref_squeeze %dma_wait3A_488 : memref<1x128xi32, #tpu.memory_space<vmem>> -> memref<128xi32, #tpu.memory_space<vmem>>
    %dma_wait3A_490 = arith.constant 0 : i32
    %dma_wait3A_491 = arith.constant 0 : i32
    %dma_wait3A_492 = tpu.memref_slice %arg5[%dma_wait3A_490, %dma_wait3A_491] : memref<100352x16xf32, #tpu.memory_space<vmem_shared>> -> memref<100352x16xf32, #tpu.memory_space<vmem_shared>>
    tpu.wait_indirect_dma semaphore(%arg37 : memref<!tpu.dma_semaphore, #tpu.memory_space<semaphore_mem>>) src(%arg17 : memref<128x16xf32, #tpu.memory_space<vmem>>) dst(%dma_wait3A_492 : memref<100352x16xf32, #tpu.memory_space<vmem_shared>>)
    %dma_wait3A_493 = arith.constant 0 : i32
    %dma_wait3A_494 = arith.constant 0 : i32
    %dma_wait3A_495 = tpu.memref_slice %arg8[%dma_wait3A_493, %dma_wait3A_494] : memref<16x128xi32, #tpu.memory_space<vmem>> -> memref<1x128xi32, #tpu.memory_space<vmem>>
    %dma_wait3A_496 = tpu.memref_squeeze %dma_wait3A_495 : memref<1x128xi32, #tpu.memory_space<vmem>> -> memref<128xi32, #tpu.memory_space<vmem>>
    %dma_wait3A_497 = arith.constant 0 : i32
    %dma_wait3A_498 = arith.constant 0 : i32
    %dma_wait3A_499 = tpu.memref_slice %arg5[%dma_wait3A_497, %dma_wait3A_498] : memref<100352x16xf32, #tpu.memory_space<vmem_shared>> -> memref<100352x16xf32, #tpu.memory_space<vmem_shared>>
    tpu.wait_indirect_dma semaphore(%arg38 : memref<!tpu.dma_semaphore, #tpu.memory_space<semaphore_mem>>) src(%arg18 : memref<128x16xf32, #tpu.memory_space<vmem>>) dst(%dma_wait3A_499 : memref<100352x16xf32, #tpu.memory_space<vmem_shared>>)
    %barrier3A_500 = arith.constant 0 : index
    tpu.barrier barrier_id(%barrier3A_500)
    %scan3A_501 = arith.constant 0 : i32
    %scan3A_502 = arith.constant 32 : i32
    %scan3A_503 = arith.addi %scan3A_501, %scan3A_502 : i32
    %scan3A_504 = arith.constant 1 : i32
    scf.for %scan3A_506 = %scan3A_501 to %scan3A_503 step %scan3A_504  : i32 {
      %mul3A_507 = arith.constant 196 : i32
      %mul3A_508 = arith.muli %scan3A_506, %mul3A_507 : i32
      %add3A_509 = arith.addi %mul3A_6, %mul3A_508 : i32
      "tpu.region"() ({
        %run_scoped3A = tpu.sem_alloc : memref<!tpu.dma_semaphore, #tpu.memory_space<semaphore_mem>>
        %dma_start3A_510 = arith.constant 0 : i32
        %dma_start3A_511 = tpu.memref_slice %arg5[%add3A_509, %dma_start3A_510] : memref<100352x16xf32, #tpu.memory_space<vmem_shared>> -> memref<196x16xf32, #tpu.memory_space<vmem_shared>>
        %dma_start3A_512 = arith.constant 0 : i32
        %dma_start3A_513 = tpu.memref_slice %arg5[%add3A_509, %dma_start3A_512] : memref<100352x16xf32, #tpu.memory_space<vmem_shared>> -> memref<196x16xf32, #tpu.memory_space<vmem_shared>>
        tpu.enqueue_dma source(%dma_start3A_513 : memref<196x16xf32, #tpu.memory_space<vmem_shared>>) target(%arg6 : memref<196x16xf32, #tpu.memory_space<vmem>>) target_semaphore(%run_scoped3A : memref<!tpu.dma_semaphore, #tpu.memory_space<semaphore_mem>>)
        %dma_wait3A_514 = arith.constant 0 : i32
        %dma_wait3A_515 = tpu.memref_slice %arg5[%add3A_509, %dma_wait3A_514] : memref<100352x16xf32, #tpu.memory_space<vmem_shared>> -> memref<196x16xf32, #tpu.memory_space<vmem_shared>>
        %dma_wait3A_516 = arith.constant 0 : i32
        %dma_wait3A_517 = tpu.memref_slice %arg5[%add3A_509, %dma_wait3A_516] : memref<100352x16xf32, #tpu.memory_space<vmem_shared>> -> memref<196x16xf32, #tpu.memory_space<vmem_shared>>
        tpu.wait_dma2 semaphore(%run_scoped3A : memref<!tpu.dma_semaphore, #tpu.memory_space<semaphore_mem>>) src(%dma_wait3A_517 : memref<196x16xf32, #tpu.memory_space<vmem_shared>>) dst(%arg6 : memref<196x16xf32, #tpu.memory_space<vmem>>)
        tpu.yield
      }) : () -> ()
      "tpu.region"() ({
        %run_scoped3A = tpu.sem_alloc : memref<!tpu.dma_semaphore, #tpu.memory_space<semaphore_mem>>
        %dma_start3A_510 = arith.constant 0 : i32
        %dma_start3A_511 = tpu.memref_slice %arg4[%arg0, %add3A_509, %dma_start3A_510] : memref<2x100352x16xf32, #tpu.memory_space<hbm>> -> memref<1x196x16xf32, #tpu.memory_space<hbm>>
        %dma_start3A_512 = tpu.memref_squeeze %dma_start3A_511 : memref<1x196x16xf32, #tpu.memory_space<hbm>> -> memref<196x16xf32, #tpu.memory_space<hbm>>
        %dma_start3A_513 = arith.constant 0 : i32
        %dma_start3A_514 = tpu.memref_slice %arg4[%arg0, %add3A_509, %dma_start3A_513] : memref<2x100352x16xf32, #tpu.memory_space<hbm>> -> memref<1x196x16xf32, #tpu.memory_space<hbm>>
        %dma_start3A_515 = tpu.memref_squeeze %dma_start3A_514 : memref<1x196x16xf32, #tpu.memory_space<hbm>> -> memref<196x16xf32, #tpu.memory_space<hbm>>
        tpu.enqueue_dma source(%arg6 : memref<196x16xf32, #tpu.memory_space<vmem>>) target(%dma_start3A_515 : memref<196x16xf32, #tpu.memory_space<hbm>>) target_semaphore(%run_scoped3A : memref<!tpu.dma_semaphore, #tpu.memory_space<semaphore_mem>>)
        %dma_wait3A_516 = arith.constant 0 : i32
        %dma_wait3A_517 = tpu.memref_slice %arg4[%arg0, %add3A_509, %dma_wait3A_516] : memref<2x100352x16xf32, #tpu.memory_space<hbm>> -> memref<1x196x16xf32, #tpu.memory_space<hbm>>
        %dma_wait3A_518 = tpu.memref_squeeze %dma_wait3A_517 : memref<1x196x16xf32, #tpu.memory_space<hbm>> -> memref<196x16xf32, #tpu.memory_space<hbm>>
        %dma_wait3A_519 = arith.constant 0 : i32
        %dma_wait3A_520 = tpu.memref_slice %arg4[%arg0, %add3A_509, %dma_wait3A_519] : memref<2x100352x16xf32, #tpu.memory_space<hbm>> -> memref<1x196x16xf32, #tpu.memory_space<hbm>>
        %dma_wait3A_521 = tpu.memref_squeeze %dma_wait3A_520 : memref<1x196x16xf32, #tpu.memory_space<hbm>> -> memref<196x16xf32, #tpu.memory_space<hbm>>
        tpu.wait_dma2 semaphore(%run_scoped3A : memref<!tpu.dma_semaphore, #tpu.memory_space<semaphore_mem>>) src(%arg6 : memref<196x16xf32, #tpu.memory_space<vmem>>) dst(%dma_wait3A_521 : memref<196x16xf32, #tpu.memory_space<hbm>>)
        tpu.yield
      }) : () -> ()
    }
    %scan3A_505 = arith.constant 32 : i32
    return
  }
}

#map = affine_map<(d0, d1) -> (0, 0, 0)>
#map1 = affine_map<(d0, d1) -> (0)>
module attributes {stable_mosaic.version = 14 : i64} {
  func.func @deg_kernel(%arg0: i32, %arg1: i32, %arg2: memref<2x25088x128xi32, #tpu.memory_space<hbm>>, %arg3: memref<200704xf32, #tpu.memory_space<hbm>>, %arg4: memref<200704xf32, #tpu.memory_space<hbm>>, %arg5: memref<100352xf32, #tpu.memory_space<vmem_shared>>, %arg6: memref<100352xf32, #tpu.memory_space<vmem_shared>>, %arg7: memref<6272xf32, #tpu.memory_space<vmem>>, %arg8: memref<128xf32, #tpu.memory_space<vmem>>, %arg9: memref<56x128xi32, #tpu.memory_space<vmem>>, %arg10: memref<56x128xi32, #tpu.memory_space<vmem>>, %arg11: memref<56x128xi32, #tpu.memory_space<vmem>>, %arg12: memref<56x128xi32, #tpu.memory_space<vmem>>, %arg13: memref<!tpu.dma_semaphore, #tpu.memory_space<semaphore_mem>>, %arg14: memref<!tpu.dma_semaphore, #tpu.memory_space<semaphore_mem>>, %arg15: memref<!tpu.dma_semaphore, #tpu.memory_space<semaphore_mem>>, %arg16: memref<!tpu.dma_semaphore, #tpu.memory_space<semaphore_mem>>, %arg17: memref<!tpu.dma_semaphore, #tpu.memory_space<semaphore_mem>>, %arg18: memref<!tpu.dma_semaphore, #tpu.memory_space<semaphore_mem>>) attributes {dimension_semantics = [#tpu.dimension_semantics<core_parallel>, #tpu.dimension_semantics<subcore_parallel>], iteration_bounds = array<i64: 2, 16>, scalar_prefetch = 0 : i64, scratch_operands = 14 : i64, tpu.core_type = #tpu.core_type<sc_vector_subcore>, window_params = [{transform_indices = #map}, {transform_indices = #map1}, {transform_indices = #map1}]} {
    %mul3A = arith.constant 16 : i32
    %mul3A_0 = arith.muli %arg0, %mul3A : i32
    %add3A = arith.addi %mul3A_0, %arg1 : i32
    %scan3A = arith.constant 0 : i32
    %scan3A_1 = arith.constant 392 : i32
    %scan3A_2 = arith.addi %scan3A, %scan3A_1 : i32
    %scan3A_3 = arith.constant 1 : i32
    scf.for %scan3A_41 = %scan3A to %scan3A_2 step %scan3A_3  : i32 {
      %broadcast_in_dim3A = arith.constant 0.000000e+00 : f32
      %broadcast_in_dim3A_42 = vector.broadcast %broadcast_in_dim3A : f32 to vector<16xf32>
      %mul3A_43 = arith.constant 16 : i32
      %mul3A_44 = arith.muli %scan3A_41, %mul3A_43 : i32
      %swap3A = arith.index_cast %mul3A_44 : i32 to index
      %swap3A_45 = tpu.vector_load %arg7[%swap3A] {strides = array<i32>} : memref<6272xf32, #tpu.memory_space<vmem>>, vector<16xf32>,
      %swap3A_46 = vector.shape_cast %swap3A_45 : vector<16xf32> to vector<16xf32>
      %swap3A_47 = vector.shape_cast %broadcast_in_dim3A_42 : vector<16xf32> to vector<16xf32>
      tpu.vector_store %arg7[%swap3A], %swap3A_47 {strides = array<i32>} : memref<6272xf32, #tpu.memory_space<vmem>>, vector<16xf32>,
    }
    %scan3A_4 = arith.constant 392 : i32
    %scan3A_5 = arith.constant 0 : i32
    %scan3A_6 = arith.constant 8 : i32
    %scan3A_7 = arith.addi %scan3A_5, %scan3A_6 : i32
    %scan3A_8 = arith.constant 1 : i32
    scf.for %scan3A_41 = %scan3A_5 to %scan3A_7 step %scan3A_8  : i32 {
      %broadcast_in_dim3A = arith.constant 1.000000e+00 : f32
      %broadcast_in_dim3A_42 = vector.broadcast %broadcast_in_dim3A : f32 to vector<16xf32>
      %mul3A_43 = arith.constant 16 : i32
      %mul3A_44 = arith.muli %scan3A_41, %mul3A_43 : i32
      %swap3A = arith.index_cast %mul3A_44 : i32 to index
      %swap3A_45 = tpu.vector_load %arg8[%swap3A] {strides = array<i32>} : memref<128xf32, #tpu.memory_space<vmem>>, vector<16xf32>,
      %swap3A_46 = vector.shape_cast %swap3A_45 : vector<16xf32> to vector<16xf32>
      %swap3A_47 = vector.shape_cast %broadcast_in_dim3A_42 : vector<16xf32> to vector<16xf32>
      tpu.vector_store %arg8[%swap3A], %swap3A_47 {strides = array<i32>} : memref<128xf32, #tpu.memory_space<vmem>>, vector<16xf32>,
    }
    %scan3A_9 = arith.constant 8 : i32
    %mul3A_10 = arith.constant 6272 : i32
    %mul3A_11 = arith.muli %arg1, %mul3A_10 : i32
    "tpu.region"() ({
      %run_scoped3A = tpu.sem_alloc : memref<!tpu.dma_semaphore, #tpu.memory_space<semaphore_mem>>
      %dma_start3A_41 = tpu.memref_slice %arg5[%mul3A_11] : memref<100352xf32, #tpu.memory_space<vmem_shared>> -> memref<6272xf32, #tpu.memory_space<vmem_shared>>
      %dma_start3A_42 = tpu.memref_slice %arg5[%mul3A_11] : memref<100352xf32, #tpu.memory_space<vmem_shared>> -> memref<6272xf32, #tpu.memory_space<vmem_shared>>
      tpu.enqueue_dma source(%arg7 : memref<6272xf32, #tpu.memory_space<vmem>>) target(%dma_start3A_42 : memref<6272xf32, #tpu.memory_space<vmem_shared>>) target_semaphore(%run_scoped3A : memref<!tpu.dma_semaphore, #tpu.memory_space<semaphore_mem>>)
      %dma_wait3A = tpu.memref_slice %arg5[%mul3A_11] : memref<100352xf32, #tpu.memory_space<vmem_shared>> -> memref<6272xf32, #tpu.memory_space<vmem_shared>>
      %dma_wait3A_43 = tpu.memref_slice %arg5[%mul3A_11] : memref<100352xf32, #tpu.memory_space<vmem_shared>> -> memref<6272xf32, #tpu.memory_space<vmem_shared>>
      tpu.wait_dma2 semaphore(%run_scoped3A : memref<!tpu.dma_semaphore, #tpu.memory_space<semaphore_mem>>) src(%arg7 : memref<6272xf32, #tpu.memory_space<vmem>>) dst(%dma_wait3A_43 : memref<6272xf32, #tpu.memory_space<vmem_shared>>)
      tpu.yield
    }) : () -> ()
    "tpu.region"() ({
      %run_scoped3A = tpu.sem_alloc : memref<!tpu.dma_semaphore, #tpu.memory_space<semaphore_mem>>
      %dma_start3A_41 = tpu.memref_slice %arg6[%mul3A_11] : memref<100352xf32, #tpu.memory_space<vmem_shared>> -> memref<6272xf32, #tpu.memory_space<vmem_shared>>
      %dma_start3A_42 = tpu.memref_slice %arg6[%mul3A_11] : memref<100352xf32, #tpu.memory_space<vmem_shared>> -> memref<6272xf32, #tpu.memory_space<vmem_shared>>
      tpu.enqueue_dma source(%arg7 : memref<6272xf32, #tpu.memory_space<vmem>>) target(%dma_start3A_42 : memref<6272xf32, #tpu.memory_space<vmem_shared>>) target_semaphore(%run_scoped3A : memref<!tpu.dma_semaphore, #tpu.memory_space<semaphore_mem>>)
      %dma_wait3A = tpu.memref_slice %arg6[%mul3A_11] : memref<100352xf32, #tpu.memory_space<vmem_shared>> -> memref<6272xf32, #tpu.memory_space<vmem_shared>>
      %dma_wait3A_43 = tpu.memref_slice %arg6[%mul3A_11] : memref<100352xf32, #tpu.memory_space<vmem_shared>> -> memref<6272xf32, #tpu.memory_space<vmem_shared>>
      tpu.wait_dma2 semaphore(%run_scoped3A : memref<!tpu.dma_semaphore, #tpu.memory_space<semaphore_mem>>) src(%arg7 : memref<6272xf32, #tpu.memory_space<vmem>>) dst(%dma_wait3A_43 : memref<6272xf32, #tpu.memory_space<vmem_shared>>)
      tpu.yield
    }) : () -> ()
    %barrier3A = arith.constant 0 : index
    tpu.barrier barrier_id(%barrier3A)
    %mul3A_12 = arith.constant 784 : i32
    %mul3A_13 = arith.muli %add3A, %mul3A_12 : i32
    %add3A_14 = arith.constant 0 : i32
    %add3A_15 = arith.addi %mul3A_13, %add3A_14 : i32
    %dma_start3A = arith.constant 0 : i32
    %dma_start3A_16 = arith.constant 0 : i32
    %dma_start3A_17 = tpu.memref_slice %arg2[%dma_start3A, %add3A_15, %dma_start3A_16] : memref<2x25088x128xi32, #tpu.memory_space<hbm>> -> memref<1x56x128xi32, #tpu.memory_space<hbm>>
    %dma_start3A_18 = tpu.memref_squeeze %dma_start3A_17 : memref<1x56x128xi32, #tpu.memory_space<hbm>> -> memref<56x128xi32, #tpu.memory_space<hbm>>
    %dma_start3A_19 = arith.constant 0 : i32
    %dma_start3A_20 = tpu.memref_slice %arg2[%dma_start3A, %add3A_15, %dma_start3A_19] : memref<2x25088x128xi32, #tpu.memory_space<hbm>> -> memref<1x56x128xi32, #tpu.memory_space<hbm>>
    %dma_start3A_21 = tpu.memref_squeeze %dma_start3A_20 : memref<1x56x128xi32, #tpu.memory_space<hbm>> -> memref<56x128xi32, #tpu.memory_space<hbm>>
    tpu.enqueue_dma source(%dma_start3A_21 : memref<56x128xi32, #tpu.memory_space<hbm>>) target(%arg9 : memref<56x128xi32, #tpu.memory_space<vmem>>) target_semaphore(%arg13 : memref<!tpu.dma_semaphore, #tpu.memory_space<semaphore_mem>>)
    %dma_start3A_22 = arith.constant 1 : i32
    %dma_start3A_23 = arith.constant 0 : i32
    %dma_start3A_24 = tpu.memref_slice %arg2[%dma_start3A_22, %add3A_15, %dma_start3A_23] : memref<2x25088x128xi32, #tpu.memory_space<hbm>> -> memref<1x56x128xi32, #tpu.memory_space<hbm>>
    %dma_start3A_25 = tpu.memref_squeeze %dma_start3A_24 : memref<1x56x128xi32, #tpu.memory_space<hbm>> -> memref<56x128xi32, #tpu.memory_space<hbm>>
    %dma_start3A_26 = arith.constant 0 : i32
    %dma_start3A_27 = tpu.memref_slice %arg2[%dma_start3A_22, %add3A_15, %dma_start3A_26] : memref<2x25088x128xi32, #tpu.memory_space<hbm>> -> memref<1x56x128xi32, #tpu.memory_space<hbm>>
    %dma_start3A_28 = tpu.memref_squeeze %dma_start3A_27 : memref<1x56x128xi32, #tpu.memory_space<hbm>> -> memref<56x128xi32, #tpu.memory_space<hbm>>
    tpu.enqueue_dma source(%dma_start3A_28 : memref<56x128xi32, #tpu.memory_space<hbm>>) target(%arg10 : memref<56x128xi32, #tpu.memory_space<vmem>>) target_semaphore(%arg14 : memref<!tpu.dma_semaphore, #tpu.memory_space<semaphore_mem>>)
    %scan3A_29 = arith.constant 0 : i32
    %scan3A_30 = arith.constant 7 : i32
    %scan3A_31 = arith.addi %scan3A_29, %scan3A_30 : i32
    %scan3A_32 = arith.constant 1 : i32
    scf.for %scan3A_41 = %scan3A_29 to %scan3A_31 step %scan3A_32  : i32 {
      %mul3A_42 = arith.constant 2 : i32
      %mul3A_43 = arith.muli %mul3A_42, %scan3A_41 : i32
      %mul3A_44 = arith.constant 56 : i32
      %mul3A_45 = arith.muli %mul3A_43, %mul3A_44 : i32
      %add3A_46 = arith.addi %mul3A_13, %mul3A_45 : i32
      %dma_wait3A = arith.constant 0 : i32
      %dma_wait3A_47 = arith.constant 0 : i32
      %dma_wait3A_48 = tpu.memref_slice %arg2[%dma_wait3A, %add3A_46, %dma_wait3A_47] : memref<2x25088x128xi32, #tpu.memory_space<hbm>> -> memref<1x56x128xi32, #tpu.memory_space<hbm>>
      %dma_wait3A_49 = tpu.memref_squeeze %dma_wait3A_48 : memref<1x56x128xi32, #tpu.memory_space<hbm>> -> memref<56x128xi32, #tpu.memory_space<hbm>>
      %dma_wait3A_50 = arith.constant 0 : i32
      %dma_wait3A_51 = tpu.memref_slice %arg2[%dma_wait3A, %add3A_46, %dma_wait3A_50] : memref<2x25088x128xi32, #tpu.memory_space<hbm>> -> memref<1x56x128xi32, #tpu.memory_space<hbm>>
      %dma_wait3A_52 = tpu.memref_squeeze %dma_wait3A_51 : memref<1x56x128xi32, #tpu.memory_space<hbm>> -> memref<56x128xi32, #tpu.memory_space<hbm>>
      tpu.wait_dma2 semaphore(%arg13 : memref<!tpu.dma_semaphore, #tpu.memory_space<semaphore_mem>>) src(%dma_wait3A_52 : memref<56x128xi32, #tpu.memory_space<hbm>>) dst(%arg9 : memref<56x128xi32, #tpu.memory_space<vmem>>)
      %dma_wait3A_53 = arith.constant 1 : i32
      %dma_wait3A_54 = arith.constant 0 : i32
      %dma_wait3A_55 = tpu.memref_slice %arg2[%dma_wait3A_53, %add3A_46, %dma_wait3A_54] : memref<2x25088x128xi32, #tpu.memory_space<hbm>> -> memref<1x56x128xi32, #tpu.memory_space<hbm>>
      %dma_wait3A_56 = tpu.memref_squeeze %dma_wait3A_55 : memref<1x56x128xi32, #tpu.memory_space<hbm>> -> memref<56x128xi32, #tpu.memory_space<hbm>>
      %dma_wait3A_57 = arith.constant 0 : i32
      %dma_wait3A_58 = tpu.memref_slice %arg2[%dma_wait3A_53, %add3A_46, %dma_wait3A_57] : memref<2x25088x128xi32, #tpu.memory_space<hbm>> -> memref<1x56x128xi32, #tpu.memory_space<hbm>>
      %dma_wait3A_59 = tpu.memref_squeeze %dma_wait3A_58 : memref<1x56x128xi32, #tpu.memory_space<hbm>> -> memref<56x128xi32, #tpu.memory_space<hbm>>
      tpu.wait_dma2 semaphore(%arg14 : memref<!tpu.dma_semaphore, #tpu.memory_space<semaphore_mem>>) src(%dma_wait3A_59 : memref<56x128xi32, #tpu.memory_space<hbm>>) dst(%arg10 : memref<56x128xi32, #tpu.memory_space<vmem>>)
      %add3A_60 = arith.constant 1 : i32
      %add3A_61 = arith.addi %mul3A_43, %add3A_60 : i32
      %lt3A = arith.constant 14 : i32
      %lt3A_62 = arith.cmpi slt, %add3A_61, %lt3A : i32
      %convert_element_type3A = arith.extui %lt3A_62 : i1 to i32
      %cond3A = arith.constant 0 : i32
      %cond3A_63 = arith.cmpi ne, %convert_element_type3A, %cond3A : i32
      scf.if %cond3A_63 {
        %add3A_102 = arith.constant 1 : i32
        %add3A_103 = arith.addi %mul3A_43, %add3A_102 : i32
        %mul3A_104 = arith.constant 56 : i32
        %mul3A_105 = arith.muli %add3A_103, %mul3A_104 : i32
        %add3A_106 = arith.addi %mul3A_13, %mul3A_105 : i32
        %dma_start3A_107 = arith.constant 0 : i32
        %dma_start3A_108 = arith.constant 0 : i32
        %dma_start3A_109 = tpu.memref_slice %arg2[%dma_start3A_107, %add3A_106, %dma_start3A_108] : memref<2x25088x128xi32, #tpu.memory_space<hbm>> -> memref<1x56x128xi32, #tpu.memory_space<hbm>>
        %dma_start3A_110 = tpu.memref_squeeze %dma_start3A_109 : memref<1x56x128xi32, #tpu.memory_space<hbm>> -> memref<56x128xi32, #tpu.memory_space<hbm>>
        %dma_start3A_111 = arith.constant 0 : i32
        %dma_start3A_112 = tpu.memref_slice %arg2[%dma_start3A_107, %add3A_106, %dma_start3A_111] : memref<2x25088x128xi32, #tpu.memory_space<hbm>> -> memref<1x56x128xi32, #tpu.memory_space<hbm>>
        %dma_start3A_113 = tpu.memref_squeeze %dma_start3A_112 : memref<1x56x128xi32, #tpu.memory_space<hbm>> -> memref<56x128xi32, #tpu.memory_space<hbm>>
        tpu.enqueue_dma source(%dma_start3A_113 : memref<56x128xi32, #tpu.memory_space<hbm>>) target(%arg11 : memref<56x128xi32, #tpu.memory_space<vmem>>) target_semaphore(%arg15 : memref<!tpu.dma_semaphore, #tpu.memory_space<semaphore_mem>>)
        %dma_start3A_114 = arith.constant 1 : i32
        %dma_start3A_115 = arith.constant 0 : i32
        %dma_start3A_116 = tpu.memref_slice %arg2[%dma_start3A_114, %add3A_106, %dma_start3A_115] : memref<2x25088x128xi32, #tpu.memory_space<hbm>> -> memref<1x56x128xi32, #tpu.memory_space<hbm>>
        %dma_start3A_117 = tpu.memref_squeeze %dma_start3A_116 : memref<1x56x128xi32, #tpu.memory_space<hbm>> -> memref<56x128xi32, #tpu.memory_space<hbm>>
        %dma_start3A_118 = arith.constant 0 : i32
        %dma_start3A_119 = tpu.memref_slice %arg2[%dma_start3A_114, %add3A_106, %dma_start3A_118] : memref<2x25088x128xi32, #tpu.memory_space<hbm>> -> memref<1x56x128xi32, #tpu.memory_space<hbm>>
        %dma_start3A_120 = tpu.memref_squeeze %dma_start3A_119 : memref<1x56x128xi32, #tpu.memory_space<hbm>> -> memref<56x128xi32, #tpu.memory_space<hbm>>
        tpu.enqueue_dma source(%dma_start3A_120 : memref<56x128xi32, #tpu.memory_space<hbm>>) target(%arg12 : memref<56x128xi32, #tpu.memory_space<vmem>>) target_semaphore(%arg16 : memref<!tpu.dma_semaphore, #tpu.memory_space<semaphore_mem>>)
      } else {
      }
      %scan3A_64 = arith.constant 0 : i32
      %scan3A_65 = arith.constant 7 : i32
      %scan3A_66 = arith.addi %scan3A_64, %scan3A_65 : i32
      %scan3A_67 = arith.constant 1 : i32
      scf.for %scan3A_102 = %scan3A_64 to %scan3A_66 step %scan3A_67  : i32 {
        %mul3A_103 = arith.constant 8 : i32
        %mul3A_104 = arith.muli %scan3A_102, %mul3A_103 : i32
        %add3A_105 = arith.constant 0 : i32
        %add3A_106 = arith.addi %mul3A_104, %add3A_105 : i32
        %dma_start3A_107 = arith.constant 0 : i32
        %dma_start3A_108 = tpu.memref_slice %arg9[%add3A_106, %dma_start3A_107] : memref<56x128xi32, #tpu.memory_space<vmem>> -> memref<1x128xi32, #tpu.memory_space<vmem>>
        %dma_start3A_109 = tpu.memref_squeeze %dma_start3A_108 : memref<1x128xi32, #tpu.memory_space<vmem>> -> memref<128xi32, #tpu.memory_space<vmem>>
        %dma_start3A_110 = arith.constant 0 : i32
        %dma_start3A_111 = tpu.memref_slice %arg5[%dma_start3A_110] : memref<100352xf32, #tpu.memory_space<vmem_shared>> -> memref<100352xf32, #tpu.memory_space<vmem_shared>>
        tpu.enqueue_indirect_dma source(%arg8 : memref<128xf32, #tpu.memory_space<vmem>>) target(%dma_start3A_111 : memref<100352xf32, #tpu.memory_space<vmem_shared>>) offsets(%dma_start3A_109 : memref<128xi32, #tpu.memory_space<vmem>>) semaphore(%arg17 : memref<!tpu.dma_semaphore, #tpu.memory_space<semaphore_mem>>) {add = true}
        %add3A_112 = arith.constant 1 : i32
        %add3A_113 = arith.addi %mul3A_104, %add3A_112 : i32
        %dma_start3A_114 = arith.constant 0 : i32
        %dma_start3A_115 = tpu.memref_slice %arg9[%add3A_113, %dma_start3A_114] : memref<56x128xi32, #tpu.memory_space<vmem>> -> memref<1x128xi32, #tpu.memory_space<vmem>>
        %dma_start3A_116 = tpu.memref_squeeze %dma_start3A_115 : memref<1x128xi32, #tpu.memory_space<vmem>> -> memref<128xi32, #tpu.memory_space<vmem>>
        %dma_start3A_117 = arith.constant 0 : i32
        %dma_start3A_118 = tpu.memref_slice %arg5[%dma_start3A_117] : memref<100352xf32, #tpu.memory_space<vmem_shared>> -> memref<100352xf32, #tpu.memory_space<vmem_shared>>
        tpu.enqueue_indirect_dma source(%arg8 : memref<128xf32, #tpu.memory_space<vmem>>) target(%dma_start3A_118 : memref<100352xf32, #tpu.memory_space<vmem_shared>>) offsets(%dma_start3A_116 : memref<128xi32, #tpu.memory_space<vmem>>) semaphore(%arg17 : memref<!tpu.dma_semaphore, #tpu.memory_space<semaphore_mem>>) {add = true}
        %add3A_119 = arith.constant 2 : i32
        %add3A_120 = arith.addi %mul3A_104, %add3A_119 : i32
        %dma_start3A_121 = arith.constant 0 : i32
        %dma_start3A_122 = tpu.memref_slice %arg9[%add3A_120, %dma_start3A_121] : memref<56x128xi32, #tpu.memory_space<vmem>> -> memref<1x128xi32, #tpu.memory_space<vmem>>
        %dma_start3A_123 = tpu.memref_squeeze %dma_start3A_122 : memref<1x128xi32, #tpu.memory_space<vmem>> -> memref<128xi32, #tpu.memory_space<vmem>>
        %dma_start3A_124 = arith.constant 0 : i32
        %dma_start3A_125 = tpu.memref_slice %arg5[%dma_start3A_124] : memref<100352xf32, #tpu.memory_space<vmem_shared>> -> memref<100352xf32, #tpu.memory_space<vmem_shared>>
        tpu.enqueue_indirect_dma source(%arg8 : memref<128xf32, #tpu.memory_space<vmem>>) target(%dma_start3A_125 : memref<100352xf32, #tpu.memory_space<vmem_shared>>) offsets(%dma_start3A_123 : memref<128xi32, #tpu.memory_space<vmem>>) semaphore(%arg17 : memref<!tpu.dma_semaphore, #tpu.memory_space<semaphore_mem>>) {add = true}
        %add3A_126 = arith.constant 3 : i32
        %add3A_127 = arith.addi %mul3A_104, %add3A_126 : i32
        %dma_start3A_128 = arith.constant 0 : i32
        %dma_start3A_129 = tpu.memref_slice %arg9[%add3A_127, %dma_start3A_128] : memref<56x128xi32, #tpu.memory_space<vmem>> -> memref<1x128xi32, #tpu.memory_space<vmem>>
        %dma_start3A_130 = tpu.memref_squeeze %dma_start3A_129 : memref<1x128xi32, #tpu.memory_space<vmem>> -> memref<128xi32, #tpu.memory_space<vmem>>
        %dma_start3A_131 = arith.constant 0 : i32
        %dma_start3A_132 = tpu.memref_slice %arg5[%dma_start3A_131] : memref<100352xf32, #tpu.memory_space<vmem_shared>> -> memref<100352xf32, #tpu.memory_space<vmem_shared>>
        tpu.enqueue_indirect_dma source(%arg8 : memref<128xf32, #tpu.memory_space<vmem>>) target(%dma_start3A_132 : memref<100352xf32, #tpu.memory_space<vmem_shared>>) offsets(%dma_start3A_130 : memref<128xi32, #tpu.memory_space<vmem>>) semaphore(%arg17 : memref<!tpu.dma_semaphore, #tpu.memory_space<semaphore_mem>>) {add = true}
        %add3A_133 = arith.constant 4 : i32
        %add3A_134 = arith.addi %mul3A_104, %add3A_133 : i32
        %dma_start3A_135 = arith.constant 0 : i32
        %dma_start3A_136 = tpu.memref_slice %arg9[%add3A_134, %dma_start3A_135] : memref<56x128xi32, #tpu.memory_space<vmem>> -> memref<1x128xi32, #tpu.memory_space<vmem>>
        %dma_start3A_137 = tpu.memref_squeeze %dma_start3A_136 : memref<1x128xi32, #tpu.memory_space<vmem>> -> memref<128xi32, #tpu.memory_space<vmem>>
        %dma_start3A_138 = arith.constant 0 : i32
        %dma_start3A_139 = tpu.memref_slice %arg5[%dma_start3A_138] : memref<100352xf32, #tpu.memory_space<vmem_shared>> -> memref<100352xf32, #tpu.memory_space<vmem_shared>>
        tpu.enqueue_indirect_dma source(%arg8 : memref<128xf32, #tpu.memory_space<vmem>>) target(%dma_start3A_139 : memref<100352xf32, #tpu.memory_space<vmem_shared>>) offsets(%dma_start3A_137 : memref<128xi32, #tpu.memory_space<vmem>>) semaphore(%arg17 : memref<!tpu.dma_semaphore, #tpu.memory_space<semaphore_mem>>) {add = true}
        %add3A_140 = arith.constant 5 : i32
        %add3A_141 = arith.addi %mul3A_104, %add3A_140 : i32
        %dma_start3A_142 = arith.constant 0 : i32
        %dma_start3A_143 = tpu.memref_slice %arg9[%add3A_141, %dma_start3A_142] : memref<56x128xi32, #tpu.memory_space<vmem>> -> memref<1x128xi32, #tpu.memory_space<vmem>>
        %dma_start3A_144 = tpu.memref_squeeze %dma_start3A_143 : memref<1x128xi32, #tpu.memory_space<vmem>> -> memref<128xi32, #tpu.memory_space<vmem>>
        %dma_start3A_145 = arith.constant 0 : i32
        %dma_start3A_146 = tpu.memref_slice %arg5[%dma_start3A_145] : memref<100352xf32, #tpu.memory_space<vmem_shared>> -> memref<100352xf32, #tpu.memory_space<vmem_shared>>
        tpu.enqueue_indirect_dma source(%arg8 : memref<128xf32, #tpu.memory_space<vmem>>) target(%dma_start3A_146 : memref<100352xf32, #tpu.memory_space<vmem_shared>>) offsets(%dma_start3A_144 : memref<128xi32, #tpu.memory_space<vmem>>) semaphore(%arg17 : memref<!tpu.dma_semaphore, #tpu.memory_space<semaphore_mem>>) {add = true}
        %add3A_147 = arith.constant 6 : i32
        %add3A_148 = arith.addi %mul3A_104, %add3A_147 : i32
        %dma_start3A_149 = arith.constant 0 : i32
        %dma_start3A_150 = tpu.memref_slice %arg9[%add3A_148, %dma_start3A_149] : memref<56x128xi32, #tpu.memory_space<vmem>> -> memref<1x128xi32, #tpu.memory_space<vmem>>
        %dma_start3A_151 = tpu.memref_squeeze %dma_start3A_150 : memref<1x128xi32, #tpu.memory_space<vmem>> -> memref<128xi32, #tpu.memory_space<vmem>>
        %dma_start3A_152 = arith.constant 0 : i32
        %dma_start3A_153 = tpu.memref_slice %arg5[%dma_start3A_152] : memref<100352xf32, #tpu.memory_space<vmem_shared>> -> memref<100352xf32, #tpu.memory_space<vmem_shared>>
        tpu.enqueue_indirect_dma source(%arg8 : memref<128xf32, #tpu.memory_space<vmem>>) target(%dma_start3A_153 : memref<100352xf32, #tpu.memory_space<vmem_shared>>) offsets(%dma_start3A_151 : memref<128xi32, #tpu.memory_space<vmem>>) semaphore(%arg17 : memref<!tpu.dma_semaphore, #tpu.memory_space<semaphore_mem>>) {add = true}
        %add3A_154 = arith.constant 7 : i32
        %add3A_155 = arith.addi %mul3A_104, %add3A_154 : i32
        %dma_start3A_156 = arith.constant 0 : i32
        %dma_start3A_157 = tpu.memref_slice %arg9[%add3A_155, %dma_start3A_156] : memref<56x128xi32, #tpu.memory_space<vmem>> -> memref<1x128xi32, #tpu.memory_space<vmem>>
        %dma_start3A_158 = tpu.memref_squeeze %dma_start3A_157 : memref<1x128xi32, #tpu.memory_space<vmem>> -> memref<128xi32, #tpu.memory_space<vmem>>
        %dma_start3A_159 = arith.constant 0 : i32
        %dma_start3A_160 = tpu.memref_slice %arg5[%dma_start3A_159] : memref<100352xf32, #tpu.memory_space<vmem_shared>> -> memref<100352xf32, #tpu.memory_space<vmem_shared>>
        tpu.enqueue_indirect_dma source(%arg8 : memref<128xf32, #tpu.memory_space<vmem>>) target(%dma_start3A_160 : memref<100352xf32, #tpu.memory_space<vmem_shared>>) offsets(%dma_start3A_158 : memref<128xi32, #tpu.memory_space<vmem>>) semaphore(%arg17 : memref<!tpu.dma_semaphore, #tpu.memory_space<semaphore_mem>>) {add = true}
        %add3A_161 = arith.constant 0 : i32
        %add3A_162 = arith.addi %mul3A_104, %add3A_161 : i32
        %dma_start3A_163 = arith.constant 0 : i32
        %dma_start3A_164 = tpu.memref_slice %arg10[%add3A_162, %dma_start3A_163] : memref<56x128xi32, #tpu.memory_space<vmem>> -> memref<1x128xi32, #tpu.memory_space<vmem>>
        %dma_start3A_165 = tpu.memref_squeeze %dma_start3A_164 : memref<1x128xi32, #tpu.memory_space<vmem>> -> memref<128xi32, #tpu.memory_space<vmem>>
        %dma_start3A_166 = arith.constant 0 : i32
        %dma_start3A_167 = tpu.memref_slice %arg6[%dma_start3A_166] : memref<100352xf32, #tpu.memory_space<vmem_shared>> -> memref<100352xf32, #tpu.memory_space<vmem_shared>>
        tpu.enqueue_indirect_dma source(%arg8 : memref<128xf32, #tpu.memory_space<vmem>>) target(%dma_start3A_167 : memref<100352xf32, #tpu.memory_space<vmem_shared>>) offsets(%dma_start3A_165 : memref<128xi32, #tpu.memory_space<vmem>>) semaphore(%arg18 : memref<!tpu.dma_semaphore, #tpu.memory_space<semaphore_mem>>) {add = true}
        %add3A_168 = arith.constant 1 : i32
        %add3A_169 = arith.addi %mul3A_104, %add3A_168 : i32
        %dma_start3A_170 = arith.constant 0 : i32
        %dma_start3A_171 = tpu.memref_slice %arg10[%add3A_169, %dma_start3A_170] : memref<56x128xi32, #tpu.memory_space<vmem>> -> memref<1x128xi32, #tpu.memory_space<vmem>>
        %dma_start3A_172 = tpu.memref_squeeze %dma_start3A_171 : memref<1x128xi32, #tpu.memory_space<vmem>> -> memref<128xi32, #tpu.memory_space<vmem>>
        %dma_start3A_173 = arith.constant 0 : i32
        %dma_start3A_174 = tpu.memref_slice %arg6[%dma_start3A_173] : memref<100352xf32, #tpu.memory_space<vmem_shared>> -> memref<100352xf32, #tpu.memory_space<vmem_shared>>
        tpu.enqueue_indirect_dma source(%arg8 : memref<128xf32, #tpu.memory_space<vmem>>) target(%dma_start3A_174 : memref<100352xf32, #tpu.memory_space<vmem_shared>>) offsets(%dma_start3A_172 : memref<128xi32, #tpu.memory_space<vmem>>) semaphore(%arg18 : memref<!tpu.dma_semaphore, #tpu.memory_space<semaphore_mem>>) {add = true}
        %add3A_175 = arith.constant 2 : i32
        %add3A_176 = arith.addi %mul3A_104, %add3A_175 : i32
        %dma_start3A_177 = arith.constant 0 : i32
        %dma_start3A_178 = tpu.memref_slice %arg10[%add3A_176, %dma_start3A_177] : memref<56x128xi32, #tpu.memory_space<vmem>> -> memref<1x128xi32, #tpu.memory_space<vmem>>
        %dma_start3A_179 = tpu.memref_squeeze %dma_start3A_178 : memref<1x128xi32, #tpu.memory_space<vmem>> -> memref<128xi32, #tpu.memory_space<vmem>>
        %dma_start3A_180 = arith.constant 0 : i32
        %dma_start3A_181 = tpu.memref_slice %arg6[%dma_start3A_180] : memref<100352xf32, #tpu.memory_space<vmem_shared>> -> memref<100352xf32, #tpu.memory_space<vmem_shared>>
        tpu.enqueue_indirect_dma source(%arg8 : memref<128xf32, #tpu.memory_space<vmem>>) target(%dma_start3A_181 : memref<100352xf32, #tpu.memory_space<vmem_shared>>) offsets(%dma_start3A_179 : memref<128xi32, #tpu.memory_space<vmem>>) semaphore(%arg18 : memref<!tpu.dma_semaphore, #tpu.memory_space<semaphore_mem>>) {add = true}
        %add3A_182 = arith.constant 3 : i32
        %add3A_183 = arith.addi %mul3A_104, %add3A_182 : i32
        %dma_start3A_184 = arith.constant 0 : i32
        %dma_start3A_185 = tpu.memref_slice %arg10[%add3A_183, %dma_start3A_184] : memref<56x128xi32, #tpu.memory_space<vmem>> -> memref<1x128xi32, #tpu.memory_space<vmem>>
        %dma_start3A_186 = tpu.memref_squeeze %dma_start3A_185 : memref<1x128xi32, #tpu.memory_space<vmem>> -> memref<128xi32, #tpu.memory_space<vmem>>
        %dma_start3A_187 = arith.constant 0 : i32
        %dma_start3A_188 = tpu.memref_slice %arg6[%dma_start3A_187] : memref<100352xf32, #tpu.memory_space<vmem_shared>> -> memref<100352xf32, #tpu.memory_space<vmem_shared>>
        tpu.enqueue_indirect_dma source(%arg8 : memref<128xf32, #tpu.memory_space<vmem>>) target(%dma_start3A_188 : memref<100352xf32, #tpu.memory_space<vmem_shared>>) offsets(%dma_start3A_186 : memref<128xi32, #tpu.memory_space<vmem>>) semaphore(%arg18 : memref<!tpu.dma_semaphore, #tpu.memory_space<semaphore_mem>>) {add = true}
        %add3A_189 = arith.constant 4 : i32
        %add3A_190 = arith.addi %mul3A_104, %add3A_189 : i32
        %dma_start3A_191 = arith.constant 0 : i32
        %dma_start3A_192 = tpu.memref_slice %arg10[%add3A_190, %dma_start3A_191] : memref<56x128xi32, #tpu.memory_space<vmem>> -> memref<1x128xi32, #tpu.memory_space<vmem>>
        %dma_start3A_193 = tpu.memref_squeeze %dma_start3A_192 : memref<1x128xi32, #tpu.memory_space<vmem>> -> memref<128xi32, #tpu.memory_space<vmem>>
        %dma_start3A_194 = arith.constant 0 : i32
        %dma_start3A_195 = tpu.memref_slice %arg6[%dma_start3A_194] : memref<100352xf32, #tpu.memory_space<vmem_shared>> -> memref<100352xf32, #tpu.memory_space<vmem_shared>>
        tpu.enqueue_indirect_dma source(%arg8 : memref<128xf32, #tpu.memory_space<vmem>>) target(%dma_start3A_195 : memref<100352xf32, #tpu.memory_space<vmem_shared>>) offsets(%dma_start3A_193 : memref<128xi32, #tpu.memory_space<vmem>>) semaphore(%arg18 : memref<!tpu.dma_semaphore, #tpu.memory_space<semaphore_mem>>) {add = true}
        %add3A_196 = arith.constant 5 : i32
        %add3A_197 = arith.addi %mul3A_104, %add3A_196 : i32
        %dma_start3A_198 = arith.constant 0 : i32
        %dma_start3A_199 = tpu.memref_slice %arg10[%add3A_197, %dma_start3A_198] : memref<56x128xi32, #tpu.memory_space<vmem>> -> memref<1x128xi32, #tpu.memory_space<vmem>>
        %dma_start3A_200 = tpu.memref_squeeze %dma_start3A_199 : memref<1x128xi32, #tpu.memory_space<vmem>> -> memref<128xi32, #tpu.memory_space<vmem>>
        %dma_start3A_201 = arith.constant 0 : i32
        %dma_start3A_202 = tpu.memref_slice %arg6[%dma_start3A_201] : memref<100352xf32, #tpu.memory_space<vmem_shared>> -> memref<100352xf32, #tpu.memory_space<vmem_shared>>
        tpu.enqueue_indirect_dma source(%arg8 : memref<128xf32, #tpu.memory_space<vmem>>) target(%dma_start3A_202 : memref<100352xf32, #tpu.memory_space<vmem_shared>>) offsets(%dma_start3A_200 : memref<128xi32, #tpu.memory_space<vmem>>) semaphore(%arg18 : memref<!tpu.dma_semaphore, #tpu.memory_space<semaphore_mem>>) {add = true}
        %add3A_203 = arith.constant 6 : i32
        %add3A_204 = arith.addi %mul3A_104, %add3A_203 : i32
        %dma_start3A_205 = arith.constant 0 : i32
        %dma_start3A_206 = tpu.memref_slice %arg10[%add3A_204, %dma_start3A_205] : memref<56x128xi32, #tpu.memory_space<vmem>> -> memref<1x128xi32, #tpu.memory_space<vmem>>
        %dma_start3A_207 = tpu.memref_squeeze %dma_start3A_206 : memref<1x128xi32, #tpu.memory_space<vmem>> -> memref<128xi32, #tpu.memory_space<vmem>>
        %dma_start3A_208 = arith.constant 0 : i32
        %dma_start3A_209 = tpu.memref_slice %arg6[%dma_start3A_208] : memref<100352xf32, #tpu.memory_space<vmem_shared>> -> memref<100352xf32, #tpu.memory_space<vmem_shared>>
        tpu.enqueue_indirect_dma source(%arg8 : memref<128xf32, #tpu.memory_space<vmem>>) target(%dma_start3A_209 : memref<100352xf32, #tpu.memory_space<vmem_shared>>) offsets(%dma_start3A_207 : memref<128xi32, #tpu.memory_space<vmem>>) semaphore(%arg18 : memref<!tpu.dma_semaphore, #tpu.memory_space<semaphore_mem>>) {add = true}
        %add3A_210 = arith.constant 7 : i32
        %add3A_211 = arith.addi %mul3A_104, %add3A_210 : i32
        %dma_start3A_212 = arith.constant 0 : i32
        %dma_start3A_213 = tpu.memref_slice %arg10[%add3A_211, %dma_start3A_212] : memref<56x128xi32, #tpu.memory_space<vmem>> -> memref<1x128xi32, #tpu.memory_space<vmem>>
        %dma_start3A_214 = tpu.memref_squeeze %dma_start3A_213 : memref<1x128xi32, #tpu.memory_space<vmem>> -> memref<128xi32, #tpu.memory_space<vmem>>
        %dma_start3A_215 = arith.constant 0 : i32
        %dma_start3A_216 = tpu.memref_slice %arg6[%dma_start3A_215] : memref<100352xf32, #tpu.memory_space<vmem_shared>> -> memref<100352xf32, #tpu.memory_space<vmem_shared>>
        tpu.enqueue_indirect_dma source(%arg8 : memref<128xf32, #tpu.memory_space<vmem>>) target(%dma_start3A_216 : memref<100352xf32, #tpu.memory_space<vmem_shared>>) offsets(%dma_start3A_214 : memref<128xi32, #tpu.memory_space<vmem>>) semaphore(%arg18 : memref<!tpu.dma_semaphore, #tpu.memory_space<semaphore_mem>>) {add = true}
        %dma_wait3A_217 = arith.constant 0 : i32
        %dma_wait3A_218 = tpu.memref_slice %arg9[%add3A_106, %dma_wait3A_217] : memref<56x128xi32, #tpu.memory_space<vmem>> -> memref<1x128xi32, #tpu.memory_space<vmem>>
        %dma_wait3A_219 = tpu.memref_squeeze %dma_wait3A_218 : memref<1x128xi32, #tpu.memory_space<vmem>> -> memref<128xi32, #tpu.memory_space<vmem>>
        %dma_wait3A_220 = arith.constant 0 : i32
        %dma_wait3A_221 = tpu.memref_slice %arg5[%dma_wait3A_220] : memref<100352xf32, #tpu.memory_space<vmem_shared>> -> memref<100352xf32, #tpu.memory_space<vmem_shared>>
        tpu.wait_indirect_dma semaphore(%arg17 : memref<!tpu.dma_semaphore, #tpu.memory_space<semaphore_mem>>) src(%arg8 : memref<128xf32, #tpu.memory_space<vmem>>) dst(%dma_wait3A_221 : memref<100352xf32, #tpu.memory_space<vmem_shared>>)
        %dma_wait3A_222 = arith.constant 0 : i32
        %dma_wait3A_223 = tpu.memref_slice %arg9[%add3A_113, %dma_wait3A_222] : memref<56x128xi32, #tpu.memory_space<vmem>> -> memref<1x128xi32, #tpu.memory_space<vmem>>
        %dma_wait3A_224 = tpu.memref_squeeze %dma_wait3A_223 : memref<1x128xi32, #tpu.memory_space<vmem>> -> memref<128xi32, #tpu.memory_space<vmem>>
        %dma_wait3A_225 = arith.constant 0 : i32
        %dma_wait3A_226 = tpu.memref_slice %arg5[%dma_wait3A_225] : memref<100352xf32, #tpu.memory_space<vmem_shared>> -> memref<100352xf32, #tpu.memory_space<vmem_shared>>
        tpu.wait_indirect_dma semaphore(%arg17 : memref<!tpu.dma_semaphore, #tpu.memory_space<semaphore_mem>>) src(%arg8 : memref<128xf32, #tpu.memory_space<vmem>>) dst(%dma_wait3A_226 : memref<100352xf32, #tpu.memory_space<vmem_shared>>)
        %dma_wait3A_227 = arith.constant 0 : i32
        %dma_wait3A_228 = tpu.memref_slice %arg9[%add3A_120, %dma_wait3A_227] : memref<56x128xi32, #tpu.memory_space<vmem>> -> memref<1x128xi32, #tpu.memory_space<vmem>>
        %dma_wait3A_229 = tpu.memref_squeeze %dma_wait3A_228 : memref<1x128xi32, #tpu.memory_space<vmem>> -> memref<128xi32, #tpu.memory_space<vmem>>
        %dma_wait3A_230 = arith.constant 0 : i32
        %dma_wait3A_231 = tpu.memref_slice %arg5[%dma_wait3A_230] : memref<100352xf32, #tpu.memory_space<vmem_shared>> -> memref<100352xf32, #tpu.memory_space<vmem_shared>>
        tpu.wait_indirect_dma semaphore(%arg17 : memref<!tpu.dma_semaphore, #tpu.memory_space<semaphore_mem>>) src(%arg8 : memref<128xf32, #tpu.memory_space<vmem>>) dst(%dma_wait3A_231 : memref<100352xf32, #tpu.memory_space<vmem_shared>>)
        %dma_wait3A_232 = arith.constant 0 : i32
        %dma_wait3A_233 = tpu.memref_slice %arg9[%add3A_127, %dma_wait3A_232] : memref<56x128xi32, #tpu.memory_space<vmem>> -> memref<1x128xi32, #tpu.memory_space<vmem>>
        %dma_wait3A_234 = tpu.memref_squeeze %dma_wait3A_233 : memref<1x128xi32, #tpu.memory_space<vmem>> -> memref<128xi32, #tpu.memory_space<vmem>>
        %dma_wait3A_235 = arith.constant 0 : i32
        %dma_wait3A_236 = tpu.memref_slice %arg5[%dma_wait3A_235] : memref<100352xf32, #tpu.memory_space<vmem_shared>> -> memref<100352xf32, #tpu.memory_space<vmem_shared>>
        tpu.wait_indirect_dma semaphore(%arg17 : memref<!tpu.dma_semaphore, #tpu.memory_space<semaphore_mem>>) src(%arg8 : memref<128xf32, #tpu.memory_space<vmem>>) dst(%dma_wait3A_236 : memref<100352xf32, #tpu.memory_space<vmem_shared>>)
        %dma_wait3A_237 = arith.constant 0 : i32
        %dma_wait3A_238 = tpu.memref_slice %arg9[%add3A_134, %dma_wait3A_237] : memref<56x128xi32, #tpu.memory_space<vmem>> -> memref<1x128xi32, #tpu.memory_space<vmem>>
        %dma_wait3A_239 = tpu.memref_squeeze %dma_wait3A_238 : memref<1x128xi32, #tpu.memory_space<vmem>> -> memref<128xi32, #tpu.memory_space<vmem>>
        %dma_wait3A_240 = arith.constant 0 : i32
        %dma_wait3A_241 = tpu.memref_slice %arg5[%dma_wait3A_240] : memref<100352xf32, #tpu.memory_space<vmem_shared>> -> memref<100352xf32, #tpu.memory_space<vmem_shared>>
        tpu.wait_indirect_dma semaphore(%arg17 : memref<!tpu.dma_semaphore, #tpu.memory_space<semaphore_mem>>) src(%arg8 : memref<128xf32, #tpu.memory_space<vmem>>) dst(%dma_wait3A_241 : memref<100352xf32, #tpu.memory_space<vmem_shared>>)
        %dma_wait3A_242 = arith.constant 0 : i32
        %dma_wait3A_243 = tpu.memref_slice %arg9[%add3A_141, %dma_wait3A_242] : memref<56x128xi32, #tpu.memory_space<vmem>> -> memref<1x128xi32, #tpu.memory_space<vmem>>
        %dma_wait3A_244 = tpu.memref_squeeze %dma_wait3A_243 : memref<1x128xi32, #tpu.memory_space<vmem>> -> memref<128xi32, #tpu.memory_space<vmem>>
        %dma_wait3A_245 = arith.constant 0 : i32
        %dma_wait3A_246 = tpu.memref_slice %arg5[%dma_wait3A_245] : memref<100352xf32, #tpu.memory_space<vmem_shared>> -> memref<100352xf32, #tpu.memory_space<vmem_shared>>
        tpu.wait_indirect_dma semaphore(%arg17 : memref<!tpu.dma_semaphore, #tpu.memory_space<semaphore_mem>>) src(%arg8 : memref<128xf32, #tpu.memory_space<vmem>>) dst(%dma_wait3A_246 : memref<100352xf32, #tpu.memory_space<vmem_shared>>)
        %dma_wait3A_247 = arith.constant 0 : i32
        %dma_wait3A_248 = tpu.memref_slice %arg9[%add3A_148, %dma_wait3A_247] : memref<56x128xi32, #tpu.memory_space<vmem>> -> memref<1x128xi32, #tpu.memory_space<vmem>>
        %dma_wait3A_249 = tpu.memref_squeeze %dma_wait3A_248 : memref<1x128xi32, #tpu.memory_space<vmem>> -> memref<128xi32, #tpu.memory_space<vmem>>
        %dma_wait3A_250 = arith.constant 0 : i32
        %dma_wait3A_251 = tpu.memref_slice %arg5[%dma_wait3A_250] : memref<100352xf32, #tpu.memory_space<vmem_shared>> -> memref<100352xf32, #tpu.memory_space<vmem_shared>>
        tpu.wait_indirect_dma semaphore(%arg17 : memref<!tpu.dma_semaphore, #tpu.memory_space<semaphore_mem>>) src(%arg8 : memref<128xf32, #tpu.memory_space<vmem>>) dst(%dma_wait3A_251 : memref<100352xf32, #tpu.memory_space<vmem_shared>>)
        %dma_wait3A_252 = arith.constant 0 : i32
        %dma_wait3A_253 = tpu.memref_slice %arg9[%add3A_155, %dma_wait3A_252] : memref<56x128xi32, #tpu.memory_space<vmem>> -> memref<1x128xi32, #tpu.memory_space<vmem>>
        %dma_wait3A_254 = tpu.memref_squeeze %dma_wait3A_253 : memref<1x128xi32, #tpu.memory_space<vmem>> -> memref<128xi32, #tpu.memory_space<vmem>>
        %dma_wait3A_255 = arith.constant 0 : i32
        %dma_wait3A_256 = tpu.memref_slice %arg5[%dma_wait3A_255] : memref<100352xf32, #tpu.memory_space<vmem_shared>> -> memref<100352xf32, #tpu.memory_space<vmem_shared>>
        tpu.wait_indirect_dma semaphore(%arg17 : memref<!tpu.dma_semaphore, #tpu.memory_space<semaphore_mem>>) src(%arg8 : memref<128xf32, #tpu.memory_space<vmem>>) dst(%dma_wait3A_256 : memref<100352xf32, #tpu.memory_space<vmem_shared>>)
        %dma_wait3A_257 = arith.constant 0 : i32
        %dma_wait3A_258 = tpu.memref_slice %arg10[%add3A_162, %dma_wait3A_257] : memref<56x128xi32, #tpu.memory_space<vmem>> -> memref<1x128xi32, #tpu.memory_space<vmem>>
        %dma_wait3A_259 = tpu.memref_squeeze %dma_wait3A_258 : memref<1x128xi32, #tpu.memory_space<vmem>> -> memref<128xi32, #tpu.memory_space<vmem>>
        %dma_wait3A_260 = arith.constant 0 : i32
        %dma_wait3A_261 = tpu.memref_slice %arg6[%dma_wait3A_260] : memref<100352xf32, #tpu.memory_space<vmem_shared>> -> memref<100352xf32, #tpu.memory_space<vmem_shared>>
        tpu.wait_indirect_dma semaphore(%arg18 : memref<!tpu.dma_semaphore, #tpu.memory_space<semaphore_mem>>) src(%arg8 : memref<128xf32, #tpu.memory_space<vmem>>) dst(%dma_wait3A_261 : memref<100352xf32, #tpu.memory_space<vmem_shared>>)
        %dma_wait3A_262 = arith.constant 0 : i32
        %dma_wait3A_263 = tpu.memref_slice %arg10[%add3A_169, %dma_wait3A_262] : memref<56x128xi32, #tpu.memory_space<vmem>> -> memref<1x128xi32, #tpu.memory_space<vmem>>
        %dma_wait3A_264 = tpu.memref_squeeze %dma_wait3A_263 : memref<1x128xi32, #tpu.memory_space<vmem>> -> memref<128xi32, #tpu.memory_space<vmem>>
        %dma_wait3A_265 = arith.constant 0 : i32
        %dma_wait3A_266 = tpu.memref_slice %arg6[%dma_wait3A_265] : memref<100352xf32, #tpu.memory_space<vmem_shared>> -> memref<100352xf32, #tpu.memory_space<vmem_shared>>
        tpu.wait_indirect_dma semaphore(%arg18 : memref<!tpu.dma_semaphore, #tpu.memory_space<semaphore_mem>>) src(%arg8 : memref<128xf32, #tpu.memory_space<vmem>>) dst(%dma_wait3A_266 : memref<100352xf32, #tpu.memory_space<vmem_shared>>)
        %dma_wait3A_267 = arith.constant 0 : i32
        %dma_wait3A_268 = tpu.memref_slice %arg10[%add3A_176, %dma_wait3A_267] : memref<56x128xi32, #tpu.memory_space<vmem>> -> memref<1x128xi32, #tpu.memory_space<vmem>>
        %dma_wait3A_269 = tpu.memref_squeeze %dma_wait3A_268 : memref<1x128xi32, #tpu.memory_space<vmem>> -> memref<128xi32, #tpu.memory_space<vmem>>
        %dma_wait3A_270 = arith.constant 0 : i32
        %dma_wait3A_271 = tpu.memref_slice %arg6[%dma_wait3A_270] : memref<100352xf32, #tpu.memory_space<vmem_shared>> -> memref<100352xf32, #tpu.memory_space<vmem_shared>>
        tpu.wait_indirect_dma semaphore(%arg18 : memref<!tpu.dma_semaphore, #tpu.memory_space<semaphore_mem>>) src(%arg8 : memref<128xf32, #tpu.memory_space<vmem>>) dst(%dma_wait3A_271 : memref<100352xf32, #tpu.memory_space<vmem_shared>>)
        %dma_wait3A_272 = arith.constant 0 : i32
        %dma_wait3A_273 = tpu.memref_slice %arg10[%add3A_183, %dma_wait3A_272] : memref<56x128xi32, #tpu.memory_space<vmem>> -> memref<1x128xi32, #tpu.memory_space<vmem>>
        %dma_wait3A_274 = tpu.memref_squeeze %dma_wait3A_273 : memref<1x128xi32, #tpu.memory_space<vmem>> -> memref<128xi32, #tpu.memory_space<vmem>>
        %dma_wait3A_275 = arith.constant 0 : i32
        %dma_wait3A_276 = tpu.memref_slice %arg6[%dma_wait3A_275] : memref<100352xf32, #tpu.memory_space<vmem_shared>> -> memref<100352xf32, #tpu.memory_space<vmem_shared>>
        tpu.wait_indirect_dma semaphore(%arg18 : memref<!tpu.dma_semaphore, #tpu.memory_space<semaphore_mem>>) src(%arg8 : memref<128xf32, #tpu.memory_space<vmem>>) dst(%dma_wait3A_276 : memref<100352xf32, #tpu.memory_space<vmem_shared>>)
        %dma_wait3A_277 = arith.constant 0 : i32
        %dma_wait3A_278 = tpu.memref_slice %arg10[%add3A_190, %dma_wait3A_277] : memref<56x128xi32, #tpu.memory_space<vmem>> -> memref<1x128xi32, #tpu.memory_space<vmem>>
        %dma_wait3A_279 = tpu.memref_squeeze %dma_wait3A_278 : memref<1x128xi32, #tpu.memory_space<vmem>> -> memref<128xi32, #tpu.memory_space<vmem>>
        %dma_wait3A_280 = arith.constant 0 : i32
        %dma_wait3A_281 = tpu.memref_slice %arg6[%dma_wait3A_280] : memref<100352xf32, #tpu.memory_space<vmem_shared>> -> memref<100352xf32, #tpu.memory_space<vmem_shared>>
        tpu.wait_indirect_dma semaphore(%arg18 : memref<!tpu.dma_semaphore, #tpu.memory_space<semaphore_mem>>) src(%arg8 : memref<128xf32, #tpu.memory_space<vmem>>) dst(%dma_wait3A_281 : memref<100352xf32, #tpu.memory_space<vmem_shared>>)
        %dma_wait3A_282 = arith.constant 0 : i32
        %dma_wait3A_283 = tpu.memref_slice %arg10[%add3A_197, %dma_wait3A_282] : memref<56x128xi32, #tpu.memory_space<vmem>> -> memref<1x128xi32, #tpu.memory_space<vmem>>
        %dma_wait3A_284 = tpu.memref_squeeze %dma_wait3A_283 : memref<1x128xi32, #tpu.memory_space<vmem>> -> memref<128xi32, #tpu.memory_space<vmem>>
        %dma_wait3A_285 = arith.constant 0 : i32
        %dma_wait3A_286 = tpu.memref_slice %arg6[%dma_wait3A_285] : memref<100352xf32, #tpu.memory_space<vmem_shared>> -> memref<100352xf32, #tpu.memory_space<vmem_shared>>
        tpu.wait_indirect_dma semaphore(%arg18 : memref<!tpu.dma_semaphore, #tpu.memory_space<semaphore_mem>>) src(%arg8 : memref<128xf32, #tpu.memory_space<vmem>>) dst(%dma_wait3A_286 : memref<100352xf32, #tpu.memory_space<vmem_shared>>)
        %dma_wait3A_287 = arith.constant 0 : i32
        %dma_wait3A_288 = tpu.memref_slice %arg10[%add3A_204, %dma_wait3A_287] : memref<56x128xi32, #tpu.memory_space<vmem>> -> memref<1x128xi32, #tpu.memory_space<vmem>>
        %dma_wait3A_289 = tpu.memref_squeeze %dma_wait3A_288 : memref<1x128xi32, #tpu.memory_space<vmem>> -> memref<128xi32, #tpu.memory_space<vmem>>
        %dma_wait3A_290 = arith.constant 0 : i32
        %dma_wait3A_291 = tpu.memref_slice %arg6[%dma_wait3A_290] : memref<100352xf32, #tpu.memory_space<vmem_shared>> -> memref<100352xf32, #tpu.memory_space<vmem_shared>>
        tpu.wait_indirect_dma semaphore(%arg18 : memref<!tpu.dma_semaphore, #tpu.memory_space<semaphore_mem>>) src(%arg8 : memref<128xf32, #tpu.memory_space<vmem>>) dst(%dma_wait3A_291 : memref<100352xf32, #tpu.memory_space<vmem_shared>>)
        %dma_wait3A_292 = arith.constant 0 : i32
        %dma_wait3A_293 = tpu.memref_slice %arg10[%add3A_211, %dma_wait3A_292] : memref<56x128xi32, #tpu.memory_space<vmem>> -> memref<1x128xi32, #tpu.memory_space<vmem>>
        %dma_wait3A_294 = tpu.memref_squeeze %dma_wait3A_293 : memref<1x128xi32, #tpu.memory_space<vmem>> -> memref<128xi32, #tpu.memory_space<vmem>>
        %dma_wait3A_295 = arith.constant 0 : i32
        %dma_wait3A_296 = tpu.memref_slice %arg6[%dma_wait3A_295] : memref<100352xf32, #tpu.memory_space<vmem_shared>> -> memref<100352xf32, #tpu.memory_space<vmem_shared>>
        tpu.wait_indirect_dma semaphore(%arg18 : memref<!tpu.dma_semaphore, #tpu.memory_space<semaphore_mem>>) src(%arg8 : memref<128xf32, #tpu.memory_space<vmem>>) dst(%dma_wait3A_296 : memref<100352xf32, #tpu.memory_space<vmem_shared>>)
      }
      %scan3A_68 = arith.constant 7 : i32
      %mul3A_69 = arith.constant 2 : i32
      %mul3A_70 = arith.muli %mul3A_69, %scan3A_41 : i32
      %add3A_71 = arith.constant 1 : i32
      %add3A_72 = arith.addi %mul3A_70, %add3A_71 : i32
      %mul3A_73 = arith.constant 56 : i32
      %mul3A_74 = arith.muli %add3A_72, %mul3A_73 : i32
      %add3A_75 = arith.addi %mul3A_13, %mul3A_74 : i32
      %dma_wait3A_76 = arith.constant 0 : i32
      %dma_wait3A_77 = arith.constant 0 : i32
      %dma_wait3A_78 = tpu.memref_slice %arg2[%dma_wait3A_76, %add3A_75, %dma_wait3A_77] : memref<2x25088x128xi32, #tpu.memory_space<hbm>> -> memref<1x56x128xi32, #tpu.memory_space<hbm>>
      %dma_wait3A_79 = tpu.memref_squeeze %dma_wait3A_78 : memref<1x56x128xi32, #tpu.memory_space<hbm>> -> memref<56x128xi32, #tpu.memory_space<hbm>>
      %dma_wait3A_80 = arith.constant 0 : i32
      %dma_wait3A_81 = tpu.memref_slice %arg2[%dma_wait3A_76, %add3A_75, %dma_wait3A_80] : memref<2x25088x128xi32, #tpu.memory_space<hbm>> -> memref<1x56x128xi32, #tpu.memory_space<hbm>>
      %dma_wait3A_82 = tpu.memref_squeeze %dma_wait3A_81 : memref<1x56x128xi32, #tpu.memory_space<hbm>> -> memref<56x128xi32, #tpu.memory_space<hbm>>
      tpu.wait_dma2 semaphore(%arg15 : memref<!tpu.dma_semaphore, #tpu.memory_space<semaphore_mem>>) src(%dma_wait3A_82 : memref<56x128xi32, #tpu.memory_space<hbm>>) dst(%arg11 : memref<56x128xi32, #tpu.memory_space<vmem>>)
      %dma_wait3A_83 = arith.constant 1 : i32
      %dma_wait3A_84 = arith.constant 0 : i32
      %dma_wait3A_85 = tpu.memref_slice %arg2[%dma_wait3A_83, %add3A_75, %dma_wait3A_84] : memref<2x25088x128xi32, #tpu.memory_space<hbm>> -> memref<1x56x128xi32, #tpu.memory_space<hbm>>
      %dma_wait3A_86 = tpu.memref_squeeze %dma_wait3A_85 : memref<1x56x128xi32, #tpu.memory_space<hbm>> -> memref<56x128xi32, #tpu.memory_space<hbm>>
      %dma_wait3A_87 = arith.constant 0 : i32
      %dma_wait3A_88 = tpu.memref_slice %arg2[%dma_wait3A_83, %add3A_75, %dma_wait3A_87] : memref<2x25088x128xi32, #tpu.memory_space<hbm>> -> memref<1x56x128xi32, #tpu.memory_space<hbm>>
      %dma_wait3A_89 = tpu.memref_squeeze %dma_wait3A_88 : memref<1x56x128xi32, #tpu.memory_space<hbm>> -> memref<56x128xi32, #tpu.memory_space<hbm>>
      tpu.wait_dma2 semaphore(%arg16 : memref<!tpu.dma_semaphore, #tpu.memory_space<semaphore_mem>>) src(%dma_wait3A_89 : memref<56x128xi32, #tpu.memory_space<hbm>>) dst(%arg12 : memref<56x128xi32, #tpu.memory_space<vmem>>)
      %add3A_90 = arith.constant 1 : i32
      %add3A_91 = arith.addi %add3A_72, %add3A_90 : i32
      %lt3A_92 = arith.constant 14 : i32
      %lt3A_93 = arith.cmpi slt, %add3A_91, %lt3A_92 : i32
      %convert_element_type3A_94 = arith.extui %lt3A_93 : i1 to i32
      %cond3A_95 = arith.constant 0 : i32
      %cond3A_96 = arith.cmpi ne, %convert_element_type3A_94, %cond3A_95 : i32
      scf.if %cond3A_96 {
        %add3A_102 = arith.constant 1 : i32
        %add3A_103 = arith.addi %add3A_72, %add3A_102 : i32
        %mul3A_104 = arith.constant 56 : i32
        %mul3A_105 = arith.muli %add3A_103, %mul3A_104 : i32
        %add3A_106 = arith.addi %mul3A_13, %mul3A_105 : i32
        %dma_start3A_107 = arith.constant 0 : i32
        %dma_start3A_108 = arith.constant 0 : i32
        %dma_start3A_109 = tpu.memref_slice %arg2[%dma_start3A_107, %add3A_106, %dma_start3A_108] : memref<2x25088x128xi32, #tpu.memory_space<hbm>> -> memref<1x56x128xi32, #tpu.memory_space<hbm>>
        %dma_start3A_110 = tpu.memref_squeeze %dma_start3A_109 : memref<1x56x128xi32, #tpu.memory_space<hbm>> -> memref<56x128xi32, #tpu.memory_space<hbm>>
        %dma_start3A_111 = arith.constant 0 : i32
        %dma_start3A_112 = tpu.memref_slice %arg2[%dma_start3A_107, %add3A_106, %dma_start3A_111] : memref<2x25088x128xi32, #tpu.memory_space<hbm>> -> memref<1x56x128xi32, #tpu.memory_space<hbm>>
        %dma_start3A_113 = tpu.memref_squeeze %dma_start3A_112 : memref<1x56x128xi32, #tpu.memory_space<hbm>> -> memref<56x128xi32, #tpu.memory_space<hbm>>
        tpu.enqueue_dma source(%dma_start3A_113 : memref<56x128xi32, #tpu.memory_space<hbm>>) target(%arg9 : memref<56x128xi32, #tpu.memory_space<vmem>>) target_semaphore(%arg13 : memref<!tpu.dma_semaphore, #tpu.memory_space<semaphore_mem>>)
        %dma_start3A_114 = arith.constant 1 : i32
        %dma_start3A_115 = arith.constant 0 : i32
        %dma_start3A_116 = tpu.memref_slice %arg2[%dma_start3A_114, %add3A_106, %dma_start3A_115] : memref<2x25088x128xi32, #tpu.memory_space<hbm>> -> memref<1x56x128xi32, #tpu.memory_space<hbm>>
        %dma_start3A_117 = tpu.memref_squeeze %dma_start3A_116 : memref<1x56x128xi32, #tpu.memory_space<hbm>> -> memref<56x128xi32, #tpu.memory_space<hbm>>
        %dma_start3A_118 = arith.constant 0 : i32
        %dma_start3A_119 = tpu.memref_slice %arg2[%dma_start3A_114, %add3A_106, %dma_start3A_118] : memref<2x25088x128xi32, #tpu.memory_space<hbm>> -> memref<1x56x128xi32, #tpu.memory_space<hbm>>
        %dma_start3A_120 = tpu.memref_squeeze %dma_start3A_119 : memref<1x56x128xi32, #tpu.memory_space<hbm>> -> memref<56x128xi32, #tpu.memory_space<hbm>>
        tpu.enqueue_dma source(%dma_start3A_120 : memref<56x128xi32, #tpu.memory_space<hbm>>) target(%arg10 : memref<56x128xi32, #tpu.memory_space<vmem>>) target_semaphore(%arg14 : memref<!tpu.dma_semaphore, #tpu.memory_space<semaphore_mem>>)
      } else {
      }
      %scan3A_97 = arith.constant 0 : i32
      %scan3A_98 = arith.constant 7 : i32
      %scan3A_99 = arith.addi %scan3A_97, %scan3A_98 : i32
      %scan3A_100 = arith.constant 1 : i32
      scf.for %scan3A_102 = %scan3A_97 to %scan3A_99 step %scan3A_100  : i32 {
        %mul3A_103 = arith.constant 8 : i32
        %mul3A_104 = arith.muli %scan3A_102, %mul3A_103 : i32
        %add3A_105 = arith.constant 0 : i32
        %add3A_106 = arith.addi %mul3A_104, %add3A_105 : i32
        %dma_start3A_107 = arith.constant 0 : i32
        %dma_start3A_108 = tpu.memref_slice %arg11[%add3A_106, %dma_start3A_107] : memref<56x128xi32, #tpu.memory_space<vmem>> -> memref<1x128xi32, #tpu.memory_space<vmem>>
        %dma_start3A_109 = tpu.memref_squeeze %dma_start3A_108 : memref<1x128xi32, #tpu.memory_space<vmem>> -> memref<128xi32, #tpu.memory_space<vmem>>
        %dma_start3A_110 = arith.constant 0 : i32
        %dma_start3A_111 = tpu.memref_slice %arg5[%dma_start3A_110] : memref<100352xf32, #tpu.memory_space<vmem_shared>> -> memref<100352xf32, #tpu.memory_space<vmem_shared>>
        tpu.enqueue_indirect_dma source(%arg8 : memref<128xf32, #tpu.memory_space<vmem>>) target(%dma_start3A_111 : memref<100352xf32, #tpu.memory_space<vmem_shared>>) offsets(%dma_start3A_109 : memref<128xi32, #tpu.memory_space<vmem>>) semaphore(%arg17 : memref<!tpu.dma_semaphore, #tpu.memory_space<semaphore_mem>>) {add = true}
        %add3A_112 = arith.constant 1 : i32
        %add3A_113 = arith.addi %mul3A_104, %add3A_112 : i32
        %dma_start3A_114 = arith.constant 0 : i32
        %dma_start3A_115 = tpu.memref_slice %arg11[%add3A_113, %dma_start3A_114] : memref<56x128xi32, #tpu.memory_space<vmem>> -> memref<1x128xi32, #tpu.memory_space<vmem>>
        %dma_start3A_116 = tpu.memref_squeeze %dma_start3A_115 : memref<1x128xi32, #tpu.memory_space<vmem>> -> memref<128xi32, #tpu.memory_space<vmem>>
        %dma_start3A_117 = arith.constant 0 : i32
        %dma_start3A_118 = tpu.memref_slice %arg5[%dma_start3A_117] : memref<100352xf32, #tpu.memory_space<vmem_shared>> -> memref<100352xf32, #tpu.memory_space<vmem_shared>>
        tpu.enqueue_indirect_dma source(%arg8 : memref<128xf32, #tpu.memory_space<vmem>>) target(%dma_start3A_118 : memref<100352xf32, #tpu.memory_space<vmem_shared>>) offsets(%dma_start3A_116 : memref<128xi32, #tpu.memory_space<vmem>>) semaphore(%arg17 : memref<!tpu.dma_semaphore, #tpu.memory_space<semaphore_mem>>) {add = true}
        %add3A_119 = arith.constant 2 : i32
        %add3A_120 = arith.addi %mul3A_104, %add3A_119 : i32
        %dma_start3A_121 = arith.constant 0 : i32
        %dma_start3A_122 = tpu.memref_slice %arg11[%add3A_120, %dma_start3A_121] : memref<56x128xi32, #tpu.memory_space<vmem>> -> memref<1x128xi32, #tpu.memory_space<vmem>>
        %dma_start3A_123 = tpu.memref_squeeze %dma_start3A_122 : memref<1x128xi32, #tpu.memory_space<vmem>> -> memref<128xi32, #tpu.memory_space<vmem>>
        %dma_start3A_124 = arith.constant 0 : i32
        %dma_start3A_125 = tpu.memref_slice %arg5[%dma_start3A_124] : memref<100352xf32, #tpu.memory_space<vmem_shared>> -> memref<100352xf32, #tpu.memory_space<vmem_shared>>
        tpu.enqueue_indirect_dma source(%arg8 : memref<128xf32, #tpu.memory_space<vmem>>) target(%dma_start3A_125 : memref<100352xf32, #tpu.memory_space<vmem_shared>>) offsets(%dma_start3A_123 : memref<128xi32, #tpu.memory_space<vmem>>) semaphore(%arg17 : memref<!tpu.dma_semaphore, #tpu.memory_space<semaphore_mem>>) {add = true}
        %add3A_126 = arith.constant 3 : i32
        %add3A_127 = arith.addi %mul3A_104, %add3A_126 : i32
        %dma_start3A_128 = arith.constant 0 : i32
        %dma_start3A_129 = tpu.memref_slice %arg11[%add3A_127, %dma_start3A_128] : memref<56x128xi32, #tpu.memory_space<vmem>> -> memref<1x128xi32, #tpu.memory_space<vmem>>
        %dma_start3A_130 = tpu.memref_squeeze %dma_start3A_129 : memref<1x128xi32, #tpu.memory_space<vmem>> -> memref<128xi32, #tpu.memory_space<vmem>>
        %dma_start3A_131 = arith.constant 0 : i32
        %dma_start3A_132 = tpu.memref_slice %arg5[%dma_start3A_131] : memref<100352xf32, #tpu.memory_space<vmem_shared>> -> memref<100352xf32, #tpu.memory_space<vmem_shared>>
        tpu.enqueue_indirect_dma source(%arg8 : memref<128xf32, #tpu.memory_space<vmem>>) target(%dma_start3A_132 : memref<100352xf32, #tpu.memory_space<vmem_shared>>) offsets(%dma_start3A_130 : memref<128xi32, #tpu.memory_space<vmem>>) semaphore(%arg17 : memref<!tpu.dma_semaphore, #tpu.memory_space<semaphore_mem>>) {add = true}
        %add3A_133 = arith.constant 4 : i32
        %add3A_134 = arith.addi %mul3A_104, %add3A_133 : i32
        %dma_start3A_135 = arith.constant 0 : i32
        %dma_start3A_136 = tpu.memref_slice %arg11[%add3A_134, %dma_start3A_135] : memref<56x128xi32, #tpu.memory_space<vmem>> -> memref<1x128xi32, #tpu.memory_space<vmem>>
        %dma_start3A_137 = tpu.memref_squeeze %dma_start3A_136 : memref<1x128xi32, #tpu.memory_space<vmem>> -> memref<128xi32, #tpu.memory_space<vmem>>
        %dma_start3A_138 = arith.constant 0 : i32
        %dma_start3A_139 = tpu.memref_slice %arg5[%dma_start3A_138] : memref<100352xf32, #tpu.memory_space<vmem_shared>> -> memref<100352xf32, #tpu.memory_space<vmem_shared>>
        tpu.enqueue_indirect_dma source(%arg8 : memref<128xf32, #tpu.memory_space<vmem>>) target(%dma_start3A_139 : memref<100352xf32, #tpu.memory_space<vmem_shared>>) offsets(%dma_start3A_137 : memref<128xi32, #tpu.memory_space<vmem>>) semaphore(%arg17 : memref<!tpu.dma_semaphore, #tpu.memory_space<semaphore_mem>>) {add = true}
        %add3A_140 = arith.constant 5 : i32
        %add3A_141 = arith.addi %mul3A_104, %add3A_140 : i32
        %dma_start3A_142 = arith.constant 0 : i32
        %dma_start3A_143 = tpu.memref_slice %arg11[%add3A_141, %dma_start3A_142] : memref<56x128xi32, #tpu.memory_space<vmem>> -> memref<1x128xi32, #tpu.memory_space<vmem>>
        %dma_start3A_144 = tpu.memref_squeeze %dma_start3A_143 : memref<1x128xi32, #tpu.memory_space<vmem>> -> memref<128xi32, #tpu.memory_space<vmem>>
        %dma_start3A_145 = arith.constant 0 : i32
        %dma_start3A_146 = tpu.memref_slice %arg5[%dma_start3A_145] : memref<100352xf32, #tpu.memory_space<vmem_shared>> -> memref<100352xf32, #tpu.memory_space<vmem_shared>>
        tpu.enqueue_indirect_dma source(%arg8 : memref<128xf32, #tpu.memory_space<vmem>>) target(%dma_start3A_146 : memref<100352xf32, #tpu.memory_space<vmem_shared>>) offsets(%dma_start3A_144 : memref<128xi32, #tpu.memory_space<vmem>>) semaphore(%arg17 : memref<!tpu.dma_semaphore, #tpu.memory_space<semaphore_mem>>) {add = true}
        %add3A_147 = arith.constant 6 : i32
        %add3A_148 = arith.addi %mul3A_104, %add3A_147 : i32
        %dma_start3A_149 = arith.constant 0 : i32
        %dma_start3A_150 = tpu.memref_slice %arg11[%add3A_148, %dma_start3A_149] : memref<56x128xi32, #tpu.memory_space<vmem>> -> memref<1x128xi32, #tpu.memory_space<vmem>>
        %dma_start3A_151 = tpu.memref_squeeze %dma_start3A_150 : memref<1x128xi32, #tpu.memory_space<vmem>> -> memref<128xi32, #tpu.memory_space<vmem>>
        %dma_start3A_152 = arith.constant 0 : i32
        %dma_start3A_153 = tpu.memref_slice %arg5[%dma_start3A_152] : memref<100352xf32, #tpu.memory_space<vmem_shared>> -> memref<100352xf32, #tpu.memory_space<vmem_shared>>
        tpu.enqueue_indirect_dma source(%arg8 : memref<128xf32, #tpu.memory_space<vmem>>) target(%dma_start3A_153 : memref<100352xf32, #tpu.memory_space<vmem_shared>>) offsets(%dma_start3A_151 : memref<128xi32, #tpu.memory_space<vmem>>) semaphore(%arg17 : memref<!tpu.dma_semaphore, #tpu.memory_space<semaphore_mem>>) {add = true}
        %add3A_154 = arith.constant 7 : i32
        %add3A_155 = arith.addi %mul3A_104, %add3A_154 : i32
        %dma_start3A_156 = arith.constant 0 : i32
        %dma_start3A_157 = tpu.memref_slice %arg11[%add3A_155, %dma_start3A_156] : memref<56x128xi32, #tpu.memory_space<vmem>> -> memref<1x128xi32, #tpu.memory_space<vmem>>
        %dma_start3A_158 = tpu.memref_squeeze %dma_start3A_157 : memref<1x128xi32, #tpu.memory_space<vmem>> -> memref<128xi32, #tpu.memory_space<vmem>>
        %dma_start3A_159 = arith.constant 0 : i32
        %dma_start3A_160 = tpu.memref_slice %arg5[%dma_start3A_159] : memref<100352xf32, #tpu.memory_space<vmem_shared>> -> memref<100352xf32, #tpu.memory_space<vmem_shared>>
        tpu.enqueue_indirect_dma source(%arg8 : memref<128xf32, #tpu.memory_space<vmem>>) target(%dma_start3A_160 : memref<100352xf32, #tpu.memory_space<vmem_shared>>) offsets(%dma_start3A_158 : memref<128xi32, #tpu.memory_space<vmem>>) semaphore(%arg17 : memref<!tpu.dma_semaphore, #tpu.memory_space<semaphore_mem>>) {add = true}
        %add3A_161 = arith.constant 0 : i32
        %add3A_162 = arith.addi %mul3A_104, %add3A_161 : i32
        %dma_start3A_163 = arith.constant 0 : i32
        %dma_start3A_164 = tpu.memref_slice %arg12[%add3A_162, %dma_start3A_163] : memref<56x128xi32, #tpu.memory_space<vmem>> -> memref<1x128xi32, #tpu.memory_space<vmem>>
        %dma_start3A_165 = tpu.memref_squeeze %dma_start3A_164 : memref<1x128xi32, #tpu.memory_space<vmem>> -> memref<128xi32, #tpu.memory_space<vmem>>
        %dma_start3A_166 = arith.constant 0 : i32
        %dma_start3A_167 = tpu.memref_slice %arg6[%dma_start3A_166] : memref<100352xf32, #tpu.memory_space<vmem_shared>> -> memref<100352xf32, #tpu.memory_space<vmem_shared>>
        tpu.enqueue_indirect_dma source(%arg8 : memref<128xf32, #tpu.memory_space<vmem>>) target(%dma_start3A_167 : memref<100352xf32, #tpu.memory_space<vmem_shared>>) offsets(%dma_start3A_165 : memref<128xi32, #tpu.memory_space<vmem>>) semaphore(%arg18 : memref<!tpu.dma_semaphore, #tpu.memory_space<semaphore_mem>>) {add = true}
        %add3A_168 = arith.constant 1 : i32
        %add3A_169 = arith.addi %mul3A_104, %add3A_168 : i32
        %dma_start3A_170 = arith.constant 0 : i32
        %dma_start3A_171 = tpu.memref_slice %arg12[%add3A_169, %dma_start3A_170] : memref<56x128xi32, #tpu.memory_space<vmem>> -> memref<1x128xi32, #tpu.memory_space<vmem>>
        %dma_start3A_172 = tpu.memref_squeeze %dma_start3A_171 : memref<1x128xi32, #tpu.memory_space<vmem>> -> memref<128xi32, #tpu.memory_space<vmem>>
        %dma_start3A_173 = arith.constant 0 : i32
        %dma_start3A_174 = tpu.memref_slice %arg6[%dma_start3A_173] : memref<100352xf32, #tpu.memory_space<vmem_shared>> -> memref<100352xf32, #tpu.memory_space<vmem_shared>>
        tpu.enqueue_indirect_dma source(%arg8 : memref<128xf32, #tpu.memory_space<vmem>>) target(%dma_start3A_174 : memref<100352xf32, #tpu.memory_space<vmem_shared>>) offsets(%dma_start3A_172 : memref<128xi32, #tpu.memory_space<vmem>>) semaphore(%arg18 : memref<!tpu.dma_semaphore, #tpu.memory_space<semaphore_mem>>) {add = true}
        %add3A_175 = arith.constant 2 : i32
        %add3A_176 = arith.addi %mul3A_104, %add3A_175 : i32
        %dma_start3A_177 = arith.constant 0 : i32
        %dma_start3A_178 = tpu.memref_slice %arg12[%add3A_176, %dma_start3A_177] : memref<56x128xi32, #tpu.memory_space<vmem>> -> memref<1x128xi32, #tpu.memory_space<vmem>>
        %dma_start3A_179 = tpu.memref_squeeze %dma_start3A_178 : memref<1x128xi32, #tpu.memory_space<vmem>> -> memref<128xi32, #tpu.memory_space<vmem>>
        %dma_start3A_180 = arith.constant 0 : i32
        %dma_start3A_181 = tpu.memref_slice %arg6[%dma_start3A_180] : memref<100352xf32, #tpu.memory_space<vmem_shared>> -> memref<100352xf32, #tpu.memory_space<vmem_shared>>
        tpu.enqueue_indirect_dma source(%arg8 : memref<128xf32, #tpu.memory_space<vmem>>) target(%dma_start3A_181 : memref<100352xf32, #tpu.memory_space<vmem_shared>>) offsets(%dma_start3A_179 : memref<128xi32, #tpu.memory_space<vmem>>) semaphore(%arg18 : memref<!tpu.dma_semaphore, #tpu.memory_space<semaphore_mem>>) {add = true}
        %add3A_182 = arith.constant 3 : i32
        %add3A_183 = arith.addi %mul3A_104, %add3A_182 : i32
        %dma_start3A_184 = arith.constant 0 : i32
        %dma_start3A_185 = tpu.memref_slice %arg12[%add3A_183, %dma_start3A_184] : memref<56x128xi32, #tpu.memory_space<vmem>> -> memref<1x128xi32, #tpu.memory_space<vmem>>
        %dma_start3A_186 = tpu.memref_squeeze %dma_start3A_185 : memref<1x128xi32, #tpu.memory_space<vmem>> -> memref<128xi32, #tpu.memory_space<vmem>>
        %dma_start3A_187 = arith.constant 0 : i32
        %dma_start3A_188 = tpu.memref_slice %arg6[%dma_start3A_187] : memref<100352xf32, #tpu.memory_space<vmem_shared>> -> memref<100352xf32, #tpu.memory_space<vmem_shared>>
        tpu.enqueue_indirect_dma source(%arg8 : memref<128xf32, #tpu.memory_space<vmem>>) target(%dma_start3A_188 : memref<100352xf32, #tpu.memory_space<vmem_shared>>) offsets(%dma_start3A_186 : memref<128xi32, #tpu.memory_space<vmem>>) semaphore(%arg18 : memref<!tpu.dma_semaphore, #tpu.memory_space<semaphore_mem>>) {add = true}
        %add3A_189 = arith.constant 4 : i32
        %add3A_190 = arith.addi %mul3A_104, %add3A_189 : i32
        %dma_start3A_191 = arith.constant 0 : i32
        %dma_start3A_192 = tpu.memref_slice %arg12[%add3A_190, %dma_start3A_191] : memref<56x128xi32, #tpu.memory_space<vmem>> -> memref<1x128xi32, #tpu.memory_space<vmem>>
        %dma_start3A_193 = tpu.memref_squeeze %dma_start3A_192 : memref<1x128xi32, #tpu.memory_space<vmem>> -> memref<128xi32, #tpu.memory_space<vmem>>
        %dma_start3A_194 = arith.constant 0 : i32
        %dma_start3A_195 = tpu.memref_slice %arg6[%dma_start3A_194] : memref<100352xf32, #tpu.memory_space<vmem_shared>> -> memref<100352xf32, #tpu.memory_space<vmem_shared>>
        tpu.enqueue_indirect_dma source(%arg8 : memref<128xf32, #tpu.memory_space<vmem>>) target(%dma_start3A_195 : memref<100352xf32, #tpu.memory_space<vmem_shared>>) offsets(%dma_start3A_193 : memref<128xi32, #tpu.memory_space<vmem>>) semaphore(%arg18 : memref<!tpu.dma_semaphore, #tpu.memory_space<semaphore_mem>>) {add = true}
        %add3A_196 = arith.constant 5 : i32
        %add3A_197 = arith.addi %mul3A_104, %add3A_196 : i32
        %dma_start3A_198 = arith.constant 0 : i32
        %dma_start3A_199 = tpu.memref_slice %arg12[%add3A_197, %dma_start3A_198] : memref<56x128xi32, #tpu.memory_space<vmem>> -> memref<1x128xi32, #tpu.memory_space<vmem>>
        %dma_start3A_200 = tpu.memref_squeeze %dma_start3A_199 : memref<1x128xi32, #tpu.memory_space<vmem>> -> memref<128xi32, #tpu.memory_space<vmem>>
        %dma_start3A_201 = arith.constant 0 : i32
        %dma_start3A_202 = tpu.memref_slice %arg6[%dma_start3A_201] : memref<100352xf32, #tpu.memory_space<vmem_shared>> -> memref<100352xf32, #tpu.memory_space<vmem_shared>>
        tpu.enqueue_indirect_dma source(%arg8 : memref<128xf32, #tpu.memory_space<vmem>>) target(%dma_start3A_202 : memref<100352xf32, #tpu.memory_space<vmem_shared>>) offsets(%dma_start3A_200 : memref<128xi32, #tpu.memory_space<vmem>>) semaphore(%arg18 : memref<!tpu.dma_semaphore, #tpu.memory_space<semaphore_mem>>) {add = true}
        %add3A_203 = arith.constant 6 : i32
        %add3A_204 = arith.addi %mul3A_104, %add3A_203 : i32
        %dma_start3A_205 = arith.constant 0 : i32
        %dma_start3A_206 = tpu.memref_slice %arg12[%add3A_204, %dma_start3A_205] : memref<56x128xi32, #tpu.memory_space<vmem>> -> memref<1x128xi32, #tpu.memory_space<vmem>>
        %dma_start3A_207 = tpu.memref_squeeze %dma_start3A_206 : memref<1x128xi32, #tpu.memory_space<vmem>> -> memref<128xi32, #tpu.memory_space<vmem>>
        %dma_start3A_208 = arith.constant 0 : i32
        %dma_start3A_209 = tpu.memref_slice %arg6[%dma_start3A_208] : memref<100352xf32, #tpu.memory_space<vmem_shared>> -> memref<100352xf32, #tpu.memory_space<vmem_shared>>
        tpu.enqueue_indirect_dma source(%arg8 : memref<128xf32, #tpu.memory_space<vmem>>) target(%dma_start3A_209 : memref<100352xf32, #tpu.memory_space<vmem_shared>>) offsets(%dma_start3A_207 : memref<128xi32, #tpu.memory_space<vmem>>) semaphore(%arg18 : memref<!tpu.dma_semaphore, #tpu.memory_space<semaphore_mem>>) {add = true}
        %add3A_210 = arith.constant 7 : i32
        %add3A_211 = arith.addi %mul3A_104, %add3A_210 : i32
        %dma_start3A_212 = arith.constant 0 : i32
        %dma_start3A_213 = tpu.memref_slice %arg12[%add3A_211, %dma_start3A_212] : memref<56x128xi32, #tpu.memory_space<vmem>> -> memref<1x128xi32, #tpu.memory_space<vmem>>
        %dma_start3A_214 = tpu.memref_squeeze %dma_start3A_213 : memref<1x128xi32, #tpu.memory_space<vmem>> -> memref<128xi32, #tpu.memory_space<vmem>>
        %dma_start3A_215 = arith.constant 0 : i32
        %dma_start3A_216 = tpu.memref_slice %arg6[%dma_start3A_215] : memref<100352xf32, #tpu.memory_space<vmem_shared>> -> memref<100352xf32, #tpu.memory_space<vmem_shared>>
        tpu.enqueue_indirect_dma source(%arg8 : memref<128xf32, #tpu.memory_space<vmem>>) target(%dma_start3A_216 : memref<100352xf32, #tpu.memory_space<vmem_shared>>) offsets(%dma_start3A_214 : memref<128xi32, #tpu.memory_space<vmem>>) semaphore(%arg18 : memref<!tpu.dma_semaphore, #tpu.memory_space<semaphore_mem>>) {add = true}
        %dma_wait3A_217 = arith.constant 0 : i32
        %dma_wait3A_218 = tpu.memref_slice %arg11[%add3A_106, %dma_wait3A_217] : memref<56x128xi32, #tpu.memory_space<vmem>> -> memref<1x128xi32, #tpu.memory_space<vmem>>
        %dma_wait3A_219 = tpu.memref_squeeze %dma_wait3A_218 : memref<1x128xi32, #tpu.memory_space<vmem>> -> memref<128xi32, #tpu.memory_space<vmem>>
        %dma_wait3A_220 = arith.constant 0 : i32
        %dma_wait3A_221 = tpu.memref_slice %arg5[%dma_wait3A_220] : memref<100352xf32, #tpu.memory_space<vmem_shared>> -> memref<100352xf32, #tpu.memory_space<vmem_shared>>
        tpu.wait_indirect_dma semaphore(%arg17 : memref<!tpu.dma_semaphore, #tpu.memory_space<semaphore_mem>>) src(%arg8 : memref<128xf32, #tpu.memory_space<vmem>>) dst(%dma_wait3A_221 : memref<100352xf32, #tpu.memory_space<vmem_shared>>)
        %dma_wait3A_222 = arith.constant 0 : i32
        %dma_wait3A_223 = tpu.memref_slice %arg11[%add3A_113, %dma_wait3A_222] : memref<56x128xi32, #tpu.memory_space<vmem>> -> memref<1x128xi32, #tpu.memory_space<vmem>>
        %dma_wait3A_224 = tpu.memref_squeeze %dma_wait3A_223 : memref<1x128xi32, #tpu.memory_space<vmem>> -> memref<128xi32, #tpu.memory_space<vmem>>
        %dma_wait3A_225 = arith.constant 0 : i32
        %dma_wait3A_226 = tpu.memref_slice %arg5[%dma_wait3A_225] : memref<100352xf32, #tpu.memory_space<vmem_shared>> -> memref<100352xf32, #tpu.memory_space<vmem_shared>>
        tpu.wait_indirect_dma semaphore(%arg17 : memref<!tpu.dma_semaphore, #tpu.memory_space<semaphore_mem>>) src(%arg8 : memref<128xf32, #tpu.memory_space<vmem>>) dst(%dma_wait3A_226 : memref<100352xf32, #tpu.memory_space<vmem_shared>>)
        %dma_wait3A_227 = arith.constant 0 : i32
        %dma_wait3A_228 = tpu.memref_slice %arg11[%add3A_120, %dma_wait3A_227] : memref<56x128xi32, #tpu.memory_space<vmem>> -> memref<1x128xi32, #tpu.memory_space<vmem>>
        %dma_wait3A_229 = tpu.memref_squeeze %dma_wait3A_228 : memref<1x128xi32, #tpu.memory_space<vmem>> -> memref<128xi32, #tpu.memory_space<vmem>>
        %dma_wait3A_230 = arith.constant 0 : i32
        %dma_wait3A_231 = tpu.memref_slice %arg5[%dma_wait3A_230] : memref<100352xf32, #tpu.memory_space<vmem_shared>> -> memref<100352xf32, #tpu.memory_space<vmem_shared>>
        tpu.wait_indirect_dma semaphore(%arg17 : memref<!tpu.dma_semaphore, #tpu.memory_space<semaphore_mem>>) src(%arg8 : memref<128xf32, #tpu.memory_space<vmem>>) dst(%dma_wait3A_231 : memref<100352xf32, #tpu.memory_space<vmem_shared>>)
        %dma_wait3A_232 = arith.constant 0 : i32
        %dma_wait3A_233 = tpu.memref_slice %arg11[%add3A_127, %dma_wait3A_232] : memref<56x128xi32, #tpu.memory_space<vmem>> -> memref<1x128xi32, #tpu.memory_space<vmem>>
        %dma_wait3A_234 = tpu.memref_squeeze %dma_wait3A_233 : memref<1x128xi32, #tpu.memory_space<vmem>> -> memref<128xi32, #tpu.memory_space<vmem>>
        %dma_wait3A_235 = arith.constant 0 : i32
        %dma_wait3A_236 = tpu.memref_slice %arg5[%dma_wait3A_235] : memref<100352xf32, #tpu.memory_space<vmem_shared>> -> memref<100352xf32, #tpu.memory_space<vmem_shared>>
        tpu.wait_indirect_dma semaphore(%arg17 : memref<!tpu.dma_semaphore, #tpu.memory_space<semaphore_mem>>) src(%arg8 : memref<128xf32, #tpu.memory_space<vmem>>) dst(%dma_wait3A_236 : memref<100352xf32, #tpu.memory_space<vmem_shared>>)
        %dma_wait3A_237 = arith.constant 0 : i32
        %dma_wait3A_238 = tpu.memref_slice %arg11[%add3A_134, %dma_wait3A_237] : memref<56x128xi32, #tpu.memory_space<vmem>> -> memref<1x128xi32, #tpu.memory_space<vmem>>
        %dma_wait3A_239 = tpu.memref_squeeze %dma_wait3A_238 : memref<1x128xi32, #tpu.memory_space<vmem>> -> memref<128xi32, #tpu.memory_space<vmem>>
        %dma_wait3A_240 = arith.constant 0 : i32
        %dma_wait3A_241 = tpu.memref_slice %arg5[%dma_wait3A_240] : memref<100352xf32, #tpu.memory_space<vmem_shared>> -> memref<100352xf32, #tpu.memory_space<vmem_shared>>
        tpu.wait_indirect_dma semaphore(%arg17 : memref<!tpu.dma_semaphore, #tpu.memory_space<semaphore_mem>>) src(%arg8 : memref<128xf32, #tpu.memory_space<vmem>>) dst(%dma_wait3A_241 : memref<100352xf32, #tpu.memory_space<vmem_shared>>)
        %dma_wait3A_242 = arith.constant 0 : i32
        %dma_wait3A_243 = tpu.memref_slice %arg11[%add3A_141, %dma_wait3A_242] : memref<56x128xi32, #tpu.memory_space<vmem>> -> memref<1x128xi32, #tpu.memory_space<vmem>>
        %dma_wait3A_244 = tpu.memref_squeeze %dma_wait3A_243 : memref<1x128xi32, #tpu.memory_space<vmem>> -> memref<128xi32, #tpu.memory_space<vmem>>
        %dma_wait3A_245 = arith.constant 0 : i32
        %dma_wait3A_246 = tpu.memref_slice %arg5[%dma_wait3A_245] : memref<100352xf32, #tpu.memory_space<vmem_shared>> -> memref<100352xf32, #tpu.memory_space<vmem_shared>>
        tpu.wait_indirect_dma semaphore(%arg17 : memref<!tpu.dma_semaphore, #tpu.memory_space<semaphore_mem>>) src(%arg8 : memref<128xf32, #tpu.memory_space<vmem>>) dst(%dma_wait3A_246 : memref<100352xf32, #tpu.memory_space<vmem_shared>>)
        %dma_wait3A_247 = arith.constant 0 : i32
        %dma_wait3A_248 = tpu.memref_slice %arg11[%add3A_148, %dma_wait3A_247] : memref<56x128xi32, #tpu.memory_space<vmem>> -> memref<1x128xi32, #tpu.memory_space<vmem>>
        %dma_wait3A_249 = tpu.memref_squeeze %dma_wait3A_248 : memref<1x128xi32, #tpu.memory_space<vmem>> -> memref<128xi32, #tpu.memory_space<vmem>>
        %dma_wait3A_250 = arith.constant 0 : i32
        %dma_wait3A_251 = tpu.memref_slice %arg5[%dma_wait3A_250] : memref<100352xf32, #tpu.memory_space<vmem_shared>> -> memref<100352xf32, #tpu.memory_space<vmem_shared>>
        tpu.wait_indirect_dma semaphore(%arg17 : memref<!tpu.dma_semaphore, #tpu.memory_space<semaphore_mem>>) src(%arg8 : memref<128xf32, #tpu.memory_space<vmem>>) dst(%dma_wait3A_251 : memref<100352xf32, #tpu.memory_space<vmem_shared>>)
        %dma_wait3A_252 = arith.constant 0 : i32
        %dma_wait3A_253 = tpu.memref_slice %arg11[%add3A_155, %dma_wait3A_252] : memref<56x128xi32, #tpu.memory_space<vmem>> -> memref<1x128xi32, #tpu.memory_space<vmem>>
        %dma_wait3A_254 = tpu.memref_squeeze %dma_wait3A_253 : memref<1x128xi32, #tpu.memory_space<vmem>> -> memref<128xi32, #tpu.memory_space<vmem>>
        %dma_wait3A_255 = arith.constant 0 : i32
        %dma_wait3A_256 = tpu.memref_slice %arg5[%dma_wait3A_255] : memref<100352xf32, #tpu.memory_space<vmem_shared>> -> memref<100352xf32, #tpu.memory_space<vmem_shared>>
        tpu.wait_indirect_dma semaphore(%arg17 : memref<!tpu.dma_semaphore, #tpu.memory_space<semaphore_mem>>) src(%arg8 : memref<128xf32, #tpu.memory_space<vmem>>) dst(%dma_wait3A_256 : memref<100352xf32, #tpu.memory_space<vmem_shared>>)
        %dma_wait3A_257 = arith.constant 0 : i32
        %dma_wait3A_258 = tpu.memref_slice %arg12[%add3A_162, %dma_wait3A_257] : memref<56x128xi32, #tpu.memory_space<vmem>> -> memref<1x128xi32, #tpu.memory_space<vmem>>
        %dma_wait3A_259 = tpu.memref_squeeze %dma_wait3A_258 : memref<1x128xi32, #tpu.memory_space<vmem>> -> memref<128xi32, #tpu.memory_space<vmem>>
        %dma_wait3A_260 = arith.constant 0 : i32
        %dma_wait3A_261 = tpu.memref_slice %arg6[%dma_wait3A_260] : memref<100352xf32, #tpu.memory_space<vmem_shared>> -> memref<100352xf32, #tpu.memory_space<vmem_shared>>
        tpu.wait_indirect_dma semaphore(%arg18 : memref<!tpu.dma_semaphore, #tpu.memory_space<semaphore_mem>>) src(%arg8 : memref<128xf32, #tpu.memory_space<vmem>>) dst(%dma_wait3A_261 : memref<100352xf32, #tpu.memory_space<vmem_shared>>)
        %dma_wait3A_262 = arith.constant 0 : i32
        %dma_wait3A_263 = tpu.memref_slice %arg12[%add3A_169, %dma_wait3A_262] : memref<56x128xi32, #tpu.memory_space<vmem>> -> memref<1x128xi32, #tpu.memory_space<vmem>>
        %dma_wait3A_264 = tpu.memref_squeeze %dma_wait3A_263 : memref<1x128xi32, #tpu.memory_space<vmem>> -> memref<128xi32, #tpu.memory_space<vmem>>
        %dma_wait3A_265 = arith.constant 0 : i32
        %dma_wait3A_266 = tpu.memref_slice %arg6[%dma_wait3A_265] : memref<100352xf32, #tpu.memory_space<vmem_shared>> -> memref<100352xf32, #tpu.memory_space<vmem_shared>>
        tpu.wait_indirect_dma semaphore(%arg18 : memref<!tpu.dma_semaphore, #tpu.memory_space<semaphore_mem>>) src(%arg8 : memref<128xf32, #tpu.memory_space<vmem>>) dst(%dma_wait3A_266 : memref<100352xf32, #tpu.memory_space<vmem_shared>>)
        %dma_wait3A_267 = arith.constant 0 : i32
        %dma_wait3A_268 = tpu.memref_slice %arg12[%add3A_176, %dma_wait3A_267] : memref<56x128xi32, #tpu.memory_space<vmem>> -> memref<1x128xi32, #tpu.memory_space<vmem>>
        %dma_wait3A_269 = tpu.memref_squeeze %dma_wait3A_268 : memref<1x128xi32, #tpu.memory_space<vmem>> -> memref<128xi32, #tpu.memory_space<vmem>>
        %dma_wait3A_270 = arith.constant 0 : i32
        %dma_wait3A_271 = tpu.memref_slice %arg6[%dma_wait3A_270] : memref<100352xf32, #tpu.memory_space<vmem_shared>> -> memref<100352xf32, #tpu.memory_space<vmem_shared>>
        tpu.wait_indirect_dma semaphore(%arg18 : memref<!tpu.dma_semaphore, #tpu.memory_space<semaphore_mem>>) src(%arg8 : memref<128xf32, #tpu.memory_space<vmem>>) dst(%dma_wait3A_271 : memref<100352xf32, #tpu.memory_space<vmem_shared>>)
        %dma_wait3A_272 = arith.constant 0 : i32
        %dma_wait3A_273 = tpu.memref_slice %arg12[%add3A_183, %dma_wait3A_272] : memref<56x128xi32, #tpu.memory_space<vmem>> -> memref<1x128xi32, #tpu.memory_space<vmem>>
        %dma_wait3A_274 = tpu.memref_squeeze %dma_wait3A_273 : memref<1x128xi32, #tpu.memory_space<vmem>> -> memref<128xi32, #tpu.memory_space<vmem>>
        %dma_wait3A_275 = arith.constant 0 : i32
        %dma_wait3A_276 = tpu.memref_slice %arg6[%dma_wait3A_275] : memref<100352xf32, #tpu.memory_space<vmem_shared>> -> memref<100352xf32, #tpu.memory_space<vmem_shared>>
        tpu.wait_indirect_dma semaphore(%arg18 : memref<!tpu.dma_semaphore, #tpu.memory_space<semaphore_mem>>) src(%arg8 : memref<128xf32, #tpu.memory_space<vmem>>) dst(%dma_wait3A_276 : memref<100352xf32, #tpu.memory_space<vmem_shared>>)
        %dma_wait3A_277 = arith.constant 0 : i32
        %dma_wait3A_278 = tpu.memref_slice %arg12[%add3A_190, %dma_wait3A_277] : memref<56x128xi32, #tpu.memory_space<vmem>> -> memref<1x128xi32, #tpu.memory_space<vmem>>
        %dma_wait3A_279 = tpu.memref_squeeze %dma_wait3A_278 : memref<1x128xi32, #tpu.memory_space<vmem>> -> memref<128xi32, #tpu.memory_space<vmem>>
        %dma_wait3A_280 = arith.constant 0 : i32
        %dma_wait3A_281 = tpu.memref_slice %arg6[%dma_wait3A_280] : memref<100352xf32, #tpu.memory_space<vmem_shared>> -> memref<100352xf32, #tpu.memory_space<vmem_shared>>
        tpu.wait_indirect_dma semaphore(%arg18 : memref<!tpu.dma_semaphore, #tpu.memory_space<semaphore_mem>>) src(%arg8 : memref<128xf32, #tpu.memory_space<vmem>>) dst(%dma_wait3A_281 : memref<100352xf32, #tpu.memory_space<vmem_shared>>)
        %dma_wait3A_282 = arith.constant 0 : i32
        %dma_wait3A_283 = tpu.memref_slice %arg12[%add3A_197, %dma_wait3A_282] : memref<56x128xi32, #tpu.memory_space<vmem>> -> memref<1x128xi32, #tpu.memory_space<vmem>>
        %dma_wait3A_284 = tpu.memref_squeeze %dma_wait3A_283 : memref<1x128xi32, #tpu.memory_space<vmem>> -> memref<128xi32, #tpu.memory_space<vmem>>
        %dma_wait3A_285 = arith.constant 0 : i32
        %dma_wait3A_286 = tpu.memref_slice %arg6[%dma_wait3A_285] : memref<100352xf32, #tpu.memory_space<vmem_shared>> -> memref<100352xf32, #tpu.memory_space<vmem_shared>>
        tpu.wait_indirect_dma semaphore(%arg18 : memref<!tpu.dma_semaphore, #tpu.memory_space<semaphore_mem>>) src(%arg8 : memref<128xf32, #tpu.memory_space<vmem>>) dst(%dma_wait3A_286 : memref<100352xf32, #tpu.memory_space<vmem_shared>>)
        %dma_wait3A_287 = arith.constant 0 : i32
        %dma_wait3A_288 = tpu.memref_slice %arg12[%add3A_204, %dma_wait3A_287] : memref<56x128xi32, #tpu.memory_space<vmem>> -> memref<1x128xi32, #tpu.memory_space<vmem>>
        %dma_wait3A_289 = tpu.memref_squeeze %dma_wait3A_288 : memref<1x128xi32, #tpu.memory_space<vmem>> -> memref<128xi32, #tpu.memory_space<vmem>>
        %dma_wait3A_290 = arith.constant 0 : i32
        %dma_wait3A_291 = tpu.memref_slice %arg6[%dma_wait3A_290] : memref<100352xf32, #tpu.memory_space<vmem_shared>> -> memref<100352xf32, #tpu.memory_space<vmem_shared>>
        tpu.wait_indirect_dma semaphore(%arg18 : memref<!tpu.dma_semaphore, #tpu.memory_space<semaphore_mem>>) src(%arg8 : memref<128xf32, #tpu.memory_space<vmem>>) dst(%dma_wait3A_291 : memref<100352xf32, #tpu.memory_space<vmem_shared>>)
        %dma_wait3A_292 = arith.constant 0 : i32
        %dma_wait3A_293 = tpu.memref_slice %arg12[%add3A_211, %dma_wait3A_292] : memref<56x128xi32, #tpu.memory_space<vmem>> -> memref<1x128xi32, #tpu.memory_space<vmem>>
        %dma_wait3A_294 = tpu.memref_squeeze %dma_wait3A_293 : memref<1x128xi32, #tpu.memory_space<vmem>> -> memref<128xi32, #tpu.memory_space<vmem>>
        %dma_wait3A_295 = arith.constant 0 : i32
        %dma_wait3A_296 = tpu.memref_slice %arg6[%dma_wait3A_295] : memref<100352xf32, #tpu.memory_space<vmem_shared>> -> memref<100352xf32, #tpu.memory_space<vmem_shared>>
        tpu.wait_indirect_dma semaphore(%arg18 : memref<!tpu.dma_semaphore, #tpu.memory_space<semaphore_mem>>) src(%arg8 : memref<128xf32, #tpu.memory_space<vmem>>) dst(%dma_wait3A_296 : memref<100352xf32, #tpu.memory_space<vmem_shared>>)
      }
      %scan3A_101 = arith.constant 7 : i32
    }
    %scan3A_33 = arith.constant 7 : i32
    %barrier3A_34 = arith.constant 0 : index
    tpu.barrier barrier_id(%barrier3A_34)
    "tpu.region"() ({
      %run_scoped3A = tpu.sem_alloc : memref<!tpu.dma_semaphore, #tpu.memory_space<semaphore_mem>>
      %dma_start3A_41 = tpu.memref_slice %arg5[%mul3A_11] : memref<100352xf32, #tpu.memory_space<vmem_shared>> -> memref<6272xf32, #tpu.memory_space<vmem_shared>>
      %dma_start3A_42 = tpu.memref_slice %arg5[%mul3A_11] : memref<100352xf32, #tpu.memory_space<vmem_shared>> -> memref<6272xf32, #tpu.memory_space<vmem_shared>>
      tpu.enqueue_dma source(%dma_start3A_42 : memref<6272xf32, #tpu.memory_space<vmem_shared>>) target(%arg7 : memref<6272xf32, #tpu.memory_space<vmem>>) target_semaphore(%run_scoped3A : memref<!tpu.dma_semaphore, #tpu.memory_space<semaphore_mem>>)
      %dma_wait3A = tpu.memref_slice %arg5[%mul3A_11] : memref<100352xf32, #tpu.memory_space<vmem_shared>> -> memref<6272xf32, #tpu.memory_space<vmem_shared>>
      %dma_wait3A_43 = tpu.memref_slice %arg5[%mul3A_11] : memref<100352xf32, #tpu.memory_space<vmem_shared>> -> memref<6272xf32, #tpu.memory_space<vmem_shared>>
      tpu.wait_dma2 semaphore(%run_scoped3A : memref<!tpu.dma_semaphore, #tpu.memory_space<semaphore_mem>>) src(%dma_wait3A_43 : memref<6272xf32, #tpu.memory_space<vmem_shared>>) dst(%arg7 : memref<6272xf32, #tpu.memory_space<vmem>>)
      tpu.yield
    }) : () -> ()
    %mul3A_35 = arith.constant 100352 : i32
    %mul3A_36 = arith.muli %arg0, %mul3A_35 : i32
    %add3A_37 = arith.addi %mul3A_36, %mul3A_11 : i32
    "tpu.region"() ({
      %run_scoped3A = tpu.sem_alloc : memref<!tpu.dma_semaphore, #tpu.memory_space<semaphore_mem>>
      %dma_start3A_41 = tpu.memref_slice %arg3[%add3A_37] : memref<200704xf32, #tpu.memory_space<hbm>> -> memref<6272xf32, #tpu.memory_space<hbm>>
      %dma_start3A_42 = tpu.memref_slice %arg3[%add3A_37] : memref<200704xf32, #tpu.memory_space<hbm>> -> memref<6272xf32, #tpu.memory_space<hbm>>
      tpu.enqueue_dma source(%arg7 : memref<6272xf32, #tpu.memory_space<vmem>>) target(%dma_start3A_42 : memref<6272xf32, #tpu.memory_space<hbm>>) target_semaphore(%run_scoped3A : memref<!tpu.dma_semaphore, #tpu.memory_space<semaphore_mem>>)
      %dma_wait3A = tpu.memref_slice %arg3[%add3A_37] : memref<200704xf32, #tpu.memory_space<hbm>> -> memref<6272xf32, #tpu.memory_space<hbm>>
      %dma_wait3A_43 = tpu.memref_slice %arg3[%add3A_37] : memref<200704xf32, #tpu.memory_space<hbm>> -> memref<6272xf32, #tpu.memory_space<hbm>>
      tpu.wait_dma2 semaphore(%run_scoped3A : memref<!tpu.dma_semaphore, #tpu.memory_space<semaphore_mem>>) src(%arg7 : memref<6272xf32, #tpu.memory_space<vmem>>) dst(%dma_wait3A_43 : memref<6272xf32, #tpu.memory_space<hbm>>)
      tpu.yield
    }) : () -> ()
    "tpu.region"() ({
      %run_scoped3A = tpu.sem_alloc : memref<!tpu.dma_semaphore, #tpu.memory_space<semaphore_mem>>
      %dma_start3A_41 = tpu.memref_slice %arg6[%mul3A_11] : memref<100352xf32, #tpu.memory_space<vmem_shared>> -> memref<6272xf32, #tpu.memory_space<vmem_shared>>
      %dma_start3A_42 = tpu.memref_slice %arg6[%mul3A_11] : memref<100352xf32, #tpu.memory_space<vmem_shared>> -> memref<6272xf32, #tpu.memory_space<vmem_shared>>
      tpu.enqueue_dma source(%dma_start3A_42 : memref<6272xf32, #tpu.memory_space<vmem_shared>>) target(%arg7 : memref<6272xf32, #tpu.memory_space<vmem>>) target_semaphore(%run_scoped3A : memref<!tpu.dma_semaphore, #tpu.memory_space<semaphore_mem>>)
      %dma_wait3A = tpu.memref_slice %arg6[%mul3A_11] : memref<100352xf32, #tpu.memory_space<vmem_shared>> -> memref<6272xf32, #tpu.memory_space<vmem_shared>>
      %dma_wait3A_43 = tpu.memref_slice %arg6[%mul3A_11] : memref<100352xf32, #tpu.memory_space<vmem_shared>> -> memref<6272xf32, #tpu.memory_space<vmem_shared>>
      tpu.wait_dma2 semaphore(%run_scoped3A : memref<!tpu.dma_semaphore, #tpu.memory_space<semaphore_mem>>) src(%dma_wait3A_43 : memref<6272xf32, #tpu.memory_space<vmem_shared>>) dst(%arg7 : memref<6272xf32, #tpu.memory_space<vmem>>)
      tpu.yield
    }) : () -> ()
    %mul3A_38 = arith.constant 100352 : i32
    %mul3A_39 = arith.muli %arg0, %mul3A_38 : i32
    %add3A_40 = arith.addi %mul3A_39, %mul3A_11 : i32
    "tpu.region"() ({
      %run_scoped3A = tpu.sem_alloc : memref<!tpu.dma_semaphore, #tpu.memory_space<semaphore_mem>>
      %dma_start3A_41 = tpu.memref_slice %arg4[%add3A_40] : memref<200704xf32, #tpu.memory_space<hbm>> -> memref<6272xf32, #tpu.memory_space<hbm>>
      %dma_start3A_42 = tpu.memref_slice %arg4[%add3A_40] : memref<200704xf32, #tpu.memory_space<hbm>> -> memref<6272xf32, #tpu.memory_space<hbm>>
      tpu.enqueue_dma source(%arg7 : memref<6272xf32, #tpu.memory_space<vmem>>) target(%dma_start3A_42 : memref<6272xf32, #tpu.memory_space<hbm>>) target_semaphore(%run_scoped3A : memref<!tpu.dma_semaphore, #tpu.memory_space<semaphore_mem>>)
      %dma_wait3A = tpu.memref_slice %arg4[%add3A_40] : memref<200704xf32, #tpu.memory_space<hbm>> -> memref<6272xf32, #tpu.memory_space<hbm>>
      %dma_wait3A_43 = tpu.memref_slice %arg4[%add3A_40] : memref<200704xf32, #tpu.memory_space<hbm>> -> memref<6272xf32, #tpu.memory_space<hbm>>
      tpu.wait_dma2 semaphore(%run_scoped3A : memref<!tpu.dma_semaphore, #tpu.memory_space<semaphore_mem>>) src(%arg7 : memref<6272xf32, #tpu.memory_space<vmem>>) dst(%dma_wait3A_43 : memref<6272xf32, #tpu.memory_space<hbm>>)
      tpu.yield
    }) : () -> ()
    return
  }
}

module attributes {stable_mosaic.version = 14 : i64} {
  func.func @body(%arg0: i32, %arg1: memref<2x3584xf32, #tpu.memory_space<vmem>>, %arg2: memref<2x3584xf32, #tpu.memory_space<vmem>>, %arg3: memref<16x3584xf32, #tpu.memory_space<vmem>>, %arg4: memref<16x3584xf32, #tpu.memory_space<vmem>>, %arg5: memref<16x8xf32, #tpu.memory_space<vmem>>, %arg6: memref<8x1xf32, #tpu.memory_space<vmem>>, %arg7: memref<8x2xf32, #tpu.memory_space<vmem>>, %arg8: memref<2x1xf32, #tpu.memory_space<vmem>>, %arg9: memref<3584x16xf32, #tpu.memory_space<vmem>>, %arg10: memref<1x3584xf32, #tpu.memory_space<vmem>>, %arg11: memref<2x3584xf32, #tpu.memory_space<vmem>>, %arg12: memref<2x3584xf32, #tpu.memory_space<vmem>>) attributes {dimension_semantics = [#tpu.dimension_semantics<arbitrary>], iteration_bounds = array<i64: 28>, scalar_prefetch = 0 : i64, scratch_operands = 0 : i64, tpu.core_type = #tpu.core_type<tc>, window_params = [{transform_indices = @transform_0, window_bounds = array<i64: 2, 3584>}, {transform_indices = @transform_1, window_bounds = array<i64: 2, 3584>}, {transform_indices = @transform_2, window_bounds = array<i64: 16, 3584>}, {transform_indices = @transform_3, window_bounds = array<i64: 16, 3584>}, {pipeline_mode = #tpu.pipeline_mode<synchronous>, transform_indices = @transform_4, window_bounds = array<i64: 16, 8>}, {pipeline_mode = #tpu.pipeline_mode<synchronous>, transform_indices = @transform_5, window_bounds = array<i64: 8, 1>}, {pipeline_mode = #tpu.pipeline_mode<synchronous>, transform_indices = @transform_6, window_bounds = array<i64: 8, 2>}, {pipeline_mode = #tpu.pipeline_mode<synchronous>, transform_indices = @transform_7, window_bounds = array<i64: 2, 1>}, {transform_indices = @transform_8, window_bounds = array<i64: 3584, 16>}, {transform_indices = @transform_9, window_bounds = array<i64: 1, 3584>}, {transform_indices = @transform_10, window_bounds = array<i64: 2, 3584>}, {transform_indices = @transform_11, window_bounds = array<i64: 2, 3584>}]} {
    %get3A = arith.constant 0 : index
    %get3A_0 = arith.constant 0 : index
    %get3A_1 = vector.load %arg1[%get3A, %get3A_0] : memref<2x3584xf32, #tpu.memory_space<vmem>>, vector<1x3584xf32>
    %get3A_2 = arith.constant 1 : index
    %get3A_3 = arith.constant 0 : index
    %get3A_4 = vector.load %arg1[%get3A_2, %get3A_3] : memref<2x3584xf32, #tpu.memory_space<vmem>>, vector<1x3584xf32>
    %add3A = arith.addf %get3A_1, %get3A_4 : vector<1x3584xf32>
    %get3A_5 = arith.constant 0 : index
    %get3A_6 = arith.constant 0 : index
    %get3A_7 = vector.load %arg2[%get3A_5, %get3A_6] : memref<2x3584xf32, #tpu.memory_space<vmem>>, vector<1x3584xf32>
    %get3A_8 = arith.constant 1 : index
    %get3A_9 = arith.constant 0 : index
    %get3A_10 = vector.load %arg2[%get3A_8, %get3A_9] : memref<2x3584xf32, #tpu.memory_space<vmem>>, vector<1x3584xf32>
    %add3A_11 = arith.addf %get3A_7, %get3A_10 : vector<1x3584xf32>
    %max3A = arith.constant 1.000000e+00 : f32
    %max3A_12 = vector.broadcast %max3A : f32 to vector<1x3584xf32>
    %max3A_13 = arith.maximumf %add3A, %max3A_12 : vector<1x3584xf32>
    %rsqrt3A = math.rsqrt %max3A_13 : vector<1x3584xf32>
    %mul3A = arith.constant 5.000000e-01 : f32
    %mul3A_14 = vector.broadcast %mul3A : f32 to vector<1x3584xf32>
    %mul3A_15 = arith.mulf %mul3A_14, %max3A_13 : vector<1x3584xf32>
    %mul3A_16 = arith.mulf %mul3A_15, %rsqrt3A : vector<1x3584xf32>
    %mul3A_17 = arith.mulf %mul3A_16, %rsqrt3A : vector<1x3584xf32>
    %sub3A = arith.constant 1.500000e+00 : f32
    %sub3A_18 = vector.broadcast %sub3A : f32 to vector<1x3584xf32>
    %sub3A_19 = arith.subf %sub3A_18, %mul3A_17 : vector<1x3584xf32>
    %mul3A_20 = arith.mulf %rsqrt3A, %sub3A_19 : vector<1x3584xf32>
    %max3A_21 = arith.constant 1.000000e+00 : f32
    %max3A_22 = vector.broadcast %max3A_21 : f32 to vector<1x3584xf32>
    %max3A_23 = arith.maximumf %add3A_11, %max3A_22 : vector<1x3584xf32>
    %rsqrt3A_24 = math.rsqrt %max3A_23 : vector<1x3584xf32>
    %mul3A_25 = arith.constant 5.000000e-01 : f32
    %mul3A_26 = vector.broadcast %mul3A_25 : f32 to vector<1x3584xf32>
    %mul3A_27 = arith.mulf %mul3A_26, %max3A_23 : vector<1x3584xf32>
    %mul3A_28 = arith.mulf %mul3A_27, %rsqrt3A_24 : vector<1x3584xf32>
    %mul3A_29 = arith.mulf %mul3A_28, %rsqrt3A_24 : vector<1x3584xf32>
    %sub3A_30 = arith.constant 1.500000e+00 : f32
    %sub3A_31 = vector.broadcast %sub3A_30 : f32 to vector<1x3584xf32>
    %sub3A_32 = arith.subf %sub3A_31, %mul3A_29 : vector<1x3584xf32>
    %mul3A_33 = arith.mulf %rsqrt3A_24, %sub3A_32 : vector<1x3584xf32>
    %get3A_34 = arith.constant 0 : index
    %get3A_35 = arith.constant 0 : index
    %get3A_36 = vector.load %arg3[%get3A_34, %get3A_35] : memref<16x3584xf32, #tpu.memory_space<vmem>>, vector<16x3584xf32>
    %max3A_37 = arith.constant 0.000000e+00 : f32
    %max3A_38 = vector.broadcast %max3A_37 : f32 to vector<16x3584xf32>
    %max3A_39 = arith.maximumf %get3A_36, %max3A_38 : vector<16x3584xf32>
    %mul3A_40 = vector.broadcast %mul3A_20 : vector<1x3584xf32> to vector<16x3584xf32>
    %mul3A_41 = arith.mulf %max3A_39, %mul3A_40 : vector<16x3584xf32>
    %iota3A = tpu.iota {dimensions = array<i32: 0>} : vector<16x16xi32>
    %iota3A_42 = tpu.iota {dimensions = array<i32: 1>} : vector<16x16xi32>
    %eq3A = arith.cmpi eq, %iota3A, %iota3A_42 : vector<16x16xi32>
    %jit3A = arith.constant 1.000000e+00 : f32
    %jit3A_43 = arith.constant 0.000000e+00 : f32
    %broadcast_in_dim3A = vector.broadcast %jit3A : f32 to vector<16x16xf32>
    %broadcast_in_dim3A_44 = vector.broadcast %jit3A_43 : f32 to vector<16x16xf32>
    %select_n3A = arith.select %eq3A, %broadcast_in_dim3A, %broadcast_in_dim3A_44 : vector<16x16xi1>, vector<16x16xf32>
    %dot_general3A = arith.constant dense<0.000000e+00> : vector<3584x16xf32>
    %dot_general3A_45 = tpu.matmul %mul3A_41, %select_n3A, %dot_general3A {dimension_numbers = #tpu.dot_dimension_numbers<[0], [0], [1], [1], [0, 1, 1, 1], [], []>, transpose_lhs_hint = false} : vector<16x3584xf32>, vector<16x16xf32>, vector<3584x16xf32> -> vector<3584x16xf32>
    %swap3A = arith.constant 0 : index
    %swap3A_46 = arith.constant 0 : index
    %swap3A_47 = vector.load %arg9[%swap3A, %swap3A_46] : memref<3584x16xf32, #tpu.memory_space<vmem>>, vector<3584x16xf32>
    tpu.vector_store %arg9[%swap3A, %swap3A_46], %dot_general3A_45 {strides = array<i32>} : memref<3584x16xf32, #tpu.memory_space<vmem>>, vector<3584x16xf32>,
    %swap3A_48 = arith.constant 0 : index
    %swap3A_49 = arith.constant 0 : index
    %swap3A_50 = vector.load %arg10[%swap3A_48, %swap3A_49] : memref<1x3584xf32, #tpu.memory_space<vmem>>, vector<1x3584xf32>
    tpu.vector_store %arg10[%swap3A_48, %swap3A_49], %mul3A_33 {strides = array<i32>} : memref<1x3584xf32, #tpu.memory_space<vmem>>, vector<1x3584xf32>,
    %get3A_51 = arith.constant 0 : index
    %get3A_52 = arith.constant 0 : index
    %get3A_53 = vector.load %arg3[%get3A_51, %get3A_52] : memref<16x3584xf32, #tpu.memory_space<vmem>>, vector<16x3584xf32>
    %get3A_54 = arith.constant 0 : index
    %get3A_55 = arith.constant 0 : index
    %get3A_56 = vector.load %arg5[%get3A_54, %get3A_55] : memref<16x8xf32, #tpu.memory_space<vmem>>, vector<16x8xf32>
    %dot_general3A_57 = arith.constant dense<0.000000e+00> : vector<8x3584xf32>
    %dot_general3A_58 = tpu.matmul %get3A_56, %get3A_53, %dot_general3A_57 {dimension_numbers = #tpu.dot_dimension_numbers<[0], [0], [1], [1], [0, 1, 1, 1], [], []>, transpose_lhs_hint = false} : vector<16x8xf32>, vector<16x3584xf32>, vector<8x3584xf32> -> vector<8x3584xf32>
    %get3A_59 = arith.constant 0 : index
    %get3A_60 = arith.constant 0 : index
    %get3A_61 = vector.load %arg6[%get3A_59, %get3A_60] : memref<8x1xf32, #tpu.memory_space<vmem>>, vector<8x1xf32>
    %add3A_62 = vector.broadcast %get3A_61 : vector<8x1xf32> to vector<8x3584xf32>
    %add3A_63 = arith.addf %dot_general3A_58, %add3A_62 : vector<8x3584xf32>
    %max3A_64 = arith.constant 0.000000e+00 : f32
    %max3A_65 = vector.broadcast %max3A_64 : f32 to vector<8x3584xf32>
    %max3A_66 = arith.maximumf %add3A_63, %max3A_65 : vector<8x3584xf32>
    %get3A_67 = arith.constant 0 : index
    %get3A_68 = arith.constant 0 : index
    %get3A_69 = vector.load %arg7[%get3A_67, %get3A_68] : memref<8x2xf32, #tpu.memory_space<vmem>>, vector<8x2xf32>
    %dot_general3A_70 = arith.constant dense<0.000000e+00> : vector<2x3584xf32>
    %dot_general3A_71 = tpu.matmul %get3A_69, %max3A_66, %dot_general3A_70 {dimension_numbers = #tpu.dot_dimension_numbers<[0], [0], [1], [1], [0, 1, 1, 1], [], []>, transpose_lhs_hint = false} : vector<8x2xf32>, vector<8x3584xf32>, vector<2x3584xf32> -> vector<2x3584xf32>
    %get3A_72 = arith.constant 0 : index
    %get3A_73 = arith.constant 0 : index
    %get3A_74 = vector.load %arg8[%get3A_72, %get3A_73] : memref<2x1xf32, #tpu.memory_space<vmem>>, vector<2x1xf32>
    %add3A_75 = vector.broadcast %get3A_74 : vector<2x1xf32> to vector<2x3584xf32>
    %add3A_76 = arith.addf %dot_general3A_71, %add3A_75 : vector<2x3584xf32>
    %reduce_max3A = arith.constant dense<0xFF800000> : vector<3584xf32>
    %reduce_max3A_77 = vector.multi_reduction <maximumf>, %add3A_76, %reduce_max3A [0] : vector<2x3584xf32> to vector<3584xf32>
    %broadcast_in_dim3A_78 = vector.shape_cast %reduce_max3A_77 : vector<3584xf32> to vector<1x3584xf32>
    %sub3A_79 = vector.broadcast %broadcast_in_dim3A_78 : vector<1x3584xf32> to vector<2x3584xf32>
    %sub3A_80 = arith.subf %add3A_76, %sub3A_79 : vector<2x3584xf32>
    %exp3A = math.exp %sub3A_80 : vector<2x3584xf32>
    %reduce_sum3A = arith.constant dense<0.000000e+00> : vector<3584xf32>
    %reduce_sum3A_81 = vector.multi_reduction <add>, %exp3A, %reduce_sum3A [0] : vector<2x3584xf32> to vector<3584xf32>
    %broadcast_in_dim3A_82 = vector.shape_cast %reduce_sum3A_81 : vector<3584xf32> to vector<1x3584xf32>
    %log3A = math.log %broadcast_in_dim3A_82 : vector<1x3584xf32>
    %neg3A = arith.constant 0.000000e+00 : f32
    %neg3A_83 = vector.broadcast %neg3A : f32 to vector<1x3584xf32>
    %neg3A_84 = arith.subf %neg3A_83, %log3A : vector<1x3584xf32>
    %exp3A_85 = math.exp %neg3A_84 : vector<1x3584xf32>
    %mul3A_86 = arith.mulf %broadcast_in_dim3A_82, %exp3A_85 : vector<1x3584xf32>
    %sub3A_87 = arith.constant 1.000000e+00 : f32
    %sub3A_88 = vector.broadcast %sub3A_87 : f32 to vector<1x3584xf32>
    %sub3A_89 = arith.subf %mul3A_86, %sub3A_88 : vector<1x3584xf32>
    %add3A_90 = arith.addf %log3A, %sub3A_89 : vector<1x3584xf32>
    %add3A_91 = arith.addf %broadcast_in_dim3A_78, %add3A_90 : vector<1x3584xf32>
    %sub3A_92 = vector.broadcast %add3A_91 : vector<1x3584xf32> to vector<2x3584xf32>
    %sub3A_93 = arith.subf %add3A_76, %sub3A_92 : vector<2x3584xf32>
    %swap3A_94 = arith.constant 0 : index
    %swap3A_95 = arith.constant 0 : index
    %swap3A_96 = vector.load %arg11[%swap3A_94, %swap3A_95] : memref<2x3584xf32, #tpu.memory_space<vmem>>, vector<2x3584xf32>
    tpu.vector_store %arg11[%swap3A_94, %swap3A_95], %sub3A_93 {strides = array<i32>} : memref<2x3584xf32, #tpu.memory_space<vmem>>, vector<2x3584xf32>,
    %get3A_97 = arith.constant 0 : index
    %get3A_98 = arith.constant 0 : index
    %get3A_99 = vector.load %arg4[%get3A_97, %get3A_98] : memref<16x3584xf32, #tpu.memory_space<vmem>>, vector<16x3584xf32>
    %get3A_100 = arith.constant 0 : index
    %get3A_101 = arith.constant 0 : index
    %get3A_102 = vector.load %arg5[%get3A_100, %get3A_101] : memref<16x8xf32, #tpu.memory_space<vmem>>, vector<16x8xf32>
    %dot_general3A_103 = arith.constant dense<0.000000e+00> : vector<8x3584xf32>
    %dot_general3A_104 = tpu.matmul %get3A_102, %get3A_99, %dot_general3A_103 {dimension_numbers = #tpu.dot_dimension_numbers<[0], [0], [1], [1], [0, 1, 1, 1], [], []>, transpose_lhs_hint = false} : vector<16x8xf32>, vector<16x3584xf32>, vector<8x3584xf32> -> vector<8x3584xf32>
    %get3A_105 = arith.constant 0 : index
    %get3A_106 = arith.constant 0 : index
    %get3A_107 = vector.load %arg6[%get3A_105, %get3A_106] : memref<8x1xf32, #tpu.memory_space<vmem>>, vector<8x1xf32>
    %add3A_108 = vector.broadcast %get3A_107 : vector<8x1xf32> to vector<8x3584xf32>
    %add3A_109 = arith.addf %dot_general3A_104, %add3A_108 : vector<8x3584xf32>
    %max3A_110 = arith.constant 0.000000e+00 : f32
    %max3A_111 = vector.broadcast %max3A_110 : f32 to vector<8x3584xf32>
    %max3A_112 = arith.maximumf %add3A_109, %max3A_111 : vector<8x3584xf32>
    %get3A_113 = arith.constant 0 : index
    %get3A_114 = arith.constant 0 : index
    %get3A_115 = vector.load %arg7[%get3A_113, %get3A_114] : memref<8x2xf32, #tpu.memory_space<vmem>>, vector<8x2xf32>
    %dot_general3A_116 = arith.constant dense<0.000000e+00> : vector<2x3584xf32>
    %dot_general3A_117 = tpu.matmul %get3A_115, %max3A_112, %dot_general3A_116 {dimension_numbers = #tpu.dot_dimension_numbers<[0], [0], [1], [1], [0, 1, 1, 1], [], []>, transpose_lhs_hint = false} : vector<8x2xf32>, vector<8x3584xf32>, vector<2x3584xf32> -> vector<2x3584xf32>
    %get3A_118 = arith.constant 0 : index
    %get3A_119 = arith.constant 0 : index
    %get3A_120 = vector.load %arg8[%get3A_118, %get3A_119] : memref<2x1xf32, #tpu.memory_space<vmem>>, vector<2x1xf32>
    %add3A_121 = vector.broadcast %get3A_120 : vector<2x1xf32> to vector<2x3584xf32>
    %add3A_122 = arith.addf %dot_general3A_117, %add3A_121 : vector<2x3584xf32>
    %reduce_max3A_123 = arith.constant dense<0xFF800000> : vector<3584xf32>
    %reduce_max3A_124 = vector.multi_reduction <maximumf>, %add3A_122, %reduce_max3A_123 [0] : vector<2x3584xf32> to vector<3584xf32>
    %broadcast_in_dim3A_125 = vector.shape_cast %reduce_max3A_124 : vector<3584xf32> to vector<1x3584xf32>
    %sub3A_126 = vector.broadcast %broadcast_in_dim3A_125 : vector<1x3584xf32> to vector<2x3584xf32>
    %sub3A_127 = arith.subf %add3A_122, %sub3A_126 : vector<2x3584xf32>
    %exp3A_128 = math.exp %sub3A_127 : vector<2x3584xf32>
    %reduce_sum3A_129 = arith.constant dense<0.000000e+00> : vector<3584xf32>
    %reduce_sum3A_130 = vector.multi_reduction <add>, %exp3A_128, %reduce_sum3A_129 [0] : vector<2x3584xf32> to vector<3584xf32>
    %broadcast_in_dim3A_131 = vector.shape_cast %reduce_sum3A_130 : vector<3584xf32> to vector<1x3584xf32>
    %log3A_132 = math.log %broadcast_in_dim3A_131 : vector<1x3584xf32>
    %neg3A_133 = arith.constant 0.000000e+00 : f32
    %neg3A_134 = vector.broadcast %neg3A_133 : f32 to vector<1x3584xf32>
    %neg3A_135 = arith.subf %neg3A_134, %log3A_132 : vector<1x3584xf32>
    %exp3A_136 = math.exp %neg3A_135 : vector<1x3584xf32>
    %mul3A_137 = arith.mulf %broadcast_in_dim3A_131, %exp3A_136 : vector<1x3584xf32>
    %sub3A_138 = arith.constant 1.000000e+00 : f32
    %sub3A_139 = vector.broadcast %sub3A_138 : f32 to vector<1x3584xf32>
    %sub3A_140 = arith.subf %mul3A_137, %sub3A_139 : vector<1x3584xf32>
    %add3A_141 = arith.addf %log3A_132, %sub3A_140 : vector<1x3584xf32>
    %add3A_142 = arith.addf %broadcast_in_dim3A_125, %add3A_141 : vector<1x3584xf32>
    %sub3A_143 = vector.broadcast %add3A_142 : vector<1x3584xf32> to vector<2x3584xf32>
    %sub3A_144 = arith.subf %add3A_122, %sub3A_143 : vector<2x3584xf32>
    %swap3A_145 = arith.constant 0 : index
    %swap3A_146 = arith.constant 0 : index
    %swap3A_147 = vector.load %arg12[%swap3A_145, %swap3A_146] : memref<2x3584xf32, #tpu.memory_space<vmem>>, vector<2x3584xf32>
    tpu.vector_store %arg12[%swap3A_145, %swap3A_146], %sub3A_144 {strides = array<i32>} : memref<2x3584xf32, #tpu.memory_space<vmem>>, vector<2x3584xf32>,
    return
  }
  func.func @transform_0(%arg0: i32) -> (i32, i32) {
    %c0_i32 = arith.constant 0 : i32
    %c0_i32_0 = arith.constant 0 : i32
    return %c0_i32, %arg0 : i32, i32
  }
  func.func @transform_1(%arg0: i32) -> (i32, i32) {
    %c0_i32 = arith.constant 0 : i32
    %c0_i32_0 = arith.constant 0 : i32
    return %c0_i32, %arg0 : i32, i32
  }
  func.func @transform_2(%arg0: i32) -> (i32, i32) {
    %c0_i32 = arith.constant 0 : i32
    %c0_i32_0 = arith.constant 0 : i32
    return %c0_i32, %arg0 : i32, i32
  }
  func.func @transform_3(%arg0: i32) -> (i32, i32) {
    %c0_i32 = arith.constant 0 : i32
    %c0_i32_0 = arith.constant 0 : i32
    return %c0_i32, %arg0 : i32, i32
  }
  func.func @transform_4(%arg0: i32) -> (i32, i32) {
    %c0_i32 = arith.constant 0 : i32
    %c0_i32_0 = arith.constant 0 : i32
    %c0_i32_1 = arith.constant 0 : i32
    return %c0_i32, %c0_i32_0 : i32, i32
  }
  func.func @transform_5(%arg0: i32) -> (i32, i32) {
    %c0_i32 = arith.constant 0 : i32
    %c0_i32_0 = arith.constant 0 : i32
    %c0_i32_1 = arith.constant 0 : i32
    return %c0_i32, %c0_i32_0 : i32, i32
  }
  func.func @transform_6(%arg0: i32) -> (i32, i32) {
    %c0_i32 = arith.constant 0 : i32
    %c0_i32_0 = arith.constant 0 : i32
    %c0_i32_1 = arith.constant 0 : i32
    return %c0_i32, %c0_i32_0 : i32, i32
  }
  func.func @transform_7(%arg0: i32) -> (i32, i32) {
    %c0_i32 = arith.constant 0 : i32
    %c0_i32_0 = arith.constant 0 : i32
    %c0_i32_1 = arith.constant 0 : i32
    return %c0_i32, %c0_i32_0 : i32, i32
  }
  func.func @transform_8(%arg0: i32) -> (i32, i32) {
    %c0_i32 = arith.constant 0 : i32
    %c0_i32_0 = arith.constant 0 : i32
    return %arg0, %c0_i32 : i32, i32
  }
  func.func @transform_9(%arg0: i32) -> (i32, i32) {
    %c0_i32 = arith.constant 0 : i32
    %c0_i32_0 = arith.constant 0 : i32
    return %c0_i32, %arg0 : i32, i32
  }
  func.func @transform_10(%arg0: i32) -> (i32, i32) {
    %c0_i32 = arith.constant 0 : i32
    %c0_i32_0 = arith.constant 0 : i32
    return %c0_i32, %arg0 : i32, i32
  }
  func.func @transform_11(%arg0: i32) -> (i32, i32) {
    %c0_i32 = arith.constant 0 : i32
    %c0_i32_0 = arith.constant 0 : i32
    return %c0_i32, %arg0 : i32, i32
  }
}

module attributes {stable_mosaic.version = 14 : i64} {
  func.func @body(%arg0: i32, %arg1: memref<2x3584x16xf32, #tpu.memory_space<vmem>>, %arg2: memref<1x3584xf32, #tpu.memory_space<vmem>>, %arg3: memref<16x16xf32, #tpu.memory_space<vmem>>, %arg4: memref<16x1xf32, #tpu.memory_space<vmem>>, %arg5: memref<16x3584xf32, #tpu.memory_space<vmem>>) attributes {dimension_semantics = [#tpu.dimension_semantics<arbitrary>], iteration_bounds = array<i64: 28>, scalar_prefetch = 0 : i64, scratch_operands = 0 : i64, tpu.core_type = #tpu.core_type<tc>, window_params = [{transform_indices = @transform_0, window_bounds = array<i64: 2, 3584, 16>}, {transform_indices = @transform_1, window_bounds = array<i64: 1, 3584>}, {pipeline_mode = #tpu.pipeline_mode<synchronous>, transform_indices = @transform_2, window_bounds = array<i64: 16, 16>}, {pipeline_mode = #tpu.pipeline_mode<synchronous>, transform_indices = @transform_3, window_bounds = array<i64: 16, 1>}, {transform_indices = @transform_4, window_bounds = array<i64: 16, 3584>}]} {
    %get3A = arith.constant 0 : index
    %get3A_0 = arith.constant 0 : index
    %get3A_1 = arith.constant 0 : index
    %get3A_2 = vector.load %arg1[%get3A, %get3A_0, %get3A_1] : memref<2x3584x16xf32, #tpu.memory_space<vmem>>, vector<1x3584x16xf32>
    %get3A_3 = vector.shape_cast %get3A_2 : vector<1x3584x16xf32> to vector<3584x16xf32>
    %get3A_4 = arith.constant 1 : index
    %get3A_5 = arith.constant 0 : index
    %get3A_6 = arith.constant 0 : index
    %get3A_7 = vector.load %arg1[%get3A_4, %get3A_5, %get3A_6] : memref<2x3584x16xf32, #tpu.memory_space<vmem>>, vector<1x3584x16xf32>
    %get3A_8 = vector.shape_cast %get3A_7 : vector<1x3584x16xf32> to vector<3584x16xf32>
    %add3A = arith.addf %get3A_3, %get3A_8 : vector<3584x16xf32>
    %iota3A = tpu.iota {dimensions = array<i32: 0>} : vector<16x16xi32>
    %iota3A_9 = tpu.iota {dimensions = array<i32: 1>} : vector<16x16xi32>
    %eq3A = arith.cmpi eq, %iota3A, %iota3A_9 : vector<16x16xi32>
    %jit3A = arith.constant 1.000000e+00 : f32
    %jit3A_10 = arith.constant 0.000000e+00 : f32
    %broadcast_in_dim3A = vector.broadcast %jit3A : f32 to vector<16x16xf32>
    %broadcast_in_dim3A_11 = vector.broadcast %jit3A_10 : f32 to vector<16x16xf32>
    %select_n3A = arith.select %eq3A, %broadcast_in_dim3A, %broadcast_in_dim3A_11 : vector<16x16xi1>, vector<16x16xf32>
    %dot_general3A = arith.constant dense<0.000000e+00> : vector<16x3584xf32>
    %dot_general3A_12 = tpu.matmul %select_n3A, %add3A, %dot_general3A {dimension_numbers = #tpu.dot_dimension_numbers<[1], [1], [0], [0], [0, 0, 1, 0], [], []>, transpose_lhs_hint = false} : vector<16x16xf32>, vector<3584x16xf32>, vector<16x3584xf32> -> vector<16x3584xf32>
    %get3A_13 = arith.constant 0 : index
    %get3A_14 = arith.constant 0 : index
    %get3A_15 = vector.load %arg2[%get3A_13, %get3A_14] : memref<1x3584xf32, #tpu.memory_space<vmem>>, vector<1x3584xf32>
    %mul3A = vector.broadcast %get3A_15 : vector<1x3584xf32> to vector<16x3584xf32>
    %mul3A_16 = arith.mulf %dot_general3A_12, %mul3A : vector<16x3584xf32>
    %get3A_17 = arith.constant 0 : index
    %get3A_18 = arith.constant 0 : index
    %get3A_19 = vector.load %arg3[%get3A_17, %get3A_18] : memref<16x16xf32, #tpu.memory_space<vmem>>, vector<16x16xf32>
    %dot_general3A_20 = arith.constant dense<0.000000e+00> : vector<16x3584xf32>
    %dot_general3A_21 = tpu.matmul %get3A_19, %mul3A_16, %dot_general3A_20 {dimension_numbers = #tpu.dot_dimension_numbers<[0], [0], [1], [1], [0, 1, 1, 1], [], []>, transpose_lhs_hint = false} : vector<16x16xf32>, vector<16x3584xf32>, vector<16x3584xf32> -> vector<16x3584xf32>
    %get3A_22 = arith.constant 0 : index
    %get3A_23 = arith.constant 0 : index
    %get3A_24 = vector.load %arg4[%get3A_22, %get3A_23] : memref<16x1xf32, #tpu.memory_space<vmem>>, vector<16x1xf32>
    %add3A_25 = vector.broadcast %get3A_24 : vector<16x1xf32> to vector<16x3584xf32>
    %add3A_26 = arith.addf %dot_general3A_21, %add3A_25 : vector<16x3584xf32>
    %swap3A = arith.constant 0 : index
    %swap3A_27 = arith.constant 0 : index
    %swap3A_28 = vector.load %arg5[%swap3A, %swap3A_27] : memref<16x3584xf32, #tpu.memory_space<vmem>>, vector<16x3584xf32>
    tpu.vector_store %arg5[%swap3A, %swap3A_27], %add3A_26 {strides = array<i32>} : memref<16x3584xf32, #tpu.memory_space<vmem>>, vector<16x3584xf32>,
    return
  }
  func.func @transform_0(%arg0: i32) -> (i32, i32, i32) {
    %c0_i32 = arith.constant 0 : i32
    %c0_i32_0 = arith.constant 0 : i32
    %c0_i32_1 = arith.constant 0 : i32
    return %c0_i32, %arg0, %c0_i32_0 : i32, i32, i32
  }
  func.func @transform_1(%arg0: i32) -> (i32, i32) {
    %c0_i32 = arith.constant 0 : i32
    %c0_i32_0 = arith.constant 0 : i32
    return %c0_i32, %arg0 : i32, i32
  }
  func.func @transform_2(%arg0: i32) -> (i32, i32) {
    %c0_i32 = arith.constant 0 : i32
    %c0_i32_0 = arith.constant 0 : i32
    %c0_i32_1 = arith.constant 0 : i32
    return %c0_i32, %c0_i32_0 : i32, i32
  }
  func.func @transform_3(%arg0: i32) -> (i32, i32) {
    %c0_i32 = arith.constant 0 : i32
    %c0_i32_0 = arith.constant 0 : i32
    %c0_i32_1 = arith.constant 0 : i32
    return %c0_i32, %c0_i32_0 : i32, i32
  }
  func.func @transform_4(%arg0: i32) -> (i32, i32) {
    %c0_i32 = arith.constant 0 : i32
    %c0_i32_0 = arith.constant 0 : i32
    return %c0_i32, %arg0 : i32, i32
  }
}

</mosaic_0001>

<sc_bundles>
// kernel: kernel.6.cloned.1.call-start
scs
__scs_entry_jumppad:
0x0: {  	(pc) =	sbr.rel $0x88, $3  }
0x1: {  	(tag) =	ssettag $0x0;
	lr =	simm.s32 $0x1  }
0x2: {  	[smem:$0x3F98] =	sst lr;
	_ =	strace $0xD0000000  }
0x3: {  	_ = 	snop  }
0x4: {  	_ = 	snop  }
0x5: {  	_ = 	snop  }
0x6: {  	_ = 	snop  }
0x7: {  	_ = 	snop  }
__scs_overlays_trampoline_lowered:
0x8: {  	[smem:$0x3FA7] =	sst s0  }
0x9: {  	[smem:$0x3FA8] =	sst s1  }
0xa: {  	[smem:$0x3FA9] =	sst s2  }
0xb: {  	[smem:$0x3FAA] =	sst s3  }
0xc: {  	[smem:$0x3FAB] =	sst s4  }
0xd: {  	[smem:$0x3FAC] =	sst s5  }
0xe: {  	[smem:$0x3FAD] =	sst s6  }
0xf: {  	[smem:$0x3FAE] =	sst s7  }
0x10: {  	[smem:$0x3FAF] =	sst s8  }
0x11: {  	[smem:$0x3FB0] =	sst s9;
	s0 =	simm.s32 @!p0 $0x0  }
0x12: {  	s1 =	sld [smem:$0x3F96];
	s0 =	simm.s32 @p0 $0x1  }
0x13: {  	[smem:$0x3FB1] =	sst s0;
	s0 =	simm.s32 @!p1 $0x0  }
0x14: {  	s2 =	sld [smem:$0x3F95];
	s0 =	simm.s32 @p1 $0x1  }
0x15: {  	[smem:$0x3FB2] =	sst s0;
	s0 =	simm.s32 @!p2 $0x0  }
0x16: {  	s3 =	sld [smem:$0x3FDB];
	s0 =	simm.s32 @p2 $0x1  }
0x17: {  	s4 =	simm.s32 $0x1BF5;
	[smem:$0x3FB4] =	sst s0  }
0x18: {  	s0 =	sld [smem:$0x3F97];
	_ =	swait.ge [sflag:s4], $0x0  }
0x19: {  	s7 =	sld [smem:$0x3F98]  }
0x1a: {  	s8 =	sadd.s32 $0xFFFFE003, lr  }
0x1b: {  	s9 =	sadd.s32 $0xFFFFFEF7, lr;
	s5 =	simm.s32 $0xFFFFFFFF;
	p2 =	slt.u32 s8, $0xFFFFF086  }
0x1c: {  	p1 =	slt.u32 s9, $0xF7A;
	s5 =	simm.s32 @!p2 $0x0  }
0x1d: {  	s5 =	simm.s32 @p1 $0x1;
	p0 =	seq.s32 s7, s2  }
0x1e: {  	s7 =	smul.u32 @!p0 $0xF7A, s2;
	p2 =	seq.s32 @!p0 s5, $0x0  }
0x1f: {  	s9 =	smul.u32 $0xF7A, s1;
	s8 =	simm.s32 @!p0 $0x1BF5;
	p2 =	por !p2, p0  }
0x20: {  	[sflag:s8] =	ssyncset.s32 @!p0 $0xFFFFF086;
	s6 =	sadd.s32 @!p0 s3, s7;
	s7 =	simm.s32 @!p0 $0x108  }
0x21: {  	s3 =	sadd.s32 s3, s9;
	s6 =	sadd.s32 @!p0 $0x88, s6;
	s7 =	simm.s32 @p2 $0x1082  }
0x22: {  	[simem:s7], [sflag:s8] =	dma.local @!p0 [hbm:s6], $0xF7A  }
0x23: {  	s9 =	sor.u32 $0xD0000000, s2;
	s6 =	simm.s32 $0x108;
	_ =	swait.ge @!p0 [sflag:s8], $0x0  }
0x24: {  	s3 =	sadd.s32 $0x88, s3;
	s6 =	simm.s32 @!p1 $0x1082;
	[sflag:s4] =	ssyncset.s32 $0xFFFFF086  }
0x25: {  	[simem:s6], [sflag:s4] =	dma.local [hbm:s3], $0xF7A  }
0x26: {  	[smem:$0x3F98] =	sst s1;
	(tag) =	ssettag s2;
	_ =	strace s9  }
0x27: {  	s1 =	sld [smem:$0x3FA8]  }
0x28: {  	s2 =	sld [smem:$0x3FA9]  }
0x29: {  	s4 =	sld [smem:$0x3FAB]  }
0x2a: {  	p0 =	seq.s32 s5, $0x0;
	s5 =	sld [smem:$0x3FAC]  }
0x2b: {  	s6 =	sld [smem:$0x3FAD]  }
0x2c: {  	s7 =	sld [smem:$0x3FAE]  }
0x2d: {  	s3 =	simm.s32 $0x108;
	s8 =	sld [smem:$0x3FAF]  }
0x2e: {  	s3 =	simm.s32 @!p0 $0x1082;
	s9 =	sld [smem:$0x3FB0]  }
0x2f: {  	lr =	sadd.s32 s0, s3;
	s0 =	sld [smem:$0x3FA7]  }
0x30: {  	s3 =	sld [smem:$0x3FAA]  }
0x31: {  	[smem:$0x3FB3] =	sst s10  }
0x32: {  	s10 =	sld [smem:$0x3FB1];
	_ =	sdelay $0x3  }
0x33: {  	p0 =	seq.s32 s10, $0x1;
	s10 =	sld [smem:$0x3FB3];
	_ =	sdelay $0x3  }
0x34: {  	[smem:$0x3FB3] =	sst s10  }
0x35: {  	s10 =	sld [smem:$0x3FB2];
	_ =	sdelay $0x3  }
0x36: {  	p1 =	seq.s32 s10, $0x1;
	s10 =	sld [smem:$0x3FB3];
	_ =	sdelay $0x3  }
0x37: {  	[smem:$0x3FB3] =	sst s10  }
0x38: {  	s10 =	sld [smem:$0x3FB4]  }
0x39: {  	_ = 	snop;
	(pc) =	sbr.ind lr, $3  }
0x3a: {  	_ = 	snop  }
0x3b: {  	_ = 	snop  }
0x3c: {  	p2 =	seq.s32 s10, $0x1;
	s10 =	sld [smem:$0x3FB3]  }
0x3d: {  	_ =	shalt  }
0x3e: {  	_ =	shalt  }
0x3f: {  	_ =	shalt  }
0x40: {  	_ =	shalt  }
0x41: {  	_ =	shalt  }
0x42: {  	_ =	shalt  }
0x43: {  	_ =	shalt  }
0x44: {  	_ =	shalt  }
0x45: {  	_ =	shalt  }
0x46: {  	_ =	shalt  }
0x47: {  	_ =	shalt  }
0x48: {  	_ =	shalt  }
0x49: {  	_ =	shalt  }
0x4a: {  	_ =	shalt  }
0x4b: {  	_ =	shalt  }
0x4c: {  	_ =	shalt  }
0x4d: {  	_ =	shalt  }
0x4e: {  	_ =	shalt  }
0x4f: {  	_ =	shalt  }
0x50: {  	_ =	shalt  }
0x51: {  	_ =	shalt  }
0x52: {  	_ =	shalt  }
0x53: {  	_ =	shalt  }
0x54: {  	_ =	shalt  }
0x55: {  	_ =	shalt  }
0x56: {  	_ =	shalt  }
0x57: {  	_ =	shalt  }
0x58: {  	_ =	shalt  }
0x59: {  	_ =	shalt  }
0x5a: {  	_ =	shalt  }
0x5b: {  	_ =	shalt  }
0x5c: {  	_ =	shalt  }
0x5d: {  	_ =	shalt  }
0x5e: {  	_ =	shalt  }
0x5f: {  	_ =	shalt  }
0x60: {  	_ =	shalt  }
0x61: {  	_ =	shalt  }
0x62: {  	_ =	shalt  }
0x63: {  	_ =	shalt  }
0x64: {  	_ =	shalt  }
0x65: {  	_ =	shalt  }
0x66: {  	_ =	shalt  }
0x67: {  	_ =	shalt  }
0x68: {  	_ =	shalt  }
0x69: {  	_ =	shalt  }
0x6a: {  	_ =	shalt  }
0x6b: {  	_ =	shalt  }
0x6c: {  	_ =	shalt  }
0x6d: {  	_ =	shalt  }
0x6e: {  	_ =	shalt  }
0x6f: {  	_ =	shalt  }
0x70: {  	_ =	shalt  }
0x71: {  	_ =	shalt  }
0x72: {  	_ =	shalt  }
0x73: {  	_ =	shalt  }
0x74: {  	_ =	shalt  }
0x75: {  	_ =	shalt  }
0x76: {  	_ =	shalt  }
0x77: {  	_ =	shalt  }
0x78: {  	_ =	shalt  }
0x79: {  	_ =	shalt  }
0x7a: {  	_ =	shalt  }
0x7b: {  	_ =	shalt  }
0x7c: {  	_ =	shalt  }
0x7d: {  	_ =	shalt  }
0x7e: {  	_ =	shalt  }
0x7f: {  	_ =	shalt  }
0x80: {  	_ =	shalt  }
0x81: {  	_ =	shalt  }
0x82: {  	_ =	shalt  }
0x83: {  	_ =	shalt  }
0x84: {  	_ =	shalt  }
0x85: {  	_ =	shalt  }
0x86: {  	_ =	shalt  }
0x87: {  	_ =	shalt  }
.Lfunc_end0:
.L_simem_size_0:
called_computation_lowered:
.L_overlay_start_0:
0x88: {  	s2 =	sld [smem:$0x3FD9]  }
0x89: {  	s3 =	sld [smem:$0x3FFE];
	_ =	sdelay $0x1  }
0x8a: {  	s1 =	srdreg.scid  }
0x8b: {  	s0 =	sand.u32 $0x1, s1  }
0x8c: {  	s14 =	sshll.u32 s0, $0xA;
	s2 =	sadd.s32 s3, s2  }
0x8d: {  	s2 =	sadd.s32 s2, s14  }
0x8e: {  	[smem:$0x3FBF] =	sst s2  }
0x8f: {  	_ = 	snop  }
0x90: {  	s2 =	sld [smem:$0x3FD0];
	_ =	sdelay $0x2  }
0x91: {  	s15 =	simm.s32 $0xA;
	s4 =	simm.s32 $0x10  }
0x92: {  	[smem:s4], [sflag:s15] =	dma.local [hbm:s2], $0x1  }
0x93: {  	_ =	swait.eq [sflag:s15], $0x1  }
0x94: {  	[sflag:s15] =	ssyncset.done $0x0  }
0x95: {  	s16 =	sld [smem:$0x10];
	[sflag:s15] =	ssyncadd.s32 $0xFFFFFFFF  }
0x96: {  	s17 =	sld [smem:$0x11];
	(tm) =	ssettm $0x1  }
0x97: {  	s18 =	sld [smem:$0x3FFB];
	_ =	sdelay $0x3  }
0x98: {  	_ =	strace s18  }
0x99: {  	s4 =	sld [smem:$0x3FFC];
	_ =	sdelay $0x3  }
0x9a: {  	_ =	strace s4  }
0x9b: {  	s4 =	sld [smem:$0x3FFD];
	_ =	sdelay $0x3  }
0x9c: {  	_ =	strace s4  }
0x9d: {  	_ =	strace $0x8FFFFFFF  }
0x9e: {  	s19 =	sld [smem:$0x3FDB];
	_ =	sdelay $0x1  }
0x9f: {  	s5 =	simm.s32 $_scs_section_size  }
0xa0: {  	s6 =	simm.s32 $_size__tile_overlayer_lowered;
	s7 =	simm.s32 $_tile_overlayer_lowered  }
0xa1: {  	s22 =	simm.s32 $0x1BFF;
	s21 =	sshll.u32 s7, $0x1;
	s4 =	sadd.s32 s5, s19  }
0xa2: {  	s8 =	simm.s32 $0x0;
	s20 =	sshll.u32 s6, $0x1;
	s6 =	sadd.s32 s21, s4  }
0xa3: {  	[timem:s8], [sflag:s22] =	dma.local [hbm:s6], s20  }
0xa4: {  	_ =	swait.ge [sflag:s22], s20  }
0xa5: {  	s5 =	ssub.s32 $0x0, s20;
	[sflag:s22] =	ssyncset.done $0x0  }
0xa6: {  	[sflag:s22] =	ssyncadd.s32 s5;
	_ =	sdelay $0x1  }
0xa7: {  	s23 =	simm.s32 $0x1B8B  }
0xa8: {  	_ =	swait.ge [sflag:s23], $0x1  }
0xa9: {  	[sflag:s23] =	ssyncset.done $0x0  }
0xaa: {  	s25 =	simm.s32 $0x1B8E;
	s24 =	sld [smem:$0x3FFE];
	[sflag:s23] =	ssyncadd.s32 $0xFFFFFFFF  }
0xab: {  	s26 =	simm.s32 $execute0_lowered;
	[smem:$0x3FD2] =	sst s25  }
0xac: {  	s6 =	sshll.u32 s26, $0x1;
	_ =	strace $0x80000046;
	[dreg:$0x1] =	wrdreg $0xFFFFFFFF  }
0xad: {  	s28 =	simm.s32 $_size_execute0_lowered;
	s4 =	sadd.s32 s4, s6;
	[dreg:$0x0] =	wrdreg $0x0  }
0xae: {  	s6 =	sshll.u32 s28, $0x1;
	[dreg:$0x2] =	wrdreg s4  }
0xaf: {  	[dreg:$0x3] =	wrdreg s6  }
0xb0: {  	[dreg:$0x4] =	wrdreg $0xC0  }
0xb1: {  	_ =	task [dreg:s8], $0x5FFFF  }
0xb2: {  	[dreg:$0x1] =	wrdreg $0xFFFFFFFF  }
0xb3: {  	[dreg:$0x0] =	wrdreg $0x60  }
0xb4: {  	[dreg:$0x2] =	wrdreg s24  }
0xb5: {  	[dreg:$0x3] =	wrdreg s17  }
0xb6: {  	[dreg:$0x4] =	wrdreg s16  }
0xb7: {  	[dreg:$0x5] =	wrdreg $0x0  }
0xb8: {  	[dreg:$0x6] =	wrdreg $0x18800  }
0xb9: {  	[dreg:$0x7] =	wrdreg $0x9  }
0xba: {  	_ =	task.clear_ibuf [dreg:s8], $0x8FFFF;
	_ =	strace $0x90000046  }
0xbb: {  	s29 =	simm.s32 $0x9;
	_ =	strace $0x80000048  }
0xbc: {  	_ =	swait.ge [sflag:s29], $0x1  }
0xbd: {  	[sflag:s29] =	ssyncadd.s32 $0xFFFFFFFF  }
0xbe: {  	_ =	strace $0x90000048  }
0xbf: {  	_ =	sfence  }
0xc0: {  	s30 =	sld [smem:$0x0];
	_ =	sdelay $0x2  }
0xc1: {  	s31 =	sshll.u32 s1, $0xD;
	s1 =	sshrl.u32 s1, $0x2  }
0xc2: {  	s3 =	sand.u32 $0x4000, s31;
	s1 =	sadd.s32 s1, s30  }
0xc3: {  	s0 =	sor.u32 s3, s0;
	s1 =	sshll.u32 s1, $0x11  }
0xc4: {  	s0 =	sor.u32 s1, s0  }
0xc5: {  	s0 =	sadd.s32 $0x8F2B, s0  }
0xc6: {  	[sflag:s0] =	ssyncadd.remote.s32 $0x1  }
0xc7: {  	_ =	sfence.sel $0xFFFF  }
0xc8: {  	[dreg:$0x0] =	wrdreg $0xFFFFFFFF;
	(pc) =	sbr.abs _section_cstart, $3  }
0xc9: {  	[dreg:$0x1] =	wrdreg $0xFFFFFFFF  }
0xca: {  	_ =	task.clear_ibuf [dreg:s8], $0x2FFFF;
	_ =	strace $0x9FFFFFFF  }
0xcb: {  	(tm) =	ssettm $0x7FFFFFFF  }
tec
execute0_lowered:
.L_overlay_start_1:
0x0: {  	(tag) =	ssettag $0x1  }
0x1: {  	s0 =	rddreg [dreg:$0x0]  }
0x2: {  	s3 =	rddreg [dreg:$0x1]  }
0x3: {  	s4 =	rddreg [dreg:$0x2]  }
0x4: {  	s1 =	rddreg [dreg:$0x3]  }
0x5: {  	s2 =	rddreg [dreg:$0x4]  }
0x6: {  	s5 =	srdreg.scid;
	s7 =	simm.s32 $0x0;
	s8 =	stileid.u32  }
0x7: {  	s16 =	simm.s32 $0x3100;
	s17 =	simm.s32 $0x7;
	s20 =	simm.s32 $0x1  }
0x8: {  	s28 =	simm.s32 $0x6;
	s29 =	simm.s32 $0x3;
	s30 =	simm.s32 $0x4  }
0x9: {  	s31 =	simm.s32 $0x0;
	s6 =	sand.u32 $0x1, s5;
	[smem:$0x7FF] =	sst s7  }
0xa: {  	s9 =	smul.u32 $0x1880, s8;
	s5 =	sshll.u32 s6, $0x4;
	_ =	strace $0x80000047  }
0xb: {  	s22 =	ssub.s32 $0x2, s6;
	s24 =	smul.u32 $0x18800, s6;
	s21 =	sor.u32 s8, s5  }
0xc: {  	s5 =	sadd.s32 $0x2A00, s0;
	s11 =	sshrl.u32 s22, $0x1;
	s10 =	smul.u32 $0x18800, s21  }
0xd: {  	s6 =	sadd.s32 s9, s1;
	s7 =	sadd.s32 s9, s2;
	s12 =	smul.u32 $0x310, s21  }
0xe: {  	s13 =	ssub.s32 s22, s11;
	s9 =	sadd.s32 s9, s24;
	s11 =	sadd.s32 $0x64A00, s0  }
0xf: {  	s21 =	simm.s32 $0x2;
	s22 =	simm.s32 $0x8200;
	s24 =	simm.s32 $0x80  }
0x10: {  	s26 =	sshrl.u32 s9, $0x3;
	s15 =	smax.u32 s13, $0x1;
	s23 =	sshrl.u32 s10, $0x3  }
0x11: {  	s10 =	sadd.s32 $0x38, s12;
	s12 =	sadd.s32 $0x70, s12;
	s3 =	sadd.s32 s3, s26  }
0x12: {  	s0 =	sadd.s32 s4, s26;
	s8 =	sadd.s32 s5, s23;
	[dreg:$0x7] =	wrdreg s3  }
0x13: {  	s26 =	simm.s32 $0x5;
	[dreg:$0x8] =	wrdreg s0;
	s25 =	sadd.s32 $0x62000, s8  }
0x14: {  	v0 =	vimm.f32 $0.0e+00;
	v1 =	vimm.f32 $1.000000000e+00;
	s23 =	simm.s32 $0x9E00;
	[dreg:$0x6] =	wrdreg s25;
	s25 =	simm.s32 $0x4980  }
.LBB2_1:
0x15: {  	s0 =	simm.s32 $0x40;
	s3 =	simm.s32 $0x0  }
.LBB2_2:
0x16: {  	p0 =	sne.s32 s0, $0x61C0;
	[tilespmem:s3+$0x3100] =	vst v0;
	s3 =	smov.u32 s0;
	s0 =	sadd.s32 $0x40, s0  }
.Ltmp0:
0x17: {  	(pc) =	sbr.rel @p0 .LBB2_2-.Ltmp0, $2  }
0x18: {  	_ =	sdelay $0x2  }
0x19: {  	s3 =	sshra.s32 s3, $0x2  }
0x1a: {  	[tilespmem:s3+$0x3100] =	vst v0  }
0x1b: {  	[tilespmem:$0x4980] =	vst v1  }
0x1c: {  	[tilespmem:$0x4990] =	vst v1  }
0x1d: {  	[tilespmem:$0x49A0] =	vst v1  }
0x1e: {  	[tilespmem:$0x49B0] =	vst v1  }
0x1f: {  	[tilespmem:$0x49C0] =	vst v1  }
0x20: {  	[tilespmem:$0x49D0] =	vst v1  }
0x21: {  	[tilespmem:$0x49E0] =	vst v1  }
0x22: {  	[tilespmem:$0x49F0] =	vst v1  }
0x23: {  	[spmem:s6] =	stream.linear.scatter [tilespmem:s16], [sflag:$0x7], $0x1880, $0x38;
	[tilespmem:$0xBA00] =	vst v63  }
0x24: {  	_ =	swait.ge [sflag:s17], $0x1880  }
0x25: {  	[sflag:s17] =	ssyncset.done $0x0  }
0x26: {  	[sflag:s17] =	ssyncadd.s32 $0xFFFFE780  }
0x27: {  	[spmem:s7] =	stream.linear.scatter [tilespmem:s16], [sflag:$0x7], $0x1880, $0x38;
	[tilespmem:$0xBA00] =	vst v63  }
0x28: {  	_ =	swait.ge [sflag:s17], $0x1880  }
0x29: {  	[sflag:s17] =	ssyncset.done $0x0  }
0x2a: {  	[sflag:s17] =	ssyncadd.s32 $0xFFFFE780  }
0x2b: {  	s0 =	simm.s32 $0x0;
	s18 =	simm.s32 $0x4A00;
	[bflag:$0x0] =	sbarrier.arrive $0xFFFF  }
0x2c: {  	[tilespmem:s18], [sflag:$0x1] =	stream.linear.gather [hbm4b:s8+s0], $0x1C00, $0x38;
	[tilespmem:$0xBA00] =	vst v63  }
0x2d: {  	s4 =	simm.s32 $0x6600;
	s3 =	simm.s32 $0x0;
	s19 =	rddreg [dreg:$0x6]  }
0x2e: {  	[tilespmem:s4], [sflag:$0x2] =	stream.linear.gather [hbm4b:s19+s0], $0x1C00, $0x38;
	[tilespmem:$0xBA00] =	vst v63  }
.LBB2_4:
0x2f: {  	_ =	swait.ge [sflag:s20], $0x1C00  }
0x30: {  	s18 =	smul.u32 $0x70, s3;
	[sflag:s20] =	ssyncset.done $0x0  }
0x31: {  	[sflag:s20] =	ssyncadd.s32 $0xFFFFE400  }
0x32: {  	s4 =	sadd.s32 s18, s10;
	_ =	swait.ge [sflag:s21], $0x1C00  }
0x33: {  	s4 =	sshll.u32 s4, $0x4;
	[sflag:s21] =	ssyncset.done $0x0  }
0x34: {  	s9 =	sadd.s32 s5, s4;
	[sflag:s21] =	ssyncadd.s32 $0xFFFFE400  }
0x35: {  	[tilespmem:s22], [sflag:$0x3] =	stream.linear.gather [hbm4b:s9+s0], $0x1C00, $0x38;
	[tilespmem:$0xBA00] =	vst v63  }
0x36: {  	s4 =	sadd.s32 s4, s11  }
0x37: {  	[tilespmem:s23], [sflag:$0x4] =	stream.linear.gather [hbm4b:s4+s0], $0x1C00, $0x38;
	[tilespmem:$0xBA00] =	vst v63  }
0x38: {  	s9 =	simm.s32 $0x4A00  }
0x39: {  	[spmem:s1] =	stream.indirect.scatter.add.f32 [tilespmem:s25], [sflag:$0x5], $0x1, s9, s24, $0xb8;
	[tilespmem:$0xBA00] =	vst v63  }
0x3a: {  	s13 =	simm.s32 $0x4A80  }
0x3b: {  	[spmem:s1] =	stream.indirect.scatter.add.f32 [tilespmem:s25], [sflag:$0x5], $0x1, s13, s24, $0xb8;
	[tilespmem:$0xBA00] =	vst v63  }
0x3c: {  	s14 =	simm.s32 $0x4B00  }
0x3d: {  	[spmem:s1] =	stream.indirect.scatter.add.f32 [tilespmem:s25], [sflag:$0x5], $0x1, s14, s24, $0xb8;
	[tilespmem:$0xBA00] =	vst v63  }
0x3e: {  	s19 =	simm.s32 $0x4B80  }
0x3f: {  	[spmem:s1] =	stream.indirect.scatter.add.f32 [tilespmem:s25], [sflag:$0x5], $0x1, s19, s24, $0xb8;
	[tilespmem:$0xBA00] =	vst v63  }
0x40: {  	s9 =	simm.s32 $0x4C00  }
0x41: {  	[spmem:s1] =	stream.indirect.scatter.add.f32 [tilespmem:s25], [sflag:$0x5], $0x1, s9, s24, $0xb8;
	[tilespmem:$0xBA00] =	vst v63  }
0x42: {  	s13 =	simm.s32 $0x4C80  }
0x43: {  	[spmem:s1] =	stream.indirect.scatter.add.f32 [tilespmem:s25], [sflag:$0x5], $0x1, s13, s24, $0xb8;
	[tilespmem:$0xBA00] =	vst v63  }
0x44: {  	s14 =	simm.s32 $0x4D00  }
0x45: {  	[spmem:s1] =	stream.indirect.scatter.add.f32 [tilespmem:s25], [sflag:$0x5], $0x1, s14, s24, $0xb8;
	[tilespmem:$0xBA00] =	vst v63  }
0x46: {  	s19 =	simm.s32 $0x4D80  }
0x47: {  	[spmem:s1] =	stream.indirect.scatter.add.f32 [tilespmem:s25], [sflag:$0x5], $0x1, s19, s24, $0xb8;
	[tilespmem:$0xBA00] =	vst v63  }
0x48: {  	s9 =	simm.s32 $0x6600  }
0x49: {  	[spmem:s2] =	stream.indirect.scatter.add.f32 [tilespmem:s25], [sflag:$0x6], $0x1, s9, s24, $0xb8;
	[tilespmem:$0xBA00] =	vst v63  }
0x4a: {  	s13 =	simm.s32 $0x6680  }
0x4b: {  	[spmem:s2] =	stream.indirect.scatter.add.f32 [tilespmem:s25], [sflag:$0x6], $0x1, s13, s24, $0xb8;
	[tilespmem:$0xBA00] =	vst v63  }
0x4c: {  	s14 =	simm.s32 $0x6700  }
0x4d: {  	[spmem:s2] =	stream.indirect.scatter.add.f32 [tilespmem:s25], [sflag:$0x6], $0x1, s14, s24, $0xb8;
	[tilespmem:$0xBA00] =	vst v63  }
0x4e: {  	s19 =	simm.s32 $0x6780  }
0x4f: {  	[spmem:s2] =	stream.indirect.scatter.add.f32 [tilespmem:s25], [sflag:$0x6], $0x1, s19, s24, $0xb8;
	[tilespmem:$0xBA00] =	vst v63  }
0x50: {  	s9 =	simm.s32 $0x6800  }
0x51: {  	[spmem:s2] =	stream.indirect.scatter.add.f32 [tilespmem:s25], [sflag:$0x6], $0x1, s9, s24, $0xb8;
	[tilespmem:$0xBA00] =	vst v63  }
0x52: {  	s13 =	simm.s32 $0x6880  }
0x53: {  	[spmem:s2] =	stream.indirect.scatter.add.f32 [tilespmem:s25], [sflag:$0x6], $0x1, s13, s24, $0xb8;
	[tilespmem:$0xBA00] =	vst v63  }
0x54: {  	s14 =	simm.s32 $0x6900  }
0x55: {  	[spmem:s2] =	stream.indirect.scatter.add.f32 [tilespmem:s25], [sflag:$0x6], $0x1, s14, s24, $0xb8;
	[tilespmem:$0xBA00] =	vst v63  }
0x56: {  	s19 =	simm.s32 $0x6980  }
0x57: {  	[spmem:s2] =	stream.indirect.scatter.add.f32 [tilespmem:s25], [sflag:$0x6], $0x1, s19, s24, $0xb8;
	[tilespmem:$0xBA00] =	vst v63  }
0x58: {  	_ =	swait.ge [sflag:s26], $0x80  }
0x59: {  	[sflag:s26] =	ssyncset.done $0x0  }
0x5a: {  	[sflag:s26] =	ssyncadd.s32 $0xFFFFFF80  }
0x5b: {  	_ =	swait.ge [sflag:s26], $0x80  }
0x5c: {  	[sflag:s26] =	ssyncset.done $0x0  }
0x5d: {  	[sflag:s26] =	ssyncadd.s32 $0xFFFFFF80  }
0x5e: {  	_ =	swait.ge [sflag:s26], $0x80  }
0x5f: {  	[sflag:s26] =	ssyncset.done $0x0  }
0x60: {  	[sflag:s26] =	ssyncadd.s32 $0xFFFFFF80  }
0x61: {  	_ =	swait.ge [sflag:s26], $0x80  }
0x62: {  	[sflag:s26] =	ssyncset.done $0x0  }
0x63: {  	[sflag:s26] =	ssyncadd.s32 $0xFFFFFF80  }
0x64: {  	_ =	swait.ge [sflag:s26], $0x80  }
0x65: {  	[sflag:s26] =	ssyncset.done $0x0  }
0x66: {  	[sflag:s26] =	ssyncadd.s32 $0xFFFFFF80  }
0x67: {  	_ =	swait.ge [sflag:s26], $0x80  }
0x68: {  	[sflag:s26] =	ssyncset.done $0x0  }
0x69: {  	[sflag:s26] =	ssyncadd.s32 $0xFFFFFF80  }
0x6a: {  	_ =	swait.ge [sflag:s26], $0x80  }
0x6b: {  	[sflag:s26] =	ssyncset.done $0x0  }
0x6c: {  	[sflag:s26] =	ssyncadd.s32 $0xFFFFFF80  }
0x6d: {  	_ =	swait.ge [sflag:s26], $0x80  }
0x6e: {  	[sflag:s26] =	ssyncset.done $0x0  }
0x6f: {  	[sflag:s26] =	ssyncadd.s32 $0xFFFFFF80  }
0x70: {  	_ =	swait.ge [sflag:s28], $0x80  }
0x71: {  	[sflag:s28] =	ssyncset.done $0x0  }
0x72: {  	[sflag:s28] =	ssyncadd.s32 $0xFFFFFF80  }
0x73: {  	_ =	swait.ge [sflag:s28], $0x80  }
0x74: {  	[sflag:s28] =	ssyncset.done $0x0  }
0x75: {  	[sflag:s28] =	ssyncadd.s32 $0xFFFFFF80  }
0x76: {  	_ =	swait.ge [sflag:s28], $0x80  }
0x77: {  	[sflag:s28] =	ssyncset.done $0x0  }
0x78: {  	[sflag:s28] =	ssyncadd.s32 $0xFFFFFF80  }
0x79: {  	_ =	swait.ge [sflag:s28], $0x80  }
0x7a: {  	[sflag:s28] =	ssyncset.done $0x0  }
0x7b: {  	[sflag:s28] =	ssyncadd.s32 $0xFFFFFF80  }
0x7c: {  	_ =	swait.ge [sflag:s28], $0x80  }
0x7d: {  	[sflag:s28] =	ssyncset.done $0x0  }
0x7e: {  	[sflag:s28] =	ssyncadd.s32 $0xFFFFFF80  }
0x7f: {  	_ =	swait.ge [sflag:s28], $0x80  }
0x80: {  	[sflag:s28] =	ssyncset.done $0x0  }
0x81: {  	[sflag:s28] =	ssyncadd.s32 $0xFFFFFF80  }
0x82: {  	_ =	swait.ge [sflag:s28], $0x80  }
0x83: {  	[sflag:s28] =	ssyncset.done $0x0  }
0x84: {  	[sflag:s28] =	ssyncadd.s32 $0xFFFFFF80  }
0x85: {  	_ =	swait.ge [sflag:s28], $0x80  }
0x86: {  	s9 =	simm.s32 $0x400;
	s19 =	simm.s32 $0x2000;
	[sflag:s28] =	ssyncset.done $0x0  }
.LBB2_5:
0x87: {  	s14 =	sadd.s32 $0x4A00, s9  }
0x88: {  	[sflag:s28] =	ssyncadd.s32 $0xFFFFFF80;
	s4 =	smov.u32 s19;
	s13 =	sadd.s32 $0x1000, s19  }
0x89: {  	[spmem:s1] =	stream.indirect.scatter.add.f32 [tilespmem:s25], [sflag:$0x5], $0x1, s14, s24, $0xb8;
	[tilespmem:$0xBA00] =	vst v63  }
0x8a: {  	p0 =	sne.s32 s19, $0x6000;
	s14 =	sadd.s32 $0x4A80, s9  }
0x8b: {  	[spmem:s1] =	stream.indirect.scatter.add.f32 [tilespmem:s25], [sflag:$0x5], $0x1, s14, s24, $0xb8;
	[tilespmem:$0xBA00] =	vst v63  }
0x8c: {  	s14 =	sadd.s32 $0x4B00, s9  }
0x8d: {  	[spmem:s1] =	stream.indirect.scatter.add.f32 [tilespmem:s25], [sflag:$0x5], $0x1, s14, s24, $0xb8;
	[tilespmem:$0xBA00] =	vst v63  }
0x8e: {  	s14 =	sadd.s32 $0x4B80, s9  }
0x8f: {  	[spmem:s1] =	stream.indirect.scatter.add.f32 [tilespmem:s25], [sflag:$0x5], $0x1, s14, s24, $0xb8;
	[tilespmem:$0xBA00] =	vst v63  }
0x90: {  	s14 =	sadd.s32 $0x4C00, s9  }
0x91: {  	[spmem:s1] =	stream.indirect.scatter.add.f32 [tilespmem:s25], [sflag:$0x5], $0x1, s14, s24, $0xb8;
	[tilespmem:$0xBA00] =	vst v63  }
0x92: {  	s14 =	sadd.s32 $0x4C80, s9  }
0x93: {  	[spmem:s1] =	stream.indirect.scatter.add.f32 [tilespmem:s25], [sflag:$0x5], $0x1, s14, s24, $0xb8;
	[tilespmem:$0xBA00] =	vst v63  }
0x94: {  	s14 =	sadd.s32 $0x4D00, s9  }
0x95: {  	[spmem:s1] =	stream.indirect.scatter.add.f32 [tilespmem:s25], [sflag:$0x5], $0x1, s14, s24, $0xb8;
	[tilespmem:$0xBA00] =	vst v63  }
0x96: {  	s14 =	sadd.s32 $0x4D80, s9  }
0x97: {  	[spmem:s1] =	stream.indirect.scatter.add.f32 [tilespmem:s25], [sflag:$0x5], $0x1, s14, s24, $0xb8;
	[tilespmem:$0xBA00] =	vst v63  }
0x98: {  	s14 =	sadd.s32 $0x6600, s9  }
0x99: {  	[spmem:s2] =	stream.indirect.scatter.add.f32 [tilespmem:s25], [sflag:$0x6], $0x1, s14, s24, $0xb8;
	[tilespmem:$0xBA00] =	vst v63  }
0x9a: {  	s14 =	sadd.s32 $0x6680, s9  }
0x9b: {  	[spmem:s2] =	stream.indirect.scatter.add.f32 [tilespmem:s25], [sflag:$0x6], $0x1, s14, s24, $0xb8;
	[tilespmem:$0xBA00] =	vst v63  }
0x9c: {  	s14 =	sadd.s32 $0x6700, s9  }
0x9d: {  	[spmem:s2] =	stream.indirect.scatter.add.f32 [tilespmem:s25], [sflag:$0x6], $0x1, s14, s24, $0xb8;
	[tilespmem:$0xBA00] =	vst v63  }
0x9e: {  	s14 =	sadd.s32 $0x6780, s9  }
0x9f: {  	[spmem:s2] =	stream.indirect.scatter.add.f32 [tilespmem:s25], [sflag:$0x6], $0x1, s14, s24, $0xb8;
	[tilespmem:$0xBA00] =	vst v63  }
0xa0: {  	s14 =	sadd.s32 $0x6800, s9  }
0xa1: {  	[spmem:s2] =	stream.indirect.scatter.add.f32 [tilespmem:s25], [sflag:$0x6], $0x1, s14, s24, $0xb8;
	[tilespmem:$0xBA00] =	vst v63  }
0xa2: {  	s14 =	sadd.s32 $0x6880, s9  }
0xa3: {  	[spmem:s2] =	stream.indirect.scatter.add.f32 [tilespmem:s25], [sflag:$0x6], $0x1, s14, s24, $0xb8;
	[tilespmem:$0xBA00] =	vst v63  }
0xa4: {  	s14 =	sadd.s32 $0x6900, s9  }
0xa5: {  	[spmem:s2] =	stream.indirect.scatter.add.f32 [tilespmem:s25], [sflag:$0x6], $0x1, s14, s24, $0xb8;
	[tilespmem:$0xBA00] =	vst v63  }
0xa6: {  	s9 =	sadd.s32 $0x6980, s9  }
0xa7: {  	[spmem:s2] =	stream.indirect.scatter.add.f32 [tilespmem:s25], [sflag:$0x6], $0x1, s9, s24, $0xb8;
	[tilespmem:$0xBA00] =	vst v63  }
0xa8: {  	_ =	swait.ge [sflag:s26], $0x80  }
0xa9: {  	[sflag:s26] =	ssyncset.done $0x0  }
0xaa: {  	[sflag:s26] =	ssyncadd.s32 $0xFFFFFF80  }
0xab: {  	_ =	swait.ge [sflag:s26], $0x80  }
0xac: {  	[sflag:s26] =	ssyncset.done $0x0  }
0xad: {  	[sflag:s26] =	ssyncadd.s32 $0xFFFFFF80  }
0xae: {  	_ =	swait.ge [sflag:s26], $0x80  }
0xaf: {  	[sflag:s26] =	ssyncset.done $0x0  }
0xb0: {  	[sflag:s26] =	ssyncadd.s32 $0xFFFFFF80  }
0xb1: {  	_ =	swait.ge [sflag:s26], $0x80  }
0xb2: {  	[sflag:s26] =	ssyncset.done $0x0  }
0xb3: {  	[sflag:s26] =	ssyncadd.s32 $0xFFFFFF80  }
0xb4: {  	_ =	swait.ge [sflag:s26], $0x80  }
0xb5: {  	[sflag:s26] =	ssyncset.done $0x0  }
0xb6: {  	[sflag:s26] =	ssyncadd.s32 $0xFFFFFF80  }
0xb7: {  	_ =	swait.ge [sflag:s26], $0x80  }
0xb8: {  	[sflag:s26] =	ssyncset.done $0x0  }
0xb9: {  	[sflag:s26] =	ssyncadd.s32 $0xFFFFFF80  }
0xba: {  	_ =	swait.ge [sflag:s26], $0x80  }
0xbb: {  	[sflag:s26] =	ssyncset.done $0x0  }
0xbc: {  	[sflag:s26] =	ssyncadd.s32 $0xFFFFFF80  }
0xbd: {  	_ =	swait.ge [sflag:s26], $0x80  }
0xbe: {  	[sflag:s26] =	ssyncset.done $0x0  }
0xbf: {  	[sflag:s26] =	ssyncadd.s32 $0xFFFFFF80  }
0xc0: {  	_ =	swait.ge [sflag:s28], $0x80  }
0xc1: {  	[sflag:s28] =	ssyncset.done $0x0  }
0xc2: {  	[sflag:s28] =	ssyncadd.s32 $0xFFFFFF80  }
0xc3: {  	_ =	swait.ge [sflag:s28], $0x80  }
0xc4: {  	[sflag:s28] =	ssyncset.done $0x0  }
0xc5: {  	[sflag:s28] =	ssyncadd.s32 $0xFFFFFF80  }
0xc6: {  	_ =	swait.ge [sflag:s28], $0x80  }
0xc7: {  	[sflag:s28] =	ssyncset.done $0x0  }
0xc8: {  	[sflag:s28] =	ssyncadd.s32 $0xFFFFFF80  }
0xc9: {  	_ =	swait.ge [sflag:s28], $0x80  }
0xca: {  	[sflag:s28] =	ssyncset.done $0x0  }
0xcb: {  	[sflag:s28] =	ssyncadd.s32 $0xFFFFFF80  }
0xcc: {  	_ =	swait.ge [sflag:s28], $0x80  }
0xcd: {  	[sflag:s28] =	ssyncset.done $0x0  }
0xce: {  	[sflag:s28] =	ssyncadd.s32 $0xFFFFFF80  }
0xcf: {  	_ =	swait.ge [sflag:s28], $0x80  }
0xd0: {  	[sflag:s28] =	ssyncset.done $0x0  }
0xd1: {  	[sflag:s28] =	ssyncadd.s32 $0xFFFFFF80  }
.Ltmp1:
0xd2: {  	_ =	swait.ge [sflag:s28], $0x80;
	(pc) =	sbr.rel @p0 .LBB2_5-.Ltmp1, $4  }
0xd3: {  	[sflag:s28] =	ssyncset.done $0x0  }
0xd4: {  	[sflag:s28] =	ssyncadd.s32 $0xFFFFFF80  }
0xd5: {  	_ =	swait.ge [sflag:s28], $0x80  }
0xd6: {  	s19 =	smov.u32 s13;
	s9 =	sshra.s32 s4, $0x2;
	[sflag:s28] =	ssyncset.done $0x0  }
0xd7: {  	s4 =	sadd.s32 $0x4A00, s9;
	[sflag:s28] =	ssyncadd.s32 $0xFFFFFF80  }
0xd8: {  	[spmem:s1] =	stream.indirect.scatter.add.f32 [tilespmem:s25], [sflag:$0x5], $0x1, s4, s24, $0xb8;
	[tilespmem:$0xBA00] =	vst v63  }
0xd9: {  	s19 =	sadd.s32 $0x4A80, s9  }
0xda: {  	[spmem:s1] =	stream.indirect.scatter.add.f32 [tilespmem:s25], [sflag:$0x5], $0x1, s19, s24, $0xb8;
	[tilespmem:$0xBA00] =	vst v63  }
0xdb: {  	s13 =	sadd.s32 $0x4B00, s9  }
0xdc: {  	[spmem:s1] =	stream.indirect.scatter.add.f32 [tilespmem:s25], [sflag:$0x5], $0x1, s13, s24, $0xb8;
	[tilespmem:$0xBA00] =	vst v63  }
0xdd: {  	s14 =	sadd.s32 $0x4B80, s9  }
0xde: {  	[spmem:s1] =	stream.indirect.scatter.add.f32 [tilespmem:s25], [sflag:$0x5], $0x1, s14, s24, $0xb8;
	[tilespmem:$0xBA00] =	vst v63  }
0xdf: {  	s19 =	sadd.s32 $0x4C00, s9  }
0xe0: {  	[spmem:s1] =	stream.indirect.scatter.add.f32 [tilespmem:s25], [sflag:$0x5], $0x1, s19, s24, $0xb8;
	[tilespmem:$0xBA00] =	vst v63  }
0xe1: {  	s13 =	sadd.s32 $0x4C80, s9  }
0xe2: {  	[spmem:s1] =	stream.indirect.scatter.add.f32 [tilespmem:s25], [sflag:$0x5], $0x1, s13, s24, $0xb8;
	[tilespmem:$0xBA00] =	vst v63  }
0xe3: {  	s14 =	sadd.s32 $0x4D00, s9  }
0xe4: {  	[spmem:s1] =	stream.indirect.scatter.add.f32 [tilespmem:s25], [sflag:$0x5], $0x1, s14, s24, $0xb8;
	[tilespmem:$0xBA00] =	vst v63  }
0xe5: {  	s19 =	sadd.s32 $0x4D80, s9  }
0xe6: {  	[spmem:s1] =	stream.indirect.scatter.add.f32 [tilespmem:s25], [sflag:$0x5], $0x1, s19, s24, $0xb8;
	[tilespmem:$0xBA00] =	vst v63  }
0xe7: {  	s13 =	sadd.s32 $0x6600, s9  }
0xe8: {  	[spmem:s2] =	stream.indirect.scatter.add.f32 [tilespmem:s25], [sflag:$0x6], $0x1, s13, s24, $0xb8;
	[tilespmem:$0xBA00] =	vst v63  }
0xe9: {  	s14 =	sadd.s32 $0x6680, s9  }
0xea: {  	[spmem:s2] =	stream.indirect.scatter.add.f32 [tilespmem:s25], [sflag:$0x6], $0x1, s14, s24, $0xb8;
	[tilespmem:$0xBA00] =	vst v63  }
0xeb: {  	s19 =	sadd.s32 $0x6700, s9  }
0xec: {  	[spmem:s2] =	stream.indirect.scatter.add.f32 [tilespmem:s25], [sflag:$0x6], $0x1, s19, s24, $0xb8;
	[tilespmem:$0xBA00] =	vst v63  }
0xed: {  	s13 =	sadd.s32 $0x6780, s9  }
0xee: {  	[spmem:s2] =	stream.indirect.scatter.add.f32 [tilespmem:s25], [sflag:$0x6], $0x1, s13, s24, $0xb8;
	[tilespmem:$0xBA00] =	vst v63  }
0xef: {  	s14 =	sadd.s32 $0x6800, s9  }
0xf0: {  	[spmem:s2] =	stream.indirect.scatter.add.f32 [tilespmem:s25], [sflag:$0x6], $0x1, s14, s24, $0xb8;
	[tilespmem:$0xBA00] =	vst v63  }
0xf1: {  	s19 =	sadd.s32 $0x6880, s9  }
0xf2: {  	[spmem:s2] =	stream.indirect.scatter.add.f32 [tilespmem:s25], [sflag:$0x6], $0x1, s19, s24, $0xb8;
	[tilespmem:$0xBA00] =	vst v63  }
0xf3: {  	s13 =	sadd.s32 $0x6900, s9  }
0xf4: {  	[spmem:s2] =	stream.indirect.scatter.add.f32 [tilespmem:s25], [sflag:$0x6], $0x1, s13, s24, $0xb8;
	[tilespmem:$0xBA00] =	vst v63  }
0xf5: {  	s14 =	sadd.s32 $0x6980, s9  }
0xf6: {  	[spmem:s2] =	stream.indirect.scatter.add.f32 [tilespmem:s25], [sflag:$0x6], $0x1, s14, s24, $0xb8;
	[tilespmem:$0xBA00] =	vst v63  }
0xf7: {  	_ =	swait.ge [sflag:s26], $0x80  }
0xf8: {  	[sflag:s26] =	ssyncset.done $0x0  }
0xf9: {  	[sflag:s26] =	ssyncadd.s32 $0xFFFFFF80  }
0xfa: {  	_ =	swait.ge [sflag:s26], $0x80  }
0xfb: {  	[sflag:s26] =	ssyncset.done $0x0  }
0xfc: {  	[sflag:s26] =	ssyncadd.s32 $0xFFFFFF80  }
0xfd: {  	_ =	swait.ge [sflag:s26], $0x80  }
0xfe: {  	[sflag:s26] =	ssyncset.done $0x0  }
0xff: {  	[sflag:s26] =	ssyncadd.s32 $0xFFFFFF80  }
0x100: {  	_ =	swait.ge [sflag:s26], $0x80  }
0x101: {  	[sflag:s26] =	ssyncset.done $0x0  }
0x102: {  	[sflag:s26] =	ssyncadd.s32 $0xFFFFFF80  }
0x103: {  	_ =	swait.ge [sflag:s26], $0x80  }
0x104: {  	[sflag:s26] =	ssyncset.done $0x0  }
0x105: {  	[sflag:s26] =	ssyncadd.s32 $0xFFFFFF80  }
0x106: {  	_ =	swait.ge [sflag:s26], $0x80  }
0x107: {  	[sflag:s26] =	ssyncset.done $0x0  }
0x108: {  	[sflag:s26] =	ssyncadd.s32 $0xFFFFFF80  }
0x109: {  	_ =	swait.ge [sflag:s26], $0x80  }
0x10a: {  	[sflag:s26] =	ssyncset.done $0x0  }
0x10b: {  	[sflag:s26] =	ssyncadd.s32 $0xFFFFFF80  }
0x10c: {  	_ =	swait.ge [sflag:s26], $0x80  }
0x10d: {  	[sflag:s26] =	ssyncset.done $0x0  }
0x10e: {  	[sflag:s26] =	ssyncadd.s32 $0xFFFFFF80  }
0x10f: {  	_ =	swait.ge [sflag:s28], $0x80  }
0x110: {  	[sflag:s28] =	ssyncset.done $0x0  }
0x111: {  	[sflag:s28] =	ssyncadd.s32 $0xFFFFFF80  }
0x112: {  	_ =	swait.ge [sflag:s28], $0x80  }
0x113: {  	[sflag:s28] =	ssyncset.done $0x0  }
0x114: {  	[sflag:s28] =	ssyncadd.s32 $0xFFFFFF80  }
0x115: {  	_ =	swait.ge [sflag:s28], $0x80  }
0x116: {  	[sflag:s28] =	ssyncset.done $0x0  }
0x117: {  	[sflag:s28] =	ssyncadd.s32 $0xFFFFFF80  }
0x118: {  	_ =	swait.ge [sflag:s28], $0x80  }
0x119: {  	[sflag:s28] =	ssyncset.done $0x0  }
0x11a: {  	[sflag:s28] =	ssyncadd.s32 $0xFFFFFF80  }
0x11b: {  	_ =	swait.ge [sflag:s28], $0x80  }
0x11c: {  	[sflag:s28] =	ssyncset.done $0x0  }
0x11d: {  	[sflag:s28] =	ssyncadd.s32 $0xFFFFFF80  }
0x11e: {  	_ =	swait.ge [sflag:s28], $0x80  }
0x11f: {  	[sflag:s28] =	ssyncset.done $0x0  }
0x120: {  	[sflag:s28] =	ssyncadd.s32 $0xFFFFFF80  }
0x121: {  	_ =	swait.ge [sflag:s28], $0x80  }
0x122: {  	[sflag:s28] =	ssyncset.done $0x0  }
0x123: {  	[sflag:s28] =	ssyncadd.s32 $0xFFFFFF80  }
0x124: {  	_ =	swait.ge [sflag:s28], $0x80  }
0x125: {  	[sflag:s28] =	ssyncset.done $0x0  }
0x126: {  	[sflag:s28] =	ssyncadd.s32 $0xFFFFFF80  }
0x127: {  	_ =	swait.ge [sflag:s29], $0x1C00  }
0x128: {  	p0 =	seq.s32 s3, $0x6;
	[sflag:s29] =	ssyncset.done $0x0  }
0x129: {  	s4 =	sadd.s32 @!p0 s18, s12;
	[sflag:s29] =	ssyncadd.s32 $0xFFFFE400  }
0x12a: {  	s4 =	sshll.u32 @!p0 s4, $0x4;
	_ =	swait.ge [sflag:s30], $0x1C00  }
0x12b: {  	s9 =	sadd.s32 @!p0 s5, s4;
	[sflag:s30] =	ssyncset.done $0x0  }
0x12c: {  	s13 =	simm.s32 @!p0 $0x0;
	s14 =	simm.s32 @!p0 $0x4A00;
	[sflag:s30] =	ssyncadd.s32 $0xFFFFE400  }
0x12d: {  	[tilespmem:s14], [sflag:$0x1] =	stream.linear.gather @!p0 [hbm4b:s9+s13], $0x1C00, $0x38;
	[tilespmem:$0xBA00] =	vst v63  }
0x12e: {  	s4 =	sadd.s32 @!p0 s4, s11;
	s9 =	simm.s32 @!p0 $0x6600  }
0x12f: {  	[tilespmem:s9], [sflag:$0x2] =	stream.linear.gather @!p0 [hbm4b:s4+s13], $0x1C00, $0x38;
	[tilespmem:$0xBA00] =	vst v63  }
0x130: {  	s19 =	simm.s32 $0x8200  }
0x131: {  	[spmem:s1] =	stream.indirect.scatter.add.f32 [tilespmem:s25], [sflag:$0x5], $0x1, s19, s24, $0xb8;
	[tilespmem:$0xBA00] =	vst v63  }
0x132: {  	s9 =	simm.s32 $0x8280  }
0x133: {  	[spmem:s1] =	stream.indirect.scatter.add.f32 [tilespmem:s25], [sflag:$0x5], $0x1, s9, s24, $0xb8;
	[tilespmem:$0xBA00] =	vst v63  }
0x134: {  	s13 =	simm.s32 $0x8300  }
0x135: {  	[spmem:s1] =	stream.indirect.scatter.add.f32 [tilespmem:s25], [sflag:$0x5], $0x1, s13, s24, $0xb8;
	[tilespmem:$0xBA00] =	vst v63  }
0x136: {  	s14 =	simm.s32 $0x8380  }
0x137: {  	[spmem:s1] =	stream.indirect.scatter.add.f32 [tilespmem:s25], [sflag:$0x5], $0x1, s14, s24, $0xb8;
	[tilespmem:$0xBA00] =	vst v63  }
0x138: {  	s18 =	simm.s32 $0x8400  }
0x139: {  	[spmem:s1] =	stream.indirect.scatter.add.f32 [tilespmem:s25], [sflag:$0x5], $0x1, s18, s24, $0xb8;
	[tilespmem:$0xBA00] =	vst v63  }
0x13a: {  	s19 =	simm.s32 $0x8480  }
0x13b: {  	[spmem:s1] =	stream.indirect.scatter.add.f32 [tilespmem:s25], [sflag:$0x5], $0x1, s19, s24, $0xb8;
	[tilespmem:$0xBA00] =	vst v63  }
0x13c: {  	s9 =	simm.s32 $0x8500  }
0x13d: {  	[spmem:s1] =	stream.indirect.scatter.add.f32 [tilespmem:s25], [sflag:$0x5], $0x1, s9, s24, $0xb8;
	[tilespmem:$0xBA00] =	vst v63  }
0x13e: {  	s13 =	simm.s32 $0x8580  }
0x13f: {  	[spmem:s1] =	stream.indirect.scatter.add.f32 [tilespmem:s25], [sflag:$0x5], $0x1, s13, s24, $0xb8;
	[tilespmem:$0xBA00] =	vst v63  }
0x140: {  	s14 =	simm.s32 $0x9E00  }
0x141: {  	[spmem:s2] =	stream.indirect.scatter.add.f32 [tilespmem:s25], [sflag:$0x6], $0x1, s14, s24, $0xb8;
	[tilespmem:$0xBA00] =	vst v63  }
0x142: {  	s18 =	simm.s32 $0x9E80  }
0x143: {  	[spmem:s2] =	stream.indirect.scatter.add.f32 [tilespmem:s25], [sflag:$0x6], $0x1, s18, s24, $0xb8;
	[tilespmem:$0xBA00] =	vst v63  }
0x144: {  	s19 =	simm.s32 $0x9F00  }
0x145: {  	[spmem:s2] =	stream.indirect.scatter.add.f32 [tilespmem:s25], [sflag:$0x6], $0x1, s19, s24, $0xb8;
	[tilespmem:$0xBA00] =	vst v63  }
0x146: {  	s9 =	simm.s32 $0x9F80  }
0x147: {  	[spmem:s2] =	stream.indirect.scatter.add.f32 [tilespmem:s25], [sflag:$0x6], $0x1, s9, s24, $0xb8;
	[tilespmem:$0xBA00] =	vst v63  }
0x148: {  	s13 =	simm.s32 $0xA000  }
0x149: {  	[spmem:s2] =	stream.indirect.scatter.add.f32 [tilespmem:s25], [sflag:$0x6], $0x1, s13, s24, $0xb8;
	[tilespmem:$0xBA00] =	vst v63  }
0x14a: {  	s14 =	simm.s32 $0xA080  }
0x14b: {  	[spmem:s2] =	stream.indirect.scatter.add.f32 [tilespmem:s25], [sflag:$0x6], $0x1, s14, s24, $0xb8;
	[tilespmem:$0xBA00] =	vst v63  }
0x14c: {  	s18 =	simm.s32 $0xA100  }
0x14d: {  	[spmem:s2] =	stream.indirect.scatter.add.f32 [tilespmem:s25], [sflag:$0x6], $0x1, s18, s24, $0xb8;
	[tilespmem:$0xBA00] =	vst v63  }
0x14e: {  	s19 =	simm.s32 $0xA180  }
0x14f: {  	[spmem:s2] =	stream.indirect.scatter.add.f32 [tilespmem:s25], [sflag:$0x6], $0x1, s19, s24, $0xb8;
	[tilespmem:$0xBA00] =	vst v63  }
0x150: {  	_ =	swait.ge [sflag:s26], $0x80  }
0x151: {  	[sflag:s26] =	ssyncset.done $0x0  }
0x152: {  	[sflag:s26] =	ssyncadd.s32 $0xFFFFFF80  }
0x153: {  	_ =	swait.ge [sflag:s26], $0x80  }
0x154: {  	[sflag:s26] =	ssyncset.done $0x0  }
0x155: {  	[sflag:s26] =	ssyncadd.s32 $0xFFFFFF80  }
0x156: {  	_ =	swait.ge [sflag:s26], $0x80  }
0x157: {  	[sflag:s26] =	ssyncset.done $0x0  }
0x158: {  	[sflag:s26] =	ssyncadd.s32 $0xFFFFFF80  }
0x159: {  	_ =	swait.ge [sflag:s26], $0x80  }
0x15a: {  	[sflag:s26] =	ssyncset.done $0x0  }
0x15b: {  	[sflag:s26] =	ssyncadd.s32 $0xFFFFFF80  }
0x15c: {  	_ =	swait.ge [sflag:s26], $0x80  }
0x15d: {  	[sflag:s26] =	ssyncset.done $0x0  }
0x15e: {  	[sflag:s26] =	ssyncadd.s32 $0xFFFFFF80  }
0x15f: {  	_ =	swait.ge [sflag:s26], $0x80  }
0x160: {  	[sflag:s26] =	ssyncset.done $0x0  }
0x161: {  	[sflag:s26] =	ssyncadd.s32 $0xFFFFFF80  }
0x162: {  	_ =	swait.ge [sflag:s26], $0x80  }
0x163: {  	[sflag:s26] =	ssyncset.done $0x0  }
0x164: {  	[sflag:s26] =	ssyncadd.s32 $0xFFFFFF80  }
0x165: {  	_ =	swait.ge [sflag:s26], $0x80  }
0x166: {  	[sflag:s26] =	ssyncset.done $0x0  }
0x167: {  	[sflag:s26] =	ssyncadd.s32 $0xFFFFFF80  }
0x168: {  	_ =	swait.ge [sflag:s28], $0x80  }
0x169: {  	[sflag:s28] =	ssyncset.done $0x0  }
0x16a: {  	[sflag:s28] =	ssyncadd.s32 $0xFFFFFF80  }
0x16b: {  	_ =	swait.ge [sflag:s28], $0x80  }
0x16c: {  	[sflag:s28] =	ssyncset.done $0x0  }
0x16d: {  	[sflag:s28] =	ssyncadd.s32 $0xFFFFFF80  }
0x16e: {  	_ =	swait.ge [sflag:s28], $0x80  }
0x16f: {  	[sflag:s28] =	ssyncset.done $0x0  }
0x170: {  	[sflag:s28] =	ssyncadd.s32 $0xFFFFFF80  }
0x171: {  	_ =	swait.ge [sflag:s28], $0x80  }
0x172: {  	[sflag:s28] =	ssyncset.done $0x0  }
0x173: {  	[sflag:s28] =	ssyncadd.s32 $0xFFFFFF80  }
0x174: {  	_ =	swait.ge [sflag:s28], $0x80  }
0x175: {  	[sflag:s28] =	ssyncset.done $0x0  }
0x176: {  	[sflag:s28] =	ssyncadd.s32 $0xFFFFFF80  }
0x177: {  	_ =	swait.ge [sflag:s28], $0x80  }
0x178: {  	[sflag:s28] =	ssyncset.done $0x0  }
0x179: {  	[sflag:s28] =	ssyncadd.s32 $0xFFFFFF80  }
0x17a: {  	_ =	swait.ge [sflag:s28], $0x80  }
0x17b: {  	[sflag:s28] =	ssyncset.done $0x0  }
0x17c: {  	[sflag:s28] =	ssyncadd.s32 $0xFFFFFF80  }
0x17d: {  	_ =	swait.ge [sflag:s28], $0x80  }
0x17e: {  	s9 =	simm.s32 $0x400;
	s13 =	simm.s32 $0x2000;
	[sflag:s28] =	ssyncset.done $0x0  }
.LBB2_7:
0x17f: {  	s14 =	sadd.s32 $0x8200, s9  }
0x180: {  	[sflag:s28] =	ssyncadd.s32 $0xFFFFFF80;
	s4 =	smov.u32 s13;
	s18 =	sadd.s32 $0x1000, s13  }
0x181: {  	[spmem:s1] =	stream.indirect.scatter.add.f32 [tilespmem:s25], [sflag:$0x5], $0x1, s14, s24, $0xb8;
	[tilespmem:$0xBA00] =	vst v63  }
0x182: {  	p0 =	sne.s32 s13, $0x6000;
	s13 =	sadd.s32 $0x8280, s9  }
0x183: {  	[spmem:s1] =	stream.indirect.scatter.add.f32 [tilespmem:s25], [sflag:$0x5], $0x1, s13, s24, $0xb8;
	[tilespmem:$0xBA00] =	vst v63  }
0x184: {  	s13 =	sadd.s32 $0x8300, s9  }
0x185: {  	[spmem:s1] =	stream.indirect.scatter.add.f32 [tilespmem:s25], [sflag:$0x5], $0x1, s13, s24, $0xb8;
	[tilespmem:$0xBA00] =	vst v63  }
0x186: {  	s13 =	sadd.s32 $0x8380, s9  }
0x187: {  	[spmem:s1] =	stream.indirect.scatter.add.f32 [tilespmem:s25], [sflag:$0x5], $0x1, s13, s24, $0xb8;
	[tilespmem:$0xBA00] =	vst v63  }
0x188: {  	s13 =	sadd.s32 $0x8400, s9  }
0x189: {  	[spmem:s1] =	stream.indirect.scatter.add.f32 [tilespmem:s25], [sflag:$0x5], $0x1, s13, s24, $0xb8;
	[tilespmem:$0xBA00] =	vst v63  }
0x18a: {  	s13 =	sadd.s32 $0x8480, s9  }
0x18b: {  	[spmem:s1] =	stream.indirect.scatter.add.f32 [tilespmem:s25], [sflag:$0x5], $0x1, s13, s24, $0xb8;
	[tilespmem:$0xBA00] =	vst v63  }
0x18c: {  	s13 =	sadd.s32 $0x8500, s9  }
0x18d: {  	[spmem:s1] =	stream.indirect.scatter.add.f32 [tilespmem:s25], [sflag:$0x5], $0x1, s13, s24, $0xb8;
	[tilespmem:$0xBA00] =	vst v63  }
0x18e: {  	s13 =	sadd.s32 $0x8580, s9  }
0x18f: {  	[spmem:s1] =	stream.indirect.scatter.add.f32 [tilespmem:s25], [sflag:$0x5], $0x1, s13, s24, $0xb8;
	[tilespmem:$0xBA00] =	vst v63  }
0x190: {  	s13 =	sadd.s32 $0x9E00, s9  }
0x191: {  	[spmem:s2] =	stream.indirect.scatter.add.f32 [tilespmem:s25], [sflag:$0x6], $0x1, s13, s24, $0xb8;
	[tilespmem:$0xBA00] =	vst v63  }
0x192: {  	s13 =	sadd.s32 $0x9E80, s9  }
0x193: {  	[spmem:s2] =	stream.indirect.scatter.add.f32 [tilespmem:s25], [sflag:$0x6], $0x1, s13, s24, $0xb8;
	[tilespmem:$0xBA00] =	vst v63  }
0x194: {  	s13 =	sadd.s32 $0x9F00, s9  }
0x195: {  	[spmem:s2] =	stream.indirect.scatter.add.f32 [tilespmem:s25], [sflag:$0x6], $0x1, s13, s24, $0xb8;
	[tilespmem:$0xBA00] =	vst v63  }
0x196: {  	s13 =	sadd.s32 $0x9F80, s9  }
0x197: {  	[spmem:s2] =	stream.indirect.scatter.add.f32 [tilespmem:s25], [sflag:$0x6], $0x1, s13, s24, $0xb8;
	[tilespmem:$0xBA00] =	vst v63  }
0x198: {  	s13 =	sadd.s32 $0xA000, s9  }
0x199: {  	[spmem:s2] =	stream.indirect.scatter.add.f32 [tilespmem:s25], [sflag:$0x6], $0x1, s13, s24, $0xb8;
	[tilespmem:$0xBA00] =	vst v63  }
0x19a: {  	s13 =	sadd.s32 $0xA080, s9  }
0x19b: {  	[spmem:s2] =	stream.indirect.scatter.add.f32 [tilespmem:s25], [sflag:$0x6], $0x1, s13, s24, $0xb8;
	[tilespmem:$0xBA00] =	vst v63  }
0x19c: {  	s13 =	sadd.s32 $0xA100, s9  }
0x19d: {  	[spmem:s2] =	stream.indirect.scatter.add.f32 [tilespmem:s25], [sflag:$0x6], $0x1, s13, s24, $0xb8;
	[tilespmem:$0xBA00] =	vst v63  }
0x19e: {  	s9 =	sadd.s32 $0xA180, s9  }
0x19f: {  	[spmem:s2] =	stream.indirect.scatter.add.f32 [tilespmem:s25], [sflag:$0x6], $0x1, s9, s24, $0xb8;
	[tilespmem:$0xBA00] =	vst v63  }
0x1a0: {  	_ =	swait.ge [sflag:s26], $0x80  }
0x1a1: {  	[sflag:s26] =	ssyncset.done $0x0  }
0x1a2: {  	[sflag:s26] =	ssyncadd.s32 $0xFFFFFF80  }
0x1a3: {  	_ =	swait.ge [sflag:s26], $0x80  }
0x1a4: {  	[sflag:s26] =	ssyncset.done $0x0  }
0x1a5: {  	[sflag:s26] =	ssyncadd.s32 $0xFFFFFF80  }
0x1a6: {  	_ =	swait.ge [sflag:s26], $0x80  }
0x1a7: {  	[sflag:s26] =	ssyncset.done $0x0  }
0x1a8: {  	[sflag:s26] =	ssyncadd.s32 $0xFFFFFF80  }
0x1a9: {  	_ =	swait.ge [sflag:s26], $0x80  }
0x1aa: {  	[sflag:s26] =	ssyncset.done $0x0  }
0x1ab: {  	[sflag:s26] =	ssyncadd.s32 $0xFFFFFF80  }
0x1ac: {  	_ =	swait.ge [sflag:s26], $0x80  }
0x1ad: {  	[sflag:s26] =	ssyncset.done $0x0  }
0x1ae: {  	[sflag:s26] =	ssyncadd.s32 $0xFFFFFF80  }
0x1af: {  	_ =	swait.ge [sflag:s26], $0x80  }
0x1b0: {  	[sflag:s26] =	ssyncset.done $0x0  }
0x1b1: {  	[sflag:s26] =	ssyncadd.s32 $0xFFFFFF80  }
0x1b2: {  	_ =	swait.ge [sflag:s26], $0x80  }
0x1b3: {  	[sflag:s26] =	ssyncset.done $0x0  }
0x1b4: {  	[sflag:s26] =	ssyncadd.s32 $0xFFFFFF80  }
0x1b5: {  	_ =	swait.ge [sflag:s26], $0x80  }
0x1b6: {  	[sflag:s26] =	ssyncset.done $0x0  }
0x1b7: {  	[sflag:s26] =	ssyncadd.s32 $0xFFFFFF80  }
0x1b8: {  	_ =	swait.ge [sflag:s28], $0x80  }
0x1b9: {  	[sflag:s28] =	ssyncset.done $0x0  }
0x1ba: {  	[sflag:s28] =	ssyncadd.s32 $0xFFFFFF80  }
0x1bb: {  	_ =	swait.ge [sflag:s28], $0x80  }
0x1bc: {  	[sflag:s28] =	ssyncset.done $0x0  }
0x1bd: {  	[sflag:s28] =	ssyncadd.s32 $0xFFFFFF80  }
0x1be: {  	_ =	swait.ge [sflag:s28], $0x80  }
0x1bf: {  	[sflag:s28] =	ssyncset.done $0x0  }
0x1c0: {  	[sflag:s28] =	ssyncadd.s32 $0xFFFFFF80  }
0x1c1: {  	_ =	swait.ge [sflag:s28], $0x80  }
0x1c2: {  	[sflag:s28] =	ssyncset.done $0x0  }
0x1c3: {  	[sflag:s28] =	ssyncadd.s32 $0xFFFFFF80  }
0x1c4: {  	_ =	swait.ge [sflag:s28], $0x80  }
0x1c5: {  	[sflag:s28] =	ssyncset.done $0x0  }
0x1c6: {  	[sflag:s28] =	ssyncadd.s32 $0xFFFFFF80  }
0x1c7: {  	_ =	swait.ge [sflag:s28], $0x80  }
0x1c8: {  	[sflag:s28] =	ssyncset.done $0x0  }
0x1c9: {  	[sflag:s28] =	ssyncadd.s32 $0xFFFFFF80  }
.Ltmp2:
0x1ca: {  	_ =	swait.ge [sflag:s28], $0x80;
	(pc) =	sbr.rel @p0 .LBB2_7-.Ltmp2, $4  }
0x1cb: {  	[sflag:s28] =	ssyncset.done $0x0  }
0x1cc: {  	[sflag:s28] =	ssyncadd.s32 $0xFFFFFF80  }
0x1cd: {  	_ =	swait.ge [sflag:s28], $0x80  }
0x1ce: {  	s13 =	smov.u32 s18;
	s9 =	sshra.s32 s4, $0x2;
	[sflag:s28] =	ssyncset.done $0x0  }
0x1cf: {  	s4 =	sadd.s32 $0x8200, s9;
	[sflag:s28] =	ssyncadd.s32 $0xFFFFFF80  }
0x1d0: {  	[spmem:s1] =	stream.indirect.scatter.add.f32 [tilespmem:s25], [sflag:$0x5], $0x1, s4, s24, $0xb8;
	[tilespmem:$0xBA00] =	vst v63  }
0x1d1: {  	s14 =	sadd.s32 $0x8280, s9  }
0x1d2: {  	[spmem:s1] =	stream.indirect.scatter.add.f32 [tilespmem:s25], [sflag:$0x5], $0x1, s14, s24, $0xb8;
	[tilespmem:$0xBA00] =	vst v63  }
0x1d3: {  	s18 =	sadd.s32 $0x8300, s9  }
0x1d4: {  	[spmem:s1] =	stream.indirect.scatter.add.f32 [tilespmem:s25], [sflag:$0x5], $0x1, s18, s24, $0xb8;
	[tilespmem:$0xBA00] =	vst v63  }
0x1d5: {  	s19 =	sadd.s32 $0x8380, s9  }
0x1d6: {  	[spmem:s1] =	stream.indirect.scatter.add.f32 [tilespmem:s25], [sflag:$0x5], $0x1, s19, s24, $0xb8;
	[tilespmem:$0xBA00] =	vst v63  }
0x1d7: {  	s13 =	sadd.s32 $0x8400, s9  }
0x1d8: {  	[spmem:s1] =	stream.indirect.scatter.add.f32 [tilespmem:s25], [sflag:$0x5], $0x1, s13, s24, $0xb8;
	[tilespmem:$0xBA00] =	vst v63  }
0x1d9: {  	s14 =	sadd.s32 $0x8480, s9  }
0x1da: {  	[spmem:s1] =	stream.indirect.scatter.add.f32 [tilespmem:s25], [sflag:$0x5], $0x1, s14, s24, $0xb8;
	[tilespmem:$0xBA00] =	vst v63  }
0x1db: {  	s18 =	sadd.s32 $0x8500, s9  }
0x1dc: {  	[spmem:s1] =	stream.indirect.scatter.add.f32 [tilespmem:s25], [sflag:$0x5], $0x1, s18, s24, $0xb8;
	[tilespmem:$0xBA00] =	vst v63  }
0x1dd: {  	s19 =	sadd.s32 $0x8580, s9  }
0x1de: {  	[spmem:s1] =	stream.indirect.scatter.add.f32 [tilespmem:s25], [sflag:$0x5], $0x1, s19, s24, $0xb8;
	[tilespmem:$0xBA00] =	vst v63  }
0x1df: {  	s13 =	sadd.s32 $0x9E00, s9  }
0x1e0: {  	[spmem:s2] =	stream.indirect.scatter.add.f32 [tilespmem:s25], [sflag:$0x6], $0x1, s13, s24, $0xb8;
	[tilespmem:$0xBA00] =	vst v63  }
0x1e1: {  	s14 =	sadd.s32 $0x9E80, s9  }
0x1e2: {  	[spmem:s2] =	stream.indirect.scatter.add.f32 [tilespmem:s25], [sflag:$0x6], $0x1, s14, s24, $0xb8;
	[tilespmem:$0xBA00] =	vst v63  }
0x1e3: {  	s18 =	sadd.s32 $0x9F00, s9  }
0x1e4: {  	[spmem:s2] =	stream.indirect.scatter.add.f32 [tilespmem:s25], [sflag:$0x6], $0x1, s18, s24, $0xb8;
	[tilespmem:$0xBA00] =	vst v63  }
0x1e5: {  	s19 =	sadd.s32 $0x9F80, s9  }
0x1e6: {  	[spmem:s2] =	stream.indirect.scatter.add.f32 [tilespmem:s25], [sflag:$0x6], $0x1, s19, s24, $0xb8;
	[tilespmem:$0xBA00] =	vst v63  }
0x1e7: {  	s13 =	sadd.s32 $0xA000, s9  }
0x1e8: {  	[spmem:s2] =	stream.indirect.scatter.add.f32 [tilespmem:s25], [sflag:$0x6], $0x1, s13, s24, $0xb8;
	[tilespmem:$0xBA00] =	vst v63  }
0x1e9: {  	s14 =	sadd.s32 $0xA080, s9  }
0x1ea: {  	[spmem:s2] =	stream.indirect.scatter.add.f32 [tilespmem:s25], [sflag:$0x6], $0x1, s14, s24, $0xb8;
	[tilespmem:$0xBA00] =	vst v63  }
0x1eb: {  	s18 =	sadd.s32 $0xA100, s9  }
0x1ec: {  	[spmem:s2] =	stream.indirect.scatter.add.f32 [tilespmem:s25], [sflag:$0x6], $0x1, s18, s24, $0xb8;
	[tilespmem:$0xBA00] =	vst v63  }
0x1ed: {  	s19 =	sadd.s32 $0xA180, s9  }
0x1ee: {  	[spmem:s2] =	stream.indirect.scatter.add.f32 [tilespmem:s25], [sflag:$0x6], $0x1, s19, s24, $0xb8;
	[tilespmem:$0xBA00] =	vst v63  }
0x1ef: {  	_ =	swait.ge [sflag:s26], $0x80  }
0x1f0: {  	[sflag:s26] =	ssyncset.done $0x0  }
0x1f1: {  	[sflag:s26] =	ssyncadd.s32 $0xFFFFFF80  }
0x1f2: {  	_ =	swait.ge [sflag:s26], $0x80  }
0x1f3: {  	[sflag:s26] =	ssyncset.done $0x0  }
0x1f4: {  	[sflag:s26] =	ssyncadd.s32 $0xFFFFFF80  }
0x1f5: {  	_ =	swait.ge [sflag:s26], $0x80  }
0x1f6: {  	[sflag:s26] =	ssyncset.done $0x0  }
0x1f7: {  	[sflag:s26] =	ssyncadd.s32 $0xFFFFFF80  }
0x1f8: {  	_ =	swait.ge [sflag:s26], $0x80  }
0x1f9: {  	[sflag:s26] =	ssyncset.done $0x0  }
0x1fa: {  	[sflag:s26] =	ssyncadd.s32 $0xFFFFFF80  }
0x1fb: {  	_ =	swait.ge [sflag:s26], $0x80  }
0x1fc: {  	[sflag:s26] =	ssyncset.done $0x0  }
0x1fd: {  	[sflag:s26] =	ssyncadd.s32 $0xFFFFFF80  }
0x1fe: {  	_ =	swait.ge [sflag:s26], $0x80  }
0x1ff: {  	[sflag:s26] =	ssyncset.done $0x0  }
0x200: {  	[sflag:s26] =	ssyncadd.s32 $0xFFFFFF80  }
0x201: {  	_ =	swait.ge [sflag:s26], $0x80  }
0x202: {  	[sflag:s26] =	ssyncset.done $0x0  }
0x203: {  	[sflag:s26] =	ssyncadd.s32 $0xFFFFFF80  }
0x204: {  	_ =	swait.ge [sflag:s26], $0x80  }
0x205: {  	[sflag:s26] =	ssyncset.done $0x0  }
0x206: {  	[sflag:s26] =	ssyncadd.s32 $0xFFFFFF80  }
0x207: {  	_ =	swait.ge [sflag:s28], $0x80  }
0x208: {  	[sflag:s28] =	ssyncset.done $0x0  }
0x209: {  	[sflag:s28] =	ssyncadd.s32 $0xFFFFFF80  }
0x20a: {  	_ =	swait.ge [sflag:s28], $0x80  }
0x20b: {  	[sflag:s28] =	ssyncset.done $0x0  }
0x20c: {  	[sflag:s28] =	ssyncadd.s32 $0xFFFFFF80  }
0x20d: {  	_ =	swait.ge [sflag:s28], $0x80  }
0x20e: {  	[sflag:s28] =	ssyncset.done $0x0  }
0x20f: {  	[sflag:s28] =	ssyncadd.s32 $0xFFFFFF80  }
0x210: {  	_ =	swait.ge [sflag:s28], $0x80  }
0x211: {  	[sflag:s28] =	ssyncset.done $0x0  }
0x212: {  	[sflag:s28] =	ssyncadd.s32 $0xFFFFFF80  }
0x213: {  	_ =	swait.ge [sflag:s28], $0x80  }
0x214: {  	[sflag:s28] =	ssyncset.done $0x0  }
0x215: {  	[sflag:s28] =	ssyncadd.s32 $0xFFFFFF80  }
0x216: {  	_ =	swait.ge [sflag:s28], $0x80  }
0x217: {  	[sflag:s28] =	ssyncset.done $0x0  }
0x218: {  	s3 =	sadd.s32 $0x1, s3;
	[sflag:s28] =	ssyncadd.s32 $0xFFFFFF80  }
0x219: {  	p0 =	sne.s32 s3, $0x7;
	_ =	swait.ge [sflag:s28], $0x80  }
.Ltmp3:
0x21a: {  	[sflag:s28] =	ssyncset.done $0x0;
	(pc) =	sbr.rel @p0 .LBB2_4-.Ltmp3, $4  }
0x21b: {  	[sflag:s28] =	ssyncadd.s32 $0xFFFFFF80  }
0x21c: {  	_ =	swait.ge [sflag:s28], $0x80  }
0x21d: {  	[sflag:s28] =	ssyncset.done $0x0  }
0x21e: {  	[sflag:s28] =	ssyncadd.s32 $0xFFFFFF80  }
0x21f: {  	[bflag:$0x0] =	sbarrier.arrive $0xFFFF  }
0x220: {  	[tilespmem:s16], [sflag:$0x7] =	stream.linear.gather [spmem:s6], $0x1880, $0x38;
	[tilespmem:$0xBA00] =	vst v63  }
0x221: {  	_ =	swait.ge [sflag:s17], $0x1880  }
0x222: {  	[sflag:s17] =	ssyncset.done $0x0  }
0x223: {  	s0 =	simm.s32 $0x0;
	s3 =	rddreg [dreg:$0x7];
	[sflag:s17] =	ssyncadd.s32 $0xFFFFE780  }
0x224: {  	[hbm4b:s3+s0] =	stream.linear.scatter [tilespmem:s16], [sflag:$0x7], $0x1880, $0x38;
	[tilespmem:$0xBA00] =	vst v63  }
0x225: {  	_ =	swait.ge [sflag:s17], $0x1880  }
0x226: {  	[sflag:s17] =	ssyncset.done $0x0  }
0x227: {  	[sflag:s17] =	ssyncadd.s32 $0xFFFFE780  }
0x228: {  	[tilespmem:s16], [sflag:$0x7] =	stream.linear.gather [spmem:s7], $0x1880, $0x38;
	[tilespmem:$0xBA00] =	vst v63  }
0x229: {  	s31 =	sadd.s32 $0x1, s31;
	_ =	swait.ge [sflag:s17], $0x1880  }
0x22a: {  	p0 =	sne.s32 s31, s15;
	[sflag:s17] =	ssyncset.done $0x0  }
.Ltmp4:
0x22b: {  	s19 =	rddreg [dreg:$0x8];
	[sflag:s17] =	ssyncadd.s32 $0xFFFFE780;
	(pc) =	sbr.rel @p0 .LBB2_1-.Ltmp4, $4  }
0x22c: {  	[hbm4b:s19+s0] =	stream.linear.scatter [tilespmem:s16], [sflag:$0x7], $0x1880, $0x38;
	[tilespmem:$0xBA00] =	vst v63  }
0x22d: {  	_ =	swait.ge [sflag:s17], $0x1880  }
0x22e: {  	[sflag:s17] =	ssyncset.done $0x0  }
0x22f: {  	[sflag:s17] =	ssyncadd.s32 $0xFFFFE780  }
0x230: {  	_ =	sfence.sel $0x180000  }
0x231: {  	[bflag:$0x0] =	sbarrier.arrive $0xFFFF  }
0x232: {  	_ =	strace $0x90000047  }
0x233: {  	s0 =	stileid.u32;
	[bflag:$0x2] =	sbarrier.arrive $0xFFFF  }
0x234: {  	p0 =	sne.s32 s0, $0x0;
	s0 =	rddreg [dreg:$0x5]  }
0x235: {  	s0 =	sadd.s32 @!p0 $0x100000, s0  }
0x236: {  	[sflag:s0] =	ssyncadd.tile.s32 @!p0 $0x1;
	_ =	shalt  }
.Lfunc_end2:
_tile_overlayer_lowered:
.L_overlay_start_2:
0x237: {  	(tag) =	ssettag $0x2  }
0x238: {  	s0 =	rddreg [dreg:$0x0];
	s2 =	stileid.u32  }
0x239: {  	s1 =	rddreg [dreg:$0x1];
	p0 =	sne.s32 s2, $0x0  }
0x23a: {  	s3 =	rddreg [dreg:$0x2];
	[bflag:$0x3] =	sbarrier.arrive $0xFFFF;
	s2 =	simm.s32 @!p0 $0x1C07  }
0x23b: {  	[timem:s3], [sflag:s2] =	dma.local @!p0 [hbm:s0], s1  }
0x23c: {  	s0 =	simm.s32 @!p0 $0x7  }
0x23d: {  	_ =	swait.ge @!p0 [sflag:s0], s1  }
0x23e: {  	s1 =	ssub.s32 @!p0 $0x0, s1;
	[sflag:s0] =	ssyncset.done @!p0 $0x0  }
0x23f: {  	[sflag:s0] =	ssyncadd.s32 @!p0 s1  }
0x240: {  	[bflag:$0x3] =	sbarrier.arrive $0xFFFF  }
0x241: {  	_ =	shalt  }

// kernel: kernel.9.cloned.1.call-start
scs
__scs_entry_jumppad:
0x0: {  	(pc) =	sbr.rel $0x88, $3  }
0x1: {  	(tag) =	ssettag $0x0;
	lr =	simm.s32 $0x1  }
0x2: {  	[smem:$0x3F98] =	sst lr;
	_ =	strace $0xD0000000  }
0x3: {  	_ = 	snop  }
0x4: {  	_ = 	snop  }
0x5: {  	_ = 	snop  }
0x6: {  	_ = 	snop  }
0x7: {  	_ = 	snop  }
__scs_overlays_trampoline_lowered:
0x8: {  	[smem:$0x3FA7] =	sst s0  }
0x9: {  	[smem:$0x3FA8] =	sst s1  }
0xa: {  	[smem:$0x3FA9] =	sst s2  }
0xb: {  	[smem:$0x3FAA] =	sst s3  }
0xc: {  	[smem:$0x3FAB] =	sst s4  }
0xd: {  	[smem:$0x3FAC] =	sst s5  }
0xe: {  	[smem:$0x3FAD] =	sst s6  }
0xf: {  	[smem:$0x3FAE] =	sst s7  }
0x10: {  	[smem:$0x3FAF] =	sst s8  }
0x11: {  	[smem:$0x3FB0] =	sst s9;
	s0 =	simm.s32 @!p0 $0x0  }
0x12: {  	s1 =	sld [smem:$0x3F96];
	s0 =	simm.s32 @p0 $0x1  }
0x13: {  	[smem:$0x3FB1] =	sst s0;
	s0 =	simm.s32 @!p1 $0x0  }
0x14: {  	s2 =	sld [smem:$0x3F95];
	s0 =	simm.s32 @p1 $0x1  }
0x15: {  	[smem:$0x3FB2] =	sst s0;
	s0 =	simm.s32 @!p2 $0x0  }
0x16: {  	s3 =	sld [smem:$0x3FDB];
	s0 =	simm.s32 @p2 $0x1  }
0x17: {  	s4 =	simm.s32 $0x1BF5;
	[smem:$0x3FB4] =	sst s0  }
0x18: {  	s0 =	sld [smem:$0x3F97];
	_ =	swait.ge [sflag:s4], $0x0  }
0x19: {  	s7 =	sld [smem:$0x3F98]  }
0x1a: {  	s8 =	sadd.s32 $0xFFFFE003, lr  }
0x1b: {  	s9 =	sadd.s32 $0xFFFFFEF7, lr;
	s5 =	simm.s32 $0xFFFFFFFF;
	p2 =	slt.u32 s8, $0xFFFFF086  }
0x1c: {  	p1 =	slt.u32 s9, $0xF7A;
	s5 =	simm.s32 @!p2 $0x0  }
0x1d: {  	s5 =	simm.s32 @p1 $0x1;
	p0 =	seq.s32 s7, s2  }
0x1e: {  	s7 =	smul.u32 @!p0 $0xF7A, s2;
	p2 =	seq.s32 @!p0 s5, $0x0  }
0x1f: {  	s9 =	smul.u32 $0xF7A, s1;
	s8 =	simm.s32 @!p0 $0x1BF5;
	p2 =	por !p2, p0  }
0x20: {  	[sflag:s8] =	ssyncset.s32 @!p0 $0xFFFFF086;
	s6 =	sadd.s32 @!p0 s3, s7;
	s7 =	simm.s32 @!p0 $0x108  }
0x21: {  	s3 =	sadd.s32 s3, s9;
	s6 =	sadd.s32 @!p0 $0x88, s6;
	s7 =	simm.s32 @p2 $0x1082  }
0x22: {  	[simem:s7], [sflag:s8] =	dma.local @!p0 [hbm:s6], $0xF7A  }
0x23: {  	s9 =	sor.u32 $0xD0000000, s2;
	s6 =	simm.s32 $0x108;
	_ =	swait.ge @!p0 [sflag:s8], $0x0  }
0x24: {  	s3 =	sadd.s32 $0x88, s3;
	s6 =	simm.s32 @!p1 $0x1082;
	[sflag:s4] =	ssyncset.s32 $0xFFFFF086  }
0x25: {  	[simem:s6], [sflag:s4] =	dma.local [hbm:s3], $0xF7A  }
0x26: {  	[smem:$0x3F98] =	sst s1;
	(tag) =	ssettag s2;
	_ =	strace s9  }
0x27: {  	s1 =	sld [smem:$0x3FA8]  }
0x28: {  	s2 =	sld [smem:$0x3FA9]  }
0x29: {  	s4 =	sld [smem:$0x3FAB]  }
0x2a: {  	p0 =	seq.s32 s5, $0x0;
	s5 =	sld [smem:$0x3FAC]  }
0x2b: {  	s6 =	sld [smem:$0x3FAD]  }
0x2c: {  	s7 =	sld [smem:$0x3FAE]  }
0x2d: {  	s3 =	simm.s32 $0x108;
	s8 =	sld [smem:$0x3FAF]  }
0x2e: {  	s3 =	simm.s32 @!p0 $0x1082;
	s9 =	sld [smem:$0x3FB0]  }
0x2f: {  	lr =	sadd.s32 s0, s3;
	s0 =	sld [smem:$0x3FA7]  }
0x30: {  	s3 =	sld [smem:$0x3FAA]  }
0x31: {  	[smem:$0x3FB3] =	sst s10  }
0x32: {  	s10 =	sld [smem:$0x3FB1];
	_ =	sdelay $0x3  }
0x33: {  	p0 =	seq.s32 s10, $0x1;
	s10 =	sld [smem:$0x3FB3];
	_ =	sdelay $0x3  }
0x34: {  	[smem:$0x3FB3] =	sst s10  }
0x35: {  	s10 =	sld [smem:$0x3FB2];
	_ =	sdelay $0x3  }
0x36: {  	p1 =	seq.s32 s10, $0x1;
	s10 =	sld [smem:$0x3FB3];
	_ =	sdelay $0x3  }
0x37: {  	[smem:$0x3FB3] =	sst s10  }
0x38: {  	s10 =	sld [smem:$0x3FB4]  }
0x39: {  	_ = 	snop;
	(pc) =	sbr.ind lr, $3  }
0x3a: {  	_ = 	snop  }
0x3b: {  	_ = 	snop  }
0x3c: {  	p2 =	seq.s32 s10, $0x1;
	s10 =	sld [smem:$0x3FB3]  }
0x3d: {  	_ =	shalt  }
0x3e: {  	_ =	shalt  }
0x3f: {  	_ =	shalt  }
0x40: {  	_ =	shalt  }
0x41: {  	_ =	shalt  }
0x42: {  	_ =	shalt  }
0x43: {  	_ =	shalt  }
0x44: {  	_ =	shalt  }
0x45: {  	_ =	shalt  }
0x46: {  	_ =	shalt  }
0x47: {  	_ =	shalt  }
0x48: {  	_ =	shalt  }
0x49: {  	_ =	shalt  }
0x4a: {  	_ =	shalt  }
0x4b: {  	_ =	shalt  }
0x4c: {  	_ =	shalt  }
0x4d: {  	_ =	shalt  }
0x4e: {  	_ =	shalt  }
0x4f: {  	_ =	shalt  }
0x50: {  	_ =	shalt  }
0x51: {  	_ =	shalt  }
0x52: {  	_ =	shalt  }
0x53: {  	_ =	shalt  }
0x54: {  	_ =	shalt  }
0x55: {  	_ =	shalt  }
0x56: {  	_ =	shalt  }
0x57: {  	_ =	shalt  }
0x58: {  	_ =	shalt  }
0x59: {  	_ =	shalt  }
0x5a: {  	_ =	shalt  }
0x5b: {  	_ =	shalt  }
0x5c: {  	_ =	shalt  }
0x5d: {  	_ =	shalt  }
0x5e: {  	_ =	shalt  }
0x5f: {  	_ =	shalt  }
0x60: {  	_ =	shalt  }
0x61: {  	_ =	shalt  }
0x62: {  	_ =	shalt  }
0x63: {  	_ =	shalt  }
0x64: {  	_ =	shalt  }
0x65: {  	_ =	shalt  }
0x66: {  	_ =	shalt  }
0x67: {  	_ =	shalt  }
0x68: {  	_ =	shalt  }
0x69: {  	_ =	shalt  }
0x6a: {  	_ =	shalt  }
0x6b: {  	_ =	shalt  }
0x6c: {  	_ =	shalt  }
0x6d: {  	_ =	shalt  }
0x6e: {  	_ =	shalt  }
0x6f: {  	_ =	shalt  }
0x70: {  	_ =	shalt  }
0x71: {  	_ =	shalt  }
0x72: {  	_ =	shalt  }
0x73: {  	_ =	shalt  }
0x74: {  	_ =	shalt  }
0x75: {  	_ =	shalt  }
0x76: {  	_ =	shalt  }
0x77: {  	_ =	shalt  }
0x78: {  	_ =	shalt  }
0x79: {  	_ =	shalt  }
0x7a: {  	_ =	shalt  }
0x7b: {  	_ =	shalt  }
0x7c: {  	_ =	shalt  }
0x7d: {  	_ =	shalt  }
0x7e: {  	_ =	shalt  }
0x7f: {  	_ =	shalt  }
0x80: {  	_ =	shalt  }
0x81: {  	_ =	shalt  }
0x82: {  	_ =	shalt  }
0x83: {  	_ =	shalt  }
0x84: {  	_ =	shalt  }
0x85: {  	_ =	shalt  }
0x86: {  	_ =	shalt  }
0x87: {  	_ =	shalt  }
.Lfunc_end0:
.L_simem_size_0:
called_computation.1_lowered:
.L_overlay_start_0:
0x88: {  	s2 =	sld [smem:$0x3FD9]  }
0x89: {  	s3 =	sld [smem:$0x3FFE];
	_ =	sdelay $0x1  }
0x8a: {  	s1 =	srdreg.scid  }
0x8b: {  	s0 =	sand.u32 $0x1, s1  }
0x8c: {  	s16 =	sshll.u32 s0, $0xA;
	s2 =	sadd.s32 s3, s2  }
0x8d: {  	s2 =	sadd.s32 s2, s16  }
0x8e: {  	[smem:$0x3FBF] =	sst s2  }
0x8f: {  	_ = 	snop  }
0x90: {  	(tm) =	ssettm $0x1  }
0x91: {  	s17 =	sld [smem:$0x3FFB];
	_ =	sdelay $0x3  }
0x92: {  	_ =	strace s17  }
0x93: {  	s2 =	sld [smem:$0x3FFC];
	_ =	sdelay $0x3  }
0x94: {  	_ =	strace s2  }
0x95: {  	s2 =	sld [smem:$0x3FFD];
	_ =	sdelay $0x3  }
0x96: {  	_ =	strace s2  }
0x97: {  	_ =	strace $0x8FFFFFFF  }
0x98: {  	s18 =	sld [smem:$0x3FDB];
	_ =	sdelay $0x1  }
0x99: {  	s19 =	simm.s32 $_scs_section_size  }
0x9a: {  	s4 =	simm.s32 $_size__tile_overlayer_lowered;
	s5 =	simm.s32 $_tile_overlayer_lowered  }
0x9b: {  	s22 =	simm.s32 $0x1BFF;
	s21 =	sshll.u32 s5, $0x1;
	s2 =	sadd.s32 s19, s18  }
0x9c: {  	s6 =	simm.s32 $0x0;
	s20 =	sshll.u32 s4, $0x1;
	s4 =	sadd.s32 s21, s2  }
0x9d: {  	[timem:s6], [sflag:s22] =	dma.local [hbm:s4], s20  }
0x9e: {  	_ =	swait.ge [sflag:s22], s20  }
0x9f: {  	s3 =	ssub.s32 $0x0, s20;
	[sflag:s22] =	ssyncset.done $0x0  }
0xa0: {  	[sflag:s22] =	ssyncadd.s32 s3;
	_ =	sdelay $0x1  }
0xa1: {  	s23 =	simm.s32 $0x1B8B  }
0xa2: {  	_ =	swait.ge [sflag:s23], $0x1  }
0xa3: {  	[sflag:s23] =	ssyncset.done $0x0  }
0xa4: {  	s25 =	simm.s32 $0x1B8E;
	s24 =	sld [smem:$0x3FFE];
	[sflag:s23] =	ssyncadd.s32 $0xFFFFFFFF  }
0xa5: {  	s26 =	simm.s32 $execute0_lowered;
	[smem:$0x3FD2] =	sst s25  }
0xa6: {  	s4 =	sshll.u32 s26, $0x1;
	_ =	strace $0x80000049;
	[dreg:$0x1] =	wrdreg $0xFFFFFFFF  }
0xa7: {  	s28 =	simm.s32 $_size_execute0_lowered;
	s2 =	sadd.s32 s2, s4;
	[dreg:$0x0] =	wrdreg $0x0  }
0xa8: {  	s4 =	sshll.u32 s28, $0x1;
	[dreg:$0x2] =	wrdreg s2  }
0xa9: {  	[dreg:$0x3] =	wrdreg s4  }
0xaa: {  	[dreg:$0x4] =	wrdreg $0xC0  }
0xab: {  	_ =	task [dreg:s6], $0x5FFFF  }
0xac: {  	[dreg:$0x1] =	wrdreg $0xFFFFFFFF  }
0xad: {  	[dreg:$0x0] =	wrdreg $0x60  }
0xae: {  	[dreg:$0x2] =	wrdreg s24  }
0xaf: {  	[dreg:$0x3] =	wrdreg $0x0  }
0xb0: {  	[dreg:$0x4] =	wrdreg $0x9  }
0xb1: {  	_ =	task.clear_ibuf [dreg:s6], $0x5FFFF;
	_ =	strace $0x90000049  }
0xb2: {  	s29 =	simm.s32 $0x9;
	_ =	strace $0x8000004B  }
0xb3: {  	_ =	swait.ge [sflag:s29], $0x1  }
0xb4: {  	[sflag:s29] =	ssyncadd.s32 $0xFFFFFFFF  }
0xb5: {  	_ =	strace $0x9000004B  }
0xb6: {  	_ =	sfence  }
0xb7: {  	s30 =	sld [smem:$0x0];
	_ =	sdelay $0x2  }
0xb8: {  	s31 =	sshll.u32 s1, $0xD;
	s1 =	sshrl.u32 s1, $0x2  }
0xb9: {  	s3 =	sand.u32 $0x4000, s31;
	s1 =	sadd.s32 s1, s30  }
0xba: {  	s0 =	sor.u32 s3, s0;
	s1 =	sshll.u32 s1, $0x11  }
0xbb: {  	s0 =	sor.u32 s1, s0  }
0xbc: {  	s0 =	sadd.s32 $0x8F2B, s0  }
0xbd: {  	[sflag:s0] =	ssyncadd.remote.s32 $0x1  }
0xbe: {  	_ =	sfence.sel $0xFFFF  }
0xbf: {  	[dreg:$0x0] =	wrdreg $0xFFFFFFFF;
	(pc) =	sbr.abs _section_cstart, $3  }
0xc0: {  	[dreg:$0x1] =	wrdreg $0xFFFFFFFF  }
0xc1: {  	_ =	task.clear_ibuf [dreg:s6], $0x2FFFF;
	_ =	strace $0x9FFFFFFF  }
0xc2: {  	(tm) =	ssettm $0x7FFFFFFF  }
0xc3: {  	_ =	shalt  }
tec
execute0_lowered:
.L_overlay_start_1:
0x0: {  	(tag) =	ssettag $0x1  }
0x1: {  	s1 =	rddreg [dreg:$0x0]  }
0x2: {  	s2 =	rddreg [dreg:$0x1];
	s11 =	simm.s32 $0x0  }
0x3: {  	s18 =	simm.s32 $0x1A4C0;
	[smem:$0x7FF] =	sst s11  }
0x4: {  	s19 =	simm.s32 $0x1A540;
	_ =	strace $0x8000004A;
	[dreg:$0x6] =	wrdreg s18  }
0x5: {  	s21 =	simm.s32 $0x1A5C0;
	[dreg:$0x7] =	wrdreg s19  }
0x6: {  	s22 =	simm.s32 $0x1A640;
	[dreg:$0x8] =	wrdreg s21  }
0x7: {  	s23 =	simm.s32 $0x1A6C0;
	[dreg:$0x9] =	wrdreg s22  }
0x8: {  	s24 =	simm.s32 $0x1A740;
	[dreg:$0xa] =	wrdreg s23  }
0x9: {  	s25 =	simm.s32 $0x1A7C0;
	[dreg:$0xb] =	wrdreg s24  }
0xa: {  	s26 =	simm.s32 $0x1ACC0;
	[dreg:$0xc] =	wrdreg s25  }
0xb: {  	s28 =	simm.s32 $0x1AD40;
	[dreg:$0xd] =	wrdreg s26  }
0xc: {  	s30 =	simm.s32 $0x1ADC0;
	[dreg:$0xe] =	wrdreg s28  }
0xd: {  	s9 =	simm.s32 $0x1AEC0;
	[dreg:$0xf] =	wrdreg s30  }
0xe: {  	s12 =	simm.s32 $0x1AF40;
	[dreg:$0x11] =	wrdreg s9  }
0xf: {  	s13 =	simm.s32 $0x1AFC0;
	[dreg:$0x12] =	wrdreg s12  }
0x10: {  	s14 =	simm.s32 $0x1A840;
	[dreg:$0x13] =	wrdreg s13  }
0x11: {  	s10 =	sadd.s32 $0x2A00, s1;
	[dreg:$0x14] =	wrdreg s14  }
0x12: {  	s0 =	srdreg.scid;
	s18 =	simm.s32 $0x1AA40;
	[smem:$0x7FD] =	sst s10  }
0x13: {  	s8 =	stileid.u32;
	s19 =	simm.s32 $0x1AAC0;
	[dreg:$0x18] =	wrdreg s18  }
0x14: {  	s0 =	sand.u32 $0x1, s0;
	s21 =	simm.s32 $0x1ABC0;
	[dreg:$0x19] =	wrdreg s19  }
0x15: {  	s4 =	smul.u32 $0x18800, s8;
	s22 =	simm.s32 $0x1B040;
	[dreg:$0x1b] =	wrdreg s21  }
0x16: {  	s3 =	smul.u32 $0x188000, s0;
	s24 =	simm.s32 $0x1B0C0;
	[dreg:$0x1c] =	wrdreg s22  }
0x17: {  	s20 =	ssub.s32 $0x2, s0;
	s25 =	simm.s32 $0x1B140;
	[dreg:$0x1d] =	wrdreg s24  }
0x18: {  	s0 =	sshll.u32 s0, $0x4;
	s26 =	simm.s32 $0x1B1C0;
	[dreg:$0x1e] =	wrdreg s25  }
0x19: {  	s28 =	simm.s32 $0x1B240;
	s30 =	simm.s32 $0x1B340;
	[dreg:$0x1f] =	wrdreg s26  }
0x1a: {  	s7 =	sshrl.u32 s20, $0x1;
	s0 =	sor.u32 s8, s0;
	[smem:$0x7F8] =	sst s28  }
0x1b: {  	[smem:$0x7FA] =	sst s30;
	s3 =	sadd.s32 s4, s3;
	s0 =	smul.u32 $0x18800, s0  }
0x1c: {  	s4 =	sadd.s32 $0x311000, s3;
	s5 =	sadd.s32 $0x310800, s3;
	s6 =	sadd.s32 $0x800, s3  }
0x1d: {  	s17 =	sshrl.u32 s3, $0x3;
	s3 =	sadd.s32 $0x1000, s3;
	s4 =	sshrl.u32 s4, $0x3  }
0x1e: {  	s5 =	sshrl.u32 s5, $0x3;
	[smem:$0x7F6] =	sst s3;
	s4 =	sadd.s32 s4, s10  }
0x1f: {  	s6 =	sshrl.u32 s6, $0x3;
	s15 =	sadd.s32 s5, s10;
	[dreg:$0x3] =	wrdreg s4  }
0x20: {  	s0 =	sshrl.u32 s0, $0x3;
	s16 =	sadd.s32 s6, s10;
	[dreg:$0x4] =	wrdreg s15  }
0x21: {  	s5 =	sadd.s32 $0x24EA00, s1;
	s29 =	sadd.s32 s10, s0;
	[dreg:$0x5] =	wrdreg s16  }
0x22: {  	s6 =	ssub.s32 s20, s7;
	s7 =	simm.s32 $0x1AE40;
	[smem:$0x7F3] =	sst s29  }
0x23: {  	s1 =	sadd.s32 s17, s1;
	s17 =	simm.s32 $0x1A9C0;
	[dreg:$0x10] =	wrdreg s7  }
0x24: {  	s20 =	simm.s32 $0x1AB40;
	[dreg:$0x17] =	wrdreg s17  }
0x25: {  	s31 =	sadd.s32 $0x62000, s29;
	[dreg:$0x1a] =	wrdreg s20  }
0x26: {  	s9 =	simm.s32 $0x19FC0;
	s6 =	smax.u32 s6, $0x1;
	[smem:$0x7F4] =	sst s31  }
0x27: {  	s8 =	smul.u32 $0x62000, s8;
	s1 =	sadd.s32 $0xC6A00, s1;
	[smem:$0x7F5] =	sst s6  }
0x28: {  	s19 =	simm.s32 $0x5;
	s15 =	simm.s32 $0x1A8C0;
	[smem:$0x7F7] =	sst s1  }
0x29: {  	s22 =	simm.s32 $0x6;
	s16 =	simm.s32 $0x1A940;
	[dreg:$0x15] =	wrdreg s15  }
0x2a: {  	s4 =	sshrl.u32 s8, $0x2;
	s29 =	simm.s32 $0x1B2C0;
	[dreg:$0x16] =	wrdreg s16  }
0x2b: {  	s20 =	simm.s32 $0x80;
	[smem:$0x7F9] =	sst s29;
	s31 =	simm.s32 $0x1B3C0  }
0x2c: {  	s23 =	sadd.s32 s4, s2;
	s1 =	simm.s32 $0x15;
	[smem:$0x7FB] =	sst s31  }
0x2d: {  	v0 =	vimm.f32 $0.0e+00;
	s6 =	simm.s32 $0x19440;
	s4 =	simm.s32 $0x0;
	[smem:$0x7FC] =	sst s23  }
.LBB2_1:
0x2e: {  	s3 =	simm.s32 $0x0  }
.LBB2_2:
0x2f: {  	p0 =	sne.s32 s3, $0x30C0  }
.Ltmp0:
0x30: {  	_ = 	snop;
	(pc) =	sbr.rel @p0 .LBB2_2-.Ltmp0, $3  }
0x31: {  	_ =	sdelay $0x1  }
0x32: {  	s16 =	sshra.s32 s3, $0x2  }
0x33: {  	s3 =	sadd.s32 $0x40, s3;
	[tilespmem:s16+$0x18800] =	vst v0  }
0x34: {  	[smem:$0x7F2] =	sst s4;
	s3 =	sadd.s32 $0x0, s23;
	s17 =	simm.s32 $0x18800  }
0x35: {  	[spmem:s3] =	stream.linear.scatter [tilespmem:s17], [sflag:$0x15], $0xC40, $0x38;
	[tilespmem:$0x1F440] =	vst v63  }
0x36: {  	s3 =	simm.s32 $0x3100;
	_ =	swait.ge [sflag:s1], $0xC40  }
.LBB2_4:
0x37: {  	s16 =	sshra.s32 s3, $0x2;
	[sflag:s1] =	ssyncset.done $0x0;
	p0 =	sne.s32 s3, $0x5EF00  }
.Ltmp1:
0x38: {  	s16 =	sadd.s32 s16, s23;
	[sflag:s1] =	ssyncadd.s32 $0xFFFFF3C0;
	(pc) =	sbr.rel @p0 .LBB2_4-.Ltmp1, $3  }
0x39: {  	[spmem:s16] =	stream.linear.scatter [tilespmem:s17], [sflag:$0x15], $0xC40, $0x38;
	[tilespmem:$0x1F440] =	vst v63  }
0x3a: {  	s3 =	sadd.s32 $0x3100, s3;
	_ =	sdelay $0x1  }
0x3b: {  	_ =	swait.ge [sflag:s1], $0xC40  }
0x3c: {  	[sflag:s1] =	ssyncset.done $0x0  }
0x3d: {  	[sflag:s1] =	ssyncadd.s32 $0xFFFFF3C0  }
0x3e: {  	[bflag:$0x0] =	sbarrier.arrive $0xFFFF  }
0x3f: {  	s16 =	sld [smem:$0x7F3];
	_ =	sdelay $0x1  }
0x40: {  	s3 =	simm.s32 $0x0;
	s8 =	sld [smem:$0x7F4]  }
0x41: {  	[tilespmem:s6], [sflag:$0x1] =	stream.linear.gather [hbm4b:s16+s3], $0x800, $0x38;
	[tilespmem:$0x1F440] =	vst v63  }
0x42: {  	s0 =	simm.s32 $0x19C40;
	s10 =	simm.s32 $0x1  }
0x43: {  	[tilespmem:s0], [sflag:$0x2] =	stream.linear.gather [hbm4b:s8+s3], $0x800, $0x38;
	[tilespmem:$0x1F440] =	vst v63  }
0x44: {  	_ =	swait.ge [sflag:s10], $0x800  }
0x45: {  	[sflag:s10] =	ssyncset.done $0x0  }
0x46: {  	s12 =	simm.s32 $0x2;
	[sflag:s10] =	ssyncadd.s32 $0xFFFFF800  }
0x47: {  	s15 =	simm.s32 $0x1A440;
	_ =	swait.ge [sflag:s12], $0x800  }
0x48: {  	p0 =	por $0x1, $0x1;
	s13 =	rddreg [dreg:$0x5];
	[sflag:s12] =	ssyncset.done $0x0  }
0x49: {  	s14 =	rddreg [dreg:$0x4];
	[sflag:s12] =	ssyncadd.s32 $0xFFFFF800;
	s3 =	sadd.s32 $0x0, s13  }
0x4a: {  	[tilespmem:s15], [sflag:$0x3] =	stream.linear.gather [hbm4b:s3+s11], $0x800, $0x38;
	[tilespmem:$0x1F440] =	vst v63  }
0x4b: {  	s17 =	simm.s32 $0x1AC40;
	s16 =	sadd.s32 $0x0, s14;
	s3 =	simm.s32 @!p0 $0xD  }
0x4c: {  	[tilespmem:s17], [sflag:$0x4] =	stream.linear.gather [hbm4b:s16+s11], $0x800, $0x38;
	[tilespmem:$0x1F440] =	vst v63  }
0x4d: {  	_ =	swait.ge @!p0 [sflag:s3], $0x800  }
0x4e: {  	[sflag:s3] =	ssyncset.done @!p0 $0x0  }
0x4f: {  	s16 =	simm.s32 @!p0 $0xE;
	[sflag:s3] =	ssyncadd.s32 @!p0 $0xFFFFF800  }
0x50: {  	_ =	swait.ge @!p0 [sflag:s16], $0x800  }
0x51: {  	[sflag:s16] =	ssyncset.done @!p0 $0x0  }
0x52: {  	s3 =	simm.s32 @!p0 $0xF;
	[sflag:s16] =	ssyncadd.s32 @!p0 $0xFFFFF800  }
0x53: {  	_ =	swait.ge @!p0 [sflag:s3], $0x800  }
0x54: {  	[sflag:s3] =	ssyncset.done @!p0 $0x0  }
0x55: {  	s16 =	simm.s32 @!p0 $0x10;
	[sflag:s3] =	ssyncadd.s32 @!p0 $0xFFFFF800  }
0x56: {  	_ =	swait.ge @!p0 [sflag:s16], $0x800  }
0x57: {  	[sflag:s16] =	ssyncset.done @!p0 $0x0  }
0x58: {  	s3 =	simm.s32 @!p0 $0x11;
	[sflag:s16] =	ssyncadd.s32 @!p0 $0xFFFFF800  }
0x59: {  	_ =	swait.ge @!p0 [sflag:s3], $0x800  }
0x5a: {  	[sflag:s3] =	ssyncset.done @!p0 $0x0  }
0x5b: {  	s16 =	simm.s32 @!p0 $0x12;
	[sflag:s3] =	ssyncadd.s32 @!p0 $0xFFFFF800  }
0x5c: {  	_ =	swait.ge @!p0 [sflag:s16], $0x800  }
0x5d: {  	[sflag:s16] =	ssyncset.done @!p0 $0x0  }
0x5e: {  	s3 =	simm.s32 @!p0 $0x13;
	[sflag:s16] =	ssyncadd.s32 @!p0 $0xFFFFF800  }
0x5f: {  	_ =	swait.ge @!p0 [sflag:s3], $0x800  }
0x60: {  	[sflag:s3] =	ssyncset.done @!p0 $0x0  }
0x61: {  	s16 =	simm.s32 @!p0 $0x14;
	[sflag:s3] =	ssyncadd.s32 @!p0 $0xFFFFF800  }
0x62: {  	_ =	swait.ge @!p0 [sflag:s16], $0x800  }
0x63: {  	[sflag:s16] =	ssyncset.done @!p0 $0x0  }
0x64: {  	s30 =	simm.s32 $0x1B440;
	[sflag:s16] =	ssyncadd.s32 @!p0 $0xFFFFF800  }
0x65: {  	[tilespmem:s30], [sflag:$0x5] =	stream.indirect.gather [hbm4b:s5+s20], $0x10, s6, s20, $0xb8;
	[tilespmem:$0x1F440] =	vst v63  }
0x66: {  	s18 =	simm.s32 $0x194C0;
	s25 =	simm.s32 $0x1BC40  }
0x67: {  	[tilespmem:s25], [sflag:$0x6] =	stream.indirect.gather [hbm4b:s5+s20], $0x10, s18, s20, $0xb8;
	[tilespmem:$0x1F440] =	vst v63  }
0x68: {  	s21 =	simm.s32 $0x19540;
	s28 =	simm.s32 $0x1C440  }
0x69: {  	[tilespmem:s28], [sflag:$0x7] =	stream.indirect.gather [hbm4b:s5+s20], $0x10, s21, s20, $0xb8;
	[tilespmem:$0x1F440] =	vst v63  }
0x6a: {  	s23 =	simm.s32 $0x195C0;
	s17 =	simm.s32 $0x1CC40  }
0x6b: {  	[tilespmem:s17], [sflag:$0x8] =	stream.indirect.gather [hbm4b:s5+s20], $0x10, s23, s20, $0xb8;
	[tilespmem:$0x1F440] =	vst v63  }
0x6c: {  	s24 =	simm.s32 $0x19640;
	s4 =	simm.s32 $0x1D440  }
0x6d: {  	[tilespmem:s4], [sflag:$0x9] =	stream.indirect.gather [hbm4b:s5+s20], $0x10, s24, s20, $0xb8;
	[tilespmem:$0x1F440] =	vst v63  }
0x6e: {  	s26 =	simm.s32 $0x196C0;
	s23 =	simm.s32 $0x1DC40  }
0x6f: {  	[tilespmem:s23], [sflag:$0xA] =	stream.indirect.gather [hbm4b:s5+s20], $0x10, s26, s20, $0xb8;
	[tilespmem:$0x1F440] =	vst v63  }
0x70: {  	s29 =	simm.s32 $0x1E440;
	s31 =	simm.s32 $0x19740  }
0x71: {  	[tilespmem:s29], [sflag:$0xB] =	stream.indirect.gather [hbm4b:s5+s20], $0x10, s31, s20, $0xb8;
	[tilespmem:$0x1F440] =	vst v63  }
0x72: {  	s7 =	simm.s32 $0x1EC40;
	s3 =	simm.s32 $0x197C0  }
0x73: {  	[tilespmem:s7], [sflag:$0xC] =	stream.indirect.gather [hbm4b:s5+s20], $0x10, s3, s20, $0xb8;
	[tilespmem:$0x1F440] =	vst v63  }
0x74: {  	_ =	swait.ge [sflag:s19], $0x800  }
0x75: {  	[sflag:s19] =	ssyncset.done $0x0  }
0x76: {  	s8 =	simm.s32 $0x19C40;
	[sflag:s19] =	ssyncadd.s32 $0xFFFFF800  }
0x77: {  	[spmem:s2] =	stream.indirect.scatter.add.f32 [tilespmem:s30], [sflag:$0xD], $0x10, s8, s20, $0xb8;
	[tilespmem:$0x1F440] =	vst v63  }
0x78: {  	_ =	swait.ge [sflag:s22], $0x800  }
0x79: {  	[sflag:s22] =	ssyncset.done $0x0  }
0x7a: {  	s10 =	simm.s32 $0x19CC0;
	s21 =	simm.s32 $0x7;
	[sflag:s22] =	ssyncadd.s32 $0xFFFFF800  }
0x7b: {  	[spmem:s2] =	stream.indirect.scatter.add.f32 [tilespmem:s25], [sflag:$0xE], $0x10, s10, s20, $0xb8;
	[tilespmem:$0x1F440] =	vst v63  }
0x7c: {  	_ =	swait.ge [sflag:s21], $0x800  }
0x7d: {  	[sflag:s21] =	ssyncset.done $0x0  }
0x7e: {  	s11 =	simm.s32 $0x19D40;
	s24 =	simm.s32 $0x8;
	[sflag:s21] =	ssyncadd.s32 $0xFFFFF800  }
0x7f: {  	[spmem:s2] =	stream.indirect.scatter.add.f32 [tilespmem:s28], [sflag:$0xF], $0x10, s11, s20, $0xb8;
	[tilespmem:$0x1F440] =	vst v63  }
0x80: {  	_ =	swait.ge [sflag:s24], $0x800  }
0x81: {  	[sflag:s24] =	ssyncset.done $0x0  }
0x82: {  	s12 =	simm.s32 $0x19DC0;
	s31 =	simm.s32 $0x9;
	[sflag:s24] =	ssyncadd.s32 $0xFFFFF800  }
0x83: {  	[spmem:s2] =	stream.indirect.scatter.add.f32 [tilespmem:s17], [sflag:$0x10], $0x10, s12, s20, $0xb8;
	[tilespmem:$0x1F440] =	vst v63  }
0x84: {  	_ =	swait.ge [sflag:s31], $0x800  }
0x85: {  	[sflag:s31] =	ssyncset.done $0x0  }
0x86: {  	s13 =	simm.s32 $0x19E40;
	s29 =	simm.s32 $0xA;
	[sflag:s31] =	ssyncadd.s32 $0xFFFFF800  }
0x87: {  	[spmem:s2] =	stream.indirect.scatter.add.f32 [tilespmem:s4], [sflag:$0x11], $0x10, s13, s20, $0xb8;
	[tilespmem:$0x1F440] =	vst v63  }
0x88: {  	_ =	swait.ge [sflag:s29], $0x800  }
0x89: {  	[sflag:s29] =	ssyncset.done $0x0  }
0x8a: {  	s14 =	simm.s32 $0x19EC0;
	s8 =	simm.s32 $0xB;
	[sflag:s29] =	ssyncadd.s32 $0xFFFFF800  }
0x8b: {  	[spmem:s2] =	stream.indirect.scatter.add.f32 [tilespmem:s23], [sflag:$0x12], $0x10, s14, s20, $0xb8;
	[tilespmem:$0x1F440] =	vst v63  }
0x8c: {  	_ =	swait.ge [sflag:s8], $0x800  }
0x8d: {  	s1 =	simm.s32 $0x1E440;
	[sflag:s8] =	ssyncset.done $0x0  }
0x8e: {  	s0 =	simm.s32 $0xC;
	s15 =	simm.s32 $0x19F40;
	[sflag:s8] =	ssyncadd.s32 $0xFFFFF800  }
0x8f: {  	[spmem:s2] =	stream.indirect.scatter.add.f32 [tilespmem:s1], [sflag:$0x13], $0x10, s15, s20, $0xb8;
	[tilespmem:$0x1F440] =	vst v63  }
0x90: {  	_ =	swait.ge [sflag:s0], $0x800  }
0x91: {  	[sflag:s0] =	ssyncset.done $0x0  }
0x92: {  	s11 =	simm.s32 $0xD;
	[sflag:s0] =	ssyncadd.s32 $0xFFFFF800  }
0x93: {  	[spmem:s2] =	stream.indirect.scatter.add.f32 [tilespmem:s7], [sflag:$0x14], $0x10, s9, s20, $0xb8;
	[tilespmem:$0x1F440] =	vst v63  }
0x94: {  	_ =	swait.ge [sflag:s11], $0x800  }
0x95: {  	[sflag:s11] =	ssyncset.done $0x0  }
0x96: {  	s9 =	simm.s32 $0xE;
	[sflag:s11] =	ssyncadd.s32 $0xFFFFF800  }
0x97: {  	_ =	swait.ge [sflag:s9], $0x800  }
0x98: {  	[sflag:s9] =	ssyncset.done $0x0  }
0x99: {  	s14 =	simm.s32 $0xF;
	[sflag:s9] =	ssyncadd.s32 $0xFFFFF800  }
0x9a: {  	_ =	swait.ge [sflag:s14], $0x800  }
0x9b: {  	[sflag:s14] =	ssyncset.done $0x0  }
0x9c: {  	s15 =	simm.s32 $0x10;
	[sflag:s14] =	ssyncadd.s32 $0xFFFFF800  }
0x9d: {  	_ =	swait.ge [sflag:s15], $0x800  }
0x9e: {  	[sflag:s15] =	ssyncset.done $0x0  }
0x9f: {  	s18 =	simm.s32 $0x11;
	[sflag:s15] =	ssyncadd.s32 $0xFFFFF800  }
0xa0: {  	_ =	swait.ge [sflag:s18], $0x800  }
0xa1: {  	[sflag:s18] =	ssyncset.done $0x0  }
0xa2: {  	s10 =	simm.s32 $0x12;
	[sflag:s18] =	ssyncadd.s32 $0xFFFFF800  }
0xa3: {  	_ =	swait.ge [sflag:s10], $0x800  }
0xa4: {  	[sflag:s10] =	ssyncset.done $0x0  }
0xa5: {  	s12 =	simm.s32 $0x13;
	[sflag:s10] =	ssyncadd.s32 $0xFFFFF800  }
0xa6: {  	_ =	swait.ge [sflag:s12], $0x800  }
0xa7: {  	[sflag:s12] =	ssyncset.done $0x0  }
0xa8: {  	s13 =	simm.s32 $0x14;
	[sflag:s12] =	ssyncadd.s32 $0xFFFFF800  }
0xa9: {  	_ =	swait.ge [sflag:s13], $0x800  }
0xaa: {  	[sflag:s13] =	ssyncset.done $0x0  }
0xab: {  	s16 =	simm.s32 $0x19840;
	[sflag:s13] =	ssyncadd.s32 $0xFFFFF800  }
0xac: {  	[tilespmem:s30], [sflag:$0x5] =	stream.indirect.gather [hbm4b:s5+s20], $0x10, s16, s20, $0xb8;
	[tilespmem:$0x1F440] =	vst v63  }
0xad: {  	s26 =	simm.s32 $0x198C0  }
0xae: {  	[tilespmem:s25], [sflag:$0x6] =	stream.indirect.gather [hbm4b:s5+s20], $0x10, s26, s20, $0xb8;
	[tilespmem:$0x1F440] =	vst v63  }
0xaf: {  	s16 =	simm.s32 $0x19940  }
0xb0: {  	[tilespmem:s28], [sflag:$0x7] =	stream.indirect.gather [hbm4b:s5+s20], $0x10, s16, s20, $0xb8;
	[tilespmem:$0x1F440] =	vst v63  }
0xb1: {  	s26 =	simm.s32 $0x199C0  }
0xb2: {  	[tilespmem:s17], [sflag:$0x8] =	stream.indirect.gather [hbm4b:s5+s20], $0x10, s26, s20, $0xb8;
	[tilespmem:$0x1F440] =	vst v63  }
0xb3: {  	s16 =	simm.s32 $0x19A40  }
0xb4: {  	[tilespmem:s4], [sflag:$0x9] =	stream.indirect.gather [hbm4b:s5+s20], $0x10, s16, s20, $0xb8;
	[tilespmem:$0x1F440] =	vst v63  }
0xb5: {  	s26 =	simm.s32 $0x19AC0  }
0xb6: {  	[tilespmem:s23], [sflag:$0xA] =	stream.indirect.gather [hbm4b:s5+s20], $0x10, s26, s20, $0xb8;
	[tilespmem:$0x1F440] =	vst v63  }
0xb7: {  	s16 =	simm.s32 $0x19B40  }
0xb8: {  	[tilespmem:s1], [sflag:$0xB] =	stream.indirect.gather [hbm4b:s5+s20], $0x10, s16, s20, $0xb8;
	[tilespmem:$0x1F440] =	vst v63  }
0xb9: {  	s26 =	simm.s32 $0x19BC0  }
0xba: {  	[tilespmem:s7], [sflag:$0xC] =	stream.indirect.gather [hbm4b:s5+s20], $0x10, s26, s20, $0xb8;
	[tilespmem:$0x1F440] =	vst v63  }
0xbb: {  	_ =	swait.ge [sflag:s19], $0x800  }
0xbc: {  	[sflag:s19] =	ssyncset.done $0x0  }
0xbd: {  	s16 =	simm.s32 $0x1A040;
	[sflag:s19] =	ssyncadd.s32 $0xFFFFF800  }
0xbe: {  	[spmem:s2] =	stream.indirect.scatter.add.f32 [tilespmem:s30], [sflag:$0xD], $0x10, s16, s20, $0xb8;
	[tilespmem:$0x1F440] =	vst v63  }
0xbf: {  	_ =	swait.ge [sflag:s22], $0x800  }
0xc0: {  	[sflag:s22] =	ssyncset.done $0x0  }
0xc1: {  	s26 =	simm.s32 $0x1A0C0;
	[sflag:s22] =	ssyncadd.s32 $0xFFFFF800  }
0xc2: {  	[spmem:s2] =	stream.indirect.scatter.add.f32 [tilespmem:s25], [sflag:$0xE], $0x10, s26, s20, $0xb8;
	[tilespmem:$0x1F440] =	vst v63  }
0xc3: {  	_ =	swait.ge [sflag:s21], $0x800  }
0xc4: {  	[sflag:s21] =	ssyncset.done $0x0  }
0xc5: {  	s16 =	simm.s32 $0x1A140;
	[sflag:s21] =	ssyncadd.s32 $0xFFFFF800  }
0xc6: {  	[spmem:s2] =	stream.indirect.scatter.add.f32 [tilespmem:s28], [sflag:$0xF], $0x10, s16, s20, $0xb8;
	[tilespmem:$0x1F440] =	vst v63  }
0xc7: {  	_ =	swait.ge [sflag:s24], $0x800  }
0xc8: {  	[sflag:s24] =	ssyncset.done $0x0  }
0xc9: {  	s26 =	simm.s32 $0x1A1C0;
	[sflag:s24] =	ssyncadd.s32 $0xFFFFF800  }
0xca: {  	[spmem:s2] =	stream.indirect.scatter.add.f32 [tilespmem:s17], [sflag:$0x10], $0x10, s26, s20, $0xb8;
	[tilespmem:$0x1F440] =	vst v63  }
0xcb: {  	_ =	swait.ge [sflag:s31], $0x800  }
0xcc: {  	[sflag:s31] =	ssyncset.done $0x0  }
0xcd: {  	s16 =	simm.s32 $0x1A240;
	[sflag:s31] =	ssyncadd.s32 $0xFFFFF800  }
0xce: {  	[spmem:s2] =	stream.indirect.scatter.add.f32 [tilespmem:s4], [sflag:$0x11], $0x10, s16, s20, $0xb8;
	[tilespmem:$0x1F440] =	vst v63  }
0xcf: {  	_ =	swait.ge [sflag:s29], $0x800  }
0xd0: {  	[sflag:s29] =	ssyncset.done $0x0  }
0xd1: {  	s26 =	simm.s32 $0x1A2C0;
	[sflag:s29] =	ssyncadd.s32 $0xFFFFF800  }
0xd2: {  	[spmem:s2] =	stream.indirect.scatter.add.f32 [tilespmem:s23], [sflag:$0x12], $0x10, s26, s20, $0xb8;
	[tilespmem:$0x1F440] =	vst v63  }
0xd3: {  	_ =	swait.ge [sflag:s8], $0x800  }
0xd4: {  	[sflag:s8] =	ssyncset.done $0x0  }
0xd5: {  	s16 =	simm.s32 $0x1A340;
	[sflag:s8] =	ssyncadd.s32 $0xFFFFF800  }
0xd6: {  	[spmem:s2] =	stream.indirect.scatter.add.f32 [tilespmem:s1], [sflag:$0x13], $0x10, s16, s20, $0xb8;
	[tilespmem:$0x1F440] =	vst v63  }
0xd7: {  	_ =	swait.ge [sflag:s0], $0x800  }
0xd8: {  	[sflag:s0] =	ssyncset.done $0x0  }
0xd9: {  	s26 =	simm.s32 $0x1A3C0;
	s1 =	simm.s32 $0x3;
	[sflag:s0] =	ssyncadd.s32 $0xFFFFF800  }
0xda: {  	[spmem:s2] =	stream.indirect.scatter.add.f32 [tilespmem:s7], [sflag:$0x14], $0x10, s26, s20, $0xb8;
	[tilespmem:$0x1F440] =	vst v63  }
0xdb: {  	_ =	swait.ge [sflag:s1], $0x800  }
0xdc: {  	[sflag:s1] =	ssyncset.done $0x0  }
0xdd: {  	s26 =	simm.s32 $0x4;
	[sflag:s1] =	ssyncadd.s32 $0xFFFFF800  }
0xde: {  	_ =	swait.ge [sflag:s26], $0x800  }
0xdf: {  	s16 =	sld [smem:$0x7F6]  }
0xe0: {  	s1 =	sld [smem:$0x7FD]  }
0xe1: {  	[sflag:s26] =	ssyncset.done $0x0  }
0xe2: {  	[sflag:s26] =	ssyncadd.s32 $0xFFFFF800;
	s3 =	sshrl.u32 s16, $0x3  }
0xe3: {  	s16 =	rddreg [dreg:$0x3];
	s3 =	sadd.s32 s1, s3;
	s1 =	simm.s32 $0x0  }
0xe4: {  	[tilespmem:s6], [sflag:$0x1] =	stream.linear.gather [hbm4b:s3+s1], $0x800, $0x38;
	[tilespmem:$0x1F440] =	vst v63  }
0xe5: {  	s6 =	sadd.s32 $0x0, s16;
	s16 =	simm.s32 $0x19C40  }
0xe6: {  	[tilespmem:s16], [sflag:$0x2] =	stream.linear.gather [hbm4b:s6+s1], $0x800, $0x38;
	[tilespmem:$0x1F440] =	vst v63  }
0xe7: {  	_ =	swait.ge [sflag:s11], $0x800  }
0xe8: {  	[sflag:s11] =	ssyncset.done $0x0  }
0xe9: {  	[sflag:s11] =	ssyncadd.s32 $0xFFFFF800  }
0xea: {  	_ =	swait.ge [sflag:s9], $0x800  }
0xeb: {  	[sflag:s9] =	ssyncset.done $0x0  }
0xec: {  	[sflag:s9] =	ssyncadd.s32 $0xFFFFF800  }
0xed: {  	_ =	swait.ge [sflag:s14], $0x800  }
0xee: {  	[sflag:s14] =	ssyncset.done $0x0  }
0xef: {  	[sflag:s14] =	ssyncadd.s32 $0xFFFFF800  }
0xf0: {  	_ =	swait.ge [sflag:s15], $0x800  }
0xf1: {  	[sflag:s15] =	ssyncset.done $0x0  }
0xf2: {  	[sflag:s15] =	ssyncadd.s32 $0xFFFFF800  }
0xf3: {  	_ =	swait.ge [sflag:s18], $0x800  }
0xf4: {  	[sflag:s18] =	ssyncset.done $0x0  }
0xf5: {  	[sflag:s18] =	ssyncadd.s32 $0xFFFFF800  }
0xf6: {  	_ =	swait.ge [sflag:s10], $0x800  }
0xf7: {  	[sflag:s10] =	ssyncset.done $0x0  }
0xf8: {  	[sflag:s10] =	ssyncadd.s32 $0xFFFFF800  }
0xf9: {  	_ =	swait.ge [sflag:s12], $0x800  }
0xfa: {  	[sflag:s12] =	ssyncset.done $0x0  }
0xfb: {  	[sflag:s12] =	ssyncadd.s32 $0xFFFFF800  }
0xfc: {  	_ =	swait.ge [sflag:s13], $0x800  }
0xfd: {  	[sflag:s13] =	ssyncset.done $0x0  }
0xfe: {  	s1 =	simm.s32 $0x1A440;
	[sflag:s13] =	ssyncadd.s32 $0xFFFFF800  }
0xff: {  	[tilespmem:s30], [sflag:$0x5] =	stream.indirect.gather [hbm4b:s5+s20], $0x10, s1, s20, $0xb8;
	[tilespmem:$0x1F440] =	vst v63  }
0x100: {  	s26 =	rddreg [dreg:$0x6]  }
0x101: {  	[tilespmem:s25], [sflag:$0x6] =	stream.indirect.gather [hbm4b:s5+s20], $0x10, s26, s20, $0xb8;
	[tilespmem:$0x1F440] =	vst v63  }
0x102: {  	s6 =	rddreg [dreg:$0x7]  }
0x103: {  	[tilespmem:s28], [sflag:$0x7] =	stream.indirect.gather [hbm4b:s5+s20], $0x10, s6, s20, $0xb8;
	[tilespmem:$0x1F440] =	vst v63  }
0x104: {  	s26 =	rddreg [dreg:$0x8]  }
0x105: {  	[tilespmem:s17], [sflag:$0x8] =	stream.indirect.gather [hbm4b:s5+s20], $0x10, s26, s20, $0xb8;
	[tilespmem:$0x1F440] =	vst v63  }
0x106: {  	s1 =	rddreg [dreg:$0x9]  }
0x107: {  	[tilespmem:s4], [sflag:$0x9] =	stream.indirect.gather [hbm4b:s5+s20], $0x10, s1, s20, $0xb8;
	[tilespmem:$0x1F440] =	vst v63  }
0x108: {  	s6 =	rddreg [dreg:$0xa]  }
0x109: {  	[tilespmem:s23], [sflag:$0xA] =	stream.indirect.gather [hbm4b:s5+s20], $0x10, s6, s20, $0xb8;
	[tilespmem:$0x1F440] =	vst v63  }
0x10a: {  	s26 =	rddreg [dreg:$0xb];
	s6 =	simm.s32 $0x1E440  }
0x10b: {  	[tilespmem:s6], [sflag:$0xB] =	stream.indirect.gather [hbm4b:s5+s20], $0x10, s26, s20, $0xb8;
	[tilespmem:$0x1F440] =	vst v63  }
0x10c: {  	s1 =	rddreg [dreg:$0xc]  }
0x10d: {  	[tilespmem:s7], [sflag:$0xC] =	stream.indirect.gather [hbm4b:s5+s20], $0x10, s1, s20, $0xb8;
	[tilespmem:$0x1F440] =	vst v63  }
0x10e: {  	_ =	swait.ge [sflag:s19], $0x800  }
0x10f: {  	[sflag:s19] =	ssyncset.done $0x0  }
0x110: {  	s16 =	simm.s32 $0x1AC40;
	[sflag:s19] =	ssyncadd.s32 $0xFFFFF800  }
0x111: {  	[spmem:s2] =	stream.indirect.scatter.add.f32 [tilespmem:s30], [sflag:$0xD], $0x10, s16, s20, $0xb8;
	[tilespmem:$0x1F440] =	vst v63  }
0x112: {  	_ =	swait.ge [sflag:s22], $0x800  }
0x113: {  	[sflag:s22] =	ssyncset.done $0x0  }
0x114: {  	s26 =	rddreg [dreg:$0xd];
	[sflag:s22] =	ssyncadd.s32 $0xFFFFF800  }
0x115: {  	[spmem:s2] =	stream.indirect.scatter.add.f32 [tilespmem:s25], [sflag:$0xE], $0x10, s26, s20, $0xb8;
	[tilespmem:$0x1F440] =	vst v63  }
0x116: {  	_ =	swait.ge [sflag:s21], $0x800  }
0x117: {  	[sflag:s21] =	ssyncset.done $0x0  }
0x118: {  	s1 =	rddreg [dreg:$0xe];
	[sflag:s21] =	ssyncadd.s32 $0xFFFFF800  }
0x119: {  	[spmem:s2] =	stream.indirect.scatter.add.f32 [tilespmem:s28], [sflag:$0xF], $0x10, s1, s20, $0xb8;
	[tilespmem:$0x1F440] =	vst v63  }
0x11a: {  	_ =	swait.ge [sflag:s24], $0x800  }
0x11b: {  	[sflag:s24] =	ssyncset.done $0x0  }
0x11c: {  	s16 =	rddreg [dreg:$0xf];
	[sflag:s24] =	ssyncadd.s32 $0xFFFFF800  }
0x11d: {  	[spmem:s2] =	stream.indirect.scatter.add.f32 [tilespmem:s17], [sflag:$0x10], $0x10, s16, s20, $0xb8;
	[tilespmem:$0x1F440] =	vst v63  }
0x11e: {  	_ =	swait.ge [sflag:s31], $0x800  }
0x11f: {  	[sflag:s31] =	ssyncset.done $0x0  }
0x120: {  	s26 =	rddreg [dreg:$0x10];
	[sflag:s31] =	ssyncadd.s32 $0xFFFFF800  }
0x121: {  	[spmem:s2] =	stream.indirect.scatter.add.f32 [tilespmem:s4], [sflag:$0x11], $0x10, s26, s20, $0xb8;
	[tilespmem:$0x1F440] =	vst v63  }
0x122: {  	_ =	swait.ge [sflag:s29], $0x800  }
0x123: {  	[sflag:s29] =	ssyncset.done $0x0  }
0x124: {  	s1 =	rddreg [dreg:$0x11];
	[sflag:s29] =	ssyncadd.s32 $0xFFFFF800  }
0x125: {  	[spmem:s2] =	stream.indirect.scatter.add.f32 [tilespmem:s23], [sflag:$0x12], $0x10, s1, s20, $0xb8;
	[tilespmem:$0x1F440] =	vst v63  }
0x126: {  	_ =	swait.ge [sflag:s8], $0x800  }
0x127: {  	[sflag:s8] =	ssyncset.done $0x0  }
0x128: {  	s16 =	rddreg [dreg:$0x12];
	[sflag:s8] =	ssyncadd.s32 $0xFFFFF800  }
0x129: {  	[spmem:s2] =	stream.indirect.scatter.add.f32 [tilespmem:s6], [sflag:$0x13], $0x10, s16, s20, $0xb8;
	[tilespmem:$0x1F440] =	vst v63  }
0x12a: {  	_ =	swait.ge [sflag:s0], $0x800  }
0x12b: {  	[sflag:s0] =	ssyncset.done $0x0  }
0x12c: {  	s26 =	rddreg [dreg:$0x13];
	[sflag:s0] =	ssyncadd.s32 $0xFFFFF800  }
0x12d: {  	[spmem:s2] =	stream.indirect.scatter.add.f32 [tilespmem:s7], [sflag:$0x14], $0x10, s26, s20, $0xb8;
	[tilespmem:$0x1F440] =	vst v63  }
0x12e: {  	_ =	swait.ge [sflag:s11], $0x800  }
0x12f: {  	[sflag:s11] =	ssyncset.done $0x0  }
0x130: {  	[sflag:s11] =	ssyncadd.s32 $0xFFFFF800  }
0x131: {  	_ =	swait.ge [sflag:s9], $0x800  }
0x132: {  	[sflag:s9] =	ssyncset.done $0x0  }
0x133: {  	[sflag:s9] =	ssyncadd.s32 $0xFFFFF800  }
0x134: {  	_ =	swait.ge [sflag:s14], $0x800  }
0x135: {  	[sflag:s14] =	ssyncset.done $0x0  }
0x136: {  	[sflag:s14] =	ssyncadd.s32 $0xFFFFF800  }
0x137: {  	_ =	swait.ge [sflag:s15], $0x800  }
0x138: {  	[sflag:s15] =	ssyncset.done $0x0  }
0x139: {  	[sflag:s15] =	ssyncadd.s32 $0xFFFFF800  }
0x13a: {  	_ =	swait.ge [sflag:s18], $0x800  }
0x13b: {  	[sflag:s18] =	ssyncset.done $0x0  }
0x13c: {  	[sflag:s18] =	ssyncadd.s32 $0xFFFFF800  }
0x13d: {  	_ =	swait.ge [sflag:s10], $0x800  }
0x13e: {  	[sflag:s10] =	ssyncset.done $0x0  }
0x13f: {  	[sflag:s10] =	ssyncadd.s32 $0xFFFFF800  }
0x140: {  	_ =	swait.ge [sflag:s12], $0x800  }
0x141: {  	[sflag:s12] =	ssyncset.done $0x0  }
0x142: {  	[sflag:s12] =	ssyncadd.s32 $0xFFFFF800  }
0x143: {  	_ =	swait.ge [sflag:s13], $0x800  }
0x144: {  	[sflag:s13] =	ssyncset.done $0x0  }
0x145: {  	s1 =	rddreg [dreg:$0x14];
	[sflag:s13] =	ssyncadd.s32 $0xFFFFF800  }
0x146: {  	[tilespmem:s30], [sflag:$0x5] =	stream.indirect.gather [hbm4b:s5+s20], $0x10, s1, s20, $0xb8;
	[tilespmem:$0x1F440] =	vst v63  }
0x147: {  	s9 =	rddreg [dreg:$0x15]  }
0x148: {  	[tilespmem:s25], [sflag:$0x6] =	stream.indirect.gather [hbm4b:s5+s20], $0x10, s9, s20, $0xb8;
	[tilespmem:$0x1F440] =	vst v63  }
0x149: {  	s10 =	rddreg [dreg:$0x16]  }
0x14a: {  	[tilespmem:s28], [sflag:$0x7] =	stream.indirect.gather [hbm4b:s5+s20], $0x10, s10, s20, $0xb8;
	[tilespmem:$0x1F440] =	vst v63  }
0x14b: {  	s11 =	rddreg [dreg:$0x17]  }
0x14c: {  	[tilespmem:s17], [sflag:$0x8] =	stream.indirect.gather [hbm4b:s5+s20], $0x10, s11, s20, $0xb8;
	[tilespmem:$0x1F440] =	vst v63  }
0x14d: {  	s12 =	rddreg [dreg:$0x18]  }
0x14e: {  	[tilespmem:s4], [sflag:$0x9] =	stream.indirect.gather [hbm4b:s5+s20], $0x10, s12, s20, $0xb8;
	[tilespmem:$0x1F440] =	vst v63  }
0x14f: {  	s13 =	rddreg [dreg:$0x19]  }
0x150: {  	[tilespmem:s23], [sflag:$0xA] =	stream.indirect.gather [hbm4b:s5+s20], $0x10, s13, s20, $0xb8;
	[tilespmem:$0x1F440] =	vst v63  }
0x151: {  	s6 =	simm.s32 $0x1E440;
	s14 =	rddreg [dreg:$0x1a]  }
0x152: {  	[tilespmem:s6], [sflag:$0xB] =	stream.indirect.gather [hbm4b:s5+s20], $0x10, s14, s20, $0xb8;
	[tilespmem:$0x1F440] =	vst v63  }
0x153: {  	s15 =	rddreg [dreg:$0x1b]  }
0x154: {  	[tilespmem:s7], [sflag:$0xC] =	stream.indirect.gather [hbm4b:s5+s20], $0x10, s15, s20, $0xb8;
	[tilespmem:$0x1F440] =	vst v63  }
0x155: {  	_ =	swait.ge [sflag:s19], $0x800  }
0x156: {  	[sflag:s19] =	ssyncset.done $0x0  }
0x157: {  	s16 =	rddreg [dreg:$0x1c];
	[sflag:s19] =	ssyncadd.s32 $0xFFFFF800  }
0x158: {  	[spmem:s2] =	stream.indirect.scatter.add.f32 [tilespmem:s30], [sflag:$0xD], $0x10, s16, s20, $0xb8;
	[tilespmem:$0x1F440] =	vst v63  }
0x159: {  	_ =	swait.ge [sflag:s22], $0x800  }
0x15a: {  	[sflag:s22] =	ssyncset.done $0x0  }
0x15b: {  	s18 =	rddreg [dreg:$0x1d];
	[sflag:s22] =	ssyncadd.s32 $0xFFFFF800  }
0x15c: {  	[spmem:s2] =	stream.indirect.scatter.add.f32 [tilespmem:s25], [sflag:$0xE], $0x10, s18, s20, $0xb8;
	[tilespmem:$0x1F440] =	vst v63  }
0x15d: {  	_ =	swait.ge [sflag:s21], $0x800  }
0x15e: {  	[sflag:s21] =	ssyncset.done $0x0  }
0x15f: {  	s25 =	rddreg [dreg:$0x1e];
	[sflag:s21] =	ssyncadd.s32 $0xFFFFF800  }
0x160: {  	[spmem:s2] =	stream.indirect.scatter.add.f32 [tilespmem:s28], [sflag:$0xF], $0x10, s25, s20, $0xb8;
	[tilespmem:$0x1F440] =	vst v63  }
0x161: {  	_ =	swait.ge [sflag:s24], $0x800  }
0x162: {  	[sflag:s24] =	ssyncset.done $0x0  }
0x163: {  	s26 =	rddreg [dreg:$0x1f];
	[sflag:s24] =	ssyncadd.s32 $0xFFFFF800  }
0x164: {  	[spmem:s2] =	stream.indirect.scatter.add.f32 [tilespmem:s17], [sflag:$0x10], $0x10, s26, s20, $0xb8;
	[tilespmem:$0x1F440] =	vst v63  }
0x165: {  	_ =	swait.ge [sflag:s31], $0x800  }
0x166: {  	s28 =	sld [smem:$0x7F8]  }
0x167: {  	[sflag:s31] =	ssyncset.done $0x0  }
0x168: {  	[sflag:s31] =	ssyncadd.s32 $0xFFFFF800  }
0x169: {  	[spmem:s2] =	stream.indirect.scatter.add.f32 [tilespmem:s4], [sflag:$0x11], $0x10, s28, s20, $0xb8;
	[tilespmem:$0x1F440] =	vst v63  }
0x16a: {  	_ =	swait.ge [sflag:s29], $0x800  }
0x16b: {  	s30 =	sld [smem:$0x7F9]  }
0x16c: {  	[sflag:s29] =	ssyncset.done $0x0  }
0x16d: {  	[sflag:s29] =	ssyncadd.s32 $0xFFFFF800  }
0x16e: {  	[spmem:s2] =	stream.indirect.scatter.add.f32 [tilespmem:s23], [sflag:$0x12], $0x10, s30, s20, $0xb8;
	[tilespmem:$0x1F440] =	vst v63  }
0x16f: {  	_ =	swait.ge [sflag:s8], $0x800  }
0x170: {  	s31 =	sld [smem:$0x7FA]  }
0x171: {  	[sflag:s8] =	ssyncset.done $0x0  }
0x172: {  	[sflag:s8] =	ssyncadd.s32 $0xFFFFF800  }
0x173: {  	[spmem:s2] =	stream.indirect.scatter.add.f32 [tilespmem:s6], [sflag:$0x13], $0x10, s31, s20, $0xb8;
	[tilespmem:$0x1F440] =	vst v63  }
0x174: {  	_ =	swait.ge [sflag:s0], $0x800  }
0x175: {  	s16 =	simm.s32 $0x200;
	[sflag:s0] =	ssyncset.done $0x0;
	s21 =	sld [smem:$0x7FB]  }
0x176: {  	s4 =	simm.s32 $0x1EC40;
	s26 =	sld [smem:$0x7F6];
	[sflag:s0] =	ssyncadd.s32 $0xFFFFF800  }
.LBB2_6:
0x177: {  	_ = 	snop  }
0x178: {  	s0 =	simm.s32 $0x1  }
0x179: {  	[spmem:s2] =	stream.indirect.scatter.add.f32 [tilespmem:s4], [sflag:$0x14], $0x10, s21, s20, $0xb8;
	[tilespmem:$0x1F440] =	vst v63  }
0x17a: {  	_ =	swait.ge [sflag:s0], $0x800  }
0x17b: {  	[sflag:s0] =	ssyncset.done $0x0  }
0x17c: {  	s3 =	smov.u32 s16;
	s25 =	simm.s32 $0x2;
	[sflag:s0] =	ssyncadd.s32 $0xFFFFF800  }
0x17d: {  	s29 =	simm.s32 $0x1A440;
	s1 =	simm.s32 $0x0;
	_ =	swait.ge [sflag:s25], $0x800  }
0x17e: {  	p1 =	seq.s32 s3, $0x0;
	s28 =	rddreg [dreg:$0x5];
	[sflag:s25] =	ssyncset.done $0x0  }
0x17f: {  	s23 =	rddreg [dreg:$0x4];
	[sflag:s25] =	ssyncadd.s32 $0xFFFFF800;
	s21 =	sadd.s32 s3, s28  }
0x180: {  	[tilespmem:s29], [sflag:$0x3] =	stream.linear.gather [hbm4b:s21+s1], $0x800, $0x38;
	[tilespmem:$0x1F440] =	vst v63  }
0x181: {  	s31 =	simm.s32 $0x1AC40;
	s30 =	sadd.s32 s3, s23;
	s21 =	simm.s32 @!p1 $0xD  }
0x182: {  	[tilespmem:s31], [sflag:$0x4] =	stream.linear.gather [hbm4b:s30+s1], $0x800, $0x38;
	[tilespmem:$0x1F440] =	vst v63  }
0x183: {  	_ =	swait.ge @!p1 [sflag:s21], $0x800  }
0x184: {  	[sflag:s21] =	ssyncset.done @!p1 $0x0  }
0x185: {  	s23 =	simm.s32 @!p1 $0xE;
	[sflag:s21] =	ssyncadd.s32 @!p1 $0xFFFFF800  }
0x186: {  	_ =	swait.ge @!p1 [sflag:s23], $0x800  }
0x187: {  	[sflag:s23] =	ssyncset.done @!p1 $0x0  }
0x188: {  	s21 =	simm.s32 @!p1 $0xF;
	[sflag:s23] =	ssyncadd.s32 @!p1 $0xFFFFF800  }
0x189: {  	_ =	swait.ge @!p1 [sflag:s21], $0x800  }
0x18a: {  	[sflag:s21] =	ssyncset.done @!p1 $0x0  }
0x18b: {  	s23 =	simm.s32 @!p1 $0x10;
	[sflag:s21] =	ssyncadd.s32 @!p1 $0xFFFFF800  }
0x18c: {  	_ =	swait.ge @!p1 [sflag:s23], $0x800  }
0x18d: {  	[sflag:s23] =	ssyncset.done @!p1 $0x0  }
0x18e: {  	s21 =	simm.s32 @!p1 $0x11;
	[sflag:s23] =	ssyncadd.s32 @!p1 $0xFFFFF800  }
0x18f: {  	_ =	swait.ge @!p1 [sflag:s21], $0x800  }
0x190: {  	[sflag:s21] =	ssyncset.done @!p1 $0x0  }
0x191: {  	s23 =	simm.s32 @!p1 $0x12;
	[sflag:s21] =	ssyncadd.s32 @!p1 $0xFFFFF800  }
0x192: {  	_ =	swait.ge @!p1 [sflag:s23], $0x800  }
0x193: {  	[sflag:s23] =	ssyncset.done @!p1 $0x0  }
0x194: {  	s21 =	simm.s32 @!p1 $0x13;
	[sflag:s23] =	ssyncadd.s32 @!p1 $0xFFFFF800  }
0x195: {  	_ =	swait.ge @!p1 [sflag:s21], $0x800  }
0x196: {  	[sflag:s21] =	ssyncset.done @!p1 $0x0  }
0x197: {  	s23 =	simm.s32 @!p1 $0x14;
	[sflag:s21] =	ssyncadd.s32 @!p1 $0xFFFFF800  }
0x198: {  	_ =	swait.ge @!p1 [sflag:s23], $0x800  }
0x199: {  	[sflag:s23] =	ssyncset.done @!p1 $0x0  }
0x19a: {  	s9 =	simm.s32 $0x1B440;
	s4 =	simm.s32 $0x19440;
	[sflag:s23] =	ssyncadd.s32 @!p1 $0xFFFFF800  }
0x19b: {  	[tilespmem:s9], [sflag:$0x5] =	stream.indirect.gather [hbm4b:s5+s20], $0x10, s4, s20, $0xb8;
	[tilespmem:$0x1F440] =	vst v63  }
0x19c: {  	s6 =	simm.s32 $0x194C0;
	s25 =	simm.s32 $0x1BC40  }
0x19d: {  	[tilespmem:s25], [sflag:$0x6] =	stream.indirect.gather [hbm4b:s5+s20], $0x10, s6, s20, $0xb8;
	[tilespmem:$0x1F440] =	vst v63  }
0x19e: {  	s7 =	simm.s32 $0x19540;
	s28 =	simm.s32 $0x1C440  }
0x19f: {  	[tilespmem:s28], [sflag:$0x7] =	stream.indirect.gather [hbm4b:s5+s20], $0x10, s7, s20, $0xb8;
	[tilespmem:$0x1F440] =	vst v63  }
0x1a0: {  	s8 =	simm.s32 $0x195C0;
	s30 =	simm.s32 $0x1CC40  }
0x1a1: {  	[tilespmem:s30], [sflag:$0x8] =	stream.indirect.gather [hbm4b:s5+s20], $0x10, s8, s20, $0xb8;
	[tilespmem:$0x1F440] =	vst v63  }
0x1a2: {  	s10 =	simm.s32 $0x19640;
	s1 =	simm.s32 $0x1D440  }
0x1a3: {  	[tilespmem:s1], [sflag:$0x9] =	stream.indirect.gather [hbm4b:s5+s20], $0x10, s10, s20, $0xb8;
	[tilespmem:$0x1F440] =	vst v63  }
0x1a4: {  	s11 =	simm.s32 $0x196C0;
	s7 =	simm.s32 $0x1DC40  }
0x1a5: {  	[tilespmem:s7], [sflag:$0xA] =	stream.indirect.gather [hbm4b:s5+s20], $0x10, s11, s20, $0xb8;
	[tilespmem:$0x1F440] =	vst v63  }
0x1a6: {  	s12 =	simm.s32 $0x1E440;
	s13 =	simm.s32 $0x19740  }
0x1a7: {  	[tilespmem:s12], [sflag:$0xB] =	stream.indirect.gather [hbm4b:s5+s20], $0x10, s13, s20, $0xb8;
	[tilespmem:$0x1F440] =	vst v63  }
0x1a8: {  	s14 =	simm.s32 $0x197C0;
	s8 =	simm.s32 $0x1EC40  }
0x1a9: {  	[tilespmem:s8], [sflag:$0xC] =	stream.indirect.gather [hbm4b:s5+s20], $0x10, s14, s20, $0xb8;
	[tilespmem:$0x1F440] =	vst v63  }
0x1aa: {  	_ =	swait.ge [sflag:s19], $0x800  }
0x1ab: {  	[sflag:s19] =	ssyncset.done $0x0  }
0x1ac: {  	s15 =	simm.s32 $0x19C40;
	[sflag:s19] =	ssyncadd.s32 $0xFFFFF800  }
0x1ad: {  	[spmem:s2] =	stream.indirect.scatter.add.f32 [tilespmem:s9], [sflag:$0xD], $0x10, s15, s20, $0xb8;
	[tilespmem:$0x1F440] =	vst v63  }
0x1ae: {  	_ =	swait.ge [sflag:s22], $0x800  }
0x1af: {  	[sflag:s22] =	ssyncset.done $0x0  }
0x1b0: {  	s17 =	simm.s32 $0x19CC0;
	[sflag:s22] =	ssyncadd.s32 $0xFFFFF800  }
0x1b1: {  	[spmem:s2] =	stream.indirect.scatter.add.f32 [tilespmem:s25], [sflag:$0xE], $0x10, s17, s20, $0xb8;
	[tilespmem:$0x1F440] =	vst v63  }
0x1b2: {  	s17 =	simm.s32 $0x7  }
0x1b3: {  	_ =	swait.ge [sflag:s17], $0x800  }
0x1b4: {  	[sflag:s17] =	ssyncset.done $0x0  }
0x1b5: {  	s18 =	simm.s32 $0x19D40;
	s24 =	simm.s32 $0x8;
	[sflag:s17] =	ssyncadd.s32 $0xFFFFF800  }
0x1b6: {  	[spmem:s2] =	stream.indirect.scatter.add.f32 [tilespmem:s28], [sflag:$0xF], $0x10, s18, s20, $0xb8;
	[tilespmem:$0x1F440] =	vst v63  }
0x1b7: {  	_ =	swait.ge [sflag:s24], $0x800  }
0x1b8: {  	[sflag:s24] =	ssyncset.done $0x0  }
0x1b9: {  	s31 =	simm.s32 $0x9;
	s19 =	simm.s32 $0x19DC0;
	[sflag:s24] =	ssyncadd.s32 $0xFFFFF800  }
0x1ba: {  	[spmem:s2] =	stream.indirect.scatter.add.f32 [tilespmem:s30], [sflag:$0x10], $0x10, s19, s20, $0xb8;
	[tilespmem:$0x1F440] =	vst v63  }
0x1bb: {  	_ =	swait.ge [sflag:s31], $0x800  }
0x1bc: {  	[sflag:s31] =	ssyncset.done $0x0  }
0x1bd: {  	s29 =	simm.s32 $0xA;
	s21 =	simm.s32 $0x19E40;
	[sflag:s31] =	ssyncadd.s32 $0xFFFFF800  }
0x1be: {  	[spmem:s2] =	stream.indirect.scatter.add.f32 [tilespmem:s1], [sflag:$0x11], $0x10, s21, s20, $0xb8;
	[tilespmem:$0x1F440] =	vst v63  }
0x1bf: {  	_ =	swait.ge [sflag:s29], $0x800  }
0x1c0: {  	[sflag:s29] =	ssyncset.done $0x0  }
0x1c1: {  	s8 =	simm.s32 $0xB;
	s22 =	simm.s32 $0x19EC0;
	[sflag:s29] =	ssyncadd.s32 $0xFFFFF800  }
0x1c2: {  	[spmem:s2] =	stream.indirect.scatter.add.f32 [tilespmem:s7], [sflag:$0x12], $0x10, s22, s20, $0xb8;
	[tilespmem:$0x1F440] =	vst v63  }
0x1c3: {  	_ =	swait.ge [sflag:s8], $0x800  }
0x1c4: {  	s0 =	simm.s32 $0xC;
	[sflag:s8] =	ssyncset.done $0x0  }
0x1c5: {  	s23 =	simm.s32 $0x19F40;
	s6 =	simm.s32 $0x1E440;
	[sflag:s8] =	ssyncadd.s32 $0xFFFFF800  }
0x1c6: {  	[spmem:s2] =	stream.indirect.scatter.add.f32 [tilespmem:s6], [sflag:$0x13], $0x10, s23, s20, $0xb8;
	[tilespmem:$0x1F440] =	vst v63  }
0x1c7: {  	_ =	swait.ge [sflag:s0], $0x800  }
0x1c8: {  	s10 =	simm.s32 $0x19FC0;
	[sflag:s0] =	ssyncset.done $0x0  }
0x1c9: {  	s11 =	simm.s32 $0x1EC40;
	s12 =	simm.s32 $0xD;
	[sflag:s0] =	ssyncadd.s32 $0xFFFFF800  }
0x1ca: {  	[spmem:s2] =	stream.indirect.scatter.add.f32 [tilespmem:s11], [sflag:$0x14], $0x10, s10, s20, $0xb8;
	[tilespmem:$0x1F440] =	vst v63  }
0x1cb: {  	_ =	swait.ge [sflag:s12], $0x800  }
0x1cc: {  	[sflag:s12] =	ssyncset.done $0x0  }
0x1cd: {  	s11 =	simm.s32 $0xE;
	[sflag:s12] =	ssyncadd.s32 $0xFFFFF800  }
0x1ce: {  	_ =	swait.ge [sflag:s11], $0x800  }
0x1cf: {  	[sflag:s11] =	ssyncset.done $0x0  }
0x1d0: {  	s15 =	simm.s32 $0xF;
	[sflag:s11] =	ssyncadd.s32 $0xFFFFF800  }
0x1d1: {  	_ =	swait.ge [sflag:s15], $0x800  }
0x1d2: {  	[sflag:s15] =	ssyncset.done $0x0  }
0x1d3: {  	s18 =	simm.s32 $0x10;
	[sflag:s15] =	ssyncadd.s32 $0xFFFFF800  }
0x1d4: {  	_ =	swait.ge [sflag:s18], $0x800  }
0x1d5: {  	[sflag:s18] =	ssyncset.done $0x0  }
0x1d6: {  	s19 =	simm.s32 $0x11;
	[sflag:s18] =	ssyncadd.s32 $0xFFFFF800  }
0x1d7: {  	_ =	swait.ge [sflag:s19], $0x800  }
0x1d8: {  	[sflag:s19] =	ssyncset.done $0x0  }
0x1d9: {  	s10 =	simm.s32 $0x12;
	[sflag:s19] =	ssyncadd.s32 $0xFFFFF800  }
0x1da: {  	_ =	swait.ge [sflag:s10], $0x800  }
0x1db: {  	[sflag:s10] =	ssyncset.done $0x0  }
0x1dc: {  	s13 =	simm.s32 $0x13;
	[sflag:s10] =	ssyncadd.s32 $0xFFFFF800  }
0x1dd: {  	_ =	swait.ge [sflag:s13], $0x800  }
0x1de: {  	[sflag:s13] =	ssyncset.done $0x0  }
0x1df: {  	s14 =	simm.s32 $0x14;
	[sflag:s13] =	ssyncadd.s32 $0xFFFFF800  }
0x1e0: {  	_ =	swait.ge [sflag:s14], $0x800  }
0x1e1: {  	[sflag:s14] =	ssyncset.done $0x0  }
0x1e2: {  	s4 =	simm.s32 $0x19840;
	[sflag:s14] =	ssyncadd.s32 $0xFFFFF800  }
0x1e3: {  	[tilespmem:s9], [sflag:$0x5] =	stream.indirect.gather [hbm4b:s5+s20], $0x10, s4, s20, $0xb8;
	[tilespmem:$0x1F440] =	vst v63  }
0x1e4: {  	s4 =	simm.s32 $0x198C0  }
0x1e5: {  	[tilespmem:s25], [sflag:$0x6] =	stream.indirect.gather [hbm4b:s5+s20], $0x10, s4, s20, $0xb8;
	[tilespmem:$0x1F440] =	vst v63  }
0x1e6: {  	s4 =	simm.s32 $0x19940  }
0x1e7: {  	[tilespmem:s28], [sflag:$0x7] =	stream.indirect.gather [hbm4b:s5+s20], $0x10, s4, s20, $0xb8;
	[tilespmem:$0x1F440] =	vst v63  }
0x1e8: {  	s4 =	simm.s32 $0x199C0  }
0x1e9: {  	[tilespmem:s30], [sflag:$0x8] =	stream.indirect.gather [hbm4b:s5+s20], $0x10, s4, s20, $0xb8;
	[tilespmem:$0x1F440] =	vst v63  }
0x1ea: {  	s4 =	simm.s32 $0x19A40  }
0x1eb: {  	[tilespmem:s1], [sflag:$0x9] =	stream.indirect.gather [hbm4b:s5+s20], $0x10, s4, s20, $0xb8;
	[tilespmem:$0x1F440] =	vst v63  }
0x1ec: {  	s4 =	simm.s32 $0x19AC0  }
0x1ed: {  	[tilespmem:s7], [sflag:$0xA] =	stream.indirect.gather [hbm4b:s5+s20], $0x10, s4, s20, $0xb8;
	[tilespmem:$0x1F440] =	vst v63  }
0x1ee: {  	s4 =	simm.s32 $0x19B40  }
0x1ef: {  	[tilespmem:s6], [sflag:$0xB] =	stream.indirect.gather [hbm4b:s5+s20], $0x10, s4, s20, $0xb8;
	[tilespmem:$0x1F440] =	vst v63  }
0x1f0: {  	s22 =	simm.s32 $0x5;
	s23 =	simm.s32 $0x19BC0;
	s4 =	simm.s32 $0x1EC40  }
0x1f1: {  	[tilespmem:s4], [sflag:$0xC] =	stream.indirect.gather [hbm4b:s5+s20], $0x10, s23, s20, $0xb8;
	[tilespmem:$0x1F440] =	vst v63  }
0x1f2: {  	_ =	swait.ge [sflag:s22], $0x800  }
0x1f3: {  	[sflag:s22] =	ssyncset.done $0x0  }
0x1f4: {  	s21 =	simm.s32 $0x6;
	s4 =	simm.s32 $0x1A040;
	[sflag:s22] =	ssyncadd.s32 $0xFFFFF800  }
0x1f5: {  	[spmem:s2] =	stream.indirect.scatter.add.f32 [tilespmem:s9], [sflag:$0xD], $0x10, s4, s20, $0xb8;
	[tilespmem:$0x1F440] =	vst v63  }
0x1f6: {  	_ =	swait.ge [sflag:s21], $0x800  }
0x1f7: {  	[sflag:s21] =	ssyncset.done $0x0  }
0x1f8: {  	s23 =	simm.s32 $0x1A0C0;
	[sflag:s21] =	ssyncadd.s32 $0xFFFFF800  }
0x1f9: {  	[spmem:s2] =	stream.indirect.scatter.add.f32 [tilespmem:s25], [sflag:$0xE], $0x10, s23, s20, $0xb8;
	[tilespmem:$0x1F440] =	vst v63  }
0x1fa: {  	_ =	swait.ge [sflag:s17], $0x800  }
0x1fb: {  	[sflag:s17] =	ssyncset.done $0x0  }
0x1fc: {  	s4 =	simm.s32 $0x1A140;
	[sflag:s17] =	ssyncadd.s32 $0xFFFFF800  }
0x1fd: {  	[spmem:s2] =	stream.indirect.scatter.add.f32 [tilespmem:s28], [sflag:$0xF], $0x10, s4, s20, $0xb8;
	[tilespmem:$0x1F440] =	vst v63  }
0x1fe: {  	_ =	swait.ge [sflag:s24], $0x800  }
0x1ff: {  	[sflag:s24] =	ssyncset.done $0x0  }
0x200: {  	s23 =	simm.s32 $0x1A1C0;
	[sflag:s24] =	ssyncadd.s32 $0xFFFFF800  }
0x201: {  	[spmem:s2] =	stream.indirect.scatter.add.f32 [tilespmem:s30], [sflag:$0x10], $0x10, s23, s20, $0xb8;
	[tilespmem:$0x1F440] =	vst v63  }
0x202: {  	_ =	swait.ge [sflag:s31], $0x800  }
0x203: {  	[sflag:s31] =	ssyncset.done $0x0  }
0x204: {  	s4 =	simm.s32 $0x1A240;
	[sflag:s31] =	ssyncadd.s32 $0xFFFFF800  }
0x205: {  	[spmem:s2] =	stream.indirect.scatter.add.f32 [tilespmem:s1], [sflag:$0x11], $0x10, s4, s20, $0xb8;
	[tilespmem:$0x1F440] =	vst v63  }
0x206: {  	_ =	swait.ge [sflag:s29], $0x800  }
0x207: {  	[sflag:s29] =	ssyncset.done $0x0  }
0x208: {  	s23 =	simm.s32 $0x1A2C0;
	[sflag:s29] =	ssyncadd.s32 $0xFFFFF800  }
0x209: {  	[spmem:s2] =	stream.indirect.scatter.add.f32 [tilespmem:s7], [sflag:$0x12], $0x10, s23, s20, $0xb8;
	[tilespmem:$0x1F440] =	vst v63  }
0x20a: {  	_ =	swait.ge [sflag:s8], $0x800  }
0x20b: {  	[sflag:s8] =	ssyncset.done $0x0  }
0x20c: {  	s4 =	simm.s32 $0x1A340;
	[sflag:s8] =	ssyncadd.s32 $0xFFFFF800  }
0x20d: {  	[spmem:s2] =	stream.indirect.scatter.add.f32 [tilespmem:s6], [sflag:$0x13], $0x10, s4, s20, $0xb8;
	[tilespmem:$0x1F440] =	vst v63  }
0x20e: {  	_ =	swait.ge [sflag:s0], $0x800  }
0x20f: {  	[sflag:s0] =	ssyncset.done $0x0  }
0x210: {  	s23 =	simm.s32 $0x1EC40;
	s6 =	simm.s32 $0x1A3C0;
	[sflag:s0] =	ssyncadd.s32 $0xFFFFF800  }
0x211: {  	[spmem:s2] =	stream.indirect.scatter.add.f32 [tilespmem:s23], [sflag:$0x14], $0x10, s6, s20, $0xb8;
	[tilespmem:$0x1F440] =	vst v63  }
0x212: {  	s6 =	simm.s32 $0x3  }
0x213: {  	_ =	swait.ge [sflag:s6], $0x800  }
0x214: {  	[sflag:s6] =	ssyncset.done $0x0  }
0x215: {  	s4 =	simm.s32 $0x4;
	[sflag:s6] =	ssyncadd.s32 $0xFFFFF800  }
0x216: {  	_ =	swait.ge [sflag:s4], $0x800  }
0x217: {  	s6 =	sld [smem:$0x7FD]  }
0x218: {  	s26 =	sadd.s32 $0x1000, s26;
	[sflag:s4] =	ssyncset.done $0x0  }
0x219: {  	s23 =	sshrl.u32 s26, $0x3;
	[sflag:s4] =	ssyncadd.s32 $0xFFFFF800;
	s4 =	simm.s32 $0x0  }
0x21a: {  	s21 =	sadd.s32 s6, s23;
	s23 =	rddreg [dreg:$0x3];
	s6 =	simm.s32 $0x19440  }
0x21b: {  	[tilespmem:s6], [sflag:$0x1] =	stream.linear.gather [hbm4b:s21+s4], $0x800, $0x38;
	[tilespmem:$0x1F440] =	vst v63  }
0x21c: {  	s3 =	sadd.s32 s3, s23;
	s23 =	simm.s32 $0x19C40  }
0x21d: {  	[tilespmem:s23], [sflag:$0x2] =	stream.linear.gather [hbm4b:s3+s4], $0x800, $0x38;
	[tilespmem:$0x1F440] =	vst v63  }
0x21e: {  	_ =	swait.ge [sflag:s12], $0x800  }
0x21f: {  	[sflag:s12] =	ssyncset.done $0x0  }
0x220: {  	[sflag:s12] =	ssyncadd.s32 $0xFFFFF800  }
0x221: {  	_ =	swait.ge [sflag:s11], $0x800  }
0x222: {  	[sflag:s11] =	ssyncset.done $0x0  }
0x223: {  	[sflag:s11] =	ssyncadd.s32 $0xFFFFF800  }
0x224: {  	_ =	swait.ge [sflag:s15], $0x800  }
0x225: {  	[sflag:s15] =	ssyncset.done $0x0  }
0x226: {  	[sflag:s15] =	ssyncadd.s32 $0xFFFFF800  }
0x227: {  	_ =	swait.ge [sflag:s18], $0x800  }
0x228: {  	[sflag:s18] =	ssyncset.done $0x0  }
0x229: {  	[sflag:s18] =	ssyncadd.s32 $0xFFFFF800  }
0x22a: {  	_ =	swait.ge [sflag:s19], $0x800  }
0x22b: {  	[sflag:s19] =	ssyncset.done $0x0  }
0x22c: {  	[sflag:s19] =	ssyncadd.s32 $0xFFFFF800  }
0x22d: {  	_ =	swait.ge [sflag:s10], $0x800  }
0x22e: {  	[sflag:s10] =	ssyncset.done $0x0  }
0x22f: {  	[sflag:s10] =	ssyncadd.s32 $0xFFFFF800  }
0x230: {  	_ =	swait.ge [sflag:s13], $0x800  }
0x231: {  	[sflag:s13] =	ssyncset.done $0x0  }
0x232: {  	[sflag:s13] =	ssyncadd.s32 $0xFFFFF800  }
0x233: {  	_ =	swait.ge [sflag:s14], $0x800  }
0x234: {  	[sflag:s14] =	ssyncset.done $0x0  }
0x235: {  	s23 =	simm.s32 $0x1A440;
	[sflag:s14] =	ssyncadd.s32 $0xFFFFF800  }
0x236: {  	[tilespmem:s9], [sflag:$0x5] =	stream.indirect.gather [hbm4b:s5+s20], $0x10, s23, s20, $0xb8;
	[tilespmem:$0x1F440] =	vst v63  }
0x237: {  	s21 =	rddreg [dreg:$0x6]  }
0x238: {  	[tilespmem:s25], [sflag:$0x6] =	stream.indirect.gather [hbm4b:s5+s20], $0x10, s21, s20, $0xb8;
	[tilespmem:$0x1F440] =	vst v63  }
0x239: {  	s6 =	rddreg [dreg:$0x7]  }
0x23a: {  	[tilespmem:s28], [sflag:$0x7] =	stream.indirect.gather [hbm4b:s5+s20], $0x10, s6, s20, $0xb8;
	[tilespmem:$0x1F440] =	vst v63  }
0x23b: {  	s23 =	rddreg [dreg:$0x8]  }
0x23c: {  	[tilespmem:s30], [sflag:$0x8] =	stream.indirect.gather [hbm4b:s5+s20], $0x10, s23, s20, $0xb8;
	[tilespmem:$0x1F440] =	vst v63  }
0x23d: {  	s4 =	rddreg [dreg:$0x9]  }
0x23e: {  	[tilespmem:s1], [sflag:$0x9] =	stream.indirect.gather [hbm4b:s5+s20], $0x10, s4, s20, $0xb8;
	[tilespmem:$0x1F440] =	vst v63  }
0x23f: {  	s6 =	rddreg [dreg:$0xa]  }
0x240: {  	[tilespmem:s7], [sflag:$0xA] =	stream.indirect.gather [hbm4b:s5+s20], $0x10, s6, s20, $0xb8;
	[tilespmem:$0x1F440] =	vst v63  }
0x241: {  	s23 =	rddreg [dreg:$0xb];
	s6 =	simm.s32 $0x1E440  }
0x242: {  	[tilespmem:s6], [sflag:$0xB] =	stream.indirect.gather [hbm4b:s5+s20], $0x10, s23, s20, $0xb8;
	[tilespmem:$0x1F440] =	vst v63  }
0x243: {  	s21 =	simm.s32 $0x1EC40;
	s4 =	rddreg [dreg:$0xc]  }
0x244: {  	[tilespmem:s21], [sflag:$0xC] =	stream.indirect.gather [hbm4b:s5+s20], $0x10, s4, s20, $0xb8;
	[tilespmem:$0x1F440] =	vst v63  }
0x245: {  	_ =	swait.ge [sflag:s22], $0x800  }
0x246: {  	[sflag:s22] =	ssyncset.done $0x0  }
0x247: {  	s23 =	simm.s32 $0x1AC40;
	[sflag:s22] =	ssyncadd.s32 $0xFFFFF800;
	s22 =	simm.s32 $0x6  }
0x248: {  	[spmem:s2] =	stream.indirect.scatter.add.f32 [tilespmem:s9], [sflag:$0xD], $0x10, s23, s20, $0xb8;
	[tilespmem:$0x1F440] =	vst v63  }
0x249: {  	_ =	swait.ge [sflag:s22], $0x800  }
0x24a: {  	[sflag:s22] =	ssyncset.done $0x0  }
0x24b: {  	s4 =	rddreg [dreg:$0xd];
	[sflag:s22] =	ssyncadd.s32 $0xFFFFF800  }
0x24c: {  	[spmem:s2] =	stream.indirect.scatter.add.f32 [tilespmem:s25], [sflag:$0xE], $0x10, s4, s20, $0xb8;
	[tilespmem:$0x1F440] =	vst v63  }
0x24d: {  	_ =	swait.ge [sflag:s17], $0x800  }
0x24e: {  	[sflag:s17] =	ssyncset.done $0x0  }
0x24f: {  	s21 =	rddreg [dreg:$0xe];
	[sflag:s17] =	ssyncadd.s32 $0xFFFFF800  }
0x250: {  	[spmem:s2] =	stream.indirect.scatter.add.f32 [tilespmem:s28], [sflag:$0xF], $0x10, s21, s20, $0xb8;
	[tilespmem:$0x1F440] =	vst v63  }
0x251: {  	_ =	swait.ge [sflag:s24], $0x800  }
0x252: {  	[sflag:s24] =	ssyncset.done $0x0  }
0x253: {  	s23 =	rddreg [dreg:$0xf];
	[sflag:s24] =	ssyncadd.s32 $0xFFFFF800  }
0x254: {  	[spmem:s2] =	stream.indirect.scatter.add.f32 [tilespmem:s30], [sflag:$0x10], $0x10, s23, s20, $0xb8;
	[tilespmem:$0x1F440] =	vst v63  }
0x255: {  	_ =	swait.ge [sflag:s31], $0x800  }
0x256: {  	[sflag:s31] =	ssyncset.done $0x0  }
0x257: {  	s4 =	rddreg [dreg:$0x10];
	[sflag:s31] =	ssyncadd.s32 $0xFFFFF800  }
0x258: {  	[spmem:s2] =	stream.indirect.scatter.add.f32 [tilespmem:s1], [sflag:$0x11], $0x10, s4, s20, $0xb8;
	[tilespmem:$0x1F440] =	vst v63  }
0x259: {  	_ =	swait.ge [sflag:s29], $0x800  }
0x25a: {  	[sflag:s29] =	ssyncset.done $0x0  }
0x25b: {  	s21 =	rddreg [dreg:$0x11];
	[sflag:s29] =	ssyncadd.s32 $0xFFFFF800  }
0x25c: {  	[spmem:s2] =	stream.indirect.scatter.add.f32 [tilespmem:s7], [sflag:$0x12], $0x10, s21, s20, $0xb8;
	[tilespmem:$0x1F440] =	vst v63  }
0x25d: {  	_ =	swait.ge [sflag:s8], $0x800  }
0x25e: {  	[sflag:s8] =	ssyncset.done $0x0  }
0x25f: {  	s23 =	rddreg [dreg:$0x12];
	[sflag:s8] =	ssyncadd.s32 $0xFFFFF800  }
0x260: {  	[spmem:s2] =	stream.indirect.scatter.add.f32 [tilespmem:s6], [sflag:$0x13], $0x10, s23, s20, $0xb8;
	[tilespmem:$0x1F440] =	vst v63  }
0x261: {  	_ =	swait.ge [sflag:s0], $0x800  }
0x262: {  	[sflag:s0] =	ssyncset.done $0x0  }
0x263: {  	s21 =	simm.s32 $0x1EC40;
	s4 =	rddreg [dreg:$0x13];
	[sflag:s0] =	ssyncadd.s32 $0xFFFFF800  }
0x264: {  	[spmem:s2] =	stream.indirect.scatter.add.f32 [tilespmem:s21], [sflag:$0x14], $0x10, s4, s20, $0xb8;
	[tilespmem:$0x1F440] =	vst v63  }
0x265: {  	_ =	swait.ge [sflag:s12], $0x800  }
0x266: {  	[sflag:s12] =	ssyncset.done $0x0  }
0x267: {  	[sflag:s12] =	ssyncadd.s32 $0xFFFFF800  }
0x268: {  	_ =	swait.ge [sflag:s11], $0x800  }
0x269: {  	[sflag:s11] =	ssyncset.done $0x0  }
0x26a: {  	[sflag:s11] =	ssyncadd.s32 $0xFFFFF800  }
0x26b: {  	_ =	swait.ge [sflag:s15], $0x800  }
0x26c: {  	[sflag:s15] =	ssyncset.done $0x0  }
0x26d: {  	[sflag:s15] =	ssyncadd.s32 $0xFFFFF800  }
0x26e: {  	_ =	swait.ge [sflag:s18], $0x800  }
0x26f: {  	[sflag:s18] =	ssyncset.done $0x0  }
0x270: {  	[sflag:s18] =	ssyncadd.s32 $0xFFFFF800  }
0x271: {  	_ =	swait.ge [sflag:s19], $0x800  }
0x272: {  	[sflag:s19] =	ssyncset.done $0x0  }
0x273: {  	[sflag:s19] =	ssyncadd.s32 $0xFFFFF800  }
0x274: {  	_ =	swait.ge [sflag:s10], $0x800  }
0x275: {  	[sflag:s10] =	ssyncset.done $0x0  }
0x276: {  	[sflag:s10] =	ssyncadd.s32 $0xFFFFF800  }
0x277: {  	_ =	swait.ge [sflag:s13], $0x800  }
0x278: {  	[sflag:s13] =	ssyncset.done $0x0  }
0x279: {  	[sflag:s13] =	ssyncadd.s32 $0xFFFFF800  }
0x27a: {  	_ =	swait.ge [sflag:s14], $0x800  }
0x27b: {  	[sflag:s14] =	ssyncset.done $0x0  }
0x27c: {  	s23 =	rddreg [dreg:$0x14];
	[sflag:s14] =	ssyncadd.s32 $0xFFFFF800  }
0x27d: {  	[tilespmem:s9], [sflag:$0x5] =	stream.indirect.gather [hbm4b:s5+s20], $0x10, s23, s20, $0xb8;
	[tilespmem:$0x1F440] =	vst v63  }
0x27e: {  	s4 =	rddreg [dreg:$0x15]  }
0x27f: {  	[tilespmem:s25], [sflag:$0x6] =	stream.indirect.gather [hbm4b:s5+s20], $0x10, s4, s20, $0xb8;
	[tilespmem:$0x1F440] =	vst v63  }
0x280: {  	s10 =	rddreg [dreg:$0x16]  }
0x281: {  	[tilespmem:s28], [sflag:$0x7] =	stream.indirect.gather [hbm4b:s5+s20], $0x10, s10, s20, $0xb8;
	[tilespmem:$0x1F440] =	vst v63  }
0x282: {  	s11 =	rddreg [dreg:$0x17]  }
0x283: {  	[tilespmem:s30], [sflag:$0x8] =	stream.indirect.gather [hbm4b:s5+s20], $0x10, s11, s20, $0xb8;
	[tilespmem:$0x1F440] =	vst v63  }
0x284: {  	s12 =	rddreg [dreg:$0x18]  }
0x285: {  	[tilespmem:s1], [sflag:$0x9] =	stream.indirect.gather [hbm4b:s5+s20], $0x10, s12, s20, $0xb8;
	[tilespmem:$0x1F440] =	vst v63  }
0x286: {  	s13 =	rddreg [dreg:$0x19]  }
0x287: {  	[tilespmem:s7], [sflag:$0xA] =	stream.indirect.gather [hbm4b:s5+s20], $0x10, s13, s20, $0xb8;
	[tilespmem:$0x1F440] =	vst v63  }
0x288: {  	s6 =	simm.s32 $0x1E440;
	s14 =	rddreg [dreg:$0x1a]  }
0x289: {  	[tilespmem:s6], [sflag:$0xB] =	stream.indirect.gather [hbm4b:s5+s20], $0x10, s14, s20, $0xb8;
	[tilespmem:$0x1F440] =	vst v63  }
0x28a: {  	s19 =	simm.s32 $0x5;
	s15 =	rddreg [dreg:$0x1b];
	s4 =	simm.s32 $0x1EC40  }
0x28b: {  	[tilespmem:s4], [sflag:$0xC] =	stream.indirect.gather [hbm4b:s5+s20], $0x10, s15, s20, $0xb8;
	[tilespmem:$0x1F440] =	vst v63  }
0x28c: {  	_ =	swait.ge [sflag:s19], $0x800  }
0x28d: {  	[sflag:s19] =	ssyncset.done $0x0  }
0x28e: {  	s18 =	rddreg [dreg:$0x1c];
	[sflag:s19] =	ssyncadd.s32 $0xFFFFF800  }
0x28f: {  	[spmem:s2] =	stream.indirect.scatter.add.f32 [tilespmem:s9], [sflag:$0xD], $0x10, s18, s20, $0xb8;
	[tilespmem:$0x1F440] =	vst v63  }
0x290: {  	_ =	swait.ge [sflag:s22], $0x800  }
0x291: {  	[sflag:s22] =	ssyncset.done $0x0  }
0x292: {  	s21 =	rddreg [dreg:$0x1d];
	[sflag:s22] =	ssyncadd.s32 $0xFFFFF800  }
0x293: {  	[spmem:s2] =	stream.indirect.scatter.add.f32 [tilespmem:s25], [sflag:$0xE], $0x10, s21, s20, $0xb8;
	[tilespmem:$0x1F440] =	vst v63  }
0x294: {  	_ =	swait.ge [sflag:s17], $0x800  }
0x295: {  	[sflag:s17] =	ssyncset.done $0x0  }
0x296: {  	s23 =	rddreg [dreg:$0x1e];
	[sflag:s17] =	ssyncadd.s32 $0xFFFFF800  }
0x297: {  	[spmem:s2] =	stream.indirect.scatter.add.f32 [tilespmem:s28], [sflag:$0xF], $0x10, s23, s20, $0xb8;
	[tilespmem:$0x1F440] =	vst v63  }
0x298: {  	_ =	swait.ge [sflag:s24], $0x800  }
0x299: {  	[sflag:s24] =	ssyncset.done $0x0  }
0x29a: {  	s25 =	rddreg [dreg:$0x1f];
	[sflag:s24] =	ssyncadd.s32 $0xFFFFF800  }
0x29b: {  	[spmem:s2] =	stream.indirect.scatter.add.f32 [tilespmem:s30], [sflag:$0x10], $0x10, s25, s20, $0xb8;
	[tilespmem:$0x1F440] =	vst v63  }
0x29c: {  	_ =	swait.ge [sflag:s31], $0x800  }
0x29d: {  	s28 =	sld [smem:$0x7F8]  }
0x29e: {  	[sflag:s31] =	ssyncset.done $0x0  }
0x29f: {  	[sflag:s31] =	ssyncadd.s32 $0xFFFFF800  }
0x2a0: {  	[spmem:s2] =	stream.indirect.scatter.add.f32 [tilespmem:s1], [sflag:$0x11], $0x10, s28, s20, $0xb8;
	[tilespmem:$0x1F440] =	vst v63  }
0x2a1: {  	_ =	swait.ge [sflag:s29], $0x800  }
0x2a2: {  	s30 =	sld [smem:$0x7F9]  }
0x2a3: {  	[sflag:s29] =	ssyncset.done $0x0  }
0x2a4: {  	[sflag:s29] =	ssyncadd.s32 $0xFFFFF800  }
0x2a5: {  	[spmem:s2] =	stream.indirect.scatter.add.f32 [tilespmem:s7], [sflag:$0x12], $0x10, s30, s20, $0xb8;
	[tilespmem:$0x1F440] =	vst v63  }
0x2a6: {  	_ =	swait.ge [sflag:s8], $0x800  }
0x2a7: {  	s16 =	sadd.s32 $0x200, s16;
	s31 =	sld [smem:$0x7FA]  }
0x2a8: {  	p0 =	sne.s32 s16, $0x3000;
	[sflag:s8] =	ssyncset.done $0x0  }
.Ltmp2:
0x2a9: {  	[sflag:s8] =	ssyncadd.s32 $0xFFFFF800;
	(pc) =	sbr.rel @p0 .LBB2_6-.Ltmp2, $4  }
0x2aa: {  	[spmem:s2] =	stream.indirect.scatter.add.f32 [tilespmem:s6], [sflag:$0x13], $0x10, s31, s20, $0xb8;
	[tilespmem:$0x1F440] =	vst v63  }
0x2ab: {  	_ =	swait.ge [sflag:s0], $0x800  }
0x2ac: {  	[sflag:s0] =	ssyncset.done $0x0  }
0x2ad: {  	s21 =	sld [smem:$0x7FB];
	[sflag:s0] =	ssyncadd.s32 $0xFFFFF800  }
0x2ae: {  	_ = 	snop  }
0x2af: {  	s0 =	simm.s32 $0x1  }
0x2b0: {  	[spmem:s2] =	stream.indirect.scatter.add.f32 [tilespmem:s4], [sflag:$0x14], $0x10, s21, s20, $0xb8;
	[tilespmem:$0x1F440] =	vst v63  }
0x2b1: {  	_ =	swait.ge [sflag:s0], $0x800  }
0x2b2: {  	[sflag:s0] =	ssyncset.done $0x0  }
0x2b3: {  	s23 =	simm.s32 $0x2;
	[sflag:s0] =	ssyncadd.s32 $0xFFFFF800  }
0x2b4: {  	_ =	swait.ge [sflag:s23], $0x800  }
0x2b5: {  	[sflag:s23] =	ssyncset.done $0x0  }
0x2b6: {  	s12 =	simm.s32 $0xD;
	[sflag:s23] =	ssyncadd.s32 $0xFFFFF800  }
0x2b7: {  	_ =	swait.ge [sflag:s12], $0x800  }
0x2b8: {  	[sflag:s12] =	ssyncset.done $0x0  }
0x2b9: {  	s11 =	simm.s32 $0xE;
	[sflag:s12] =	ssyncadd.s32 $0xFFFFF800  }
0x2ba: {  	_ =	swait.ge [sflag:s11], $0x800  }
0x2bb: {  	[sflag:s11] =	ssyncset.done $0x0  }
0x2bc: {  	s15 =	simm.s32 $0xF;
	[sflag:s11] =	ssyncadd.s32 $0xFFFFF800  }
0x2bd: {  	_ =	swait.ge [sflag:s15], $0x800  }
0x2be: {  	[sflag:s15] =	ssyncset.done $0x0  }
0x2bf: {  	s18 =	simm.s32 $0x10;
	[sflag:s15] =	ssyncadd.s32 $0xFFFFF800  }
0x2c0: {  	_ =	swait.ge [sflag:s18], $0x800  }
0x2c1: {  	[sflag:s18] =	ssyncset.done $0x0  }
0x2c2: {  	s19 =	simm.s32 $0x11;
	[sflag:s18] =	ssyncadd.s32 $0xFFFFF800  }
0x2c3: {  	_ =	swait.ge [sflag:s19], $0x800  }
0x2c4: {  	[sflag:s19] =	ssyncset.done $0x0  }
0x2c5: {  	s10 =	simm.s32 $0x12;
	[sflag:s19] =	ssyncadd.s32 $0xFFFFF800  }
0x2c6: {  	_ =	swait.ge [sflag:s10], $0x800  }
0x2c7: {  	[sflag:s10] =	ssyncset.done $0x0  }
0x2c8: {  	s13 =	simm.s32 $0x13;
	[sflag:s10] =	ssyncadd.s32 $0xFFFFF800  }
0x2c9: {  	_ =	swait.ge [sflag:s13], $0x800  }
0x2ca: {  	[sflag:s13] =	ssyncset.done $0x0  }
0x2cb: {  	s14 =	simm.s32 $0x14;
	[sflag:s13] =	ssyncadd.s32 $0xFFFFF800  }
0x2cc: {  	_ =	swait.ge [sflag:s14], $0x800  }
0x2cd: {  	[sflag:s14] =	ssyncset.done $0x0  }
0x2ce: {  	s9 =	simm.s32 $0x1B440;
	s24 =	simm.s32 $0x19440;
	[sflag:s14] =	ssyncadd.s32 $0xFFFFF800  }
0x2cf: {  	[tilespmem:s9], [sflag:$0x5] =	stream.indirect.gather [hbm4b:s5+s20], $0x10, s24, s20, $0xb8;
	[tilespmem:$0x1F440] =	vst v63  }
0x2d0: {  	s17 =	simm.s32 $0x1BC40;
	s25 =	simm.s32 $0x194C0  }
0x2d1: {  	[tilespmem:s17], [sflag:$0x6] =	stream.indirect.gather [hbm4b:s5+s20], $0x10, s25, s20, $0xb8;
	[tilespmem:$0x1F440] =	vst v63  }
0x2d2: {  	s16 =	simm.s32 $0x1C440;
	s26 =	simm.s32 $0x19540  }
0x2d3: {  	[tilespmem:s16], [sflag:$0x7] =	stream.indirect.gather [hbm4b:s5+s20], $0x10, s26, s20, $0xb8;
	[tilespmem:$0x1F440] =	vst v63  }
0x2d4: {  	s7 =	simm.s32 $0x1CC40;
	s28 =	simm.s32 $0x195C0  }
0x2d5: {  	[tilespmem:s7], [sflag:$0x8] =	stream.indirect.gather [hbm4b:s5+s20], $0x10, s28, s20, $0xb8;
	[tilespmem:$0x1F440] =	vst v63  }
0x2d6: {  	s1 =	simm.s32 $0x1D440;
	s29 =	simm.s32 $0x19640  }
0x2d7: {  	[tilespmem:s1], [sflag:$0x9] =	stream.indirect.gather [hbm4b:s5+s20], $0x10, s29, s20, $0xb8;
	[tilespmem:$0x1F440] =	vst v63  }
0x2d8: {  	s6 =	simm.s32 $0x1DC40;
	s30 =	simm.s32 $0x196C0  }
0x2d9: {  	[tilespmem:s6], [sflag:$0xA] =	stream.indirect.gather [hbm4b:s5+s20], $0x10, s30, s20, $0xb8;
	[tilespmem:$0x1F440] =	vst v63  }
0x2da: {  	s3 =	simm.s32 $0x1E440;
	s31 =	simm.s32 $0x19740  }
0x2db: {  	[tilespmem:s3], [sflag:$0xB] =	stream.indirect.gather [hbm4b:s5+s20], $0x10, s31, s20, $0xb8;
	[tilespmem:$0x1F440] =	vst v63  }
0x2dc: {  	s8 =	simm.s32 $0x197C0;
	s21 =	simm.s32 $0x5  }
0x2dd: {  	[tilespmem:s4], [sflag:$0xC] =	stream.indirect.gather [hbm4b:s5+s20], $0x10, s8, s20, $0xb8;
	[tilespmem:$0x1F440] =	vst v63  }
0x2de: {  	_ =	swait.ge [sflag:s21], $0x800  }
0x2df: {  	[sflag:s21] =	ssyncset.done $0x0  }
0x2e0: {  	s23 =	simm.s32 $0x19C40;
	[sflag:s21] =	ssyncadd.s32 $0xFFFFF800  }
0x2e1: {  	[spmem:s2] =	stream.indirect.scatter.add.f32 [tilespmem:s9], [sflag:$0xD], $0x10, s23, s20, $0xb8;
	[tilespmem:$0x1F440] =	vst v63  }
0x2e2: {  	_ =	swait.ge [sflag:s22], $0x800  }
0x2e3: {  	[sflag:s22] =	ssyncset.done $0x0  }
0x2e4: {  	s26 =	simm.s32 $0x7;
	s23 =	simm.s32 $0x19CC0;
	[sflag:s22] =	ssyncadd.s32 $0xFFFFF800  }
0x2e5: {  	[spmem:s2] =	stream.indirect.scatter.add.f32 [tilespmem:s17], [sflag:$0xE], $0x10, s23, s20, $0xb8;
	[tilespmem:$0x1F440] =	vst v63  }
0x2e6: {  	_ =	swait.ge [sflag:s26], $0x800  }
0x2e7: {  	[sflag:s26] =	ssyncset.done $0x0  }
0x2e8: {  	s24 =	simm.s32 $0x19D40;
	s23 =	simm.s32 $0x8;
	[sflag:s26] =	ssyncadd.s32 $0xFFFFF800  }
0x2e9: {  	[spmem:s2] =	stream.indirect.scatter.add.f32 [tilespmem:s16], [sflag:$0xF], $0x10, s24, s20, $0xb8;
	[tilespmem:$0x1F440] =	vst v63  }
0x2ea: {  	_ =	swait.ge [sflag:s23], $0x800  }
0x2eb: {  	[sflag:s23] =	ssyncset.done $0x0  }
0x2ec: {  	s25 =	simm.s32 $0x19DC0;
	[sflag:s23] =	ssyncadd.s32 $0xFFFFF800  }
0x2ed: {  	[spmem:s2] =	stream.indirect.scatter.add.f32 [tilespmem:s7], [sflag:$0x10], $0x10, s25, s20, $0xb8;
	[tilespmem:$0x1F440] =	vst v63  }
0x2ee: {  	s25 =	simm.s32 $0x9  }
0x2ef: {  	_ =	swait.ge [sflag:s25], $0x800  }
0x2f0: {  	[sflag:s25] =	ssyncset.done $0x0  }
0x2f1: {  	s28 =	simm.s32 $0x19E40;
	s24 =	simm.s32 $0xA;
	[sflag:s25] =	ssyncadd.s32 $0xFFFFF800  }
0x2f2: {  	[spmem:s2] =	stream.indirect.scatter.add.f32 [tilespmem:s1], [sflag:$0x11], $0x10, s28, s20, $0xb8;
	[tilespmem:$0x1F440] =	vst v63  }
0x2f3: {  	_ =	swait.ge [sflag:s24], $0x800  }
0x2f4: {  	[sflag:s24] =	ssyncset.done $0x0  }
0x2f5: {  	s29 =	simm.s32 $0x19EC0;
	s8 =	simm.s32 $0xB;
	[sflag:s24] =	ssyncadd.s32 $0xFFFFF800  }
0x2f6: {  	[spmem:s2] =	stream.indirect.scatter.add.f32 [tilespmem:s6], [sflag:$0x12], $0x10, s29, s20, $0xb8;
	[tilespmem:$0x1F440] =	vst v63  }
0x2f7: {  	_ =	swait.ge [sflag:s8], $0x800  }
0x2f8: {  	[sflag:s8] =	ssyncset.done $0x0  }
0x2f9: {  	s0 =	simm.s32 $0xC;
	s30 =	simm.s32 $0x19F40;
	[sflag:s8] =	ssyncadd.s32 $0xFFFFF800  }
0x2fa: {  	[spmem:s2] =	stream.indirect.scatter.add.f32 [tilespmem:s3], [sflag:$0x13], $0x10, s30, s20, $0xb8;
	[tilespmem:$0x1F440] =	vst v63  }
0x2fb: {  	_ =	swait.ge [sflag:s0], $0x800  }
0x2fc: {  	[sflag:s0] =	ssyncset.done $0x0  }
0x2fd: {  	s28 =	simm.s32 $0x19FC0;
	[sflag:s0] =	ssyncadd.s32 $0xFFFFF800  }
0x2fe: {  	[spmem:s2] =	stream.indirect.scatter.add.f32 [tilespmem:s4], [sflag:$0x14], $0x10, s28, s20, $0xb8;
	[tilespmem:$0x1F440] =	vst v63  }
0x2ff: {  	_ =	swait.ge [sflag:s12], $0x800  }
0x300: {  	[sflag:s12] =	ssyncset.done $0x0  }
0x301: {  	[sflag:s12] =	ssyncadd.s32 $0xFFFFF800  }
0x302: {  	_ =	swait.ge [sflag:s11], $0x800  }
0x303: {  	[sflag:s11] =	ssyncset.done $0x0  }
0x304: {  	[sflag:s11] =	ssyncadd.s32 $0xFFFFF800  }
0x305: {  	_ =	swait.ge [sflag:s15], $0x800  }
0x306: {  	[sflag:s15] =	ssyncset.done $0x0  }
0x307: {  	[sflag:s15] =	ssyncadd.s32 $0xFFFFF800  }
0x308: {  	_ =	swait.ge [sflag:s18], $0x800  }
0x309: {  	[sflag:s18] =	ssyncset.done $0x0  }
0x30a: {  	[sflag:s18] =	ssyncadd.s32 $0xFFFFF800  }
0x30b: {  	_ =	swait.ge [sflag:s19], $0x800  }
0x30c: {  	[sflag:s19] =	ssyncset.done $0x0  }
0x30d: {  	[sflag:s19] =	ssyncadd.s32 $0xFFFFF800  }
0x30e: {  	_ =	swait.ge [sflag:s10], $0x800  }
0x30f: {  	[sflag:s10] =	ssyncset.done $0x0  }
0x310: {  	[sflag:s10] =	ssyncadd.s32 $0xFFFFF800  }
0x311: {  	_ =	swait.ge [sflag:s13], $0x800  }
0x312: {  	[sflag:s13] =	ssyncset.done $0x0  }
0x313: {  	[sflag:s13] =	ssyncadd.s32 $0xFFFFF800  }
0x314: {  	_ =	swait.ge [sflag:s14], $0x800  }
0x315: {  	[sflag:s14] =	ssyncset.done $0x0  }
0x316: {  	s31 =	simm.s32 $0x19840;
	[sflag:s14] =	ssyncadd.s32 $0xFFFFF800  }
0x317: {  	[tilespmem:s9], [sflag:$0x5] =	stream.indirect.gather [hbm4b:s5+s20], $0x10, s31, s20, $0xb8;
	[tilespmem:$0x1F440] =	vst v63  }
0x318: {  	s29 =	simm.s32 $0x198C0  }
0x319: {  	[tilespmem:s17], [sflag:$0x6] =	stream.indirect.gather [hbm4b:s5+s20], $0x10, s29, s20, $0xb8;
	[tilespmem:$0x1F440] =	vst v63  }
0x31a: {  	s30 =	simm.s32 $0x19940  }
0x31b: {  	[tilespmem:s16], [sflag:$0x7] =	stream.indirect.gather [hbm4b:s5+s20], $0x10, s30, s20, $0xb8;
	[tilespmem:$0x1F440] =	vst v63  }
0x31c: {  	s31 =	simm.s32 $0x199C0  }
0x31d: {  	[tilespmem:s7], [sflag:$0x8] =	stream.indirect.gather [hbm4b:s5+s20], $0x10, s31, s20, $0xb8;
	[tilespmem:$0x1F440] =	vst v63  }
0x31e: {  	s29 =	simm.s32 $0x19A40  }
0x31f: {  	[tilespmem:s1], [sflag:$0x9] =	stream.indirect.gather [hbm4b:s5+s20], $0x10, s29, s20, $0xb8;
	[tilespmem:$0x1F440] =	vst v63  }
0x320: {  	s30 =	simm.s32 $0x19AC0  }
0x321: {  	[tilespmem:s6], [sflag:$0xA] =	stream.indirect.gather [hbm4b:s5+s20], $0x10, s30, s20, $0xb8;
	[tilespmem:$0x1F440] =	vst v63  }
0x322: {  	s31 =	simm.s32 $0x19B40  }
0x323: {  	[tilespmem:s3], [sflag:$0xB] =	stream.indirect.gather [hbm4b:s5+s20], $0x10, s31, s20, $0xb8;
	[tilespmem:$0x1F440] =	vst v63  }
0x324: {  	s29 =	simm.s32 $0x19BC0  }
0x325: {  	[tilespmem:s4], [sflag:$0xC] =	stream.indirect.gather [hbm4b:s5+s20], $0x10, s29, s20, $0xb8;
	[tilespmem:$0x1F440] =	vst v63  }
0x326: {  	_ =	swait.ge [sflag:s21], $0x800  }
0x327: {  	[sflag:s21] =	ssyncset.done $0x0  }
0x328: {  	s30 =	simm.s32 $0x1A040;
	[sflag:s21] =	ssyncadd.s32 $0xFFFFF800  }
0x329: {  	[spmem:s2] =	stream.indirect.scatter.add.f32 [tilespmem:s9], [sflag:$0xD], $0x10, s30, s20, $0xb8;
	[tilespmem:$0x1F440] =	vst v63  }
0x32a: {  	_ =	swait.ge [sflag:s22], $0x800  }
0x32b: {  	[sflag:s22] =	ssyncset.done $0x0  }
0x32c: {  	s31 =	simm.s32 $0x1A0C0;
	[sflag:s22] =	ssyncadd.s32 $0xFFFFF800  }
0x32d: {  	[spmem:s2] =	stream.indirect.scatter.add.f32 [tilespmem:s17], [sflag:$0xE], $0x10, s31, s20, $0xb8;
	[tilespmem:$0x1F440] =	vst v63  }
0x32e: {  	_ =	swait.ge [sflag:s26], $0x800  }
0x32f: {  	[sflag:s26] =	ssyncset.done $0x0  }
0x330: {  	s21 =	simm.s32 $0x1A140;
	[sflag:s26] =	ssyncadd.s32 $0xFFFFF800  }
0x331: {  	[spmem:s2] =	stream.indirect.scatter.add.f32 [tilespmem:s16], [sflag:$0xF], $0x10, s21, s20, $0xb8;
	[tilespmem:$0x1F440] =	vst v63  }
0x332: {  	_ =	swait.ge [sflag:s23], $0x800  }
0x333: {  	[sflag:s23] =	ssyncset.done $0x0  }
0x334: {  	[sflag:s23] =	ssyncadd.s32 $0xFFFFF800;
	s23 =	simm.s32 $0x1A1C0  }
0x335: {  	[spmem:s2] =	stream.indirect.scatter.add.f32 [tilespmem:s7], [sflag:$0x10], $0x10, s23, s20, $0xb8;
	[tilespmem:$0x1F440] =	vst v63  }
0x336: {  	_ =	swait.ge [sflag:s25], $0x800  }
0x337: {  	[sflag:s25] =	ssyncset.done $0x0  }
0x338: {  	[sflag:s25] =	ssyncadd.s32 $0xFFFFF800;
	s25 =	simm.s32 $0x1A240  }
0x339: {  	[spmem:s2] =	stream.indirect.scatter.add.f32 [tilespmem:s1], [sflag:$0x11], $0x10, s25, s20, $0xb8;
	[tilespmem:$0x1F440] =	vst v63  }
0x33a: {  	_ =	swait.ge [sflag:s24], $0x800  }
0x33b: {  	[sflag:s24] =	ssyncset.done $0x0  }
0x33c: {  	s26 =	simm.s32 $0x1A2C0;
	[sflag:s24] =	ssyncadd.s32 $0xFFFFF800  }
0x33d: {  	[spmem:s2] =	stream.indirect.scatter.add.f32 [tilespmem:s6], [sflag:$0x12], $0x10, s26, s20, $0xb8;
	[tilespmem:$0x1F440] =	vst v63  }
0x33e: {  	_ =	swait.ge [sflag:s8], $0x800  }
0x33f: {  	[sflag:s8] =	ssyncset.done $0x0  }
0x340: {  	s28 =	simm.s32 $0x1A340;
	[sflag:s8] =	ssyncadd.s32 $0xFFFFF800  }
0x341: {  	[spmem:s2] =	stream.indirect.scatter.add.f32 [tilespmem:s3], [sflag:$0x13], $0x10, s28, s20, $0xb8;
	[tilespmem:$0x1F440] =	vst v63  }
0x342: {  	_ =	swait.ge [sflag:s0], $0x800  }
0x343: {  	[sflag:s0] =	ssyncset.done $0x0  }
0x344: {  	s29 =	simm.s32 $0x1A3C0;
	[sflag:s0] =	ssyncadd.s32 $0xFFFFF800  }
0x345: {  	[spmem:s2] =	stream.indirect.scatter.add.f32 [tilespmem:s4], [sflag:$0x14], $0x10, s29, s20, $0xb8;
	[tilespmem:$0x1F440] =	vst v63  }
0x346: {  	_ =	swait.ge [sflag:s12], $0x800  }
0x347: {  	[sflag:s12] =	ssyncset.done $0x0  }
0x348: {  	[sflag:s12] =	ssyncadd.s32 $0xFFFFF800  }
0x349: {  	_ =	swait.ge [sflag:s11], $0x800  }
0x34a: {  	[sflag:s11] =	ssyncset.done $0x0  }
0x34b: {  	[sflag:s11] =	ssyncadd.s32 $0xFFFFF800  }
0x34c: {  	_ =	swait.ge [sflag:s15], $0x800  }
0x34d: {  	[sflag:s15] =	ssyncset.done $0x0  }
0x34e: {  	[sflag:s15] =	ssyncadd.s32 $0xFFFFF800  }
0x34f: {  	_ =	swait.ge [sflag:s18], $0x800  }
0x350: {  	[sflag:s18] =	ssyncset.done $0x0  }
0x351: {  	[sflag:s18] =	ssyncadd.s32 $0xFFFFF800  }
0x352: {  	_ =	swait.ge [sflag:s19], $0x800  }
0x353: {  	[sflag:s19] =	ssyncset.done $0x0  }
0x354: {  	[sflag:s19] =	ssyncadd.s32 $0xFFFFF800  }
0x355: {  	_ =	swait.ge [sflag:s10], $0x800  }
0x356: {  	[sflag:s10] =	ssyncset.done $0x0  }
0x357: {  	[sflag:s10] =	ssyncadd.s32 $0xFFFFF800  }
0x358: {  	_ =	swait.ge [sflag:s13], $0x800  }
0x359: {  	[sflag:s13] =	ssyncset.done $0x0  }
0x35a: {  	[sflag:s13] =	ssyncadd.s32 $0xFFFFF800  }
0x35b: {  	_ =	swait.ge [sflag:s14], $0x800  }
0x35c: {  	[sflag:s14] =	ssyncset.done $0x0  }
0x35d: {  	[sflag:s14] =	ssyncadd.s32 $0xFFFFF800  }
0x35e: {  	[bflag:$0x0] =	sbarrier.arrive $0xFFFF  }
0x35f: {  	s16 =	sld [smem:$0x7FC];
	_ =	sdelay $0x1  }
0x360: {  	s17 =	simm.s32 $0x18800;
	s1 =	simm.s32 $0x15  }
0x361: {  	[tilespmem:s17], [sflag:$0x15] =	stream.linear.gather [spmem:s16], $0xC40, $0x38;
	[tilespmem:$0x1F440] =	vst v63  }
0x362: {  	_ =	swait.ge [sflag:s1], $0xC40  }
0x363: {  	s23 =	sld [smem:$0x7F7];
	_ =	sdelay $0x1  }
0x364: {  	[sflag:s1] =	ssyncset.done $0x0  }
0x365: {  	s31 =	simm.s32 $0x0;
	[sflag:s1] =	ssyncadd.s32 $0xFFFFF3C0;
	s30 =	sadd.s32 $0x0, s23  }
0x366: {  	[hbm4b:s30+s31] =	stream.linear.scatter [tilespmem:s17], [sflag:$0x15], $0xC40, $0x38;
	[tilespmem:$0x1F440] =	vst v63  }
0x367: {  	_ =	swait.ge [sflag:s1], $0xC40  }
0x368: {  	s3 =	simm.s32 $0x188;
	s11 =	simm.s32 $0x0;
	[sflag:s1] =	ssyncset.done $0x0  }
.LBB2_8:
0x369: {  	p0 =	sne.s32 s3, $0x2F78  }
0x36a: {  	[sflag:s1] =	ssyncadd.s32 $0xFFFFF3C0;
	s16 =	sadd.s32 $0xC40, s16;
	s21 =	simm.s32 $0x18800  }
0x36b: {  	[tilespmem:s17], [sflag:$0x15] =	stream.linear.gather [spmem:s16], $0xC40, $0x38;
	[tilespmem:$0x1F440] =	vst v63  }
0x36c: {  	s17 =	smov.u32 s3;
	s3 =	sadd.s32 $0x188, s3;
	_ =	swait.ge [sflag:s1], $0xC40  }
0x36d: {  	[sflag:s1] =	ssyncset.done $0x0  }
.Ltmp3:
0x36e: {  	s17 =	sadd.s32 s17, s23;
	[sflag:s1] =	ssyncadd.s32 $0xFFFFF3C0;
	(pc) =	sbr.rel @p0 .LBB2_8-.Ltmp3, $4  }
0x36f: {  	[hbm4b:s17+s11] =	stream.linear.scatter [tilespmem:s21], [sflag:$0x15], $0xC40, $0x38;
	[tilespmem:$0x1F440] =	vst v63  }
0x370: {  	s17 =	simm.s32 $0x18800  }
0x371: {  	_ =	swait.ge [sflag:s1], $0xC40  }
0x372: {  	[sflag:s1] =	ssyncset.done $0x0  }
0x373: {  	s4 =	sld [smem:$0x7F2]  }
0x374: {  	s3 =	sld [smem:$0x7F5];
	_ =	sdelay $0x1  }
0x375: {  	s4 =	sadd.s32 $0x1, s4  }
0x376: {  	p0 =	sne.s32 s4, s3  }
.Ltmp4:
0x377: {  	_ = 	snop;
	(pc) =	sbr.rel @p0 .LBB2_1-.Ltmp4, $3  }
0x378: {  	_ =	sdelay $0x1  }
0x379: {  	[sflag:s1] =	ssyncadd.s32 $0xFFFFF3C0;
	s23 =	sld [smem:$0x7FC]  }
0x37a: {  	s6 =	simm.s32 $0x19440;
	s9 =	simm.s32 $0x19FC0;
	s19 =	simm.s32 $0x5  }
0x37b: {  	_ =	sfence.sel $0x180000  }
0x37c: {  	[bflag:$0x0] =	sbarrier.arrive $0xFFFF  }
0x37d: {  	_ =	strace $0x9000004A  }
0x37e: {  	s0 =	stileid.u32;
	[bflag:$0x2] =	sbarrier.arrive $0xFFFF  }
0x37f: {  	p0 =	sne.s32 s0, $0x0;
	s0 =	rddreg [dreg:$0x2]  }
0x380: {  	s0 =	sadd.s32 @!p0 $0x100000, s0  }
0x381: {  	[sflag:s0] =	ssyncadd.tile.s32 @!p0 $0x1;
	_ =	shalt  }
.Lfunc_end2:
_tile_overlayer_lowered:
.L_overlay_start_2:
0x382: {  	(tag) =	ssettag $0x2  }
0x383: {  	s0 =	rddreg [dreg:$0x0];
	s2 =	stileid.u32  }
0x384: {  	s1 =	rddreg [dreg:$0x1];
	p0 =	sne.s32 s2, $0x0  }
0x385: {  	s3 =	rddreg [dreg:$0x2];
	[bflag:$0x3] =	sbarrier.arrive $0xFFFF;
	s2 =	simm.s32 @!p0 $0x1C15  }
0x386: {  	[timem:s3], [sflag:s2] =	dma.local @!p0 [hbm:s0], s1  }
0x387: {  	s0 =	simm.s32 @!p0 $0x15  }
0x388: {  	_ =	swait.ge @!p0 [sflag:s0], s1  }
0x389: {  	s1 =	ssub.s32 @!p0 $0x0, s1;
	[sflag:s0] =	ssyncset.done @!p0 $0x0  }
0x38a: {  	[sflag:s0] =	ssyncadd.s32 @!p0 s1  }
0x38b: {  	[bflag:$0x3] =	sbarrier.arrive $0xFFFF  }
0x38c: {  	_ =	shalt  }

</sc_bundles>
